<compile_context>
chip_gen: v7x
topology: tpu7x:2x2x1
jax: 0.10.2.dev20260603
libtpu: 0.0.44.dev20260713+nightly
codegen_flags: <defaults>
</compile_context>

<pallas_src>
import functools
from math import factorial, sqrt

import jax
import jax.numpy as jnp
import numpy as np
from jax import lax
from jax.experimental import pallas as pl
from jax.experimental.pallas import tpu as pltpu
from jax.experimental.pallas import tpu_sc as plsc

MUL = 32
LMAX = 3
IR_DIMS = [2 * l + 1 for l in range(LMAX + 1)]
NODE_DIM = MUL * sum(IR_DIMS)
_PATHS = [(0, 0, 0), (0, 1, 1), (0, 2, 2), (0, 3, 3), (1, 0, 1), (1, 1, 0),
          (1, 1, 2), (1, 2, 1), (1, 2, 3), (1, 3, 2), (2, 0, 2), (2, 1, 1),
          (2, 1, 3), (2, 2, 0), (2, 2, 2), (2, 3, 1), (2, 3, 3), (3, 0, 3),
          (3, 1, 2), (3, 2, 1), (3, 2, 3), (3, 3, 0), (3, 3, 2)]
_OFFS = np.cumsum([0] + [MUL * d for d in IR_DIMS])


def _cg(l1, m1, l2, m2, l3, m3):
    if m1 + m2 != m3:
        return 0.0
    pref = sqrt((2 * l3 + 1) * factorial(l3 + l1 - l2) * factorial(l3 - l1 + l2)
                * factorial(l1 + l2 - l3) / factorial(l1 + l2 + l3 + 1))
    pref *= sqrt(factorial(l3 + m3) * factorial(l3 - m3) * factorial(l1 - m1)
                 * factorial(l1 + m1) * factorial(l2 - m2) * factorial(l2 + m2))
    s = 0.0
    for k in range(0, l1 + l2 + l3 + 1):
        d = [k, l1 + l2 - l3 - k, l1 - m1 - k, l2 + m2 - k,
             l3 - l2 + m1 + k, l3 - l1 - m2 + k]
        if min(d) < 0:
            continue
        den = 1.0
        for t in d:
            den *= factorial(t)
        s += (-1) ** k / den
    return pref * s


def _w3j_real(l1, l2, l3):
    C = np.zeros((2 * l1 + 1, 2 * l2 + 1, 2 * l3 + 1), dtype=complex)
    for m1 in range(-l1, l1 + 1):
        for m2 in range(-l2, l2 + 1):
            for m3 in range(-l3, l3 + 1):
                C[l1 + m1, l2 + m2, l3 + m3] = _cg(l1, m1, l2, m2, l3, m3)

    def basis(l):
        U = np.zeros((2 * l + 1, 2 * l + 1), dtype=complex)
        s2 = 1.0 / sqrt(2.0)
        U[l, l] = 1.0
        for m in range(1, l + 1):
            U[l + m, l + m] = (-1) ** m * s2
            U[l + m, l - m] = s2
            U[l - m, l - m] = 1j * s2
            U[l - m, l + m] = -1j * ((-1) ** m) * s2
        return U

    U1, U2, U3 = basis(l1), basis(l2), basis(l3)
    Cr = np.einsum('am,bn,co,mno->abc', U1, U2, np.conj(U3), C)
    R = np.real(Cr)
    if np.linalg.norm(R) < 1e-6:
        R = np.imag(Cr)
    return (R / np.linalg.norm(R)).astype(np.float32)


_W3J = {p: _w3j_real(*p) for p in _PATHS}
_FANIN = {l3: MUL * sum(1 for p in _PATHS if p[2] == l3) for l3 in range(LMAX + 1)}
_ALPHA = {l3: float(np.sqrt((2 * l3 + 1) / _FANIN[l3])) for l3 in range(LMAX + 1)}
_PATHS_BY_L3 = {l3: [p for p in _PATHS if p[2] == l3] for l3 in range(LMAX + 1)}
_PATH_OFF = {p: 1024 * i for i, p in enumerate(_PATHS)}

_PERM_T2R = np.zeros(NODE_DIM, dtype=np.int32)
for _l in range(LMAX + 1):
    _d = 2 * _l + 1
    for _w in range(MUL):
        for _k in range(_d):
            _PERM_T2R[_OFFS[_l] + _w * _d + _k] = _OFFS[_l] + _k * MUL + _w

_EBLK = 256


def _dense_body(ev_ref, x_ref, w0_ref, w1_ref, w2_ref, w3_ref, out_ref):
    wrefs = [w0_ref, w1_ref, w2_ref, w3_ref]
    xt = x_ref[...].T
    vx = ev_ref[0:1, :]
    vy = ev_ref[1:2, :]
    vz = ev_ref[2:3, :]
    r2 = vx * vx + vy * vy + vz * vz
    length = jnp.maximum(jnp.sqrt(r2), 1e-8)
    inv = 1.0 / length
    x = vx * inv
    y = vy * inv
    z = vz * inv

    Y = {0: [jnp.ones_like(x)]}
    Y[1] = [sqrt(3.0) * y, sqrt(3.0) * z, sqrt(3.0) * x]
    Y[2] = [sqrt(15.0) * x * y, sqrt(15.0) * y * z,
            sqrt(5.0) / 2.0 * (3.0 * z * z - 1.0), sqrt(15.0) * x * z,
            sqrt(15.0) / 2.0 * (x * x - y * y)]
    Y[3] = [sqrt(35.0 / 8.0) * y * (3.0 * x * x - y * y),
            sqrt(105.0) * x * y * z,
            sqrt(21.0 / 8.0) * y * (5.0 * z * z - 1.0),
            sqrt(7.0) / 2.0 * (5.0 * z * z * z - 3.0 * z),
            sqrt(21.0 / 8.0) * x * (5.0 * z * z - 1.0),
            sqrt(105.0) / 2.0 * z * (x * x - y * y),
            sqrt(35.0 / 8.0) * x * (x * x - 3.0 * y * y)]

    def xsl(l, i):
        c = int(_OFFS[l]) + i * MUL
        return xt[c:c + MUL, :]

    for l3 in range(LMAX + 1):
        d3 = 2 * l3 + 1
        paths = _PATHS_BY_L3[l3]
        base = int(_OFFS[l3])
        for k in range(d3):
            rows = []
            for (l1, l2, _l3) in paths:
                d1 = 2 * l1 + 1
                C = _W3J[(l1, l2, _l3)]
                acc = None
                for i in range(d1):
                    ycg = None
                    for j in range(2 * l2 + 1):
                        cv = float(C[i, j, k])
                        if cv == 0.0:
                            continue
                        term = cv * Y[l2][j]
                        ycg = term if ycg is None else ycg + term
                    if ycg is None:
                        continue
                    term = xsl(l1, i) * ycg
                    acc = term if acc is None else acc + term
                if acc is None:
                    acc = jnp.zeros((MUL, _EBLK), jnp.float32)
                rows.append(acc)
            tcat = jnp.concatenate(rows, axis=0)
            tcat = jnp.concatenate([tcat * length, tcat], axis=0)
            o = lax.dot_general(wrefs[l3][...], tcat,
                                (((1,), (0,)), ((), ())),
                                preferred_element_type=jnp.float32)
            out_ref[base + k * MUL:base + (k + 1) * MUL, :] = o


def _dense_call(evt, xs, wstacks, interpret=False):
    ep = evt.shape[1]
    grid = ep // _EBLK
    wspecs = [pl.BlockSpec(w.shape, lambda i: (0, 0)) for w in wstacks]
    return pl.pallas_call(
        _dense_body,
        grid=(grid,),
        in_specs=[pl.BlockSpec((3, _EBLK), lambda i: (0, i)),
                  pl.BlockSpec((_EBLK, NODE_DIM), lambda i: (i, 0))] + wspecs,
        out_specs=pl.BlockSpec((NODE_DIM, _EBLK), lambda i: (0, i)),
        out_shape=jax.ShapeDtypeStruct((NODE_DIM, ep), jnp.float32),
        interpret=interpret,
    )(evt, xs, *wstacks)


def _build_wstacks(W_weight, W_bias):
    ws = {l3: [] for l3 in range(LMAX + 1)}
    bs = {l3: [] for l3 in range(LMAX + 1)}
    for p in _PATHS:
        l3 = p[2]
        off = _PATH_OFF[p]
        a = _ALPHA[l3]
        ws[l3].append(a * W_weight[0, off:off + MUL * MUL].reshape(MUL, MUL))
        bs[l3].append(a * W_bias[off:off + MUL * MUL].reshape(MUL, MUL))
    return [jnp.concatenate(ws[l3] + bs[l3], axis=0).T for l3 in range(LMAX + 1)]


_NC, _NS = 2, 16
_NW = _NC * _NS
_EP = 10240
_GCHUNK = 80


def _gather_body(table_hbm, idx_hbm, out_hbm, idx_v, rows_v, sem):
    wid = lax.axis_index("s") * _NC + lax.axis_index("c")
    for c in range(4):
        base = wid * (4 * _GCHUNK) + c * _GCHUNK
        pltpu.sync_copy(idx_hbm.at[pl.ds(base, _GCHUNK)], idx_v)
        pltpu.async_copy(table_hbm.at[idx_v], rows_v, sem).wait()
        pltpu.sync_copy(rows_v, out_hbm.at[pl.ds(base, _GCHUNK)])


@functools.cache
def _gather_call():
    return pl.kernel(
        _gather_body,
        out_type=jax.ShapeDtypeStruct((_EP, NODE_DIM), jnp.float32),
        mesh=plsc.VectorSubcoreMesh(core_axis_name="c", subcore_axis_name="s"),
        scratch_types=[pltpu.VMEM((_GCHUNK,), jnp.int32),
                       pltpu.VMEM((_GCHUNK, NODE_DIM), jnp.float32),
                       pltpu.SemaphoreType.DMA],
    )


def kernel(node_features, edge_index, edge_vectors, W_weight, W_bias):
    N = node_features.shape[0]
    E = edge_index.shape[1]
    src = edge_index[0].astype(jnp.int32)
    dst = edge_index[1].astype(jnp.int32)

    xt = jnp.concatenate(
        [node_features[:, int(_OFFS[l]):int(_OFFS[l + 1])]
         .reshape(N, MUL, 2 * l + 1).swapaxes(1, 2).reshape(N, MUL * (2 * l + 1))
         for l in range(LMAX + 1)], axis=1)

    ep = _EP
    src_p = jnp.concatenate([src, jnp.zeros((ep - E,), jnp.int32)])
    evt_p = jnp.concatenate(
        [edge_vectors.T, jnp.zeros((3, ep - E), jnp.float32)], axis=1)

    xs = _gather_call()(xt, src_p)
    wstacks = _build_wstacks(W_weight, W_bias)
    msg = _dense_call(evt_p, xs, wstacks)

    out_t = jnp.zeros((N, NODE_DIM), jnp.float32).at[dst].add(msg.T[:E])
    return out_t[:, jnp.asarray(_PERM_T2R)]

# --- scband reference (transcript-rebuilt; emitter-appended) ---
"""Pipeline reference for scband-e3nn-interaction-block-33509334843735 (READ-ONLY COPY).

The authoritative reference and input builder live on the scoring server;
editing this copy changes nothing except your own understanding.
"""

import jax, jax.numpy as jnp
import numpy as np
from math import factorial, sqrt

MUL = 32
LMAX = 3
IR_DIMS = [2 * l + 1 for l in range(LMAX + 1)]
NODE_DIM = MUL * sum(IR_DIMS)

def _cg(l1, m1, l2, m2, l3, m3):
    if m1 + m2 != m3:
        return 0.0
    pref = sqrt((2 * l3 + 1) * factorial(l3 + l1 - l2) * factorial(l3 - l1 + l2) * factorial(l1 + l2 - l3) / factorial(l1 + l2 + l3 + 1))
    pref *= sqrt(factorial(l3 + m3) * factorial(l3 - m3) * factorial(l1 - m1) * factorial(l1 + m1) * factorial(l2 - m2) * factorial(l2 + m2))
    s = 0.0
    for k in range(0, l1 + l2 + l3 + 1):
        d = [k, l1 + l2 - l3 - k, l1 - m1 - k, l2 + m2 - k, l3 - l2 + m1 + k, l3 - l1 - m2 + k]
        if min(d) < 0:
            continue
        den = 1.0
        for t in d:
            den *= factorial(t)
        s += (-1) ** k / den
    return pref * s

def _cg_tensor(l1, l2, l3):
    C = np.zeros((2 * l1 + 1, 2 * l2 + 1, 2 * l3 + 1))
    for m1 in range(-l1, l1 + 1):
        for m2 in range(-l2, l2 + 1):
            for m3 in range(-l3, l3 + 1):
                C[l1 + m1, l2 + m2, l3 + m3] = _cg(l1, m1, l2, m2, l3, m3)
    return C

def _real_basis(l):
    U = np.zeros((2 * l + 1, 2 * l + 1), dtype=complex)
    s2 = 1.0 / sqrt(2.0)
    U[l, l] = 1.0
    for m in range(1, l + 1):
        U[l + m, l + m] = (-1) ** m * s2
        U[l + m, l - m] = s2
        U[l - m, l - m] = 1j * s2
        U[l - m, l + m] = -1j * ((-1) ** m) * s2
    return U

def _w3j_real(l1, l2, l3):
    C = _cg_tensor(l1, l2, l3).astype(complex)
    U1, U2, U3 = _real_basis(l1), _real_basis(l2), _real_basis(l3)
    Cr = np.einsum('am,bn,co,mno->abc', U1, U2, np.conj(U3), C)
    R = np.real(Cr)
    if np.linalg.norm(R) < 1e-6:
        R = np.imag(Cr)
    return (R / np.linalg.norm(R)).astype(np.float32)

PATHS = [(0,0,0),(0,1,1),(0,2,2),(0,3,3),(1,0,1),(1,1,0),(1,1,2),(1,2,1),(1,2,3),(1,3,2),(2,0,2),(2,1,1),(2,1,3),(2,2,0),(2,2,2),(2,3,1),(2,3,3),(3,0,3),(3,1,2),(3,2,1),(3,2,3),(3,3,0),(3,3,2)]
W3J = {p: jnp.asarray(_w3j_real(*p)) for p in PATHS}
FANIN = {l3: MUL * 1 * sum(1 for p in PATHS if p[2] == l3) for l3 in range(LMAX + 1)}
WEIGHT_NUMEL = len(PATHS) * MUL * MUL
OFFSETS = np.cumsum([0] + [MUL * d for d in IR_DIMS])

def _sh(u):
    x, y, z = u[:, 0], u[:, 1], u[:, 2]
    sh0 = jnp.ones_like(x)[:, None]
    sh1 = jnp.stack([sqrt(3.0) * y, sqrt(3.0) * z, sqrt(3.0) * x], axis=1)
    sh2 = jnp.stack([sqrt(15.0) * x * y, sqrt(15.0) * y * z, sqrt(5.0) / 2.0 * (3.0 * z ** 2 - 1.0), sqrt(15.0) * x * z, sqrt(15.0) / 2.0 * (x ** 2 - y ** 2)], axis=1)
    sh3 = jnp.stack([sqrt(35.0 / 8.0) * y * (3.0 * x ** 2 - y ** 2), sqrt(105.0) * x * y * z, sqrt(21.0 / 8.0) * y * (5.0 * z ** 2 - 1.0), sqrt(7.0) / 2.0 * (5.0 * z ** 3 - 3.0 * z), sqrt(21.0 / 8.0) * x * (5.0 * z ** 2 - 1.0), sqrt(105.0) / 2.0 * z * (x ** 2 - y ** 2), sqrt(35.0 / 8.0) * x * (x ** 2 - 3.0 * y ** 2)], axis=1)
    return {0: sh0, 1: sh1, 2: sh2, 3: sh3}

def _split_node(x):
    return {l: x[:, int(OFFSETS[l]):int(OFFSETS[l + 1])].reshape(x.shape[0], MUL, 2 * l + 1) for l in range(LMAX + 1)}

def _tensor_product(xb, yb, wts):
    E = wts.shape[0]
    acc = {l: jnp.zeros((E, MUL, 2 * l + 1), wts.dtype) for l in range(LMAX + 1)}
    off = 0
    for (l1, l2, l3) in PATHS:
        w = wts[:, off:off + MUL * MUL].reshape(E, MUL, MUL)
        off += MUL * MUL
        alpha = float(np.sqrt((2 * l3 + 1) / FANIN[l3]))
        tmp = jnp.einsum('eui,ej,ijk->euk', xb[l1], yb[l2], W3J[(l1, l2, l3)])
        acc[l3] = acc[l3] + alpha * jnp.einsum('euk,euw->ewk', tmp, w)
    return jnp.concatenate([acc[l].reshape(E, -1) for l in range(LMAX + 1)], axis=1)

def _forward(node_features, edge_vectors, W_weight, W_bias, src, dst, N):
    lengths = jnp.maximum(jnp.linalg.norm(edge_vectors, axis=-1, keepdims=True), 1e-8)
    unit = edge_vectors / lengths
    Y = _sh(unit)
    wts = lengths @ W_weight + W_bias
    xb = _split_node(node_features[src])
    msg = _tensor_product(xb, Y, wts)
    return jnp.zeros((N, NODE_DIM), msg.dtype).at[dst].add(msg)

def setup_inputs(seed: int = 0):
    key = jax.random.key(seed)
    k1, k2, k3, k4, k5 = jax.random.split(key, 5)
    N, E = 2000, 10000
    node_features = jax.random.normal(k1, (N, NODE_DIM), dtype=jnp.float32)
    edge_index = jax.random.randint(k2, (2, E), 0, N).astype(jnp.int64)
    edge_vectors = jax.random.normal(k3, (E, 3), dtype=jnp.float32)
    W_weight = jax.random.uniform(k4, (1, WEIGHT_NUMEL), dtype=jnp.float32, minval=-1.0, maxval=1.0)
    W_bias = jax.random.uniform(k5, (WEIGHT_NUMEL,), dtype=jnp.float32, minval=-1.0, maxval=1.0)
    return {'node_features': node_features, 'edge_index': edge_index, 'edge_vectors': edge_vectors, 'W_weight': W_weight, 'W_bias': W_bias}

def reference(node_features, edge_index, edge_vectors, W_weight, W_bias):
    return _forward(node_features, edge_vectors, W_weight, W_bias, edge_index[0], edge_index[1], node_features.shape[0])

if __name__ == "__main__":
    import jax
    _d = setup_inputs()
    print(jax.jit(kernel)(*tuple(_d.values())))

</pallas_src>

<mosaic_0001>
#map = affine_map<(d0, d1) -> (0, 0)>
#map1 = affine_map<(d0, d1) -> (0)>
module attributes {stable_mosaic.version = 14 : i64} {
  func.func @_gather_body(%arg0: i32, %arg1: i32, %arg2: memref<2000x512xf32, #tpu.memory_space<hbm>>, %arg3: memref<10240xi32, #tpu.memory_space<hbm>>, %arg4: memref<10240x512xf32, #tpu.memory_space<hbm>>, %arg5: memref<80xi32, #tpu.memory_space<vmem>>, %arg6: memref<80x512xf32, #tpu.memory_space<vmem>>, %arg7: memref<!tpu.dma_semaphore, #tpu.memory_space<semaphore_mem>>) attributes {dimension_semantics = [#tpu.dimension_semantics<core_parallel>, #tpu.dimension_semantics<subcore_parallel>], iteration_bounds = array<i64: 2, 16>, scalar_prefetch = 0 : i64, scratch_operands = 3 : i64, tpu.core_type = #tpu.core_type<sc_vector_subcore>, window_params = [{transform_indices = #map}, {transform_indices = #map1}, {transform_indices = #map}]} {
    %mul3A = arith.constant 2 : i32
    %mul3A_0 = arith.muli %arg1, %mul3A : i32
    %add3A = arith.addi %mul3A_0, %arg0 : i32
    %mul3A_1 = arith.constant 320 : i32
    %mul3A_2 = arith.muli %add3A, %mul3A_1 : i32
    %add3A_3 = arith.constant 0 : i32
    %add3A_4 = arith.addi %mul3A_2, %add3A_3 : i32
    "tpu.region"() ({
      %run_scoped3A = tpu.sem_alloc : memref<!tpu.dma_semaphore, #tpu.memory_space<semaphore_mem>>
      %dma_start3A_39 = tpu.memref_slice %arg3[%add3A_4] : memref<10240xi32, #tpu.memory_space<hbm>> -> memref<80xi32, #tpu.memory_space<hbm>>
      %dma_start3A_40 = tpu.memref_slice %arg3[%add3A_4] : memref<10240xi32, #tpu.memory_space<hbm>> -> memref<80xi32, #tpu.memory_space<hbm>>
      tpu.enqueue_dma source(%dma_start3A_40 : memref<80xi32, #tpu.memory_space<hbm>>) target(%arg5 : memref<80xi32, #tpu.memory_space<vmem>>) target_semaphore(%run_scoped3A : memref<!tpu.dma_semaphore, #tpu.memory_space<semaphore_mem>>)
      %dma_wait3A_41 = tpu.memref_slice %arg3[%add3A_4] : memref<10240xi32, #tpu.memory_space<hbm>> -> memref<80xi32, #tpu.memory_space<hbm>>
      %dma_wait3A_42 = tpu.memref_slice %arg3[%add3A_4] : memref<10240xi32, #tpu.memory_space<hbm>> -> memref<80xi32, #tpu.memory_space<hbm>>
      tpu.wait_dma2 semaphore(%run_scoped3A : memref<!tpu.dma_semaphore, #tpu.memory_space<semaphore_mem>>) src(%dma_wait3A_42 : memref<80xi32, #tpu.memory_space<hbm>>) dst(%arg5 : memref<80xi32, #tpu.memory_space<vmem>>)
      tpu.yield
    }) : () -> ()
    %dma_start3A = arith.constant 0 : i32
    %dma_start3A_5 = arith.constant 0 : i32
    %dma_start3A_6 = tpu.memref_slice %arg2[%dma_start3A, %dma_start3A_5] : memref<2000x512xf32, #tpu.memory_space<hbm>> -> memref<2000x512xf32, #tpu.memory_space<hbm>>
    tpu.enqueue_indirect_dma source(%dma_start3A_6 : memref<2000x512xf32, #tpu.memory_space<hbm>>) target(%arg6 : memref<80x512xf32, #tpu.memory_space<vmem>>) offsets(%arg5 : memref<80xi32, #tpu.memory_space<vmem>>) semaphore(%arg7 : memref<!tpu.dma_semaphore, #tpu.memory_space<semaphore_mem>>)
    %dma_wait3A = arith.constant 0 : i32
    %dma_wait3A_7 = arith.constant 0 : i32
    %dma_wait3A_8 = tpu.memref_slice %arg2[%dma_wait3A, %dma_wait3A_7] : memref<2000x512xf32, #tpu.memory_space<hbm>> -> memref<2000x512xf32, #tpu.memory_space<hbm>>
    tpu.wait_indirect_dma semaphore(%arg7 : memref<!tpu.dma_semaphore, #tpu.memory_space<semaphore_mem>>) src(%dma_wait3A_8 : memref<2000x512xf32, #tpu.memory_space<hbm>>) dst(%arg6 : memref<80x512xf32, #tpu.memory_space<vmem>>)
    "tpu.region"() ({
      %run_scoped3A = tpu.sem_alloc : memref<!tpu.dma_semaphore, #tpu.memory_space<semaphore_mem>>
      %dma_start3A_39 = arith.constant 0 : i32
      %dma_start3A_40 = tpu.memref_slice %arg4[%add3A_4, %dma_start3A_39] : memref<10240x512xf32, #tpu.memory_space<hbm>> -> memref<80x512xf32, #tpu.memory_space<hbm>>
      %dma_start3A_41 = arith.constant 0 : i32
      %dma_start3A_42 = tpu.memref_slice %arg4[%add3A_4, %dma_start3A_41] : memref<10240x512xf32, #tpu.memory_space<hbm>> -> memref<80x512xf32, #tpu.memory_space<hbm>>
      tpu.enqueue_dma source(%arg6 : memref<80x512xf32, #tpu.memory_space<vmem>>) target(%dma_start3A_42 : memref<80x512xf32, #tpu.memory_space<hbm>>) target_semaphore(%run_scoped3A : memref<!tpu.dma_semaphore, #tpu.memory_space<semaphore_mem>>)
      %dma_wait3A_43 = arith.constant 0 : i32
      %dma_wait3A_44 = tpu.memref_slice %arg4[%add3A_4, %dma_wait3A_43] : memref<10240x512xf32, #tpu.memory_space<hbm>> -> memref<80x512xf32, #tpu.memory_space<hbm>>
      %dma_wait3A_45 = arith.constant 0 : i32
      %dma_wait3A_46 = tpu.memref_slice %arg4[%add3A_4, %dma_wait3A_45] : memref<10240x512xf32, #tpu.memory_space<hbm>> -> memref<80x512xf32, #tpu.memory_space<hbm>>
      tpu.wait_dma2 semaphore(%run_scoped3A : memref<!tpu.dma_semaphore, #tpu.memory_space<semaphore_mem>>) src(%arg6 : memref<80x512xf32, #tpu.memory_space<vmem>>) dst(%dma_wait3A_46 : memref<80x512xf32, #tpu.memory_space<hbm>>)
      tpu.yield
    }) : () -> ()
    %mul3A_9 = arith.constant 320 : i32
    %mul3A_10 = arith.muli %add3A, %mul3A_9 : i32
    %add3A_11 = arith.constant 80 : i32
    %add3A_12 = arith.addi %mul3A_10, %add3A_11 : i32
    "tpu.region"() ({
      %run_scoped3A = tpu.sem_alloc : memref<!tpu.dma_semaphore, #tpu.memory_space<semaphore_mem>>
      %dma_start3A_39 = tpu.memref_slice %arg3[%add3A_12] : memref<10240xi32, #tpu.memory_space<hbm>> -> memref<80xi32, #tpu.memory_space<hbm>>
      %dma_start3A_40 = tpu.memref_slice %arg3[%add3A_12] : memref<10240xi32, #tpu.memory_space<hbm>> -> memref<80xi32, #tpu.memory_space<hbm>>
      tpu.enqueue_dma source(%dma_start3A_40 : memref<80xi32, #tpu.memory_space<hbm>>) target(%arg5 : memref<80xi32, #tpu.memory_space<vmem>>) target_semaphore(%run_scoped3A : memref<!tpu.dma_semaphore, #tpu.memory_space<semaphore_mem>>)
      %dma_wait3A_41 = tpu.memref_slice %arg3[%add3A_12] : memref<10240xi32, #tpu.memory_space<hbm>> -> memref<80xi32, #tpu.memory_space<hbm>>
      %dma_wait3A_42 = tpu.memref_slice %arg3[%add3A_12] : memref<10240xi32, #tpu.memory_space<hbm>> -> memref<80xi32, #tpu.memory_space<hbm>>
      tpu.wait_dma2 semaphore(%run_scoped3A : memref<!tpu.dma_semaphore, #tpu.memory_space<semaphore_mem>>) src(%dma_wait3A_42 : memref<80xi32, #tpu.memory_space<hbm>>) dst(%arg5 : memref<80xi32, #tpu.memory_space<vmem>>)
      tpu.yield
    }) : () -> ()
    %dma_start3A_13 = arith.constant 0 : i32
    %dma_start3A_14 = arith.constant 0 : i32
    %dma_start3A_15 = tpu.memref_slice %arg2[%dma_start3A_13, %dma_start3A_14] : memref<2000x512xf32, #tpu.memory_space<hbm>> -> memref<2000x512xf32, #tpu.memory_space<hbm>>
    tpu.enqueue_indirect_dma source(%dma_start3A_15 : memref<2000x512xf32, #tpu.memory_space<hbm>>) target(%arg6 : memref<80x512xf32, #tpu.memory_space<vmem>>) offsets(%arg5 : memref<80xi32, #tpu.memory_space<vmem>>) semaphore(%arg7 : memref<!tpu.dma_semaphore, #tpu.memory_space<semaphore_mem>>)
    %dma_wait3A_16 = arith.constant 0 : i32
    %dma_wait3A_17 = arith.constant 0 : i32
    %dma_wait3A_18 = tpu.memref_slice %arg2[%dma_wait3A_16, %dma_wait3A_17] : memref<2000x512xf32, #tpu.memory_space<hbm>> -> memref<2000x512xf32, #tpu.memory_space<hbm>>
    tpu.wait_indirect_dma semaphore(%arg7 : memref<!tpu.dma_semaphore, #tpu.memory_space<semaphore_mem>>) src(%dma_wait3A_18 : memref<2000x512xf32, #tpu.memory_space<hbm>>) dst(%arg6 : memref<80x512xf32, #tpu.memory_space<vmem>>)
    "tpu.region"() ({
      %run_scoped3A = tpu.sem_alloc : memref<!tpu.dma_semaphore, #tpu.memory_space<semaphore_mem>>
      %dma_start3A_39 = arith.constant 0 : i32
      %dma_start3A_40 = tpu.memref_slice %arg4[%add3A_12, %dma_start3A_39] : memref<10240x512xf32, #tpu.memory_space<hbm>> -> memref<80x512xf32, #tpu.memory_space<hbm>>
      %dma_start3A_41 = arith.constant 0 : i32
      %dma_start3A_42 = tpu.memref_slice %arg4[%add3A_12, %dma_start3A_41] : memref<10240x512xf32, #tpu.memory_space<hbm>> -> memref<80x512xf32, #tpu.memory_space<hbm>>
      tpu.enqueue_dma source(%arg6 : memref<80x512xf32, #tpu.memory_space<vmem>>) target(%dma_start3A_42 : memref<80x512xf32, #tpu.memory_space<hbm>>) target_semaphore(%run_scoped3A : memref<!tpu.dma_semaphore, #tpu.memory_space<semaphore_mem>>)
      %dma_wait3A_43 = arith.constant 0 : i32
      %dma_wait3A_44 = tpu.memref_slice %arg4[%add3A_12, %dma_wait3A_43] : memref<10240x512xf32, #tpu.memory_space<hbm>> -> memref<80x512xf32, #tpu.memory_space<hbm>>
      %dma_wait3A_45 = arith.constant 0 : i32
      %dma_wait3A_46 = tpu.memref_slice %arg4[%add3A_12, %dma_wait3A_45] : memref<10240x512xf32, #tpu.memory_space<hbm>> -> memref<80x512xf32, #tpu.memory_space<hbm>>
      tpu.wait_dma2 semaphore(%run_scoped3A : memref<!tpu.dma_semaphore, #tpu.memory_space<semaphore_mem>>) src(%arg6 : memref<80x512xf32, #tpu.memory_space<vmem>>) dst(%dma_wait3A_46 : memref<80x512xf32, #tpu.memory_space<hbm>>)
      tpu.yield
    }) : () -> ()
    %mul3A_19 = arith.constant 320 : i32
    %mul3A_20 = arith.muli %add3A, %mul3A_19 : i32
    %add3A_21 = arith.constant 160 : i32
    %add3A_22 = arith.addi %mul3A_20, %add3A_21 : i32
    "tpu.region"() ({
      %run_scoped3A = tpu.sem_alloc : memref<!tpu.dma_semaphore, #tpu.memory_space<semaphore_mem>>
      %dma_start3A_39 = tpu.memref_slice %arg3[%add3A_22] : memref<10240xi32, #tpu.memory_space<hbm>> -> memref<80xi32, #tpu.memory_space<hbm>>
      %dma_start3A_40 = tpu.memref_slice %arg3[%add3A_22] : memref<10240xi32, #tpu.memory_space<hbm>> -> memref<80xi32, #tpu.memory_space<hbm>>
      tpu.enqueue_dma source(%dma_start3A_40 : memref<80xi32, #tpu.memory_space<hbm>>) target(%arg5 : memref<80xi32, #tpu.memory_space<vmem>>) target_semaphore(%run_scoped3A : memref<!tpu.dma_semaphore, #tpu.memory_space<semaphore_mem>>)
      %dma_wait3A_41 = tpu.memref_slice %arg3[%add3A_22] : memref<10240xi32, #tpu.memory_space<hbm>> -> memref<80xi32, #tpu.memory_space<hbm>>
      %dma_wait3A_42 = tpu.memref_slice %arg3[%add3A_22] : memref<10240xi32, #tpu.memory_space<hbm>> -> memref<80xi32, #tpu.memory_space<hbm>>
      tpu.wait_dma2 semaphore(%run_scoped3A : memref<!tpu.dma_semaphore, #tpu.memory_space<semaphore_mem>>) src(%dma_wait3A_42 : memref<80xi32, #tpu.memory_space<hbm>>) dst(%arg5 : memref<80xi32, #tpu.memory_space<vmem>>)
      tpu.yield
    }) : () -> ()
    %dma_start3A_23 = arith.constant 0 : i32
    %dma_start3A_24 = arith.constant 0 : i32
    %dma_start3A_25 = tpu.memref_slice %arg2[%dma_start3A_23, %dma_start3A_24] : memref<2000x512xf32, #tpu.memory_space<hbm>> -> memref<2000x512xf32, #tpu.memory_space<hbm>>
    tpu.enqueue_indirect_dma source(%dma_start3A_25 : memref<2000x512xf32, #tpu.memory_space<hbm>>) target(%arg6 : memref<80x512xf32, #tpu.memory_space<vmem>>) offsets(%arg5 : memref<80xi32, #tpu.memory_space<vmem>>) semaphore(%arg7 : memref<!tpu.dma_semaphore, #tpu.memory_space<semaphore_mem>>)
    %dma_wait3A_26 = arith.constant 0 : i32
    %dma_wait3A_27 = arith.constant 0 : i32
    %dma_wait3A_28 = tpu.memref_slice %arg2[%dma_wait3A_26, %dma_wait3A_27] : memref<2000x512xf32, #tpu.memory_space<hbm>> -> memref<2000x512xf32, #tpu.memory_space<hbm>>
    tpu.wait_indirect_dma semaphore(%arg7 : memref<!tpu.dma_semaphore, #tpu.memory_space<semaphore_mem>>) src(%dma_wait3A_28 : memref<2000x512xf32, #tpu.memory_space<hbm>>) dst(%arg6 : memref<80x512xf32, #tpu.memory_space<vmem>>)
    "tpu.region"() ({
      %run_scoped3A = tpu.sem_alloc : memref<!tpu.dma_semaphore, #tpu.memory_space<semaphore_mem>>
      %dma_start3A_39 = arith.constant 0 : i32
      %dma_start3A_40 = tpu.memref_slice %arg4[%add3A_22, %dma_start3A_39] : memref<10240x512xf32, #tpu.memory_space<hbm>> -> memref<80x512xf32, #tpu.memory_space<hbm>>
      %dma_start3A_41 = arith.constant 0 : i32
      %dma_start3A_42 = tpu.memref_slice %arg4[%add3A_22, %dma_start3A_41] : memref<10240x512xf32, #tpu.memory_space<hbm>> -> memref<80x512xf32, #tpu.memory_space<hbm>>
      tpu.enqueue_dma source(%arg6 : memref<80x512xf32, #tpu.memory_space<vmem>>) target(%dma_start3A_42 : memref<80x512xf32, #tpu.memory_space<hbm>>) target_semaphore(%run_scoped3A : memref<!tpu.dma_semaphore, #tpu.memory_space<semaphore_mem>>)
      %dma_wait3A_43 = arith.constant 0 : i32
      %dma_wait3A_44 = tpu.memref_slice %arg4[%add3A_22, %dma_wait3A_43] : memref<10240x512xf32, #tpu.memory_space<hbm>> -> memref<80x512xf32, #tpu.memory_space<hbm>>
      %dma_wait3A_45 = arith.constant 0 : i32
      %dma_wait3A_46 = tpu.memref_slice %arg4[%add3A_22, %dma_wait3A_45] : memref<10240x512xf32, #tpu.memory_space<hbm>> -> memref<80x512xf32, #tpu.memory_space<hbm>>
      tpu.wait_dma2 semaphore(%run_scoped3A : memref<!tpu.dma_semaphore, #tpu.memory_space<semaphore_mem>>) src(%arg6 : memref<80x512xf32, #tpu.memory_space<vmem>>) dst(%dma_wait3A_46 : memref<80x512xf32, #tpu.memory_space<hbm>>)
      tpu.yield
    }) : () -> ()
    %mul3A_29 = arith.constant 320 : i32
    %mul3A_30 = arith.muli %add3A, %mul3A_29 : i32
    %add3A_31 = arith.constant 240 : i32
    %add3A_32 = arith.addi %mul3A_30, %add3A_31 : i32
    "tpu.region"() ({
      %run_scoped3A = tpu.sem_alloc : memref<!tpu.dma_semaphore, #tpu.memory_space<semaphore_mem>>
      %dma_start3A_39 = tpu.memref_slice %arg3[%add3A_32] : memref<10240xi32, #tpu.memory_space<hbm>> -> memref<80xi32, #tpu.memory_space<hbm>>
      %dma_start3A_40 = tpu.memref_slice %arg3[%add3A_32] : memref<10240xi32, #tpu.memory_space<hbm>> -> memref<80xi32, #tpu.memory_space<hbm>>
      tpu.enqueue_dma source(%dma_start3A_40 : memref<80xi32, #tpu.memory_space<hbm>>) target(%arg5 : memref<80xi32, #tpu.memory_space<vmem>>) target_semaphore(%run_scoped3A : memref<!tpu.dma_semaphore, #tpu.memory_space<semaphore_mem>>)
      %dma_wait3A_41 = tpu.memref_slice %arg3[%add3A_32] : memref<10240xi32, #tpu.memory_space<hbm>> -> memref<80xi32, #tpu.memory_space<hbm>>
      %dma_wait3A_42 = tpu.memref_slice %arg3[%add3A_32] : memref<10240xi32, #tpu.memory_space<hbm>> -> memref<80xi32, #tpu.memory_space<hbm>>
      tpu.wait_dma2 semaphore(%run_scoped3A : memref<!tpu.dma_semaphore, #tpu.memory_space<semaphore_mem>>) src(%dma_wait3A_42 : memref<80xi32, #tpu.memory_space<hbm>>) dst(%arg5 : memref<80xi32, #tpu.memory_space<vmem>>)
      tpu.yield
    }) : () -> ()
    %dma_start3A_33 = arith.constant 0 : i32
    %dma_start3A_34 = arith.constant 0 : i32
    %dma_start3A_35 = tpu.memref_slice %arg2[%dma_start3A_33, %dma_start3A_34] : memref<2000x512xf32, #tpu.memory_space<hbm>> -> memref<2000x512xf32, #tpu.memory_space<hbm>>
    tpu.enqueue_indirect_dma source(%dma_start3A_35 : memref<2000x512xf32, #tpu.memory_space<hbm>>) target(%arg6 : memref<80x512xf32, #tpu.memory_space<vmem>>) offsets(%arg5 : memref<80xi32, #tpu.memory_space<vmem>>) semaphore(%arg7 : memref<!tpu.dma_semaphore, #tpu.memory_space<semaphore_mem>>)
    %dma_wait3A_36 = arith.constant 0 : i32
    %dma_wait3A_37 = arith.constant 0 : i32
    %dma_wait3A_38 = tpu.memref_slice %arg2[%dma_wait3A_36, %dma_wait3A_37] : memref<2000x512xf32, #tpu.memory_space<hbm>> -> memref<2000x512xf32, #tpu.memory_space<hbm>>
    tpu.wait_indirect_dma semaphore(%arg7 : memref<!tpu.dma_semaphore, #tpu.memory_space<semaphore_mem>>) src(%dma_wait3A_38 : memref<2000x512xf32, #tpu.memory_space<hbm>>) dst(%arg6 : memref<80x512xf32, #tpu.memory_space<vmem>>)
    "tpu.region"() ({
      %run_scoped3A = tpu.sem_alloc : memref<!tpu.dma_semaphore, #tpu.memory_space<semaphore_mem>>
      %dma_start3A_39 = arith.constant 0 : i32
      %dma_start3A_40 = tpu.memref_slice %arg4[%add3A_32, %dma_start3A_39] : memref<10240x512xf32, #tpu.memory_space<hbm>> -> memref<80x512xf32, #tpu.memory_space<hbm>>
      %dma_start3A_41 = arith.constant 0 : i32
      %dma_start3A_42 = tpu.memref_slice %arg4[%add3A_32, %dma_start3A_41] : memref<10240x512xf32, #tpu.memory_space<hbm>> -> memref<80x512xf32, #tpu.memory_space<hbm>>
      tpu.enqueue_dma source(%arg6 : memref<80x512xf32, #tpu.memory_space<vmem>>) target(%dma_start3A_42 : memref<80x512xf32, #tpu.memory_space<hbm>>) target_semaphore(%run_scoped3A : memref<!tpu.dma_semaphore, #tpu.memory_space<semaphore_mem>>)
      %dma_wait3A_43 = arith.constant 0 : i32
      %dma_wait3A_44 = tpu.memref_slice %arg4[%add3A_32, %dma_wait3A_43] : memref<10240x512xf32, #tpu.memory_space<hbm>> -> memref<80x512xf32, #tpu.memory_space<hbm>>
      %dma_wait3A_45 = arith.constant 0 : i32
      %dma_wait3A_46 = tpu.memref_slice %arg4[%add3A_32, %dma_wait3A_45] : memref<10240x512xf32, #tpu.memory_space<hbm>> -> memref<80x512xf32, #tpu.memory_space<hbm>>
      tpu.wait_dma2 semaphore(%run_scoped3A : memref<!tpu.dma_semaphore, #tpu.memory_space<semaphore_mem>>) src(%arg6 : memref<80x512xf32, #tpu.memory_space<vmem>>) dst(%dma_wait3A_46 : memref<80x512xf32, #tpu.memory_space<hbm>>)
      tpu.yield
    }) : () -> ()
    return
  }
}

module attributes {stable_mosaic.version = 14 : i64} {
  func.func @_dense_body(%arg0: i32, %arg1: memref<3x256xf32, #tpu.memory_space<vmem>>, %arg2: memref<256x512xf32, #tpu.memory_space<vmem>>, %arg3: memref<32x256xf32, #tpu.memory_space<vmem>>, %arg4: memref<32x384xf32, #tpu.memory_space<vmem>>, %arg5: memref<32x448xf32, #tpu.memory_space<vmem>>, %arg6: memref<32x384xf32, #tpu.memory_space<vmem>>, %arg7: memref<512x256xf32, #tpu.memory_space<vmem>>) attributes {dimension_semantics = [#tpu.dimension_semantics<arbitrary>], iteration_bounds = array<i64: 40>, scalar_prefetch = 0 : i64, scratch_operands = 0 : i64, tpu.core_type = #tpu.core_type<tc>, window_params = [{transform_indices = @transform_0, window_bounds = array<i64: 3, 256>}, {transform_indices = @transform_1, window_bounds = array<i64: 256, 512>}, {pipeline_mode = #tpu.pipeline_mode<synchronous>, transform_indices = @transform_2, window_bounds = array<i64: 32, 256>}, {pipeline_mode = #tpu.pipeline_mode<synchronous>, transform_indices = @transform_3, window_bounds = array<i64: 32, 384>}, {pipeline_mode = #tpu.pipeline_mode<synchronous>, transform_indices = @transform_4, window_bounds = array<i64: 32, 448>}, {pipeline_mode = #tpu.pipeline_mode<synchronous>, transform_indices = @transform_5, window_bounds = array<i64: 32, 384>}, {transform_indices = @transform_6, window_bounds = array<i64: 512, 256>}]} {
    %get3A = arith.constant 0 : index
    %get3A_0 = arith.constant 0 : index
    %get3A_1 = vector.load %arg2[%get3A, %get3A_0] : memref<256x512xf32, #tpu.memory_space<vmem>>, vector<256x512xf32>
    %transpose3A = tpu.transpose %get3A_1, [1, 0] : vector<256x512xf32> -> vector<512x256xf32>
    %get3A_2 = arith.constant 0 : index
    %get3A_3 = arith.constant 0 : index
    %get3A_4 = vector.load %arg1[%get3A_2, %get3A_3] : memref<3x256xf32, #tpu.memory_space<vmem>>, vector<1x256xf32>
    %get3A_5 = arith.constant 1 : index
    %get3A_6 = arith.constant 0 : index
    %get3A_7 = vector.load %arg1[%get3A_5, %get3A_6] : memref<3x256xf32, #tpu.memory_space<vmem>>, vector<1x256xf32>
    %get3A_8 = arith.constant 2 : index
    %get3A_9 = arith.constant 0 : index
    %get3A_10 = vector.load %arg1[%get3A_8, %get3A_9] : memref<3x256xf32, #tpu.memory_space<vmem>>, vector<1x256xf32>
    %mul3A = arith.mulf %get3A_4, %get3A_4 : vector<1x256xf32>
    %mul3A_11 = arith.mulf %get3A_7, %get3A_7 : vector<1x256xf32>
    %add3A = arith.addf %mul3A, %mul3A_11 : vector<1x256xf32>
    %mul3A_12 = arith.mulf %get3A_10, %get3A_10 : vector<1x256xf32>
    %add3A_13 = arith.addf %add3A, %mul3A_12 : vector<1x256xf32>
    %sqrt3A = math.sqrt %add3A_13 : vector<1x256xf32>
    %max3A = arith.constant 9.99999993E-9 : f32
    %max3A_14 = vector.broadcast %max3A : f32 to vector<1x256xf32>
    %max3A_15 = arith.maximumf %sqrt3A, %max3A_14 : vector<1x256xf32>
    %div3A = arith.constant 1.000000e+00 : f32
    %div3A_16 = vector.broadcast %div3A : f32 to vector<1x256xf32>
    %div3A_17 = arith.divf %div3A_16, %max3A_15 : vector<1x256xf32>
    %mul3A_18 = arith.mulf %get3A_4, %div3A_17 : vector<1x256xf32>
    %mul3A_19 = arith.mulf %get3A_7, %div3A_17 : vector<1x256xf32>
    %mul3A_20 = arith.mulf %get3A_10, %div3A_17 : vector<1x256xf32>
    %broadcast_in_dim3A = arith.constant 1.000000e+00 : f32
    %broadcast_in_dim3A_21 = vector.broadcast %broadcast_in_dim3A : f32 to vector<1x256xf32>
    %mul3A_22 = arith.constant 1.73205078 : f32
    %mul3A_23 = vector.broadcast %mul3A_22 : f32 to vector<1x256xf32>
    %mul3A_24 = arith.mulf %mul3A_23, %mul3A_19 : vector<1x256xf32>
    %mul3A_25 = arith.constant 1.73205078 : f32
    %mul3A_26 = vector.broadcast %mul3A_25 : f32 to vector<1x256xf32>
    %mul3A_27 = arith.mulf %mul3A_26, %mul3A_20 : vector<1x256xf32>
    %mul3A_28 = arith.constant 1.73205078 : f32
    %mul3A_29 = vector.broadcast %mul3A_28 : f32 to vector<1x256xf32>
    %mul3A_30 = arith.mulf %mul3A_29, %mul3A_18 : vector<1x256xf32>
    %mul3A_31 = arith.constant 3.87298346 : f32
    %mul3A_32 = vector.broadcast %mul3A_31 : f32 to vector<1x256xf32>
    %mul3A_33 = arith.mulf %mul3A_32, %mul3A_18 : vector<1x256xf32>
    %mul3A_34 = arith.mulf %mul3A_33, %mul3A_19 : vector<1x256xf32>
    %mul3A_35 = arith.constant 3.87298346 : f32
    %mul3A_36 = vector.broadcast %mul3A_35 : f32 to vector<1x256xf32>
    %mul3A_37 = arith.mulf %mul3A_36, %mul3A_19 : vector<1x256xf32>
    %mul3A_38 = arith.mulf %mul3A_37, %mul3A_20 : vector<1x256xf32>
    %mul3A_39 = arith.constant 3.000000e+00 : f32
    %mul3A_40 = vector.broadcast %mul3A_39 : f32 to vector<1x256xf32>
    %mul3A_41 = arith.mulf %mul3A_40, %mul3A_20 : vector<1x256xf32>
    %mul3A_42 = arith.mulf %mul3A_41, %mul3A_20 : vector<1x256xf32>
    %sub3A = arith.constant 1.000000e+00 : f32
    %sub3A_43 = vector.broadcast %sub3A : f32 to vector<1x256xf32>
    %sub3A_44 = arith.subf %mul3A_42, %sub3A_43 : vector<1x256xf32>
    %mul3A_45 = arith.constant 1.11803401 : f32
    %mul3A_46 = vector.broadcast %mul3A_45 : f32 to vector<1x256xf32>
    %mul3A_47 = arith.mulf %mul3A_46, %sub3A_44 : vector<1x256xf32>
    %mul3A_48 = arith.constant 3.87298346 : f32
    %mul3A_49 = vector.broadcast %mul3A_48 : f32 to vector<1x256xf32>
    %mul3A_50 = arith.mulf %mul3A_49, %mul3A_18 : vector<1x256xf32>
    %mul3A_51 = arith.mulf %mul3A_50, %mul3A_20 : vector<1x256xf32>
    %mul3A_52 = arith.mulf %mul3A_18, %mul3A_18 : vector<1x256xf32>
    %mul3A_53 = arith.mulf %mul3A_19, %mul3A_19 : vector<1x256xf32>
    %sub3A_54 = arith.subf %mul3A_52, %mul3A_53 : vector<1x256xf32>
    %mul3A_55 = arith.constant 1.93649173 : f32
    %mul3A_56 = vector.broadcast %mul3A_55 : f32 to vector<1x256xf32>
    %mul3A_57 = arith.mulf %mul3A_56, %sub3A_54 : vector<1x256xf32>
    %mul3A_58 = arith.constant 2.091650e+00 : f32
    %mul3A_59 = vector.broadcast %mul3A_58 : f32 to vector<1x256xf32>
    %mul3A_60 = arith.mulf %mul3A_59, %mul3A_19 : vector<1x256xf32>
    %mul3A_61 = arith.constant 3.000000e+00 : f32
    %mul3A_62 = vector.broadcast %mul3A_61 : f32 to vector<1x256xf32>
    %mul3A_63 = arith.mulf %mul3A_62, %mul3A_18 : vector<1x256xf32>
    %mul3A_64 = arith.mulf %mul3A_63, %mul3A_18 : vector<1x256xf32>
    %mul3A_65 = arith.mulf %mul3A_19, %mul3A_19 : vector<1x256xf32>
    %sub3A_66 = arith.subf %mul3A_64, %mul3A_65 : vector<1x256xf32>
    %mul3A_67 = arith.mulf %mul3A_60, %sub3A_66 : vector<1x256xf32>
    %mul3A_68 = arith.constant 10.2469511 : f32
    %mul3A_69 = vector.broadcast %mul3A_68 : f32 to vector<1x256xf32>
    %mul3A_70 = arith.mulf %mul3A_69, %mul3A_18 : vector<1x256xf32>
    %mul3A_71 = arith.mulf %mul3A_70, %mul3A_19 : vector<1x256xf32>
    %mul3A_72 = arith.mulf %mul3A_71, %mul3A_20 : vector<1x256xf32>
    %mul3A_73 = arith.constant 1.62018514 : f32
    %mul3A_74 = vector.broadcast %mul3A_73 : f32 to vector<1x256xf32>
    %mul3A_75 = arith.mulf %mul3A_74, %mul3A_19 : vector<1x256xf32>
    %mul3A_76 = arith.constant 5.000000e+00 : f32
    %mul3A_77 = vector.broadcast %mul3A_76 : f32 to vector<1x256xf32>
    %mul3A_78 = arith.mulf %mul3A_77, %mul3A_20 : vector<1x256xf32>
    %mul3A_79 = arith.mulf %mul3A_78, %mul3A_20 : vector<1x256xf32>
    %sub3A_80 = arith.constant 1.000000e+00 : f32
    %sub3A_81 = vector.broadcast %sub3A_80 : f32 to vector<1x256xf32>
    %sub3A_82 = arith.subf %mul3A_79, %sub3A_81 : vector<1x256xf32>
    %mul3A_83 = arith.mulf %mul3A_75, %sub3A_82 : vector<1x256xf32>
    %mul3A_84 = arith.constant 5.000000e+00 : f32
    %mul3A_85 = vector.broadcast %mul3A_84 : f32 to vector<1x256xf32>
    %mul3A_86 = arith.mulf %mul3A_85, %mul3A_20 : vector<1x256xf32>
    %mul3A_87 = arith.mulf %mul3A_86, %mul3A_20 : vector<1x256xf32>
    %mul3A_88 = arith.mulf %mul3A_87, %mul3A_20 : vector<1x256xf32>
    %mul3A_89 = arith.constant 3.000000e+00 : f32
    %mul3A_90 = vector.broadcast %mul3A_89 : f32 to vector<1x256xf32>
    %mul3A_91 = arith.mulf %mul3A_90, %mul3A_20 : vector<1x256xf32>
    %sub3A_92 = arith.subf %mul3A_88, %mul3A_91 : vector<1x256xf32>
    %mul3A_93 = arith.constant 1.32287562 : f32
    %mul3A_94 = vector.broadcast %mul3A_93 : f32 to vector<1x256xf32>
    %mul3A_95 = arith.mulf %mul3A_94, %sub3A_92 : vector<1x256xf32>
    %mul3A_96 = arith.constant 1.62018514 : f32
    %mul3A_97 = vector.broadcast %mul3A_96 : f32 to vector<1x256xf32>
    %mul3A_98 = arith.mulf %mul3A_97, %mul3A_18 : vector<1x256xf32>
    %mul3A_99 = arith.constant 5.000000e+00 : f32
    %mul3A_100 = vector.broadcast %mul3A_99 : f32 to vector<1x256xf32>
    %mul3A_101 = arith.mulf %mul3A_100, %mul3A_20 : vector<1x256xf32>
    %mul3A_102 = arith.mulf %mul3A_101, %mul3A_20 : vector<1x256xf32>
    %sub3A_103 = arith.constant 1.000000e+00 : f32
    %sub3A_104 = vector.broadcast %sub3A_103 : f32 to vector<1x256xf32>
    %sub3A_105 = arith.subf %mul3A_102, %sub3A_104 : vector<1x256xf32>
    %mul3A_106 = arith.mulf %mul3A_98, %sub3A_105 : vector<1x256xf32>
    %mul3A_107 = arith.constant 5.12347555 : f32
    %mul3A_108 = vector.broadcast %mul3A_107 : f32 to vector<1x256xf32>
    %mul3A_109 = arith.mulf %mul3A_108, %mul3A_20 : vector<1x256xf32>
    %mul3A_110 = arith.mulf %mul3A_18, %mul3A_18 : vector<1x256xf32>
    %mul3A_111 = arith.mulf %mul3A_19, %mul3A_19 : vector<1x256xf32>
    %sub3A_112 = arith.subf %mul3A_110, %mul3A_111 : vector<1x256xf32>
    %mul3A_113 = arith.mulf %mul3A_109, %sub3A_112 : vector<1x256xf32>
    %mul3A_114 = arith.constant 2.091650e+00 : f32
    %mul3A_115 = vector.broadcast %mul3A_114 : f32 to vector<1x256xf32>
    %mul3A_116 = arith.mulf %mul3A_115, %mul3A_18 : vector<1x256xf32>
    %mul3A_117 = arith.mulf %mul3A_18, %mul3A_18 : vector<1x256xf32>
    %mul3A_118 = arith.constant 3.000000e+00 : f32
    %mul3A_119 = vector.broadcast %mul3A_118 : f32 to vector<1x256xf32>
    %mul3A_120 = arith.mulf %mul3A_119, %mul3A_19 : vector<1x256xf32>
    %mul3A_121 = arith.mulf %mul3A_120, %mul3A_19 : vector<1x256xf32>
    %sub3A_122 = arith.subf %mul3A_117, %mul3A_121 : vector<1x256xf32>
    %mul3A_123 = arith.mulf %mul3A_116, %sub3A_122 : vector<1x256xf32>
    %mul3A_124 = arith.constant 1.000000e+00 : f32
    %mul3A_125 = vector.broadcast %mul3A_124 : f32 to vector<1x256xf32>
    %mul3A_126 = arith.mulf %mul3A_125, %broadcast_in_dim3A_21 : vector<1x256xf32>
    %slice3A = vector.extract_strided_slice %transpose3A {offsets = [0, 0], sizes = [32, 256], strides = [1, 1]} : vector<512x256xf32> to vector<32x256xf32>
    %mul3A_127 = vector.broadcast %mul3A_126 : vector<1x256xf32> to vector<32x256xf32>
    %mul3A_128 = arith.mulf %slice3A, %mul3A_127 : vector<32x256xf32>
    %mul3A_129 = arith.constant -0.577350259 : f32
    %mul3A_130 = vector.broadcast %mul3A_129 : f32 to vector<1x256xf32>
    %mul3A_131 = arith.mulf %mul3A_130, %mul3A_24 : vector<1x256xf32>
    %slice3A_132 = vector.extract_strided_slice %transpose3A {offsets = [32, 0], sizes = [32, 256], strides = [1, 1]} : vector<512x256xf32> to vector<32x256xf32>
    %mul3A_133 = vector.broadcast %mul3A_131 : vector<1x256xf32> to vector<32x256xf32>
    %mul3A_134 = arith.mulf %slice3A_132, %mul3A_133 : vector<32x256xf32>
    %mul3A_135 = arith.constant -0.577350259 : f32
    %mul3A_136 = vector.broadcast %mul3A_135 : f32 to vector<1x256xf32>
    %mul3A_137 = arith.mulf %mul3A_136, %mul3A_27 : vector<1x256xf32>
    %slice3A_138 = vector.extract_strided_slice %transpose3A {offsets = [64, 0], sizes = [32, 256], strides = [1, 1]} : vector<512x256xf32> to vector<32x256xf32>
    %mul3A_139 = vector.broadcast %mul3A_137 : vector<1x256xf32> to vector<32x256xf32>
    %mul3A_140 = arith.mulf %slice3A_138, %mul3A_139 : vector<32x256xf32>
    %add3A_141 = arith.addf %mul3A_134, %mul3A_140 : vector<32x256xf32>
    %mul3A_142 = arith.constant -0.577350259 : f32
    %mul3A_143 = vector.broadcast %mul3A_142 : f32 to vector<1x256xf32>
    %mul3A_144 = arith.mulf %mul3A_143, %mul3A_30 : vector<1x256xf32>
    %slice3A_145 = vector.extract_strided_slice %transpose3A {offsets = [96, 0], sizes = [32, 256], strides = [1, 1]} : vector<512x256xf32> to vector<32x256xf32>
    %mul3A_146 = vector.broadcast %mul3A_144 : vector<1x256xf32> to vector<32x256xf32>
    %mul3A_147 = arith.mulf %slice3A_145, %mul3A_146 : vector<32x256xf32>
    %add3A_148 = arith.addf %add3A_141, %mul3A_147 : vector<32x256xf32>
    %mul3A_149 = arith.constant 0.44721359 : f32
    %mul3A_150 = vector.broadcast %mul3A_149 : f32 to vector<1x256xf32>
    %mul3A_151 = arith.mulf %mul3A_150, %mul3A_34 : vector<1x256xf32>
    %slice3A_152 = vector.extract_strided_slice %transpose3A {offsets = [128, 0], sizes = [32, 256], strides = [1, 1]} : vector<512x256xf32> to vector<32x256xf32>
    %mul3A_153 = vector.broadcast %mul3A_151 : vector<1x256xf32> to vector<32x256xf32>
    %mul3A_154 = arith.mulf %slice3A_152, %mul3A_153 : vector<32x256xf32>
    %mul3A_155 = arith.constant 0.44721359 : f32
    %mul3A_156 = vector.broadcast %mul3A_155 : f32 to vector<1x256xf32>
    %mul3A_157 = arith.mulf %mul3A_156, %mul3A_38 : vector<1x256xf32>
    %slice3A_158 = vector.extract_strided_slice %transpose3A {offsets = [160, 0], sizes = [32, 256], strides = [1, 1]} : vector<512x256xf32> to vector<32x256xf32>
    %mul3A_159 = vector.broadcast %mul3A_157 : vector<1x256xf32> to vector<32x256xf32>
    %mul3A_160 = arith.mulf %slice3A_158, %mul3A_159 : vector<32x256xf32>
    %add3A_161 = arith.addf %mul3A_154, %mul3A_160 : vector<32x256xf32>
    %mul3A_162 = arith.constant 0.44721359 : f32
    %mul3A_163 = vector.broadcast %mul3A_162 : f32 to vector<1x256xf32>
    %mul3A_164 = arith.mulf %mul3A_163, %mul3A_47 : vector<1x256xf32>
    %slice3A_165 = vector.extract_strided_slice %transpose3A {offsets = [192, 0], sizes = [32, 256], strides = [1, 1]} : vector<512x256xf32> to vector<32x256xf32>
    %mul3A_166 = vector.broadcast %mul3A_164 : vector<1x256xf32> to vector<32x256xf32>
    %mul3A_167 = arith.mulf %slice3A_165, %mul3A_166 : vector<32x256xf32>
    %add3A_168 = arith.addf %add3A_161, %mul3A_167 : vector<32x256xf32>
    %mul3A_169 = arith.constant 0.44721359 : f32
    %mul3A_170 = vector.broadcast %mul3A_169 : f32 to vector<1x256xf32>
    %mul3A_171 = arith.mulf %mul3A_170, %mul3A_51 : vector<1x256xf32>
    %slice3A_172 = vector.extract_strided_slice %transpose3A {offsets = [224, 0], sizes = [32, 256], strides = [1, 1]} : vector<512x256xf32> to vector<32x256xf32>
    %mul3A_173 = vector.broadcast %mul3A_171 : vector<1x256xf32> to vector<32x256xf32>
    %mul3A_174 = arith.mulf %slice3A_172, %mul3A_173 : vector<32x256xf32>
    %add3A_175 = arith.addf %add3A_168, %mul3A_174 : vector<32x256xf32>
    %mul3A_176 = arith.constant 0.44721359 : f32
    %mul3A_177 = vector.broadcast %mul3A_176 : f32 to vector<1x256xf32>
    %mul3A_178 = arith.mulf %mul3A_177, %mul3A_57 : vector<1x256xf32>
    %slice3A_179 = vector.extract_strided_slice %transpose3A {offsets = [256, 0], sizes = [32, 256], strides = [1, 1]} : vector<512x256xf32> to vector<32x256xf32>
    %mul3A_180 = vector.broadcast %mul3A_178 : vector<1x256xf32> to vector<32x256xf32>
    %mul3A_181 = arith.mulf %slice3A_179, %mul3A_180 : vector<32x256xf32>
    %add3A_182 = arith.addf %add3A_175, %mul3A_181 : vector<32x256xf32>
    %mul3A_183 = arith.constant -0.377964467 : f32
    %mul3A_184 = vector.broadcast %mul3A_183 : f32 to vector<1x256xf32>
    %mul3A_185 = arith.mulf %mul3A_184, %mul3A_67 : vector<1x256xf32>
    %slice3A_186 = vector.extract_strided_slice %transpose3A {offsets = [288, 0], sizes = [32, 256], strides = [1, 1]} : vector<512x256xf32> to vector<32x256xf32>
    %mul3A_187 = vector.broadcast %mul3A_185 : vector<1x256xf32> to vector<32x256xf32>
    %mul3A_188 = arith.mulf %slice3A_186, %mul3A_187 : vector<32x256xf32>
    %mul3A_189 = arith.constant -0.377964467 : f32
    %mul3A_190 = vector.broadcast %mul3A_189 : f32 to vector<1x256xf32>
    %mul3A_191 = arith.mulf %mul3A_190, %mul3A_72 : vector<1x256xf32>
    %slice3A_192 = vector.extract_strided_slice %transpose3A {offsets = [320, 0], sizes = [32, 256], strides = [1, 1]} : vector<512x256xf32> to vector<32x256xf32>
    %mul3A_193 = vector.broadcast %mul3A_191 : vector<1x256xf32> to vector<32x256xf32>
    %mul3A_194 = arith.mulf %slice3A_192, %mul3A_193 : vector<32x256xf32>
    %add3A_195 = arith.addf %mul3A_188, %mul3A_194 : vector<32x256xf32>
    %mul3A_196 = arith.constant -0.377964467 : f32
    %mul3A_197 = vector.broadcast %mul3A_196 : f32 to vector<1x256xf32>
    %mul3A_198 = arith.mulf %mul3A_197, %mul3A_83 : vector<1x256xf32>
    %slice3A_199 = vector.extract_strided_slice %transpose3A {offsets = [352, 0], sizes = [32, 256], strides = [1, 1]} : vector<512x256xf32> to vector<32x256xf32>
    %mul3A_200 = vector.broadcast %mul3A_198 : vector<1x256xf32> to vector<32x256xf32>
    %mul3A_201 = arith.mulf %slice3A_199, %mul3A_200 : vector<32x256xf32>
    %add3A_202 = arith.addf %add3A_195, %mul3A_201 : vector<32x256xf32>
    %mul3A_203 = arith.constant -0.377964467 : f32
    %mul3A_204 = vector.broadcast %mul3A_203 : f32 to vector<1x256xf32>
    %mul3A_205 = arith.mulf %mul3A_204, %mul3A_95 : vector<1x256xf32>
    %slice3A_206 = vector.extract_strided_slice %transpose3A {offsets = [384, 0], sizes = [32, 256], strides = [1, 1]} : vector<512x256xf32> to vector<32x256xf32>
    %mul3A_207 = vector.broadcast %mul3A_205 : vector<1x256xf32> to vector<32x256xf32>
    %mul3A_208 = arith.mulf %slice3A_206, %mul3A_207 : vector<32x256xf32>
    %add3A_209 = arith.addf %add3A_202, %mul3A_208 : vector<32x256xf32>
    %mul3A_210 = arith.constant -0.377964467 : f32
    %mul3A_211 = vector.broadcast %mul3A_210 : f32 to vector<1x256xf32>
    %mul3A_212 = arith.mulf %mul3A_211, %mul3A_106 : vector<1x256xf32>
    %slice3A_213 = vector.extract_strided_slice %transpose3A {offsets = [416, 0], sizes = [32, 256], strides = [1, 1]} : vector<512x256xf32> to vector<32x256xf32>
    %mul3A_214 = vector.broadcast %mul3A_212 : vector<1x256xf32> to vector<32x256xf32>
    %mul3A_215 = arith.mulf %slice3A_213, %mul3A_214 : vector<32x256xf32>
    %add3A_216 = arith.addf %add3A_209, %mul3A_215 : vector<32x256xf32>
    %mul3A_217 = arith.constant -0.377964467 : f32
    %mul3A_218 = vector.broadcast %mul3A_217 : f32 to vector<1x256xf32>
    %mul3A_219 = arith.mulf %mul3A_218, %mul3A_113 : vector<1x256xf32>
    %slice3A_220 = vector.extract_strided_slice %transpose3A {offsets = [448, 0], sizes = [32, 256], strides = [1, 1]} : vector<512x256xf32> to vector<32x256xf32>
    %mul3A_221 = vector.broadcast %mul3A_219 : vector<1x256xf32> to vector<32x256xf32>
    %mul3A_222 = arith.mulf %slice3A_220, %mul3A_221 : vector<32x256xf32>
    %add3A_223 = arith.addf %add3A_216, %mul3A_222 : vector<32x256xf32>
    %mul3A_224 = arith.constant -0.377964467 : f32
    %mul3A_225 = vector.broadcast %mul3A_224 : f32 to vector<1x256xf32>
    %mul3A_226 = arith.mulf %mul3A_225, %mul3A_123 : vector<1x256xf32>
    %slice3A_227 = vector.extract_strided_slice %transpose3A {offsets = [480, 0], sizes = [32, 256], strides = [1, 1]} : vector<512x256xf32> to vector<32x256xf32>
    %mul3A_228 = vector.broadcast %mul3A_226 : vector<1x256xf32> to vector<32x256xf32>
    %mul3A_229 = arith.mulf %slice3A_227, %mul3A_228 : vector<32x256xf32>
    %add3A_230 = arith.addf %add3A_223, %mul3A_229 : vector<32x256xf32>
    %concatenate3A = tpu.concatenate %mul3A_128, %add3A_148, %add3A_182, %add3A_230 in 0 : vector<32x256xf32>, vector<32x256xf32>, vector<32x256xf32>, vector<32x256xf32> -> vector<128x256xf32>
    %mul3A_231 = vector.broadcast %max3A_15 : vector<1x256xf32> to vector<128x256xf32>
    %mul3A_232 = arith.mulf %concatenate3A, %mul3A_231 : vector<128x256xf32>
    %concatenate3A_233 = tpu.concatenate %mul3A_232, %concatenate3A in 0 : vector<128x256xf32>, vector<128x256xf32> -> vector<256x256xf32>
    %get3A_234 = arith.constant 0 : index
    %get3A_235 = arith.constant 0 : index
    %get3A_236 = vector.load %arg3[%get3A_234, %get3A_235] : memref<32x256xf32, #tpu.memory_space<vmem>>, vector<32x256xf32>
    %dot_general3A = arith.constant dense<0.000000e+00> : vector<32x256xf32>
    %dot_general3A_237 = tpu.matmul %get3A_236, %concatenate3A_233, %dot_general3A {dimension_numbers = #tpu.dot_dimension_numbers<[1], [0], [0], [1], [0, 0, 1, 1], [], []>, transpose_lhs_hint = false} : vector<32x256xf32>, vector<256x256xf32>, vector<32x256xf32> -> vector<32x256xf32>
    %swap3A = arith.constant 0 : index
    %swap3A_238 = arith.constant 0 : index
    %swap3A_239 = vector.load %arg7[%swap3A, %swap3A_238] : memref<512x256xf32, #tpu.memory_space<vmem>>, vector<32x256xf32>
    tpu.vector_store %arg7[%swap3A, %swap3A_238], %dot_general3A_237 {strides = array<i32>} : memref<512x256xf32, #tpu.memory_space<vmem>>, vector<32x256xf32>,
    %mul3A_240 = arith.constant 0.577350259 : f32
    %mul3A_241 = vector.broadcast %mul3A_240 : f32 to vector<1x256xf32>
    %mul3A_242 = arith.mulf %mul3A_241, %mul3A_24 : vector<1x256xf32>
    %slice3A_243 = vector.extract_strided_slice %transpose3A {offsets = [0, 0], sizes = [32, 256], strides = [1, 1]} : vector<512x256xf32> to vector<32x256xf32>
    %mul3A_244 = vector.broadcast %mul3A_242 : vector<1x256xf32> to vector<32x256xf32>
    %mul3A_245 = arith.mulf %slice3A_243, %mul3A_244 : vector<32x256xf32>
    %mul3A_246 = arith.constant 0.577350259 : f32
    %mul3A_247 = vector.broadcast %mul3A_246 : f32 to vector<1x256xf32>
    %mul3A_248 = arith.mulf %mul3A_247, %broadcast_in_dim3A_21 : vector<1x256xf32>
    %slice3A_249 = vector.extract_strided_slice %transpose3A {offsets = [32, 0], sizes = [32, 256], strides = [1, 1]} : vector<512x256xf32> to vector<32x256xf32>
    %mul3A_250 = vector.broadcast %mul3A_248 : vector<1x256xf32> to vector<32x256xf32>
    %mul3A_251 = arith.mulf %slice3A_249, %mul3A_250 : vector<32x256xf32>
    %mul3A_252 = arith.constant 0.182574183 : f32
    %mul3A_253 = vector.broadcast %mul3A_252 : f32 to vector<1x256xf32>
    %mul3A_254 = arith.mulf %mul3A_253, %mul3A_47 : vector<1x256xf32>
    %mul3A_255 = arith.constant 0.316227764 : f32
    %mul3A_256 = vector.broadcast %mul3A_255 : f32 to vector<1x256xf32>
    %mul3A_257 = arith.mulf %mul3A_256, %mul3A_57 : vector<1x256xf32>
    %add3A_258 = arith.addf %mul3A_254, %mul3A_257 : vector<1x256xf32>
    %slice3A_259 = vector.extract_strided_slice %transpose3A {offsets = [32, 0], sizes = [32, 256], strides = [1, 1]} : vector<512x256xf32> to vector<32x256xf32>
    %mul3A_260 = vector.broadcast %add3A_258 : vector<1x256xf32> to vector<32x256xf32>
    %mul3A_261 = arith.mulf %slice3A_259, %mul3A_260 : vector<32x256xf32>
    %mul3A_262 = arith.constant -0.316227764 : f32
    %mul3A_263 = vector.broadcast %mul3A_262 : f32 to vector<1x256xf32>
    %mul3A_264 = arith.mulf %mul3A_263, %mul3A_38 : vector<1x256xf32>
    %slice3A_265 = vector.extract_strided_slice %transpose3A {offsets = [64, 0], sizes = [32, 256], strides = [1, 1]} : vector<512x256xf32> to vector<32x256xf32>
    %mul3A_266 = vector.broadcast %mul3A_264 : vector<1x256xf32> to vector<32x256xf32>
    %mul3A_267 = arith.mulf %slice3A_265, %mul3A_266 : vector<32x256xf32>
    %add3A_268 = arith.addf %mul3A_261, %mul3A_267 : vector<32x256xf32>
    %mul3A_269 = arith.constant -0.316227764 : f32
    %mul3A_270 = vector.broadcast %mul3A_269 : f32 to vector<1x256xf32>
    %mul3A_271 = arith.mulf %mul3A_270, %mul3A_34 : vector<1x256xf32>
    %slice3A_272 = vector.extract_strided_slice %transpose3A {offsets = [96, 0], sizes = [32, 256], strides = [1, 1]} : vector<512x256xf32> to vector<32x256xf32>
    %mul3A_273 = vector.broadcast %mul3A_271 : vector<1x256xf32> to vector<32x256xf32>
    %mul3A_274 = arith.mulf %slice3A_272, %mul3A_273 : vector<32x256xf32>
    %add3A_275 = arith.addf %add3A_268, %mul3A_274 : vector<32x256xf32>
    %mul3A_276 = arith.constant -0.316227764 : f32
    %mul3A_277 = vector.broadcast %mul3A_276 : f32 to vector<1x256xf32>
    %mul3A_278 = arith.mulf %mul3A_277, %mul3A_30 : vector<1x256xf32>
    %slice3A_279 = vector.extract_strided_slice %transpose3A {offsets = [128, 0], sizes = [32, 256], strides = [1, 1]} : vector<512x256xf32> to vector<32x256xf32>
    %mul3A_280 = vector.broadcast %mul3A_278 : vector<1x256xf32> to vector<32x256xf32>
    %mul3A_281 = arith.mulf %slice3A_279, %mul3A_280 : vector<32x256xf32>
    %mul3A_282 = arith.constant -0.316227764 : f32
    %mul3A_283 = vector.broadcast %mul3A_282 : f32 to vector<1x256xf32>
    %mul3A_284 = arith.mulf %mul3A_283, %mul3A_27 : vector<1x256xf32>
    %slice3A_285 = vector.extract_strided_slice %transpose3A {offsets = [160, 0], sizes = [32, 256], strides = [1, 1]} : vector<512x256xf32> to vector<32x256xf32>
    %mul3A_286 = vector.broadcast %mul3A_284 : vector<1x256xf32> to vector<32x256xf32>
    %mul3A_287 = arith.mulf %slice3A_285, %mul3A_286 : vector<32x256xf32>
    %add3A_288 = arith.addf %mul3A_281, %mul3A_287 : vector<32x256xf32>
    %mul3A_289 = arith.constant 0.182574183 : f32
    %mul3A_290 = vector.broadcast %mul3A_289 : f32 to vector<1x256xf32>
    %mul3A_291 = arith.mulf %mul3A_290, %mul3A_24 : vector<1x256xf32>
    %slice3A_292 = vector.extract_strided_slice %transpose3A {offsets = [192, 0], sizes = [32, 256], strides = [1, 1]} : vector<512x256xf32> to vector<32x256xf32>
    %mul3A_293 = vector.broadcast %mul3A_291 : vector<1x256xf32> to vector<32x256xf32>
    %mul3A_294 = arith.mulf %slice3A_292, %mul3A_293 : vector<32x256xf32>
    %add3A_295 = arith.addf %add3A_288, %mul3A_294 : vector<32x256xf32>
    %mul3A_296 = arith.constant 0.316227764 : f32
    %mul3A_297 = vector.broadcast %mul3A_296 : f32 to vector<1x256xf32>
    %mul3A_298 = arith.mulf %mul3A_297, %mul3A_24 : vector<1x256xf32>
    %slice3A_299 = vector.extract_strided_slice %transpose3A {offsets = [256, 0], sizes = [32, 256], strides = [1, 1]} : vector<512x256xf32> to vector<32x256xf32>
    %mul3A_300 = vector.broadcast %mul3A_298 : vector<1x256xf32> to vector<32x256xf32>
    %mul3A_301 = arith.mulf %slice3A_299, %mul3A_300 : vector<32x256xf32>
    %add3A_302 = arith.addf %add3A_295, %mul3A_301 : vector<32x256xf32>
    %mul3A_303 = arith.constant -0.0690065548 : f32
    %mul3A_304 = vector.broadcast %mul3A_303 : f32 to vector<1x256xf32>
    %mul3A_305 = arith.mulf %mul3A_304, %mul3A_106 : vector<1x256xf32>
    %mul3A_306 = arith.constant -0.267261237 : f32
    %mul3A_307 = vector.broadcast %mul3A_306 : f32 to vector<1x256xf32>
    %mul3A_308 = arith.mulf %mul3A_307, %mul3A_123 : vector<1x256xf32>
    %add3A_309 = arith.addf %mul3A_305, %mul3A_308 : vector<1x256xf32>
    %slice3A_310 = vector.extract_strided_slice %transpose3A {offsets = [128, 0], sizes = [32, 256], strides = [1, 1]} : vector<512x256xf32> to vector<32x256xf32>
    %mul3A_311 = vector.broadcast %add3A_309 : vector<1x256xf32> to vector<32x256xf32>
    %mul3A_312 = arith.mulf %slice3A_310, %mul3A_311 : vector<32x256xf32>
    %mul3A_313 = arith.constant -0.169030845 : f32
    %mul3A_314 = vector.broadcast %mul3A_313 : f32 to vector<1x256xf32>
    %mul3A_315 = arith.mulf %mul3A_314, %mul3A_95 : vector<1x256xf32>
    %mul3A_316 = arith.constant -0.218217894 : f32
    %mul3A_317 = vector.broadcast %mul3A_316 : f32 to vector<1x256xf32>
    %mul3A_318 = arith.mulf %mul3A_317, %mul3A_113 : vector<1x256xf32>
    %add3A_319 = arith.addf %mul3A_315, %mul3A_318 : vector<1x256xf32>
    %slice3A_320 = vector.extract_strided_slice %transpose3A {offsets = [160, 0], sizes = [32, 256], strides = [1, 1]} : vector<512x256xf32> to vector<32x256xf32>
    %mul3A_321 = vector.broadcast %add3A_319 : vector<1x256xf32> to vector<32x256xf32>
    %mul3A_322 = arith.mulf %slice3A_320, %mul3A_321 : vector<32x256xf32>
    %add3A_323 = arith.addf %mul3A_312, %mul3A_322 : vector<32x256xf32>
    %mul3A_324 = arith.constant 0.239045724 : f32
    %mul3A_325 = vector.broadcast %mul3A_324 : f32 to vector<1x256xf32>
    %mul3A_326 = arith.mulf %mul3A_325, %mul3A_83 : vector<1x256xf32>
    %slice3A_327 = vector.extract_strided_slice %transpose3A {offsets = [192, 0], sizes = [32, 256], strides = [1, 1]} : vector<512x256xf32> to vector<32x256xf32>
    %mul3A_328 = vector.broadcast %mul3A_326 : vector<1x256xf32> to vector<32x256xf32>
    %mul3A_329 = arith.mulf %slice3A_327, %mul3A_328 : vector<32x256xf32>
    %add3A_330 = arith.addf %add3A_323, %mul3A_329 : vector<32x256xf32>
    %mul3A_331 = arith.constant 0.218217894 : f32
    %mul3A_332 = vector.broadcast %mul3A_331 : f32 to vector<1x256xf32>
    %mul3A_333 = arith.mulf %mul3A_332, %mul3A_72 : vector<1x256xf32>
    %slice3A_334 = vector.extract_strided_slice %transpose3A {offsets = [224, 0], sizes = [32, 256], strides = [1, 1]} : vector<512x256xf32> to vector<32x256xf32>
    %mul3A_335 = vector.broadcast %mul3A_333 : vector<1x256xf32> to vector<32x256xf32>
    %mul3A_336 = arith.mulf %slice3A_334, %mul3A_335 : vector<32x256xf32>
    %add3A_337 = arith.addf %add3A_330, %mul3A_336 : vector<32x256xf32>
    %mul3A_338 = arith.constant 0.267261237 : f32
    %mul3A_339 = vector.broadcast %mul3A_338 : f32 to vector<1x256xf32>
    %mul3A_340 = arith.mulf %mul3A_339, %mul3A_67 : vector<1x256xf32>
    %mul3A_341 = arith.constant 0.0690065548 : f32
    %mul3A_342 = vector.broadcast %mul3A_341 : f32 to vector<1x256xf32>
    %mul3A_343 = arith.mulf %mul3A_342, %mul3A_83 : vector<1x256xf32>
    %add3A_344 = arith.addf %mul3A_340, %mul3A_343 : vector<1x256xf32>
    %slice3A_345 = vector.extract_strided_slice %transpose3A {offsets = [256, 0], sizes = [32, 256], strides = [1, 1]} : vector<512x256xf32> to vector<32x256xf32>
    %mul3A_346 = vector.broadcast %add3A_344 : vector<1x256xf32> to vector<32x256xf32>
    %mul3A_347 = arith.mulf %slice3A_345, %mul3A_346 : vector<32x256xf32>
    %add3A_348 = arith.addf %add3A_337, %mul3A_347 : vector<32x256xf32>
    %mul3A_349 = arith.constant 0.267261237 : f32
    %mul3A_350 = vector.broadcast %mul3A_349 : f32 to vector<1x256xf32>
    %mul3A_351 = arith.mulf %mul3A_350, %mul3A_57 : vector<1x256xf32>
    %slice3A_352 = vector.extract_strided_slice %transpose3A {offsets = [288, 0], sizes = [32, 256], strides = [1, 1]} : vector<512x256xf32> to vector<32x256xf32>
    %mul3A_353 = vector.broadcast %mul3A_351 : vector<1x256xf32> to vector<32x256xf32>
    %mul3A_354 = arith.mulf %slice3A_352, %mul3A_353 : vector<32x256xf32>
    %mul3A_355 = arith.constant 0.218217894 : f32
    %mul3A_356 = vector.broadcast %mul3A_355 : f32 to vector<1x256xf32>
    %mul3A_357 = arith.mulf %mul3A_356, %mul3A_51 : vector<1x256xf32>
    %slice3A_358 = vector.extract_strided_slice %transpose3A {offsets = [320, 0], sizes = [32, 256], strides = [1, 1]} : vector<512x256xf32> to vector<32x256xf32>
    %mul3A_359 = vector.broadcast %mul3A_357 : vector<1x256xf32> to vector<32x256xf32>
    %mul3A_360 = arith.mulf %slice3A_358, %mul3A_359 : vector<32x256xf32>
    %add3A_361 = arith.addf %mul3A_354, %mul3A_360 : vector<32x256xf32>
    %mul3A_362 = arith.constant 0.239045724 : f32
    %mul3A_363 = vector.broadcast %mul3A_362 : f32 to vector<1x256xf32>
    %mul3A_364 = arith.mulf %mul3A_363, %mul3A_47 : vector<1x256xf32>
    %mul3A_365 = arith.constant 0.0690065548 : f32
    %mul3A_366 = vector.broadcast %mul3A_365 : f32 to vector<1x256xf32>
    %mul3A_367 = arith.mulf %mul3A_366, %mul3A_57 : vector<1x256xf32>
    %add3A_368 = arith.addf %mul3A_364, %mul3A_367 : vector<1x256xf32>
    %slice3A_369 = vector.extract_strided_slice %transpose3A {offsets = [352, 0], sizes = [32, 256], strides = [1, 1]} : vector<512x256xf32> to vector<32x256xf32>
    %mul3A_370 = vector.broadcast %add3A_368 : vector<1x256xf32> to vector<32x256xf32>
    %mul3A_371 = arith.mulf %slice3A_369, %mul3A_370 : vector<32x256xf32>
    %add3A_372 = arith.addf %add3A_361, %mul3A_371 : vector<32x256xf32>
    %mul3A_373 = arith.constant -0.169030845 : f32
    %mul3A_374 = vector.broadcast %mul3A_373 : f32 to vector<1x256xf32>
    %mul3A_375 = arith.mulf %mul3A_374, %mul3A_38 : vector<1x256xf32>
    %slice3A_376 = vector.extract_strided_slice %transpose3A {offsets = [384, 0], sizes = [32, 256], strides = [1, 1]} : vector<512x256xf32> to vector<32x256xf32>
    %mul3A_377 = vector.broadcast %mul3A_375 : vector<1x256xf32> to vector<32x256xf32>
    %mul3A_378 = arith.mulf %slice3A_376, %mul3A_377 : vector<32x256xf32>
    %add3A_379 = arith.addf %add3A_372, %mul3A_378 : vector<32x256xf32>
    %mul3A_380 = arith.constant -0.0690065548 : f32
    %mul3A_381 = vector.broadcast %mul3A_380 : f32 to vector<1x256xf32>
    %mul3A_382 = arith.mulf %mul3A_381, %mul3A_34 : vector<1x256xf32>
    %slice3A_383 = vector.extract_strided_slice %transpose3A {offsets = [416, 0], sizes = [32, 256], strides = [1, 1]} : vector<512x256xf32> to vector<32x256xf32>
    %mul3A_384 = vector.broadcast %mul3A_382 : vector<1x256xf32> to vector<32x256xf32>
    %mul3A_385 = arith.mulf %slice3A_383, %mul3A_384 : vector<32x256xf32>
    %add3A_386 = arith.addf %add3A_379, %mul3A_385 : vector<32x256xf32>
    %mul3A_387 = arith.constant -0.218217894 : f32
    %mul3A_388 = vector.broadcast %mul3A_387 : f32 to vector<1x256xf32>
    %mul3A_389 = arith.mulf %mul3A_388, %mul3A_38 : vector<1x256xf32>
    %slice3A_390 = vector.extract_strided_slice %transpose3A {offsets = [448, 0], sizes = [32, 256], strides = [1, 1]} : vector<512x256xf32> to vector<32x256xf32>
    %mul3A_391 = vector.broadcast %mul3A_389 : vector<1x256xf32> to vector<32x256xf32>
    %mul3A_392 = arith.mulf %slice3A_390, %mul3A_391 : vector<32x256xf32>
    %add3A_393 = arith.addf %add3A_386, %mul3A_392 : vector<32x256xf32>
    %mul3A_394 = arith.constant -0.267261237 : f32
    %mul3A_395 = vector.broadcast %mul3A_394 : f32 to vector<1x256xf32>
    %mul3A_396 = arith.mulf %mul3A_395, %mul3A_34 : vector<1x256xf32>
    %slice3A_397 = vector.extract_strided_slice %transpose3A {offsets = [480, 0], sizes = [32, 256], strides = [1, 1]} : vector<512x256xf32> to vector<32x256xf32>
    %mul3A_398 = vector.broadcast %mul3A_396 : vector<1x256xf32> to vector<32x256xf32>
    %mul3A_399 = arith.mulf %slice3A_397, %mul3A_398 : vector<32x256xf32>
    %add3A_400 = arith.addf %add3A_393, %mul3A_399 : vector<32x256xf32>
    %concatenate3A_401 = tpu.concatenate %mul3A_245, %mul3A_251, %add3A_275, %add3A_302, %add3A_348, %add3A_400 in 0 : vector<32x256xf32>, vector<32x256xf32>, vector<32x256xf32>, vector<32x256xf32>, vector<32x256xf32>, vector<32x256xf32> -> vector<192x256xf32>
    %mul3A_402 = vector.broadcast %max3A_15 : vector<1x256xf32> to vector<192x256xf32>
    %mul3A_403 = arith.mulf %concatenate3A_401, %mul3A_402 : vector<192x256xf32>
    %concatenate3A_404 = tpu.concatenate %mul3A_403, %concatenate3A_401 in 0 : vector<192x256xf32>, vector<192x256xf32> -> vector<384x256xf32>
    %get3A_405 = arith.constant 0 : index
    %get3A_406 = arith.constant 0 : index
    %get3A_407 = vector.load %arg4[%get3A_405, %get3A_406] : memref<32x384xf32, #tpu.memory_space<vmem>>, vector<32x384xf32>
    %dot_general3A_408 = arith.constant dense<0.000000e+00> : vector<32x256xf32>
    %dot_general3A_409 = tpu.matmul %get3A_407, %concatenate3A_404, %dot_general3A_408 {dimension_numbers = #tpu.dot_dimension_numbers<[1], [0], [0], [1], [0, 0, 1, 1], [], []>, transpose_lhs_hint = false} : vector<32x384xf32>, vector<384x256xf32>, vector<32x256xf32> -> vector<32x256xf32>
    %swap3A_410 = arith.constant 32 : index
    %swap3A_411 = arith.constant 0 : index
    %swap3A_412 = vector.load %arg7[%swap3A_410, %swap3A_411] : memref<512x256xf32, #tpu.memory_space<vmem>>, vector<32x256xf32>
    tpu.vector_store %arg7[%swap3A_410, %swap3A_411], %dot_general3A_409 {strides = array<i32>} : memref<512x256xf32, #tpu.memory_space<vmem>>, vector<32x256xf32>,
    %mul3A_413 = arith.constant 0.577350259 : f32
    %mul3A_414 = vector.broadcast %mul3A_413 : f32 to vector<1x256xf32>
    %mul3A_415 = arith.mulf %mul3A_414, %mul3A_27 : vector<1x256xf32>
    %slice3A_416 = vector.extract_strided_slice %transpose3A {offsets = [0, 0], sizes = [32, 256], strides = [1, 1]} : vector<512x256xf32> to vector<32x256xf32>
    %mul3A_417 = vector.broadcast %mul3A_415 : vector<1x256xf32> to vector<32x256xf32>
    %mul3A_418 = arith.mulf %slice3A_416, %mul3A_417 : vector<32x256xf32>
    %mul3A_419 = arith.constant 0.577350259 : f32
    %mul3A_420 = vector.broadcast %mul3A_419 : f32 to vector<1x256xf32>
    %mul3A_421 = arith.mulf %mul3A_420, %broadcast_in_dim3A_21 : vector<1x256xf32>
    %slice3A_422 = vector.extract_strided_slice %transpose3A {offsets = [64, 0], sizes = [32, 256], strides = [1, 1]} : vector<512x256xf32> to vector<32x256xf32>
    %mul3A_423 = vector.broadcast %mul3A_421 : vector<1x256xf32> to vector<32x256xf32>
    %mul3A_424 = arith.mulf %slice3A_422, %mul3A_423 : vector<32x256xf32>
    %mul3A_425 = arith.constant -0.316227764 : f32
    %mul3A_426 = vector.broadcast %mul3A_425 : f32 to vector<1x256xf32>
    %mul3A_427 = arith.mulf %mul3A_426, %mul3A_38 : vector<1x256xf32>
    %slice3A_428 = vector.extract_strided_slice %transpose3A {offsets = [32, 0], sizes = [32, 256], strides = [1, 1]} : vector<512x256xf32> to vector<32x256xf32>
    %mul3A_429 = vector.broadcast %mul3A_427 : vector<1x256xf32> to vector<32x256xf32>
    %mul3A_430 = arith.mulf %slice3A_428, %mul3A_429 : vector<32x256xf32>
    %mul3A_431 = arith.constant -0.365148365 : f32
    %mul3A_432 = vector.broadcast %mul3A_431 : f32 to vector<1x256xf32>
    %mul3A_433 = arith.mulf %mul3A_432, %mul3A_47 : vector<1x256xf32>
    %slice3A_434 = vector.extract_strided_slice %transpose3A {offsets = [64, 0], sizes = [32, 256], strides = [1, 1]} : vector<512x256xf32> to vector<32x256xf32>
    %mul3A_435 = vector.broadcast %mul3A_433 : vector<1x256xf32> to vector<32x256xf32>
    %mul3A_436 = arith.mulf %slice3A_434, %mul3A_435 : vector<32x256xf32>
    %add3A_437 = arith.addf %mul3A_430, %mul3A_436 : vector<32x256xf32>
    %mul3A_438 = arith.constant -0.316227764 : f32
    %mul3A_439 = vector.broadcast %mul3A_438 : f32 to vector<1x256xf32>
    %mul3A_440 = arith.mulf %mul3A_439, %mul3A_51 : vector<1x256xf32>
    %slice3A_441 = vector.extract_strided_slice %transpose3A {offsets = [96, 0], sizes = [32, 256], strides = [1, 1]} : vector<512x256xf32> to vector<32x256xf32>
    %mul3A_442 = vector.broadcast %mul3A_440 : vector<1x256xf32> to vector<32x256xf32>
    %mul3A_443 = arith.mulf %slice3A_441, %mul3A_442 : vector<32x256xf32>
    %add3A_444 = arith.addf %add3A_437, %mul3A_443 : vector<32x256xf32>
    %mul3A_445 = arith.constant -0.316227764 : f32
    %mul3A_446 = vector.broadcast %mul3A_445 : f32 to vector<1x256xf32>
    %mul3A_447 = arith.mulf %mul3A_446, %mul3A_24 : vector<1x256xf32>
    %slice3A_448 = vector.extract_strided_slice %transpose3A {offsets = [160, 0], sizes = [32, 256], strides = [1, 1]} : vector<512x256xf32> to vector<32x256xf32>
    %mul3A_449 = vector.broadcast %mul3A_447 : vector<1x256xf32> to vector<32x256xf32>
    %mul3A_450 = arith.mulf %slice3A_448, %mul3A_449 : vector<32x256xf32>
    %mul3A_451 = arith.constant -0.365148365 : f32
    %mul3A_452 = vector.broadcast %mul3A_451 : f32 to vector<1x256xf32>
    %mul3A_453 = arith.mulf %mul3A_452, %mul3A_27 : vector<1x256xf32>
    %slice3A_454 = vector.extract_strided_slice %transpose3A {offsets = [192, 0], sizes = [32, 256], strides = [1, 1]} : vector<512x256xf32> to vector<32x256xf32>
    %mul3A_455 = vector.broadcast %mul3A_453 : vector<1x256xf32> to vector<32x256xf32>
    %mul3A_456 = arith.mulf %slice3A_454, %mul3A_455 : vector<32x256xf32>
    %add3A_457 = arith.addf %mul3A_450, %mul3A_456 : vector<32x256xf32>
    %mul3A_458 = arith.constant -0.316227764 : f32
    %mul3A_459 = vector.broadcast %mul3A_458 : f32 to vector<1x256xf32>
    %mul3A_460 = arith.mulf %mul3A_459, %mul3A_30 : vector<1x256xf32>
    %slice3A_461 = vector.extract_strided_slice %transpose3A {offsets = [224, 0], sizes = [32, 256], strides = [1, 1]} : vector<512x256xf32> to vector<32x256xf32>
    %mul3A_462 = vector.broadcast %mul3A_460 : vector<1x256xf32> to vector<32x256xf32>
    %mul3A_463 = arith.mulf %slice3A_461, %mul3A_462 : vector<32x256xf32>
    %add3A_464 = arith.addf %add3A_457, %mul3A_463 : vector<32x256xf32>
    %mul3A_465 = arith.constant 0.218217894 : f32
    %mul3A_466 = vector.broadcast %mul3A_465 : f32 to vector<1x256xf32>
    %mul3A_467 = arith.mulf %mul3A_466, %mul3A_72 : vector<1x256xf32>
    %slice3A_468 = vector.extract_strided_slice %transpose3A {offsets = [128, 0], sizes = [32, 256], strides = [1, 1]} : vector<512x256xf32> to vector<32x256xf32>
    %mul3A_469 = vector.broadcast %mul3A_467 : vector<1x256xf32> to vector<32x256xf32>
    %mul3A_470 = arith.mulf %slice3A_468, %mul3A_469 : vector<32x256xf32>
    %mul3A_471 = arith.constant 0.276026219 : f32
    %mul3A_472 = vector.broadcast %mul3A_471 : f32 to vector<1x256xf32>
    %mul3A_473 = arith.mulf %mul3A_472, %mul3A_83 : vector<1x256xf32>
    %slice3A_474 = vector.extract_strided_slice %transpose3A {offsets = [160, 0], sizes = [32, 256], strides = [1, 1]} : vector<512x256xf32> to vector<32x256xf32>
    %mul3A_475 = vector.broadcast %mul3A_473 : vector<1x256xf32> to vector<32x256xf32>
    %mul3A_476 = arith.mulf %slice3A_474, %mul3A_475 : vector<32x256xf32>
    %add3A_477 = arith.addf %mul3A_470, %mul3A_476 : vector<32x256xf32>
    %mul3A_478 = arith.constant 0.292770028 : f32
    %mul3A_479 = vector.broadcast %mul3A_478 : f32 to vector<1x256xf32>
    %mul3A_480 = arith.mulf %mul3A_479, %mul3A_95 : vector<1x256xf32>
    %slice3A_481 = vector.extract_strided_slice %transpose3A {offsets = [192, 0], sizes = [32, 256], strides = [1, 1]} : vector<512x256xf32> to vector<32x256xf32>
    %mul3A_482 = vector.broadcast %mul3A_480 : vector<1x256xf32> to vector<32x256xf32>
    %mul3A_483 = arith.mulf %slice3A_481, %mul3A_482 : vector<32x256xf32>
    %add3A_484 = arith.addf %add3A_477, %mul3A_483 : vector<32x256xf32>
    %mul3A_485 = arith.constant 0.276026219 : f32
    %mul3A_486 = vector.broadcast %mul3A_485 : f32 to vector<1x256xf32>
    %mul3A_487 = arith.mulf %mul3A_486, %mul3A_106 : vector<1x256xf32>
    %slice3A_488 = vector.extract_strided_slice %transpose3A {offsets = [224, 0], sizes = [32, 256], strides = [1, 1]} : vector<512x256xf32> to vector<32x256xf32>
    %mul3A_489 = vector.broadcast %mul3A_487 : vector<1x256xf32> to vector<32x256xf32>
    %mul3A_490 = arith.mulf %slice3A_488, %mul3A_489 : vector<32x256xf32>
    %add3A_491 = arith.addf %add3A_484, %mul3A_490 : vector<32x256xf32>
    %mul3A_492 = arith.constant 0.218217894 : f32
    %mul3A_493 = vector.broadcast %mul3A_492 : f32 to vector<1x256xf32>
    %mul3A_494 = arith.mulf %mul3A_493, %mul3A_113 : vector<1x256xf32>
    %slice3A_495 = vector.extract_strided_slice %transpose3A {offsets = [256, 0], sizes = [32, 256], strides = [1, 1]} : vector<512x256xf32> to vector<32x256xf32>
    %mul3A_496 = vector.broadcast %mul3A_494 : vector<1x256xf32> to vector<32x256xf32>
    %mul3A_497 = arith.mulf %slice3A_495, %mul3A_496 : vector<32x256xf32>
    %add3A_498 = arith.addf %add3A_491, %mul3A_497 : vector<32x256xf32>
    %mul3A_499 = arith.constant 0.218217894 : f32
    %mul3A_500 = vector.broadcast %mul3A_499 : f32 to vector<1x256xf32>
    %mul3A_501 = arith.mulf %mul3A_500, %mul3A_34 : vector<1x256xf32>
    %slice3A_502 = vector.extract_strided_slice %transpose3A {offsets = [320, 0], sizes = [32, 256], strides = [1, 1]} : vector<512x256xf32> to vector<32x256xf32>
    %mul3A_503 = vector.broadcast %mul3A_501 : vector<1x256xf32> to vector<32x256xf32>
    %mul3A_504 = arith.mulf %slice3A_502, %mul3A_503 : vector<32x256xf32>
    %mul3A_505 = arith.constant 0.276026219 : f32
    %mul3A_506 = vector.broadcast %mul3A_505 : f32 to vector<1x256xf32>
    %mul3A_507 = arith.mulf %mul3A_506, %mul3A_38 : vector<1x256xf32>
    %slice3A_508 = vector.extract_strided_slice %transpose3A {offsets = [352, 0], sizes = [32, 256], strides = [1, 1]} : vector<512x256xf32> to vector<32x256xf32>
    %mul3A_509 = vector.broadcast %mul3A_507 : vector<1x256xf32> to vector<32x256xf32>
    %mul3A_510 = arith.mulf %slice3A_508, %mul3A_509 : vector<32x256xf32>
    %add3A_511 = arith.addf %mul3A_504, %mul3A_510 : vector<32x256xf32>
    %mul3A_512 = arith.constant 0.292770028 : f32
    %mul3A_513 = vector.broadcast %mul3A_512 : f32 to vector<1x256xf32>
    %mul3A_514 = arith.mulf %mul3A_513, %mul3A_47 : vector<1x256xf32>
    %slice3A_515 = vector.extract_strided_slice %transpose3A {offsets = [384, 0], sizes = [32, 256], strides = [1, 1]} : vector<512x256xf32> to vector<32x256xf32>
    %mul3A_516 = vector.broadcast %mul3A_514 : vector<1x256xf32> to vector<32x256xf32>
    %mul3A_517 = arith.mulf %slice3A_515, %mul3A_516 : vector<32x256xf32>
    %add3A_518 = arith.addf %add3A_511, %mul3A_517 : vector<32x256xf32>
    %mul3A_519 = arith.constant 0.276026219 : f32
    %mul3A_520 = vector.broadcast %mul3A_519 : f32 to vector<1x256xf32>
    %mul3A_521 = arith.mulf %mul3A_520, %mul3A_51 : vector<1x256xf32>
    %slice3A_522 = vector.extract_strided_slice %transpose3A {offsets = [416, 0], sizes = [32, 256], strides = [1, 1]} : vector<512x256xf32> to vector<32x256xf32>
    %mul3A_523 = vector.broadcast %mul3A_521 : vector<1x256xf32> to vector<32x256xf32>
    %mul3A_524 = arith.mulf %slice3A_522, %mul3A_523 : vector<32x256xf32>
    %add3A_525 = arith.addf %add3A_518, %mul3A_524 : vector<32x256xf32>
    %mul3A_526 = arith.constant 0.218217894 : f32
    %mul3A_527 = vector.broadcast %mul3A_526 : f32 to vector<1x256xf32>
    %mul3A_528 = arith.mulf %mul3A_527, %mul3A_57 : vector<1x256xf32>
    %slice3A_529 = vector.extract_strided_slice %transpose3A {offsets = [448, 0], sizes = [32, 256], strides = [1, 1]} : vector<512x256xf32> to vector<32x256xf32>
    %mul3A_530 = vector.broadcast %mul3A_528 : vector<1x256xf32> to vector<32x256xf32>
    %mul3A_531 = arith.mulf %slice3A_529, %mul3A_530 : vector<32x256xf32>
    %add3A_532 = arith.addf %add3A_525, %mul3A_531 : vector<32x256xf32>
    %concatenate3A_533 = tpu.concatenate %mul3A_418, %mul3A_424, %add3A_444, %add3A_464, %add3A_498, %add3A_532 in 0 : vector<32x256xf32>, vector<32x256xf32>, vector<32x256xf32>, vector<32x256xf32>, vector<32x256xf32>, vector<32x256xf32> -> vector<192x256xf32>
    %mul3A_534 = vector.broadcast %max3A_15 : vector<1x256xf32> to vector<192x256xf32>
    %mul3A_535 = arith.mulf %concatenate3A_533, %mul3A_534 : vector<192x256xf32>
    %concatenate3A_536 = tpu.concatenate %mul3A_535, %concatenate3A_533 in 0 : vector<192x256xf32>, vector<192x256xf32> -> vector<384x256xf32>
    %get3A_537 = arith.constant 0 : index
    %get3A_538 = arith.constant 0 : index
    %get3A_539 = vector.load %arg4[%get3A_537, %get3A_538] : memref<32x384xf32, #tpu.memory_space<vmem>>, vector<32x384xf32>
    %dot_general3A_540 = arith.constant dense<0.000000e+00> : vector<32x256xf32>
    %dot_general3A_541 = tpu.matmul %get3A_539, %concatenate3A_536, %dot_general3A_540 {dimension_numbers = #tpu.dot_dimension_numbers<[1], [0], [0], [1], [0, 0, 1, 1], [], []>, transpose_lhs_hint = false} : vector<32x384xf32>, vector<384x256xf32>, vector<32x256xf32> -> vector<32x256xf32>
    %swap3A_542 = arith.constant 64 : index
    %swap3A_543 = arith.constant 0 : index
    %swap3A_544 = vector.load %arg7[%swap3A_542, %swap3A_543] : memref<512x256xf32, #tpu.memory_space<vmem>>, vector<32x256xf32>
    tpu.vector_store %arg7[%swap3A_542, %swap3A_543], %dot_general3A_541 {strides = array<i32>} : memref<512x256xf32, #tpu.memory_space<vmem>>, vector<32x256xf32>,
    %mul3A_545 = arith.constant 0.577350259 : f32
    %mul3A_546 = vector.broadcast %mul3A_545 : f32 to vector<1x256xf32>
    %mul3A_547 = arith.mulf %mul3A_546, %mul3A_30 : vector<1x256xf32>
    %slice3A_548 = vector.extract_strided_slice %transpose3A {offsets = [0, 0], sizes = [32, 256], strides = [1, 1]} : vector<512x256xf32> to vector<32x256xf32>
    %mul3A_549 = vector.broadcast %mul3A_547 : vector<1x256xf32> to vector<32x256xf32>
    %mul3A_550 = arith.mulf %slice3A_548, %mul3A_549 : vector<32x256xf32>
    %mul3A_551 = arith.constant 0.577350259 : f32
    %mul3A_552 = vector.broadcast %mul3A_551 : f32 to vector<1x256xf32>
    %mul3A_553 = arith.mulf %mul3A_552, %broadcast_in_dim3A_21 : vector<1x256xf32>
    %slice3A_554 = vector.extract_strided_slice %transpose3A {offsets = [96, 0], sizes = [32, 256], strides = [1, 1]} : vector<512x256xf32> to vector<32x256xf32>
    %mul3A_555 = vector.broadcast %mul3A_553 : vector<1x256xf32> to vector<32x256xf32>
    %mul3A_556 = arith.mulf %slice3A_554, %mul3A_555 : vector<32x256xf32>
    %mul3A_557 = arith.constant -0.316227764 : f32
    %mul3A_558 = vector.broadcast %mul3A_557 : f32 to vector<1x256xf32>
    %mul3A_559 = arith.mulf %mul3A_558, %mul3A_34 : vector<1x256xf32>
    %slice3A_560 = vector.extract_strided_slice %transpose3A {offsets = [32, 0], sizes = [32, 256], strides = [1, 1]} : vector<512x256xf32> to vector<32x256xf32>
    %mul3A_561 = vector.broadcast %mul3A_559 : vector<1x256xf32> to vector<32x256xf32>
    %mul3A_562 = arith.mulf %slice3A_560, %mul3A_561 : vector<32x256xf32>
    %mul3A_563 = arith.constant -0.316227764 : f32
    %mul3A_564 = vector.broadcast %mul3A_563 : f32 to vector<1x256xf32>
    %mul3A_565 = arith.mulf %mul3A_564, %mul3A_51 : vector<1x256xf32>
    %slice3A_566 = vector.extract_strided_slice %transpose3A {offsets = [64, 0], sizes = [32, 256], strides = [1, 1]} : vector<512x256xf32> to vector<32x256xf32>
    %mul3A_567 = vector.broadcast %mul3A_565 : vector<1x256xf32> to vector<32x256xf32>
    %mul3A_568 = arith.mulf %slice3A_566, %mul3A_567 : vector<32x256xf32>
    %add3A_569 = arith.addf %mul3A_562, %mul3A_568 : vector<32x256xf32>
    %mul3A_570 = arith.constant 0.182574183 : f32
    %mul3A_571 = vector.broadcast %mul3A_570 : f32 to vector<1x256xf32>
    %mul3A_572 = arith.mulf %mul3A_571, %mul3A_47 : vector<1x256xf32>
    %mul3A_573 = arith.constant -0.316227764 : f32
    %mul3A_574 = vector.broadcast %mul3A_573 : f32 to vector<1x256xf32>
    %mul3A_575 = arith.mulf %mul3A_574, %mul3A_57 : vector<1x256xf32>
    %add3A_576 = arith.addf %mul3A_572, %mul3A_575 : vector<1x256xf32>
    %slice3A_577 = vector.extract_strided_slice %transpose3A {offsets = [96, 0], sizes = [32, 256], strides = [1, 1]} : vector<512x256xf32> to vector<32x256xf32>
    %mul3A_578 = vector.broadcast %add3A_576 : vector<1x256xf32> to vector<32x256xf32>
    %mul3A_579 = arith.mulf %slice3A_577, %mul3A_578 : vector<32x256xf32>
    %add3A_580 = arith.addf %add3A_569, %mul3A_579 : vector<32x256xf32>
    %mul3A_581 = arith.constant -0.316227764 : f32
    %mul3A_582 = vector.broadcast %mul3A_581 : f32 to vector<1x256xf32>
    %mul3A_583 = arith.mulf %mul3A_582, %mul3A_24 : vector<1x256xf32>
    %slice3A_584 = vector.extract_strided_slice %transpose3A {offsets = [128, 0], sizes = [32, 256], strides = [1, 1]} : vector<512x256xf32> to vector<32x256xf32>
    %mul3A_585 = vector.broadcast %mul3A_583 : vector<1x256xf32> to vector<32x256xf32>
    %mul3A_586 = arith.mulf %slice3A_584, %mul3A_585 : vector<32x256xf32>
    %mul3A_587 = arith.constant 0.182574183 : f32
    %mul3A_588 = vector.broadcast %mul3A_587 : f32 to vector<1x256xf32>
    %mul3A_589 = arith.mulf %mul3A_588, %mul3A_30 : vector<1x256xf32>
    %slice3A_590 = vector.extract_strided_slice %transpose3A {offsets = [192, 0], sizes = [32, 256], strides = [1, 1]} : vector<512x256xf32> to vector<32x256xf32>
    %mul3A_591 = vector.broadcast %mul3A_589 : vector<1x256xf32> to vector<32x256xf32>
    %mul3A_592 = arith.mulf %slice3A_590, %mul3A_591 : vector<32x256xf32>
    %add3A_593 = arith.addf %mul3A_586, %mul3A_592 : vector<32x256xf32>
    %mul3A_594 = arith.constant -0.316227764 : f32
    %mul3A_595 = vector.broadcast %mul3A_594 : f32 to vector<1x256xf32>
    %mul3A_596 = arith.mulf %mul3A_595, %mul3A_27 : vector<1x256xf32>
    %slice3A_597 = vector.extract_strided_slice %transpose3A {offsets = [224, 0], sizes = [32, 256], strides = [1, 1]} : vector<512x256xf32> to vector<32x256xf32>
    %mul3A_598 = vector.broadcast %mul3A_596 : vector<1x256xf32> to vector<32x256xf32>
    %mul3A_599 = arith.mulf %slice3A_597, %mul3A_598 : vector<32x256xf32>
    %add3A_600 = arith.addf %add3A_593, %mul3A_599 : vector<32x256xf32>
    %mul3A_601 = arith.constant -0.316227764 : f32
    %mul3A_602 = vector.broadcast %mul3A_601 : f32 to vector<1x256xf32>
    %mul3A_603 = arith.mulf %mul3A_602, %mul3A_30 : vector<1x256xf32>
    %slice3A_604 = vector.extract_strided_slice %transpose3A {offsets = [256, 0], sizes = [32, 256], strides = [1, 1]} : vector<512x256xf32> to vector<32x256xf32>
    %mul3A_605 = vector.broadcast %mul3A_603 : vector<1x256xf32> to vector<32x256xf32>
    %mul3A_606 = arith.mulf %slice3A_604, %mul3A_605 : vector<32x256xf32>
    %add3A_607 = arith.addf %add3A_600, %mul3A_606 : vector<32x256xf32>
    %mul3A_608 = arith.constant 0.267261237 : f32
    %mul3A_609 = vector.broadcast %mul3A_608 : f32 to vector<1x256xf32>
    %mul3A_610 = arith.mulf %mul3A_609, %mul3A_67 : vector<1x256xf32>
    %mul3A_611 = arith.constant -0.0690065548 : f32
    %mul3A_612 = vector.broadcast %mul3A_611 : f32 to vector<1x256xf32>
    %mul3A_613 = arith.mulf %mul3A_612, %mul3A_83 : vector<1x256xf32>
    %add3A_614 = arith.addf %mul3A_610, %mul3A_613 : vector<1x256xf32>
    %slice3A_615 = vector.extract_strided_slice %transpose3A {offsets = [128, 0], sizes = [32, 256], strides = [1, 1]} : vector<512x256xf32> to vector<32x256xf32>
    %mul3A_616 = vector.broadcast %add3A_614 : vector<1x256xf32> to vector<32x256xf32>
    %mul3A_617 = arith.mulf %slice3A_615, %mul3A_616 : vector<32x256xf32>
    %mul3A_618 = arith.constant 0.218217894 : f32
    %mul3A_619 = vector.broadcast %mul3A_618 : f32 to vector<1x256xf32>
    %mul3A_620 = arith.mulf %mul3A_619, %mul3A_72 : vector<1x256xf32>
    %slice3A_621 = vector.extract_strided_slice %transpose3A {offsets = [160, 0], sizes = [32, 256], strides = [1, 1]} : vector<512x256xf32> to vector<32x256xf32>
    %mul3A_622 = vector.broadcast %mul3A_620 : vector<1x256xf32> to vector<32x256xf32>
    %mul3A_623 = arith.mulf %slice3A_621, %mul3A_622 : vector<32x256xf32>
    %add3A_624 = arith.addf %mul3A_617, %mul3A_623 : vector<32x256xf32>
    %mul3A_625 = arith.constant 0.239045724 : f32
    %mul3A_626 = vector.broadcast %mul3A_625 : f32 to vector<1x256xf32>
    %mul3A_627 = arith.mulf %mul3A_626, %mul3A_106 : vector<1x256xf32>
    %slice3A_628 = vector.extract_strided_slice %transpose3A {offsets = [192, 0], sizes = [32, 256], strides = [1, 1]} : vector<512x256xf32> to vector<32x256xf32>
    %mul3A_629 = vector.broadcast %mul3A_627 : vector<1x256xf32> to vector<32x256xf32>
    %mul3A_630 = arith.mulf %slice3A_628, %mul3A_629 : vector<32x256xf32>
    %add3A_631 = arith.addf %add3A_624, %mul3A_630 : vector<32x256xf32>
    %mul3A_632 = arith.constant -0.169030845 : f32
    %mul3A_633 = vector.broadcast %mul3A_632 : f32 to vector<1x256xf32>
    %mul3A_634 = arith.mulf %mul3A_633, %mul3A_95 : vector<1x256xf32>
    %mul3A_635 = arith.constant 0.218217894 : f32
    %mul3A_636 = vector.broadcast %mul3A_635 : f32 to vector<1x256xf32>
    %mul3A_637 = arith.mulf %mul3A_636, %mul3A_113 : vector<1x256xf32>
    %add3A_638 = arith.addf %mul3A_634, %mul3A_637 : vector<1x256xf32>
    %slice3A_639 = vector.extract_strided_slice %transpose3A {offsets = [224, 0], sizes = [32, 256], strides = [1, 1]} : vector<512x256xf32> to vector<32x256xf32>
    %mul3A_640 = vector.broadcast %add3A_638 : vector<1x256xf32> to vector<32x256xf32>
    %mul3A_641 = arith.mulf %slice3A_639, %mul3A_640 : vector<32x256xf32>
    %add3A_642 = arith.addf %add3A_631, %mul3A_641 : vector<32x256xf32>
    %mul3A_643 = arith.constant -0.0690065548 : f32
    %mul3A_644 = vector.broadcast %mul3A_643 : f32 to vector<1x256xf32>
    %mul3A_645 = arith.mulf %mul3A_644, %mul3A_106 : vector<1x256xf32>
    %mul3A_646 = arith.constant 0.267261237 : f32
    %mul3A_647 = vector.broadcast %mul3A_646 : f32 to vector<1x256xf32>
    %mul3A_648 = arith.mulf %mul3A_647, %mul3A_123 : vector<1x256xf32>
    %add3A_649 = arith.addf %mul3A_645, %mul3A_648 : vector<1x256xf32>
    %slice3A_650 = vector.extract_strided_slice %transpose3A {offsets = [256, 0], sizes = [32, 256], strides = [1, 1]} : vector<512x256xf32> to vector<32x256xf32>
    %mul3A_651 = vector.broadcast %add3A_649 : vector<1x256xf32> to vector<32x256xf32>
    %mul3A_652 = arith.mulf %slice3A_650, %mul3A_651 : vector<32x256xf32>
    %add3A_653 = arith.addf %add3A_642, %mul3A_652 : vector<32x256xf32>
    %mul3A_654 = arith.constant 0.267261237 : f32
    %mul3A_655 = vector.broadcast %mul3A_654 : f32 to vector<1x256xf32>
    %mul3A_656 = arith.mulf %mul3A_655, %mul3A_34 : vector<1x256xf32>
    %slice3A_657 = vector.extract_strided_slice %transpose3A {offsets = [288, 0], sizes = [32, 256], strides = [1, 1]} : vector<512x256xf32> to vector<32x256xf32>
    %mul3A_658 = vector.broadcast %mul3A_656 : vector<1x256xf32> to vector<32x256xf32>
    %mul3A_659 = arith.mulf %slice3A_657, %mul3A_658 : vector<32x256xf32>
    %mul3A_660 = arith.constant 0.218217894 : f32
    %mul3A_661 = vector.broadcast %mul3A_660 : f32 to vector<1x256xf32>
    %mul3A_662 = arith.mulf %mul3A_661, %mul3A_38 : vector<1x256xf32>
    %slice3A_663 = vector.extract_strided_slice %transpose3A {offsets = [320, 0], sizes = [32, 256], strides = [1, 1]} : vector<512x256xf32> to vector<32x256xf32>
    %mul3A_664 = vector.broadcast %mul3A_662 : vector<1x256xf32> to vector<32x256xf32>
    %mul3A_665 = arith.mulf %slice3A_663, %mul3A_664 : vector<32x256xf32>
    %add3A_666 = arith.addf %mul3A_659, %mul3A_665 : vector<32x256xf32>
    %mul3A_667 = arith.constant -0.0690065548 : f32
    %mul3A_668 = vector.broadcast %mul3A_667 : f32 to vector<1x256xf32>
    %mul3A_669 = arith.mulf %mul3A_668, %mul3A_34 : vector<1x256xf32>
    %slice3A_670 = vector.extract_strided_slice %transpose3A {offsets = [352, 0], sizes = [32, 256], strides = [1, 1]} : vector<512x256xf32> to vector<32x256xf32>
    %mul3A_671 = vector.broadcast %mul3A_669 : vector<1x256xf32> to vector<32x256xf32>
    %mul3A_672 = arith.mulf %slice3A_670, %mul3A_671 : vector<32x256xf32>
    %add3A_673 = arith.addf %add3A_666, %mul3A_672 : vector<32x256xf32>
    %mul3A_674 = arith.constant -0.169030845 : f32
    %mul3A_675 = vector.broadcast %mul3A_674 : f32 to vector<1x256xf32>
    %mul3A_676 = arith.mulf %mul3A_675, %mul3A_51 : vector<1x256xf32>
    %slice3A_677 = vector.extract_strided_slice %transpose3A {offsets = [384, 0], sizes = [32, 256], strides = [1, 1]} : vector<512x256xf32> to vector<32x256xf32>
    %mul3A_678 = vector.broadcast %mul3A_676 : vector<1x256xf32> to vector<32x256xf32>
    %mul3A_679 = arith.mulf %slice3A_677, %mul3A_678 : vector<32x256xf32>
    %add3A_680 = arith.addf %add3A_673, %mul3A_679 : vector<32x256xf32>
    %mul3A_681 = arith.constant 0.239045724 : f32
    %mul3A_682 = vector.broadcast %mul3A_681 : f32 to vector<1x256xf32>
    %mul3A_683 = arith.mulf %mul3A_682, %mul3A_47 : vector<1x256xf32>
    %mul3A_684 = arith.constant -0.0690065548 : f32
    %mul3A_685 = vector.broadcast %mul3A_684 : f32 to vector<1x256xf32>
    %mul3A_686 = arith.mulf %mul3A_685, %mul3A_57 : vector<1x256xf32>
    %add3A_687 = arith.addf %mul3A_683, %mul3A_686 : vector<1x256xf32>
    %slice3A_688 = vector.extract_strided_slice %transpose3A {offsets = [416, 0], sizes = [32, 256], strides = [1, 1]} : vector<512x256xf32> to vector<32x256xf32>
    %mul3A_689 = vector.broadcast %add3A_687 : vector<1x256xf32> to vector<32x256xf32>
    %mul3A_690 = arith.mulf %slice3A_688, %mul3A_689 : vector<32x256xf32>
    %add3A_691 = arith.addf %add3A_680, %mul3A_690 : vector<32x256xf32>
    %mul3A_692 = arith.constant 0.218217894 : f32
    %mul3A_693 = vector.broadcast %mul3A_692 : f32 to vector<1x256xf32>
    %mul3A_694 = arith.mulf %mul3A_693, %mul3A_51 : vector<1x256xf32>
    %slice3A_695 = vector.extract_strided_slice %transpose3A {offsets = [448, 0], sizes = [32, 256], strides = [1, 1]} : vector<512x256xf32> to vector<32x256xf32>
    %mul3A_696 = vector.broadcast %mul3A_694 : vector<1x256xf32> to vector<32x256xf32>
    %mul3A_697 = arith.mulf %slice3A_695, %mul3A_696 : vector<32x256xf32>
    %add3A_698 = arith.addf %add3A_691, %mul3A_697 : vector<32x256xf32>
    %mul3A_699 = arith.constant 0.267261237 : f32
    %mul3A_700 = vector.broadcast %mul3A_699 : f32 to vector<1x256xf32>
    %mul3A_701 = arith.mulf %mul3A_700, %mul3A_57 : vector<1x256xf32>
    %slice3A_702 = vector.extract_strided_slice %transpose3A {offsets = [480, 0], sizes = [32, 256], strides = [1, 1]} : vector<512x256xf32> to vector<32x256xf32>
    %mul3A_703 = vector.broadcast %mul3A_701 : vector<1x256xf32> to vector<32x256xf32>
    %mul3A_704 = arith.mulf %slice3A_702, %mul3A_703 : vector<32x256xf32>
    %add3A_705 = arith.addf %add3A_698, %mul3A_704 : vector<32x256xf32>
    %concatenate3A_706 = tpu.concatenate %mul3A_550, %mul3A_556, %add3A_580, %add3A_607, %add3A_653, %add3A_705 in 0 : vector<32x256xf32>, vector<32x256xf32>, vector<32x256xf32>, vector<32x256xf32>, vector<32x256xf32>, vector<32x256xf32> -> vector<192x256xf32>
    %mul3A_707 = vector.broadcast %max3A_15 : vector<1x256xf32> to vector<192x256xf32>
    %mul3A_708 = arith.mulf %concatenate3A_706, %mul3A_707 : vector<192x256xf32>
    %concatenate3A_709 = tpu.concatenate %mul3A_708, %concatenate3A_706 in 0 : vector<192x256xf32>, vector<192x256xf32> -> vector<384x256xf32>
    %get3A_710 = arith.constant 0 : index
    %get3A_711 = arith.constant 0 : index
    %get3A_712 = vector.load %arg4[%get3A_710, %get3A_711] : memref<32x384xf32, #tpu.memory_space<vmem>>, vector<32x384xf32>
    %dot_general3A_713 = arith.constant dense<0.000000e+00> : vector<32x256xf32>
    %dot_general3A_714 = tpu.matmul %get3A_712, %concatenate3A_709, %dot_general3A_713 {dimension_numbers = #tpu.dot_dimension_numbers<[1], [0], [0], [1], [0, 0, 1, 1], [], []>, transpose_lhs_hint = false} : vector<32x384xf32>, vector<384x256xf32>, vector<32x256xf32> -> vector<32x256xf32>
    %swap3A_715 = arith.constant 96 : index
    %swap3A_716 = arith.constant 0 : index
    %swap3A_717 = vector.load %arg7[%swap3A_715, %swap3A_716] : memref<512x256xf32, #tpu.memory_space<vmem>>, vector<32x256xf32>
    tpu.vector_store %arg7[%swap3A_715, %swap3A_716], %dot_general3A_714 {strides = array<i32>} : memref<512x256xf32, #tpu.memory_space<vmem>>, vector<32x256xf32>,
    %mul3A_718 = arith.constant 0.44721359 : f32
    %mul3A_719 = vector.broadcast %mul3A_718 : f32 to vector<1x256xf32>
    %mul3A_720 = arith.mulf %mul3A_719, %mul3A_34 : vector<1x256xf32>
    %slice3A_721 = vector.extract_strided_slice %transpose3A {offsets = [0, 0], sizes = [32, 256], strides = [1, 1]} : vector<512x256xf32> to vector<32x256xf32>
    %mul3A_722 = vector.broadcast %mul3A_720 : vector<1x256xf32> to vector<32x256xf32>
    %mul3A_723 = arith.mulf %slice3A_721, %mul3A_722 : vector<32x256xf32>
    %mul3A_724 = arith.constant 0.316227764 : f32
    %mul3A_725 = vector.broadcast %mul3A_724 : f32 to vector<1x256xf32>
    %mul3A_726 = arith.mulf %mul3A_725, %mul3A_30 : vector<1x256xf32>
    %slice3A_727 = vector.extract_strided_slice %transpose3A {offsets = [32, 0], sizes = [32, 256], strides = [1, 1]} : vector<512x256xf32> to vector<32x256xf32>
    %mul3A_728 = vector.broadcast %mul3A_726 : vector<1x256xf32> to vector<32x256xf32>
    %mul3A_729 = arith.mulf %slice3A_727, %mul3A_728 : vector<32x256xf32>
    %mul3A_730 = arith.constant 0.316227764 : f32
    %mul3A_731 = vector.broadcast %mul3A_730 : f32 to vector<1x256xf32>
    %mul3A_732 = arith.mulf %mul3A_731, %mul3A_24 : vector<1x256xf32>
    %slice3A_733 = vector.extract_strided_slice %transpose3A {offsets = [96, 0], sizes = [32, 256], strides = [1, 1]} : vector<512x256xf32> to vector<32x256xf32>
    %mul3A_734 = vector.broadcast %mul3A_732 : vector<1x256xf32> to vector<32x256xf32>
    %mul3A_735 = arith.mulf %slice3A_733, %mul3A_734 : vector<32x256xf32>
    %add3A_736 = arith.addf %mul3A_729, %mul3A_735 : vector<32x256xf32>
    %mul3A_737 = arith.constant 0.0690065548 : f32
    %mul3A_738 = vector.broadcast %mul3A_737 : f32 to vector<1x256xf32>
    %mul3A_739 = arith.mulf %mul3A_738, %mul3A_106 : vector<1x256xf32>
    %mul3A_740 = arith.constant 0.267261237 : f32
    %mul3A_741 = vector.broadcast %mul3A_740 : f32 to vector<1x256xf32>
    %mul3A_742 = arith.mulf %mul3A_741, %mul3A_123 : vector<1x256xf32>
    %add3A_743 = arith.addf %mul3A_739, %mul3A_742 : vector<1x256xf32>
    %slice3A_744 = vector.extract_strided_slice %transpose3A {offsets = [32, 0], sizes = [32, 256], strides = [1, 1]} : vector<512x256xf32> to vector<32x256xf32>
    %mul3A_745 = vector.broadcast %add3A_743 : vector<1x256xf32> to vector<32x256xf32>
    %mul3A_746 = arith.mulf %slice3A_744, %mul3A_745 : vector<32x256xf32>
    %mul3A_747 = arith.constant -0.218217894 : f32
    %mul3A_748 = vector.broadcast %mul3A_747 : f32 to vector<1x256xf32>
    %mul3A_749 = arith.mulf %mul3A_748, %mul3A_72 : vector<1x256xf32>
    %slice3A_750 = vector.extract_strided_slice %transpose3A {offsets = [64, 0], sizes = [32, 256], strides = [1, 1]} : vector<512x256xf32> to vector<32x256xf32>
    %mul3A_751 = vector.broadcast %mul3A_749 : vector<1x256xf32> to vector<32x256xf32>
    %mul3A_752 = arith.mulf %slice3A_750, %mul3A_751 : vector<32x256xf32>
    %add3A_753 = arith.addf %mul3A_746, %mul3A_752 : vector<32x256xf32>
    %mul3A_754 = arith.constant -0.267261237 : f32
    %mul3A_755 = vector.broadcast %mul3A_754 : f32 to vector<1x256xf32>
    %mul3A_756 = arith.mulf %mul3A_755, %mul3A_67 : vector<1x256xf32>
    %mul3A_757 = arith.constant 0.0690065548 : f32
    %mul3A_758 = vector.broadcast %mul3A_757 : f32 to vector<1x256xf32>
    %mul3A_759 = arith.mulf %mul3A_758, %mul3A_83 : vector<1x256xf32>
    %add3A_760 = arith.addf %mul3A_756, %mul3A_759 : vector<1x256xf32>
    %slice3A_761 = vector.extract_strided_slice %transpose3A {offsets = [96, 0], sizes = [32, 256], strides = [1, 1]} : vector<512x256xf32> to vector<32x256xf32>
    %mul3A_762 = vector.broadcast %add3A_760 : vector<1x256xf32> to vector<32x256xf32>
    %mul3A_763 = arith.mulf %slice3A_761, %mul3A_762 : vector<32x256xf32>
    %add3A_764 = arith.addf %add3A_753, %mul3A_763 : vector<32x256xf32>
    %mul3A_765 = arith.constant 0.44721359 : f32
    %mul3A_766 = vector.broadcast %mul3A_765 : f32 to vector<1x256xf32>
    %mul3A_767 = arith.mulf %mul3A_766, %broadcast_in_dim3A_21 : vector<1x256xf32>
    %slice3A_768 = vector.extract_strided_slice %transpose3A {offsets = [128, 0], sizes = [32, 256], strides = [1, 1]} : vector<512x256xf32> to vector<32x256xf32>
    %mul3A_769 = vector.broadcast %mul3A_767 : vector<1x256xf32> to vector<32x256xf32>
    %mul3A_770 = arith.mulf %slice3A_768, %mul3A_769 : vector<32x256xf32>
    %mul3A_771 = arith.constant 0.239045724 : f32
    %mul3A_772 = vector.broadcast %mul3A_771 : f32 to vector<1x256xf32>
    %mul3A_773 = arith.mulf %mul3A_772, %mul3A_47 : vector<1x256xf32>
    %slice3A_774 = vector.extract_strided_slice %transpose3A {offsets = [128, 0], sizes = [32, 256], strides = [1, 1]} : vector<512x256xf32> to vector<32x256xf32>
    %mul3A_775 = vector.broadcast %mul3A_773 : vector<1x256xf32> to vector<32x256xf32>
    %mul3A_776 = arith.mulf %slice3A_774, %mul3A_775 : vector<32x256xf32>
    %mul3A_777 = arith.constant -0.207019672 : f32
    %mul3A_778 = vector.broadcast %mul3A_777 : f32 to vector<1x256xf32>
    %mul3A_779 = arith.mulf %mul3A_778, %mul3A_51 : vector<1x256xf32>
    %slice3A_780 = vector.extract_strided_slice %transpose3A {offsets = [160, 0], sizes = [32, 256], strides = [1, 1]} : vector<512x256xf32> to vector<32x256xf32>
    %mul3A_781 = vector.broadcast %mul3A_779 : vector<1x256xf32> to vector<32x256xf32>
    %mul3A_782 = arith.mulf %slice3A_780, %mul3A_781 : vector<32x256xf32>
    %add3A_783 = arith.addf %mul3A_776, %mul3A_782 : vector<32x256xf32>
    %mul3A_784 = arith.constant 0.239045724 : f32
    %mul3A_785 = vector.broadcast %mul3A_784 : f32 to vector<1x256xf32>
    %mul3A_786 = arith.mulf %mul3A_785, %mul3A_34 : vector<1x256xf32>
    %slice3A_787 = vector.extract_strided_slice %transpose3A {offsets = [192, 0], sizes = [32, 256], strides = [1, 1]} : vector<512x256xf32> to vector<32x256xf32>
    %mul3A_788 = vector.broadcast %mul3A_786 : vector<1x256xf32> to vector<32x256xf32>
    %mul3A_789 = arith.mulf %slice3A_787, %mul3A_788 : vector<32x256xf32>
    %add3A_790 = arith.addf %add3A_783, %mul3A_789 : vector<32x256xf32>
    %mul3A_791 = arith.constant -0.207019672 : f32
    %mul3A_792 = vector.broadcast %mul3A_791 : f32 to vector<1x256xf32>
    %mul3A_793 = arith.mulf %mul3A_792, %mul3A_38 : vector<1x256xf32>
    %slice3A_794 = vector.extract_strided_slice %transpose3A {offsets = [224, 0], sizes = [32, 256], strides = [1, 1]} : vector<512x256xf32> to vector<32x256xf32>
    %mul3A_795 = vector.broadcast %mul3A_793 : vector<1x256xf32> to vector<32x256xf32>
    %mul3A_796 = arith.mulf %slice3A_794, %mul3A_795 : vector<32x256xf32>
    %add3A_797 = arith.addf %add3A_790, %mul3A_796 : vector<32x256xf32>
    %mul3A_798 = arith.constant -0.267261237 : f32
    %mul3A_799 = vector.broadcast %mul3A_798 : f32 to vector<1x256xf32>
    %mul3A_800 = arith.mulf %mul3A_799, %mul3A_30 : vector<1x256xf32>
    %slice3A_801 = vector.extract_strided_slice %transpose3A {offsets = [288, 0], sizes = [32, 256], strides = [1, 1]} : vector<512x256xf32> to vector<32x256xf32>
    %mul3A_802 = vector.broadcast %mul3A_800 : vector<1x256xf32> to vector<32x256xf32>
    %mul3A_803 = arith.mulf %slice3A_801, %mul3A_802 : vector<32x256xf32>
    %mul3A_804 = arith.constant -0.218217894 : f32
    %mul3A_805 = vector.broadcast %mul3A_804 : f32 to vector<1x256xf32>
    %mul3A_806 = arith.mulf %mul3A_805, %mul3A_27 : vector<1x256xf32>
    %slice3A_807 = vector.extract_strided_slice %transpose3A {offsets = [320, 0], sizes = [32, 256], strides = [1, 1]} : vector<512x256xf32> to vector<32x256xf32>
    %mul3A_808 = vector.broadcast %mul3A_806 : vector<1x256xf32> to vector<32x256xf32>
    %mul3A_809 = arith.mulf %slice3A_807, %mul3A_808 : vector<32x256xf32>
    %add3A_810 = arith.addf %mul3A_803, %mul3A_809 : vector<32x256xf32>
    %mul3A_811 = arith.constant 0.0690065548 : f32
    %mul3A_812 = vector.broadcast %mul3A_811 : f32 to vector<1x256xf32>
    %mul3A_813 = arith.mulf %mul3A_812, %mul3A_30 : vector<1x256xf32>
    %slice3A_814 = vector.extract_strided_slice %transpose3A {offsets = [352, 0], sizes = [32, 256], strides = [1, 1]} : vector<512x256xf32> to vector<32x256xf32>
    %mul3A_815 = vector.broadcast %mul3A_813 : vector<1x256xf32> to vector<32x256xf32>
    %mul3A_816 = arith.mulf %slice3A_814, %mul3A_815 : vector<32x256xf32>
    %add3A_817 = arith.addf %add3A_810, %mul3A_816 : vector<32x256xf32>
    %mul3A_818 = arith.constant 0.0690065548 : f32
    %mul3A_819 = vector.broadcast %mul3A_818 : f32 to vector<1x256xf32>
    %mul3A_820 = arith.mulf %mul3A_819, %mul3A_24 : vector<1x256xf32>
    %slice3A_821 = vector.extract_strided_slice %transpose3A {offsets = [416, 0], sizes = [32, 256], strides = [1, 1]} : vector<512x256xf32> to vector<32x256xf32>
    %mul3A_822 = vector.broadcast %mul3A_820 : vector<1x256xf32> to vector<32x256xf32>
    %mul3A_823 = arith.mulf %slice3A_821, %mul3A_822 : vector<32x256xf32>
    %add3A_824 = arith.addf %add3A_817, %mul3A_823 : vector<32x256xf32>
    %mul3A_825 = arith.constant 0.267261237 : f32
    %mul3A_826 = vector.broadcast %mul3A_825 : f32 to vector<1x256xf32>
    %mul3A_827 = arith.mulf %mul3A_826, %mul3A_24 : vector<1x256xf32>
    %slice3A_828 = vector.extract_strided_slice %transpose3A {offsets = [480, 0], sizes = [32, 256], strides = [1, 1]} : vector<512x256xf32> to vector<32x256xf32>
    %mul3A_829 = vector.broadcast %mul3A_827 : vector<1x256xf32> to vector<32x256xf32>
    %mul3A_830 = arith.mulf %slice3A_828, %mul3A_829 : vector<32x256xf32>
    %add3A_831 = arith.addf %add3A_824, %mul3A_830 : vector<32x256xf32>
    %mul3A_832 = arith.constant -0.109108947 : f32
    %mul3A_833 = vector.broadcast %mul3A_832 : f32 to vector<1x256xf32>
    %mul3A_834 = arith.mulf %mul3A_833, %mul3A_106 : vector<1x256xf32>
    %slice3A_835 = vector.extract_strided_slice %transpose3A {offsets = [288, 0], sizes = [32, 256], strides = [1, 1]} : vector<512x256xf32> to vector<32x256xf32>
    %mul3A_836 = vector.broadcast %mul3A_834 : vector<1x256xf32> to vector<32x256xf32>
    %mul3A_837 = arith.mulf %slice3A_835, %mul3A_836 : vector<32x256xf32>
    %mul3A_838 = arith.constant -0.218217894 : f32
    %mul3A_839 = vector.broadcast %mul3A_838 : f32 to vector<1x256xf32>
    %mul3A_840 = arith.mulf %mul3A_839, %mul3A_95 : vector<1x256xf32>
    %slice3A_841 = vector.extract_strided_slice %transpose3A {offsets = [320, 0], sizes = [32, 256], strides = [1, 1]} : vector<512x256xf32> to vector<32x256xf32>
    %mul3A_842 = vector.broadcast %mul3A_840 : vector<1x256xf32> to vector<32x256xf32>
    %mul3A_843 = arith.mulf %slice3A_841, %mul3A_842 : vector<32x256xf32>
    %add3A_844 = arith.addf %mul3A_837, %mul3A_843 : vector<32x256xf32>
    %mul3A_845 = arith.constant 0.169030845 : f32
    %mul3A_846 = vector.broadcast %mul3A_845 : f32 to vector<1x256xf32>
    %mul3A_847 = arith.mulf %mul3A_846, %mul3A_106 : vector<1x256xf32>
    %mul3A_848 = arith.constant 0.109108947 : f32
    %mul3A_849 = vector.broadcast %mul3A_848 : f32 to vector<1x256xf32>
    %mul3A_850 = arith.mulf %mul3A_849, %mul3A_123 : vector<1x256xf32>
    %add3A_851 = arith.addf %mul3A_847, %mul3A_850 : vector<1x256xf32>
    %slice3A_852 = vector.extract_strided_slice %transpose3A {offsets = [352, 0], sizes = [32, 256], strides = [1, 1]} : vector<512x256xf32> to vector<32x256xf32>
    %mul3A_853 = vector.broadcast %add3A_851 : vector<1x256xf32> to vector<32x256xf32>
    %mul3A_854 = arith.mulf %slice3A_852, %mul3A_853 : vector<32x256xf32>
    %add3A_855 = arith.addf %add3A_844, %mul3A_854 : vector<32x256xf32>
    %mul3A_856 = arith.constant -0.218217894 : f32
    %mul3A_857 = vector.broadcast %mul3A_856 : f32 to vector<1x256xf32>
    %mul3A_858 = arith.mulf %mul3A_857, %mul3A_72 : vector<1x256xf32>
    %slice3A_859 = vector.extract_strided_slice %transpose3A {offsets = [384, 0], sizes = [32, 256], strides = [1, 1]} : vector<512x256xf32> to vector<32x256xf32>
    %mul3A_860 = vector.broadcast %mul3A_858 : vector<1x256xf32> to vector<32x256xf32>
    %mul3A_861 = arith.mulf %slice3A_859, %mul3A_860 : vector<32x256xf32>
    %add3A_862 = arith.addf %add3A_855, %mul3A_861 : vector<32x256xf32>
    %mul3A_863 = arith.constant -0.109108947 : f32
    %mul3A_864 = vector.broadcast %mul3A_863 : f32 to vector<1x256xf32>
    %mul3A_865 = arith.mulf %mul3A_864, %mul3A_67 : vector<1x256xf32>
    %mul3A_866 = arith.constant 0.169030845 : f32
    %mul3A_867 = vector.broadcast %mul3A_866 : f32 to vector<1x256xf32>
    %mul3A_868 = arith.mulf %mul3A_867, %mul3A_83 : vector<1x256xf32>
    %add3A_869 = arith.addf %mul3A_865, %mul3A_868 : vector<1x256xf32>
    %slice3A_870 = vector.extract_strided_slice %transpose3A {offsets = [416, 0], sizes = [32, 256], strides = [1, 1]} : vector<512x256xf32> to vector<32x256xf32>
    %mul3A_871 = vector.broadcast %add3A_869 : vector<1x256xf32> to vector<32x256xf32>
    %mul3A_872 = arith.mulf %slice3A_870, %mul3A_871 : vector<32x256xf32>
    %add3A_873 = arith.addf %add3A_862, %mul3A_872 : vector<32x256xf32>
    %mul3A_874 = arith.constant 0.109108947 : f32
    %mul3A_875 = vector.broadcast %mul3A_874 : f32 to vector<1x256xf32>
    %mul3A_876 = arith.mulf %mul3A_875, %mul3A_83 : vector<1x256xf32>
    %slice3A_877 = vector.extract_strided_slice %transpose3A {offsets = [480, 0], sizes = [32, 256], strides = [1, 1]} : vector<512x256xf32> to vector<32x256xf32>
    %mul3A_878 = vector.broadcast %mul3A_876 : vector<1x256xf32> to vector<32x256xf32>
    %mul3A_879 = arith.mulf %slice3A_877, %mul3A_878 : vector<32x256xf32>
    %add3A_880 = arith.addf %add3A_873, %mul3A_879 : vector<32x256xf32>
    %concatenate3A_881 = tpu.concatenate %mul3A_723, %add3A_736, %add3A_764, %mul3A_770, %add3A_797, %add3A_831, %add3A_880 in 0 : vector<32x256xf32>, vector<32x256xf32>, vector<32x256xf32>, vector<32x256xf32>, vector<32x256xf32>, vector<32x256xf32>, vector<32x256xf32> -> vector<224x256xf32>
    %mul3A_882 = vector.broadcast %max3A_15 : vector<1x256xf32> to vector<224x256xf32>
    %mul3A_883 = arith.mulf %concatenate3A_881, %mul3A_882 : vector<224x256xf32>
    %concatenate3A_884 = tpu.concatenate %mul3A_883, %concatenate3A_881 in 0 : vector<224x256xf32>, vector<224x256xf32> -> vector<448x256xf32>
    %get3A_885 = arith.constant 0 : index
    %get3A_886 = arith.constant 0 : index
    %get3A_887 = vector.load %arg5[%get3A_885, %get3A_886] : memref<32x448xf32, #tpu.memory_space<vmem>>, vector<32x448xf32>
    %dot_general3A_888 = arith.constant dense<0.000000e+00> : vector<32x256xf32>
    %dot_general3A_889 = tpu.matmul %get3A_887, %concatenate3A_884, %dot_general3A_888 {dimension_numbers = #tpu.dot_dimension_numbers<[1], [0], [0], [1], [0, 0, 1, 1], [], []>, transpose_lhs_hint = false} : vector<32x448xf32>, vector<448x256xf32>, vector<32x256xf32> -> vector<32x256xf32>
    %swap3A_890 = arith.constant 128 : index
    %swap3A_891 = arith.constant 0 : index
    %swap3A_892 = vector.load %arg7[%swap3A_890, %swap3A_891] : memref<512x256xf32, #tpu.memory_space<vmem>>, vector<32x256xf32>
    tpu.vector_store %arg7[%swap3A_890, %swap3A_891], %dot_general3A_889 {strides = array<i32>} : memref<512x256xf32, #tpu.memory_space<vmem>>, vector<32x256xf32>,
    %mul3A_893 = arith.constant 0.44721359 : f32
    %mul3A_894 = vector.broadcast %mul3A_893 : f32 to vector<1x256xf32>
    %mul3A_895 = arith.mulf %mul3A_894, %mul3A_38 : vector<1x256xf32>
    %slice3A_896 = vector.extract_strided_slice %transpose3A {offsets = [0, 0], sizes = [32, 256], strides = [1, 1]} : vector<512x256xf32> to vector<32x256xf32>
    %mul3A_897 = vector.broadcast %mul3A_895 : vector<1x256xf32> to vector<32x256xf32>
    %mul3A_898 = arith.mulf %slice3A_896, %mul3A_897 : vector<32x256xf32>
    %mul3A_899 = arith.constant 0.316227764 : f32
    %mul3A_900 = vector.broadcast %mul3A_899 : f32 to vector<1x256xf32>
    %mul3A_901 = arith.mulf %mul3A_900, %mul3A_27 : vector<1x256xf32>
    %slice3A_902 = vector.extract_strided_slice %transpose3A {offsets = [32, 0], sizes = [32, 256], strides = [1, 1]} : vector<512x256xf32> to vector<32x256xf32>
    %mul3A_903 = vector.broadcast %mul3A_901 : vector<1x256xf32> to vector<32x256xf32>
    %mul3A_904 = arith.mulf %slice3A_902, %mul3A_903 : vector<32x256xf32>
    %mul3A_905 = arith.constant 0.316227764 : f32
    %mul3A_906 = vector.broadcast %mul3A_905 : f32 to vector<1x256xf32>
    %mul3A_907 = arith.mulf %mul3A_906, %mul3A_24 : vector<1x256xf32>
    %slice3A_908 = vector.extract_strided_slice %transpose3A {offsets = [64, 0], sizes = [32, 256], strides = [1, 1]} : vector<512x256xf32> to vector<32x256xf32>
    %mul3A_909 = vector.broadcast %mul3A_907 : vector<1x256xf32> to vector<32x256xf32>
    %mul3A_910 = arith.mulf %slice3A_908, %mul3A_909 : vector<32x256xf32>
    %add3A_911 = arith.addf %mul3A_904, %mul3A_910 : vector<32x256xf32>
    %mul3A_912 = arith.constant 0.169030845 : f32
    %mul3A_913 = vector.broadcast %mul3A_912 : f32 to vector<1x256xf32>
    %mul3A_914 = arith.mulf %mul3A_913, %mul3A_95 : vector<1x256xf32>
    %mul3A_915 = arith.constant 0.218217894 : f32
    %mul3A_916 = vector.broadcast %mul3A_915 : f32 to vector<1x256xf32>
    %mul3A_917 = arith.mulf %mul3A_916, %mul3A_113 : vector<1x256xf32>
    %add3A_918 = arith.addf %mul3A_914, %mul3A_917 : vector<1x256xf32>
    %slice3A_919 = vector.extract_strided_slice %transpose3A {offsets = [32, 0], sizes = [32, 256], strides = [1, 1]} : vector<512x256xf32> to vector<32x256xf32>
    %mul3A_920 = vector.broadcast %add3A_918 : vector<1x256xf32> to vector<32x256xf32>
    %mul3A_921 = arith.mulf %slice3A_919, %mul3A_920 : vector<32x256xf32>
    %mul3A_922 = arith.constant -0.276026219 : f32
    %mul3A_923 = vector.broadcast %mul3A_922 : f32 to vector<1x256xf32>
    %mul3A_924 = arith.mulf %mul3A_923, %mul3A_83 : vector<1x256xf32>
    %slice3A_925 = vector.extract_strided_slice %transpose3A {offsets = [64, 0], sizes = [32, 256], strides = [1, 1]} : vector<512x256xf32> to vector<32x256xf32>
    %mul3A_926 = vector.broadcast %mul3A_924 : vector<1x256xf32> to vector<32x256xf32>
    %mul3A_927 = arith.mulf %slice3A_925, %mul3A_926 : vector<32x256xf32>
    %add3A_928 = arith.addf %mul3A_921, %mul3A_927 : vector<32x256xf32>
    %mul3A_929 = arith.constant -0.218217894 : f32
    %mul3A_930 = vector.broadcast %mul3A_929 : f32 to vector<1x256xf32>
    %mul3A_931 = arith.mulf %mul3A_930, %mul3A_72 : vector<1x256xf32>
    %slice3A_932 = vector.extract_strided_slice %transpose3A {offsets = [96, 0], sizes = [32, 256], strides = [1, 1]} : vector<512x256xf32> to vector<32x256xf32>
    %mul3A_933 = vector.broadcast %mul3A_931 : vector<1x256xf32> to vector<32x256xf32>
    %mul3A_934 = arith.mulf %slice3A_932, %mul3A_933 : vector<32x256xf32>
    %add3A_935 = arith.addf %add3A_928, %mul3A_934 : vector<32x256xf32>
    %mul3A_936 = arith.constant 0.44721359 : f32
    %mul3A_937 = vector.broadcast %mul3A_936 : f32 to vector<1x256xf32>
    %mul3A_938 = arith.mulf %mul3A_937, %broadcast_in_dim3A_21 : vector<1x256xf32>
    %slice3A_939 = vector.extract_strided_slice %transpose3A {offsets = [160, 0], sizes = [32, 256], strides = [1, 1]} : vector<512x256xf32> to vector<32x256xf32>
    %mul3A_940 = vector.broadcast %mul3A_938 : vector<1x256xf32> to vector<32x256xf32>
    %mul3A_941 = arith.mulf %slice3A_939, %mul3A_940 : vector<32x256xf32>
    %mul3A_942 = arith.constant -0.207019672 : f32
    %mul3A_943 = vector.broadcast %mul3A_942 : f32 to vector<1x256xf32>
    %mul3A_944 = arith.mulf %mul3A_943, %mul3A_51 : vector<1x256xf32>
    %slice3A_945 = vector.extract_strided_slice %transpose3A {offsets = [128, 0], sizes = [32, 256], strides = [1, 1]} : vector<512x256xf32> to vector<32x256xf32>
    %mul3A_946 = vector.broadcast %mul3A_944 : vector<1x256xf32> to vector<32x256xf32>
    %mul3A_947 = arith.mulf %slice3A_945, %mul3A_946 : vector<32x256xf32>
    %mul3A_948 = arith.constant -0.119522862 : f32
    %mul3A_949 = vector.broadcast %mul3A_948 : f32 to vector<1x256xf32>
    %mul3A_950 = arith.mulf %mul3A_949, %mul3A_47 : vector<1x256xf32>
    %mul3A_951 = arith.constant 0.207019672 : f32
    %mul3A_952 = vector.broadcast %mul3A_951 : f32 to vector<1x256xf32>
    %mul3A_953 = arith.mulf %mul3A_952, %mul3A_57 : vector<1x256xf32>
    %add3A_954 = arith.addf %mul3A_950, %mul3A_953 : vector<1x256xf32>
    %slice3A_955 = vector.extract_strided_slice %transpose3A {offsets = [160, 0], sizes = [32, 256], strides = [1, 1]} : vector<512x256xf32> to vector<32x256xf32>
    %mul3A_956 = vector.broadcast %add3A_954 : vector<1x256xf32> to vector<32x256xf32>
    %mul3A_957 = arith.mulf %slice3A_955, %mul3A_956 : vector<32x256xf32>
    %add3A_958 = arith.addf %mul3A_947, %mul3A_957 : vector<32x256xf32>
    %mul3A_959 = arith.constant -0.119522862 : f32
    %mul3A_960 = vector.broadcast %mul3A_959 : f32 to vector<1x256xf32>
    %mul3A_961 = arith.mulf %mul3A_960, %mul3A_38 : vector<1x256xf32>
    %slice3A_962 = vector.extract_strided_slice %transpose3A {offsets = [192, 0], sizes = [32, 256], strides = [1, 1]} : vector<512x256xf32> to vector<32x256xf32>
    %mul3A_963 = vector.broadcast %mul3A_961 : vector<1x256xf32> to vector<32x256xf32>
    %mul3A_964 = arith.mulf %slice3A_962, %mul3A_963 : vector<32x256xf32>
    %add3A_965 = arith.addf %add3A_958, %mul3A_964 : vector<32x256xf32>
    %mul3A_966 = arith.constant -0.207019672 : f32
    %mul3A_967 = vector.broadcast %mul3A_966 : f32 to vector<1x256xf32>
    %mul3A_968 = arith.mulf %mul3A_967, %mul3A_34 : vector<1x256xf32>
    %slice3A_969 = vector.extract_strided_slice %transpose3A {offsets = [224, 0], sizes = [32, 256], strides = [1, 1]} : vector<512x256xf32> to vector<32x256xf32>
    %mul3A_970 = vector.broadcast %mul3A_968 : vector<1x256xf32> to vector<32x256xf32>
    %mul3A_971 = arith.mulf %slice3A_969, %mul3A_970 : vector<32x256xf32>
    %add3A_972 = arith.addf %add3A_965, %mul3A_971 : vector<32x256xf32>
    %mul3A_973 = arith.constant 0.207019672 : f32
    %mul3A_974 = vector.broadcast %mul3A_973 : f32 to vector<1x256xf32>
    %mul3A_975 = arith.mulf %mul3A_974, %mul3A_38 : vector<1x256xf32>
    %slice3A_976 = vector.extract_strided_slice %transpose3A {offsets = [256, 0], sizes = [32, 256], strides = [1, 1]} : vector<512x256xf32> to vector<32x256xf32>
    %mul3A_977 = vector.broadcast %mul3A_975 : vector<1x256xf32> to vector<32x256xf32>
    %mul3A_978 = arith.mulf %slice3A_976, %mul3A_977 : vector<32x256xf32>
    %add3A_979 = arith.addf %add3A_972, %mul3A_978 : vector<32x256xf32>
    %mul3A_980 = arith.constant -0.218217894 : f32
    %mul3A_981 = vector.broadcast %mul3A_980 : f32 to vector<1x256xf32>
    %mul3A_982 = arith.mulf %mul3A_981, %mul3A_30 : vector<1x256xf32>
    %slice3A_983 = vector.extract_strided_slice %transpose3A {offsets = [320, 0], sizes = [32, 256], strides = [1, 1]} : vector<512x256xf32> to vector<32x256xf32>
    %mul3A_984 = vector.broadcast %mul3A_982 : vector<1x256xf32> to vector<32x256xf32>
    %mul3A_985 = arith.mulf %slice3A_983, %mul3A_984 : vector<32x256xf32>
    %mul3A_986 = arith.constant -0.276026219 : f32
    %mul3A_987 = vector.broadcast %mul3A_986 : f32 to vector<1x256xf32>
    %mul3A_988 = arith.mulf %mul3A_987, %mul3A_27 : vector<1x256xf32>
    %slice3A_989 = vector.extract_strided_slice %transpose3A {offsets = [352, 0], sizes = [32, 256], strides = [1, 1]} : vector<512x256xf32> to vector<32x256xf32>
    %mul3A_990 = vector.broadcast %mul3A_988 : vector<1x256xf32> to vector<32x256xf32>
    %mul3A_991 = arith.mulf %slice3A_989, %mul3A_990 : vector<32x256xf32>
    %add3A_992 = arith.addf %mul3A_985, %mul3A_991 : vector<32x256xf32>
    %mul3A_993 = arith.constant 0.169030845 : f32
    %mul3A_994 = vector.broadcast %mul3A_993 : f32 to vector<1x256xf32>
    %mul3A_995 = arith.mulf %mul3A_994, %mul3A_24 : vector<1x256xf32>
    %slice3A_996 = vector.extract_strided_slice %transpose3A {offsets = [384, 0], sizes = [32, 256], strides = [1, 1]} : vector<512x256xf32> to vector<32x256xf32>
    %mul3A_997 = vector.broadcast %mul3A_995 : vector<1x256xf32> to vector<32x256xf32>
    %mul3A_998 = arith.mulf %slice3A_996, %mul3A_997 : vector<32x256xf32>
    %add3A_999 = arith.addf %add3A_992, %mul3A_998 : vector<32x256xf32>
    %mul3A_1000 = arith.constant 0.218217894 : f32
    %mul3A_1001 = vector.broadcast %mul3A_1000 : f32 to vector<1x256xf32>
    %mul3A_1002 = arith.mulf %mul3A_1001, %mul3A_24 : vector<1x256xf32>
    %slice3A_1003 = vector.extract_strided_slice %transpose3A {offsets = [448, 0], sizes = [32, 256], strides = [1, 1]} : vector<512x256xf32> to vector<32x256xf32>
    %mul3A_1004 = vector.broadcast %mul3A_1002 : vector<1x256xf32> to vector<32x256xf32>
    %mul3A_1005 = arith.mulf %slice3A_1003, %mul3A_1004 : vector<32x256xf32>
    %add3A_1006 = arith.addf %add3A_999, %mul3A_1005 : vector<32x256xf32>
    %mul3A_1007 = arith.constant 0.172516391 : f32
    %mul3A_1008 = vector.broadcast %mul3A_1007 : f32 to vector<1x256xf32>
    %mul3A_1009 = arith.mulf %mul3A_1008, %mul3A_113 : vector<1x256xf32>
    %slice3A_1010 = vector.extract_strided_slice %transpose3A {offsets = [288, 0], sizes = [32, 256], strides = [1, 1]} : vector<512x256xf32> to vector<32x256xf32>
    %mul3A_1011 = vector.broadcast %mul3A_1009 : vector<1x256xf32> to vector<32x256xf32>
    %mul3A_1012 = arith.mulf %slice3A_1010, %mul3A_1011 : vector<32x256xf32>
    %mul3A_1013 = arith.constant 0.133630618 : f32
    %mul3A_1014 = vector.broadcast %mul3A_1013 : f32 to vector<1x256xf32>
    %mul3A_1015 = arith.mulf %mul3A_1014, %mul3A_106 : vector<1x256xf32>
    %mul3A_1016 = arith.constant -0.172516391 : f32
    %mul3A_1017 = vector.broadcast %mul3A_1016 : f32 to vector<1x256xf32>
    %mul3A_1018 = arith.mulf %mul3A_1017, %mul3A_123 : vector<1x256xf32>
    %add3A_1019 = arith.addf %mul3A_1015, %mul3A_1018 : vector<1x256xf32>
    %slice3A_1020 = vector.extract_strided_slice %transpose3A {offsets = [320, 0], sizes = [32, 256], strides = [1, 1]} : vector<512x256xf32> to vector<32x256xf32>
    %mul3A_1021 = vector.broadcast %add3A_1019 : vector<1x256xf32> to vector<32x256xf32>
    %mul3A_1022 = arith.mulf %slice3A_1020, %mul3A_1021 : vector<32x256xf32>
    %add3A_1023 = arith.addf %mul3A_1012, %mul3A_1022 : vector<32x256xf32>
    %mul3A_1024 = arith.constant 0.0690065548 : f32
    %mul3A_1025 = vector.broadcast %mul3A_1024 : f32 to vector<1x256xf32>
    %mul3A_1026 = arith.mulf %mul3A_1025, %mul3A_95 : vector<1x256xf32>
    %mul3A_1027 = arith.constant -0.133630618 : f32
    %mul3A_1028 = vector.broadcast %mul3A_1027 : f32 to vector<1x256xf32>
    %mul3A_1029 = arith.mulf %mul3A_1028, %mul3A_113 : vector<1x256xf32>
    %add3A_1030 = arith.addf %mul3A_1026, %mul3A_1029 : vector<1x256xf32>
    %slice3A_1031 = vector.extract_strided_slice %transpose3A {offsets = [352, 0], sizes = [32, 256], strides = [1, 1]} : vector<512x256xf32> to vector<32x256xf32>
    %mul3A_1032 = vector.broadcast %add3A_1030 : vector<1x256xf32> to vector<32x256xf32>
    %mul3A_1033 = arith.mulf %slice3A_1031, %mul3A_1032 : vector<32x256xf32>
    %add3A_1034 = arith.addf %add3A_1023, %mul3A_1033 : vector<32x256xf32>
    %mul3A_1035 = arith.constant 0.0690065548 : f32
    %mul3A_1036 = vector.broadcast %mul3A_1035 : f32 to vector<1x256xf32>
    %mul3A_1037 = arith.mulf %mul3A_1036, %mul3A_83 : vector<1x256xf32>
    %slice3A_1038 = vector.extract_strided_slice %transpose3A {offsets = [384, 0], sizes = [32, 256], strides = [1, 1]} : vector<512x256xf32> to vector<32x256xf32>
    %mul3A_1039 = vector.broadcast %mul3A_1037 : vector<1x256xf32> to vector<32x256xf32>
    %mul3A_1040 = arith.mulf %slice3A_1038, %mul3A_1039 : vector<32x256xf32>
    %add3A_1041 = arith.addf %add3A_1034, %mul3A_1040 : vector<32x256xf32>
    %mul3A_1042 = arith.constant 0.133630618 : f32
    %mul3A_1043 = vector.broadcast %mul3A_1042 : f32 to vector<1x256xf32>
    %mul3A_1044 = arith.mulf %mul3A_1043, %mul3A_72 : vector<1x256xf32>
    %slice3A_1045 = vector.extract_strided_slice %transpose3A {offsets = [416, 0], sizes = [32, 256], strides = [1, 1]} : vector<512x256xf32> to vector<32x256xf32>
    %mul3A_1046 = vector.broadcast %mul3A_1044 : vector<1x256xf32> to vector<32x256xf32>
    %mul3A_1047 = arith.mulf %slice3A_1045, %mul3A_1046 : vector<32x256xf32>
    %add3A_1048 = arith.addf %add3A_1041, %mul3A_1047 : vector<32x256xf32>
    %mul3A_1049 = arith.constant 0.172516391 : f32
    %mul3A_1050 = vector.broadcast %mul3A_1049 : f32 to vector<1x256xf32>
    %mul3A_1051 = arith.mulf %mul3A_1050, %mul3A_67 : vector<1x256xf32>
    %mul3A_1052 = arith.constant -0.133630618 : f32
    %mul3A_1053 = vector.broadcast %mul3A_1052 : f32 to vector<1x256xf32>
    %mul3A_1054 = arith.mulf %mul3A_1053, %mul3A_83 : vector<1x256xf32>
    %add3A_1055 = arith.addf %mul3A_1051, %mul3A_1054 : vector<1x256xf32>
    %slice3A_1056 = vector.extract_strided_slice %transpose3A {offsets = [448, 0], sizes = [32, 256], strides = [1, 1]} : vector<512x256xf32> to vector<32x256xf32>
    %mul3A_1057 = vector.broadcast %add3A_1055 : vector<1x256xf32> to vector<32x256xf32>
    %mul3A_1058 = arith.mulf %slice3A_1056, %mul3A_1057 : vector<32x256xf32>
    %add3A_1059 = arith.addf %add3A_1048, %mul3A_1058 : vector<32x256xf32>
    %mul3A_1060 = arith.constant -0.172516391 : f32
    %mul3A_1061 = vector.broadcast %mul3A_1060 : f32 to vector<1x256xf32>
    %mul3A_1062 = arith.mulf %mul3A_1061, %mul3A_72 : vector<1x256xf32>
    %slice3A_1063 = vector.extract_strided_slice %transpose3A {offsets = [480, 0], sizes = [32, 256], strides = [1, 1]} : vector<512x256xf32> to vector<32x256xf32>
    %mul3A_1064 = vector.broadcast %mul3A_1062 : vector<1x256xf32> to vector<32x256xf32>
    %mul3A_1065 = arith.mulf %slice3A_1063, %mul3A_1064 : vector<32x256xf32>
    %add3A_1066 = arith.addf %add3A_1059, %mul3A_1065 : vector<32x256xf32>
    %concatenate3A_1067 = tpu.concatenate %mul3A_898, %add3A_911, %add3A_935, %mul3A_941, %add3A_979, %add3A_1006, %add3A_1066 in 0 : vector<32x256xf32>, vector<32x256xf32>, vector<32x256xf32>, vector<32x256xf32>, vector<32x256xf32>, vector<32x256xf32>, vector<32x256xf32> -> vector<224x256xf32>
    %mul3A_1068 = vector.broadcast %max3A_15 : vector<1x256xf32> to vector<224x256xf32>
    %mul3A_1069 = arith.mulf %concatenate3A_1067, %mul3A_1068 : vector<224x256xf32>
    %concatenate3A_1070 = tpu.concatenate %mul3A_1069, %concatenate3A_1067 in 0 : vector<224x256xf32>, vector<224x256xf32> -> vector<448x256xf32>
    %get3A_1071 = arith.constant 0 : index
    %get3A_1072 = arith.constant 0 : index
    %get3A_1073 = vector.load %arg5[%get3A_1071, %get3A_1072] : memref<32x448xf32, #tpu.memory_space<vmem>>, vector<32x448xf32>
    %dot_general3A_1074 = arith.constant dense<0.000000e+00> : vector<32x256xf32>
    %dot_general3A_1075 = tpu.matmul %get3A_1073, %concatenate3A_1070, %dot_general3A_1074 {dimension_numbers = #tpu.dot_dimension_numbers<[1], [0], [0], [1], [0, 0, 1, 1], [], []>, transpose_lhs_hint = false} : vector<32x448xf32>, vector<448x256xf32>, vector<32x256xf32> -> vector<32x256xf32>
    %swap3A_1076 = arith.constant 160 : index
    %swap3A_1077 = arith.constant 0 : index
    %swap3A_1078 = vector.load %arg7[%swap3A_1076, %swap3A_1077] : memref<512x256xf32, #tpu.memory_space<vmem>>, vector<32x256xf32>
    tpu.vector_store %arg7[%swap3A_1076, %swap3A_1077], %dot_general3A_1075 {strides = array<i32>} : memref<512x256xf32, #tpu.memory_space<vmem>>, vector<32x256xf32>,
    %mul3A_1079 = arith.constant 0.44721359 : f32
    %mul3A_1080 = vector.broadcast %mul3A_1079 : f32 to vector<1x256xf32>
    %mul3A_1081 = arith.mulf %mul3A_1080, %mul3A_47 : vector<1x256xf32>
    %slice3A_1082 = vector.extract_strided_slice %transpose3A {offsets = [0, 0], sizes = [32, 256], strides = [1, 1]} : vector<512x256xf32> to vector<32x256xf32>
    %mul3A_1083 = vector.broadcast %mul3A_1081 : vector<1x256xf32> to vector<32x256xf32>
    %mul3A_1084 = arith.mulf %slice3A_1082, %mul3A_1083 : vector<32x256xf32>
    %mul3A_1085 = arith.constant -0.182574183 : f32
    %mul3A_1086 = vector.broadcast %mul3A_1085 : f32 to vector<1x256xf32>
    %mul3A_1087 = arith.mulf %mul3A_1086, %mul3A_24 : vector<1x256xf32>
    %slice3A_1088 = vector.extract_strided_slice %transpose3A {offsets = [32, 0], sizes = [32, 256], strides = [1, 1]} : vector<512x256xf32> to vector<32x256xf32>
    %mul3A_1089 = vector.broadcast %mul3A_1087 : vector<1x256xf32> to vector<32x256xf32>
    %mul3A_1090 = arith.mulf %slice3A_1088, %mul3A_1089 : vector<32x256xf32>
    %mul3A_1091 = arith.constant 0.365148365 : f32
    %mul3A_1092 = vector.broadcast %mul3A_1091 : f32 to vector<1x256xf32>
    %mul3A_1093 = arith.mulf %mul3A_1092, %mul3A_27 : vector<1x256xf32>
    %slice3A_1094 = vector.extract_strided_slice %transpose3A {offsets = [64, 0], sizes = [32, 256], strides = [1, 1]} : vector<512x256xf32> to vector<32x256xf32>
    %mul3A_1095 = vector.broadcast %mul3A_1093 : vector<1x256xf32> to vector<32x256xf32>
    %mul3A_1096 = arith.mulf %slice3A_1094, %mul3A_1095 : vector<32x256xf32>
    %add3A_1097 = arith.addf %mul3A_1090, %mul3A_1096 : vector<32x256xf32>
    %mul3A_1098 = arith.constant -0.182574183 : f32
    %mul3A_1099 = vector.broadcast %mul3A_1098 : f32 to vector<1x256xf32>
    %mul3A_1100 = arith.mulf %mul3A_1099, %mul3A_30 : vector<1x256xf32>
    %slice3A_1101 = vector.extract_strided_slice %transpose3A {offsets = [96, 0], sizes = [32, 256], strides = [1, 1]} : vector<512x256xf32> to vector<32x256xf32>
    %mul3A_1102 = vector.broadcast %mul3A_1100 : vector<1x256xf32> to vector<32x256xf32>
    %mul3A_1103 = arith.mulf %slice3A_1101, %mul3A_1102 : vector<32x256xf32>
    %add3A_1104 = arith.addf %add3A_1097, %mul3A_1103 : vector<32x256xf32>
    %mul3A_1105 = arith.constant -0.239045724 : f32
    %mul3A_1106 = vector.broadcast %mul3A_1105 : f32 to vector<1x256xf32>
    %mul3A_1107 = arith.mulf %mul3A_1106, %mul3A_83 : vector<1x256xf32>
    %slice3A_1108 = vector.extract_strided_slice %transpose3A {offsets = [32, 0], sizes = [32, 256], strides = [1, 1]} : vector<512x256xf32> to vector<32x256xf32>
    %mul3A_1109 = vector.broadcast %mul3A_1107 : vector<1x256xf32> to vector<32x256xf32>
    %mul3A_1110 = arith.mulf %slice3A_1108, %mul3A_1109 : vector<32x256xf32>
    %mul3A_1111 = arith.constant -0.292770028 : f32
    %mul3A_1112 = vector.broadcast %mul3A_1111 : f32 to vector<1x256xf32>
    %mul3A_1113 = arith.mulf %mul3A_1112, %mul3A_95 : vector<1x256xf32>
    %slice3A_1114 = vector.extract_strided_slice %transpose3A {offsets = [64, 0], sizes = [32, 256], strides = [1, 1]} : vector<512x256xf32> to vector<32x256xf32>
    %mul3A_1115 = vector.broadcast %mul3A_1113 : vector<1x256xf32> to vector<32x256xf32>
    %mul3A_1116 = arith.mulf %slice3A_1114, %mul3A_1115 : vector<32x256xf32>
    %add3A_1117 = arith.addf %mul3A_1110, %mul3A_1116 : vector<32x256xf32>
    %mul3A_1118 = arith.constant -0.239045724 : f32
    %mul3A_1119 = vector.broadcast %mul3A_1118 : f32 to vector<1x256xf32>
    %mul3A_1120 = arith.mulf %mul3A_1119, %mul3A_106 : vector<1x256xf32>
    %slice3A_1121 = vector.extract_strided_slice %transpose3A {offsets = [96, 0], sizes = [32, 256], strides = [1, 1]} : vector<512x256xf32> to vector<32x256xf32>
    %mul3A_1122 = vector.broadcast %mul3A_1120 : vector<1x256xf32> to vector<32x256xf32>
    %mul3A_1123 = arith.mulf %slice3A_1121, %mul3A_1122 : vector<32x256xf32>
    %add3A_1124 = arith.addf %add3A_1117, %mul3A_1123 : vector<32x256xf32>
    %mul3A_1125 = arith.constant 0.44721359 : f32
    %mul3A_1126 = vector.broadcast %mul3A_1125 : f32 to vector<1x256xf32>
    %mul3A_1127 = arith.mulf %mul3A_1126, %broadcast_in_dim3A_21 : vector<1x256xf32>
    %slice3A_1128 = vector.extract_strided_slice %transpose3A {offsets = [192, 0], sizes = [32, 256], strides = [1, 1]} : vector<512x256xf32> to vector<32x256xf32>
    %mul3A_1129 = vector.broadcast %mul3A_1127 : vector<1x256xf32> to vector<32x256xf32>
    %mul3A_1130 = arith.mulf %slice3A_1128, %mul3A_1129 : vector<32x256xf32>
    %mul3A_1131 = arith.constant 0.239045724 : f32
    %mul3A_1132 = vector.broadcast %mul3A_1131 : f32 to vector<1x256xf32>
    %mul3A_1133 = arith.mulf %mul3A_1132, %mul3A_34 : vector<1x256xf32>
    %slice3A_1134 = vector.extract_strided_slice %transpose3A {offsets = [128, 0], sizes = [32, 256], strides = [1, 1]} : vector<512x256xf32> to vector<32x256xf32>
    %mul3A_1135 = vector.broadcast %mul3A_1133 : vector<1x256xf32> to vector<32x256xf32>
    %mul3A_1136 = arith.mulf %slice3A_1134, %mul3A_1135 : vector<32x256xf32>
    %mul3A_1137 = arith.constant -0.119522862 : f32
    %mul3A_1138 = vector.broadcast %mul3A_1137 : f32 to vector<1x256xf32>
    %mul3A_1139 = arith.mulf %mul3A_1138, %mul3A_38 : vector<1x256xf32>
    %slice3A_1140 = vector.extract_strided_slice %transpose3A {offsets = [160, 0], sizes = [32, 256], strides = [1, 1]} : vector<512x256xf32> to vector<32x256xf32>
    %mul3A_1141 = vector.broadcast %mul3A_1139 : vector<1x256xf32> to vector<32x256xf32>
    %mul3A_1142 = arith.mulf %slice3A_1140, %mul3A_1141 : vector<32x256xf32>
    %add3A_1143 = arith.addf %mul3A_1136, %mul3A_1142 : vector<32x256xf32>
    %mul3A_1144 = arith.constant -0.239045724 : f32
    %mul3A_1145 = vector.broadcast %mul3A_1144 : f32 to vector<1x256xf32>
    %mul3A_1146 = arith.mulf %mul3A_1145, %mul3A_47 : vector<1x256xf32>
    %slice3A_1147 = vector.extract_strided_slice %transpose3A {offsets = [192, 0], sizes = [32, 256], strides = [1, 1]} : vector<512x256xf32> to vector<32x256xf32>
    %mul3A_1148 = vector.broadcast %mul3A_1146 : vector<1x256xf32> to vector<32x256xf32>
    %mul3A_1149 = arith.mulf %slice3A_1147, %mul3A_1148 : vector<32x256xf32>
    %add3A_1150 = arith.addf %add3A_1143, %mul3A_1149 : vector<32x256xf32>
    %mul3A_1151 = arith.constant -0.119522862 : f32
    %mul3A_1152 = vector.broadcast %mul3A_1151 : f32 to vector<1x256xf32>
    %mul3A_1153 = arith.mulf %mul3A_1152, %mul3A_51 : vector<1x256xf32>
    %slice3A_1154 = vector.extract_strided_slice %transpose3A {offsets = [224, 0], sizes = [32, 256], strides = [1, 1]} : vector<512x256xf32> to vector<32x256xf32>
    %mul3A_1155 = vector.broadcast %mul3A_1153 : vector<1x256xf32> to vector<32x256xf32>
    %mul3A_1156 = arith.mulf %slice3A_1154, %mul3A_1155 : vector<32x256xf32>
    %add3A_1157 = arith.addf %add3A_1150, %mul3A_1156 : vector<32x256xf32>
    %mul3A_1158 = arith.constant 0.239045724 : f32
    %mul3A_1159 = vector.broadcast %mul3A_1158 : f32 to vector<1x256xf32>
    %mul3A_1160 = arith.mulf %mul3A_1159, %mul3A_57 : vector<1x256xf32>
    %slice3A_1161 = vector.extract_strided_slice %transpose3A {offsets = [256, 0], sizes = [32, 256], strides = [1, 1]} : vector<512x256xf32> to vector<32x256xf32>
    %mul3A_1162 = vector.broadcast %mul3A_1160 : vector<1x256xf32> to vector<32x256xf32>
    %mul3A_1163 = arith.mulf %slice3A_1161, %mul3A_1162 : vector<32x256xf32>
    %add3A_1164 = arith.addf %add3A_1157, %mul3A_1163 : vector<32x256xf32>
    %mul3A_1165 = arith.constant -0.239045724 : f32
    %mul3A_1166 = vector.broadcast %mul3A_1165 : f32 to vector<1x256xf32>
    %mul3A_1167 = arith.mulf %mul3A_1166, %mul3A_24 : vector<1x256xf32>
    %slice3A_1168 = vector.extract_strided_slice %transpose3A {offsets = [352, 0], sizes = [32, 256], strides = [1, 1]} : vector<512x256xf32> to vector<32x256xf32>
    %mul3A_1169 = vector.broadcast %mul3A_1167 : vector<1x256xf32> to vector<32x256xf32>
    %mul3A_1170 = arith.mulf %slice3A_1168, %mul3A_1169 : vector<32x256xf32>
    %mul3A_1171 = arith.constant -0.292770028 : f32
    %mul3A_1172 = vector.broadcast %mul3A_1171 : f32 to vector<1x256xf32>
    %mul3A_1173 = arith.mulf %mul3A_1172, %mul3A_27 : vector<1x256xf32>
    %slice3A_1174 = vector.extract_strided_slice %transpose3A {offsets = [384, 0], sizes = [32, 256], strides = [1, 1]} : vector<512x256xf32> to vector<32x256xf32>
    %mul3A_1175 = vector.broadcast %mul3A_1173 : vector<1x256xf32> to vector<32x256xf32>
    %mul3A_1176 = arith.mulf %slice3A_1174, %mul3A_1175 : vector<32x256xf32>
    %add3A_1177 = arith.addf %mul3A_1170, %mul3A_1176 : vector<32x256xf32>
    %mul3A_1178 = arith.constant -0.239045724 : f32
    %mul3A_1179 = vector.broadcast %mul3A_1178 : f32 to vector<1x256xf32>
    %mul3A_1180 = arith.mulf %mul3A_1179, %mul3A_30 : vector<1x256xf32>
    %slice3A_1181 = vector.extract_strided_slice %transpose3A {offsets = [416, 0], sizes = [32, 256], strides = [1, 1]} : vector<512x256xf32> to vector<32x256xf32>
    %mul3A_1182 = vector.broadcast %mul3A_1180 : vector<1x256xf32> to vector<32x256xf32>
    %mul3A_1183 = arith.mulf %slice3A_1181, %mul3A_1182 : vector<32x256xf32>
    %add3A_1184 = arith.addf %add3A_1177, %mul3A_1183 : vector<32x256xf32>
    %mul3A_1185 = arith.constant -0.243975013 : f32
    %mul3A_1186 = vector.broadcast %mul3A_1185 : f32 to vector<1x256xf32>
    %mul3A_1187 = arith.mulf %mul3A_1186, %mul3A_67 : vector<1x256xf32>
    %slice3A_1188 = vector.extract_strided_slice %transpose3A {offsets = [288, 0], sizes = [32, 256], strides = [1, 1]} : vector<512x256xf32> to vector<32x256xf32>
    %mul3A_1189 = vector.broadcast %mul3A_1187 : vector<1x256xf32> to vector<32x256xf32>
    %mul3A_1190 = arith.mulf %slice3A_1188, %mul3A_1189 : vector<32x256xf32>
    %mul3A_1191 = arith.constant 0.146385014 : f32
    %mul3A_1192 = vector.broadcast %mul3A_1191 : f32 to vector<1x256xf32>
    %mul3A_1193 = arith.mulf %mul3A_1192, %mul3A_83 : vector<1x256xf32>
    %slice3A_1194 = vector.extract_strided_slice %transpose3A {offsets = [352, 0], sizes = [32, 256], strides = [1, 1]} : vector<512x256xf32> to vector<32x256xf32>
    %mul3A_1195 = vector.broadcast %mul3A_1193 : vector<1x256xf32> to vector<32x256xf32>
    %mul3A_1196 = arith.mulf %slice3A_1194, %mul3A_1195 : vector<32x256xf32>
    %add3A_1197 = arith.addf %mul3A_1190, %mul3A_1196 : vector<32x256xf32>
    %mul3A_1198 = arith.constant 0.195180014 : f32
    %mul3A_1199 = vector.broadcast %mul3A_1198 : f32 to vector<1x256xf32>
    %mul3A_1200 = arith.mulf %mul3A_1199, %mul3A_95 : vector<1x256xf32>
    %slice3A_1201 = vector.extract_strided_slice %transpose3A {offsets = [384, 0], sizes = [32, 256], strides = [1, 1]} : vector<512x256xf32> to vector<32x256xf32>
    %mul3A_1202 = vector.broadcast %mul3A_1200 : vector<1x256xf32> to vector<32x256xf32>
    %mul3A_1203 = arith.mulf %slice3A_1201, %mul3A_1202 : vector<32x256xf32>
    %add3A_1204 = arith.addf %add3A_1197, %mul3A_1203 : vector<32x256xf32>
    %mul3A_1205 = arith.constant 0.146385014 : f32
    %mul3A_1206 = vector.broadcast %mul3A_1205 : f32 to vector<1x256xf32>
    %mul3A_1207 = arith.mulf %mul3A_1206, %mul3A_106 : vector<1x256xf32>
    %slice3A_1208 = vector.extract_strided_slice %transpose3A {offsets = [416, 0], sizes = [32, 256], strides = [1, 1]} : vector<512x256xf32> to vector<32x256xf32>
    %mul3A_1209 = vector.broadcast %mul3A_1207 : vector<1x256xf32> to vector<32x256xf32>
    %mul3A_1210 = arith.mulf %slice3A_1208, %mul3A_1209 : vector<32x256xf32>
    %add3A_1211 = arith.addf %add3A_1204, %mul3A_1210 : vector<32x256xf32>
    %mul3A_1212 = arith.constant -0.243975013 : f32
    %mul3A_1213 = vector.broadcast %mul3A_1212 : f32 to vector<1x256xf32>
    %mul3A_1214 = arith.mulf %mul3A_1213, %mul3A_123 : vector<1x256xf32>
    %slice3A_1215 = vector.extract_strided_slice %transpose3A {offsets = [480, 0], sizes = [32, 256], strides = [1, 1]} : vector<512x256xf32> to vector<32x256xf32>
    %mul3A_1216 = vector.broadcast %mul3A_1214 : vector<1x256xf32> to vector<32x256xf32>
    %mul3A_1217 = arith.mulf %slice3A_1215, %mul3A_1216 : vector<32x256xf32>
    %add3A_1218 = arith.addf %add3A_1211, %mul3A_1217 : vector<32x256xf32>
    %concatenate3A_1219 = tpu.concatenate %mul3A_1084, %add3A_1104, %add3A_1124, %mul3A_1130, %add3A_1164, %add3A_1184, %add3A_1218 in 0 : vector<32x256xf32>, vector<32x256xf32>, vector<32x256xf32>, vector<32x256xf32>, vector<32x256xf32>, vector<32x256xf32>, vector<32x256xf32> -> vector<224x256xf32>
    %mul3A_1220 = vector.broadcast %max3A_15 : vector<1x256xf32> to vector<224x256xf32>
    %mul3A_1221 = arith.mulf %concatenate3A_1219, %mul3A_1220 : vector<224x256xf32>
    %concatenate3A_1222 = tpu.concatenate %mul3A_1221, %concatenate3A_1219 in 0 : vector<224x256xf32>, vector<224x256xf32> -> vector<448x256xf32>
    %get3A_1223 = arith.constant 0 : index
    %get3A_1224 = arith.constant 0 : index
    %get3A_1225 = vector.load %arg5[%get3A_1223, %get3A_1224] : memref<32x448xf32, #tpu.memory_space<vmem>>, vector<32x448xf32>
    %dot_general3A_1226 = arith.constant dense<0.000000e+00> : vector<32x256xf32>
    %dot_general3A_1227 = tpu.matmul %get3A_1225, %concatenate3A_1222, %dot_general3A_1226 {dimension_numbers = #tpu.dot_dimension_numbers<[1], [0], [0], [1], [0, 0, 1, 1], [], []>, transpose_lhs_hint = false} : vector<32x448xf32>, vector<448x256xf32>, vector<32x256xf32> -> vector<32x256xf32>
    %swap3A_1228 = arith.constant 192 : index
    %swap3A_1229 = arith.constant 0 : index
    %swap3A_1230 = vector.load %arg7[%swap3A_1228, %swap3A_1229] : memref<512x256xf32, #tpu.memory_space<vmem>>, vector<32x256xf32>
    tpu.vector_store %arg7[%swap3A_1228, %swap3A_1229], %dot_general3A_1227 {strides = array<i32>} : memref<512x256xf32, #tpu.memory_space<vmem>>, vector<32x256xf32>,
    %mul3A_1231 = arith.constant 0.44721359 : f32
    %mul3A_1232 = vector.broadcast %mul3A_1231 : f32 to vector<1x256xf32>
    %mul3A_1233 = arith.mulf %mul3A_1232, %mul3A_51 : vector<1x256xf32>
    %slice3A_1234 = vector.extract_strided_slice %transpose3A {offsets = [0, 0], sizes = [32, 256], strides = [1, 1]} : vector<512x256xf32> to vector<32x256xf32>
    %mul3A_1235 = vector.broadcast %mul3A_1233 : vector<1x256xf32> to vector<32x256xf32>
    %mul3A_1236 = arith.mulf %slice3A_1234, %mul3A_1235 : vector<32x256xf32>
    %mul3A_1237 = arith.constant 0.316227764 : f32
    %mul3A_1238 = vector.broadcast %mul3A_1237 : f32 to vector<1x256xf32>
    %mul3A_1239 = arith.mulf %mul3A_1238, %mul3A_30 : vector<1x256xf32>
    %slice3A_1240 = vector.extract_strided_slice %transpose3A {offsets = [64, 0], sizes = [32, 256], strides = [1, 1]} : vector<512x256xf32> to vector<32x256xf32>
    %mul3A_1241 = vector.broadcast %mul3A_1239 : vector<1x256xf32> to vector<32x256xf32>
    %mul3A_1242 = arith.mulf %slice3A_1240, %mul3A_1241 : vector<32x256xf32>
    %mul3A_1243 = arith.constant 0.316227764 : f32
    %mul3A_1244 = vector.broadcast %mul3A_1243 : f32 to vector<1x256xf32>
    %mul3A_1245 = arith.mulf %mul3A_1244, %mul3A_27 : vector<1x256xf32>
    %slice3A_1246 = vector.extract_strided_slice %transpose3A {offsets = [96, 0], sizes = [32, 256], strides = [1, 1]} : vector<512x256xf32> to vector<32x256xf32>
    %mul3A_1247 = vector.broadcast %mul3A_1245 : vector<1x256xf32> to vector<32x256xf32>
    %mul3A_1248 = arith.mulf %slice3A_1246, %mul3A_1247 : vector<32x256xf32>
    %add3A_1249 = arith.addf %mul3A_1242, %mul3A_1248 : vector<32x256xf32>
    %mul3A_1250 = arith.constant -0.218217894 : f32
    %mul3A_1251 = vector.broadcast %mul3A_1250 : f32 to vector<1x256xf32>
    %mul3A_1252 = arith.mulf %mul3A_1251, %mul3A_72 : vector<1x256xf32>
    %slice3A_1253 = vector.extract_strided_slice %transpose3A {offsets = [32, 0], sizes = [32, 256], strides = [1, 1]} : vector<512x256xf32> to vector<32x256xf32>
    %mul3A_1254 = vector.broadcast %mul3A_1252 : vector<1x256xf32> to vector<32x256xf32>
    %mul3A_1255 = arith.mulf %slice3A_1253, %mul3A_1254 : vector<32x256xf32>
    %mul3A_1256 = arith.constant -0.276026219 : f32
    %mul3A_1257 = vector.broadcast %mul3A_1256 : f32 to vector<1x256xf32>
    %mul3A_1258 = arith.mulf %mul3A_1257, %mul3A_106 : vector<1x256xf32>
    %slice3A_1259 = vector.extract_strided_slice %transpose3A {offsets = [64, 0], sizes = [32, 256], strides = [1, 1]} : vector<512x256xf32> to vector<32x256xf32>
    %mul3A_1260 = vector.broadcast %mul3A_1258 : vector<1x256xf32> to vector<32x256xf32>
    %mul3A_1261 = arith.mulf %slice3A_1259, %mul3A_1260 : vector<32x256xf32>
    %add3A_1262 = arith.addf %mul3A_1255, %mul3A_1261 : vector<32x256xf32>
    %mul3A_1263 = arith.constant 0.169030845 : f32
    %mul3A_1264 = vector.broadcast %mul3A_1263 : f32 to vector<1x256xf32>
    %mul3A_1265 = arith.mulf %mul3A_1264, %mul3A_95 : vector<1x256xf32>
    %mul3A_1266 = arith.constant -0.218217894 : f32
    %mul3A_1267 = vector.broadcast %mul3A_1266 : f32 to vector<1x256xf32>
    %mul3A_1268 = arith.mulf %mul3A_1267, %mul3A_113 : vector<1x256xf32>
    %add3A_1269 = arith.addf %mul3A_1265, %mul3A_1268 : vector<1x256xf32>
    %slice3A_1270 = vector.extract_strided_slice %transpose3A {offsets = [96, 0], sizes = [32, 256], strides = [1, 1]} : vector<512x256xf32> to vector<32x256xf32>
    %mul3A_1271 = vector.broadcast %add3A_1269 : vector<1x256xf32> to vector<32x256xf32>
    %mul3A_1272 = arith.mulf %slice3A_1270, %mul3A_1271 : vector<32x256xf32>
    %add3A_1273 = arith.addf %add3A_1262, %mul3A_1272 : vector<32x256xf32>
    %mul3A_1274 = arith.constant 0.44721359 : f32
    %mul3A_1275 = vector.broadcast %mul3A_1274 : f32 to vector<1x256xf32>
    %mul3A_1276 = arith.mulf %mul3A_1275, %broadcast_in_dim3A_21 : vector<1x256xf32>
    %slice3A_1277 = vector.extract_strided_slice %transpose3A {offsets = [224, 0], sizes = [32, 256], strides = [1, 1]} : vector<512x256xf32> to vector<32x256xf32>
    %mul3A_1278 = vector.broadcast %mul3A_1276 : vector<1x256xf32> to vector<32x256xf32>
    %mul3A_1279 = arith.mulf %slice3A_1277, %mul3A_1278 : vector<32x256xf32>
    %mul3A_1280 = arith.constant -0.207019672 : f32
    %mul3A_1281 = vector.broadcast %mul3A_1280 : f32 to vector<1x256xf32>
    %mul3A_1282 = arith.mulf %mul3A_1281, %mul3A_38 : vector<1x256xf32>
    %slice3A_1283 = vector.extract_strided_slice %transpose3A {offsets = [128, 0], sizes = [32, 256], strides = [1, 1]} : vector<512x256xf32> to vector<32x256xf32>
    %mul3A_1284 = vector.broadcast %mul3A_1282 : vector<1x256xf32> to vector<32x256xf32>
    %mul3A_1285 = arith.mulf %slice3A_1283, %mul3A_1284 : vector<32x256xf32>
    %mul3A_1286 = arith.constant -0.207019672 : f32
    %mul3A_1287 = vector.broadcast %mul3A_1286 : f32 to vector<1x256xf32>
    %mul3A_1288 = arith.mulf %mul3A_1287, %mul3A_34 : vector<1x256xf32>
    %slice3A_1289 = vector.extract_strided_slice %transpose3A {offsets = [160, 0], sizes = [32, 256], strides = [1, 1]} : vector<512x256xf32> to vector<32x256xf32>
    %mul3A_1290 = vector.broadcast %mul3A_1288 : vector<1x256xf32> to vector<32x256xf32>
    %mul3A_1291 = arith.mulf %slice3A_1289, %mul3A_1290 : vector<32x256xf32>
    %add3A_1292 = arith.addf %mul3A_1285, %mul3A_1291 : vector<32x256xf32>
    %mul3A_1293 = arith.constant -0.119522862 : f32
    %mul3A_1294 = vector.broadcast %mul3A_1293 : f32 to vector<1x256xf32>
    %mul3A_1295 = arith.mulf %mul3A_1294, %mul3A_51 : vector<1x256xf32>
    %slice3A_1296 = vector.extract_strided_slice %transpose3A {offsets = [192, 0], sizes = [32, 256], strides = [1, 1]} : vector<512x256xf32> to vector<32x256xf32>
    %mul3A_1297 = vector.broadcast %mul3A_1295 : vector<1x256xf32> to vector<32x256xf32>
    %mul3A_1298 = arith.mulf %slice3A_1296, %mul3A_1297 : vector<32x256xf32>
    %add3A_1299 = arith.addf %add3A_1292, %mul3A_1298 : vector<32x256xf32>
    %mul3A_1300 = arith.constant -0.119522862 : f32
    %mul3A_1301 = vector.broadcast %mul3A_1300 : f32 to vector<1x256xf32>
    %mul3A_1302 = arith.mulf %mul3A_1301, %mul3A_47 : vector<1x256xf32>
    %mul3A_1303 = arith.constant -0.207019672 : f32
    %mul3A_1304 = vector.broadcast %mul3A_1303 : f32 to vector<1x256xf32>
    %mul3A_1305 = arith.mulf %mul3A_1304, %mul3A_57 : vector<1x256xf32>
    %add3A_1306 = arith.addf %mul3A_1302, %mul3A_1305 : vector<1x256xf32>
    %slice3A_1307 = vector.extract_strided_slice %transpose3A {offsets = [224, 0], sizes = [32, 256], strides = [1, 1]} : vector<512x256xf32> to vector<32x256xf32>
    %mul3A_1308 = vector.broadcast %add3A_1306 : vector<1x256xf32> to vector<32x256xf32>
    %mul3A_1309 = arith.mulf %slice3A_1307, %mul3A_1308 : vector<32x256xf32>
    %add3A_1310 = arith.addf %add3A_1299, %mul3A_1309 : vector<32x256xf32>
    %mul3A_1311 = arith.constant -0.207019672 : f32
    %mul3A_1312 = vector.broadcast %mul3A_1311 : f32 to vector<1x256xf32>
    %mul3A_1313 = arith.mulf %mul3A_1312, %mul3A_51 : vector<1x256xf32>
    %slice3A_1314 = vector.extract_strided_slice %transpose3A {offsets = [256, 0], sizes = [32, 256], strides = [1, 1]} : vector<512x256xf32> to vector<32x256xf32>
    %mul3A_1315 = vector.broadcast %mul3A_1313 : vector<1x256xf32> to vector<32x256xf32>
    %mul3A_1316 = arith.mulf %slice3A_1314, %mul3A_1315 : vector<32x256xf32>
    %add3A_1317 = arith.addf %add3A_1310, %mul3A_1316 : vector<32x256xf32>
    %mul3A_1318 = arith.constant -0.218217894 : f32
    %mul3A_1319 = vector.broadcast %mul3A_1318 : f32 to vector<1x256xf32>
    %mul3A_1320 = arith.mulf %mul3A_1319, %mul3A_24 : vector<1x256xf32>
    %slice3A_1321 = vector.extract_strided_slice %transpose3A {offsets = [320, 0], sizes = [32, 256], strides = [1, 1]} : vector<512x256xf32> to vector<32x256xf32>
    %mul3A_1322 = vector.broadcast %mul3A_1320 : vector<1x256xf32> to vector<32x256xf32>
    %mul3A_1323 = arith.mulf %slice3A_1321, %mul3A_1322 : vector<32x256xf32>
    %mul3A_1324 = arith.constant 0.169030845 : f32
    %mul3A_1325 = vector.broadcast %mul3A_1324 : f32 to vector<1x256xf32>
    %mul3A_1326 = arith.mulf %mul3A_1325, %mul3A_30 : vector<1x256xf32>
    %slice3A_1327 = vector.extract_strided_slice %transpose3A {offsets = [384, 0], sizes = [32, 256], strides = [1, 1]} : vector<512x256xf32> to vector<32x256xf32>
    %mul3A_1328 = vector.broadcast %mul3A_1326 : vector<1x256xf32> to vector<32x256xf32>
    %mul3A_1329 = arith.mulf %slice3A_1327, %mul3A_1328 : vector<32x256xf32>
    %add3A_1330 = arith.addf %mul3A_1323, %mul3A_1329 : vector<32x256xf32>
    %mul3A_1331 = arith.constant -0.276026219 : f32
    %mul3A_1332 = vector.broadcast %mul3A_1331 : f32 to vector<1x256xf32>
    %mul3A_1333 = arith.mulf %mul3A_1332, %mul3A_27 : vector<1x256xf32>
    %slice3A_1334 = vector.extract_strided_slice %transpose3A {offsets = [416, 0], sizes = [32, 256], strides = [1, 1]} : vector<512x256xf32> to vector<32x256xf32>
    %mul3A_1335 = vector.broadcast %mul3A_1333 : vector<1x256xf32> to vector<32x256xf32>
    %mul3A_1336 = arith.mulf %slice3A_1334, %mul3A_1335 : vector<32x256xf32>
    %add3A_1337 = arith.addf %add3A_1330, %mul3A_1336 : vector<32x256xf32>
    %mul3A_1338 = arith.constant -0.218217894 : f32
    %mul3A_1339 = vector.broadcast %mul3A_1338 : f32 to vector<1x256xf32>
    %mul3A_1340 = arith.mulf %mul3A_1339, %mul3A_30 : vector<1x256xf32>
    %slice3A_1341 = vector.extract_strided_slice %transpose3A {offsets = [448, 0], sizes = [32, 256], strides = [1, 1]} : vector<512x256xf32> to vector<32x256xf32>
    %mul3A_1342 = vector.broadcast %mul3A_1340 : vector<1x256xf32> to vector<32x256xf32>
    %mul3A_1343 = arith.mulf %slice3A_1341, %mul3A_1342 : vector<32x256xf32>
    %add3A_1344 = arith.addf %add3A_1337, %mul3A_1343 : vector<32x256xf32>
    %mul3A_1345 = arith.constant 0.172516391 : f32
    %mul3A_1346 = vector.broadcast %mul3A_1345 : f32 to vector<1x256xf32>
    %mul3A_1347 = arith.mulf %mul3A_1346, %mul3A_72 : vector<1x256xf32>
    %slice3A_1348 = vector.extract_strided_slice %transpose3A {offsets = [288, 0], sizes = [32, 256], strides = [1, 1]} : vector<512x256xf32> to vector<32x256xf32>
    %mul3A_1349 = vector.broadcast %mul3A_1347 : vector<1x256xf32> to vector<32x256xf32>
    %mul3A_1350 = arith.mulf %slice3A_1348, %mul3A_1349 : vector<32x256xf32>
    %mul3A_1351 = arith.constant 0.172516391 : f32
    %mul3A_1352 = vector.broadcast %mul3A_1351 : f32 to vector<1x256xf32>
    %mul3A_1353 = arith.mulf %mul3A_1352, %mul3A_67 : vector<1x256xf32>
    %mul3A_1354 = arith.constant 0.133630618 : f32
    %mul3A_1355 = vector.broadcast %mul3A_1354 : f32 to vector<1x256xf32>
    %mul3A_1356 = arith.mulf %mul3A_1355, %mul3A_83 : vector<1x256xf32>
    %add3A_1357 = arith.addf %mul3A_1353, %mul3A_1356 : vector<1x256xf32>
    %slice3A_1358 = vector.extract_strided_slice %transpose3A {offsets = [320, 0], sizes = [32, 256], strides = [1, 1]} : vector<512x256xf32> to vector<32x256xf32>
    %mul3A_1359 = vector.broadcast %add3A_1357 : vector<1x256xf32> to vector<32x256xf32>
    %mul3A_1360 = arith.mulf %slice3A_1358, %mul3A_1359 : vector<32x256xf32>
    %add3A_1361 = arith.addf %mul3A_1350, %mul3A_1360 : vector<32x256xf32>
    %mul3A_1362 = arith.constant 0.133630618 : f32
    %mul3A_1363 = vector.broadcast %mul3A_1362 : f32 to vector<1x256xf32>
    %mul3A_1364 = arith.mulf %mul3A_1363, %mul3A_72 : vector<1x256xf32>
    %slice3A_1365 = vector.extract_strided_slice %transpose3A {offsets = [352, 0], sizes = [32, 256], strides = [1, 1]} : vector<512x256xf32> to vector<32x256xf32>
    %mul3A_1366 = vector.broadcast %mul3A_1364 : vector<1x256xf32> to vector<32x256xf32>
    %mul3A_1367 = arith.mulf %slice3A_1365, %mul3A_1366 : vector<32x256xf32>
    %add3A_1368 = arith.addf %add3A_1361, %mul3A_1367 : vector<32x256xf32>
    %mul3A_1369 = arith.constant 0.0690065548 : f32
    %mul3A_1370 = vector.broadcast %mul3A_1369 : f32 to vector<1x256xf32>
    %mul3A_1371 = arith.mulf %mul3A_1370, %mul3A_106 : vector<1x256xf32>
    %slice3A_1372 = vector.extract_strided_slice %transpose3A {offsets = [384, 0], sizes = [32, 256], strides = [1, 1]} : vector<512x256xf32> to vector<32x256xf32>
    %mul3A_1373 = vector.broadcast %mul3A_1371 : vector<1x256xf32> to vector<32x256xf32>
    %mul3A_1374 = arith.mulf %slice3A_1372, %mul3A_1373 : vector<32x256xf32>
    %add3A_1375 = arith.addf %add3A_1368, %mul3A_1374 : vector<32x256xf32>
    %mul3A_1376 = arith.constant 0.0690065548 : f32
    %mul3A_1377 = vector.broadcast %mul3A_1376 : f32 to vector<1x256xf32>
    %mul3A_1378 = arith.mulf %mul3A_1377, %mul3A_95 : vector<1x256xf32>
    %mul3A_1379 = arith.constant 0.133630618 : f32
    %mul3A_1380 = vector.broadcast %mul3A_1379 : f32 to vector<1x256xf32>
    %mul3A_1381 = arith.mulf %mul3A_1380, %mul3A_113 : vector<1x256xf32>
    %add3A_1382 = arith.addf %mul3A_1378, %mul3A_1381 : vector<1x256xf32>
    %slice3A_1383 = vector.extract_strided_slice %transpose3A {offsets = [416, 0], sizes = [32, 256], strides = [1, 1]} : vector<512x256xf32> to vector<32x256xf32>
    %mul3A_1384 = vector.broadcast %add3A_1382 : vector<1x256xf32> to vector<32x256xf32>
    %mul3A_1385 = arith.mulf %slice3A_1383, %mul3A_1384 : vector<32x256xf32>
    %add3A_1386 = arith.addf %add3A_1375, %mul3A_1385 : vector<32x256xf32>
    %mul3A_1387 = arith.constant 0.133630618 : f32
    %mul3A_1388 = vector.broadcast %mul3A_1387 : f32 to vector<1x256xf32>
    %mul3A_1389 = arith.mulf %mul3A_1388, %mul3A_106 : vector<1x256xf32>
    %mul3A_1390 = arith.constant 0.172516391 : f32
    %mul3A_1391 = vector.broadcast %mul3A_1390 : f32 to vector<1x256xf32>
    %mul3A_1392 = arith.mulf %mul3A_1391, %mul3A_123 : vector<1x256xf32>
    %add3A_1393 = arith.addf %mul3A_1389, %mul3A_1392 : vector<1x256xf32>
    %slice3A_1394 = vector.extract_strided_slice %transpose3A {offsets = [448, 0], sizes = [32, 256], strides = [1, 1]} : vector<512x256xf32> to vector<32x256xf32>
    %mul3A_1395 = vector.broadcast %add3A_1393 : vector<1x256xf32> to vector<32x256xf32>
    %mul3A_1396 = arith.mulf %slice3A_1394, %mul3A_1395 : vector<32x256xf32>
    %add3A_1397 = arith.addf %add3A_1386, %mul3A_1396 : vector<32x256xf32>
    %mul3A_1398 = arith.constant 0.172516391 : f32
    %mul3A_1399 = vector.broadcast %mul3A_1398 : f32 to vector<1x256xf32>
    %mul3A_1400 = arith.mulf %mul3A_1399, %mul3A_113 : vector<1x256xf32>
    %slice3A_1401 = vector.extract_strided_slice %transpose3A {offsets = [480, 0], sizes = [32, 256], strides = [1, 1]} : vector<512x256xf32> to vector<32x256xf32>
    %mul3A_1402 = vector.broadcast %mul3A_1400 : vector<1x256xf32> to vector<32x256xf32>
    %mul3A_1403 = arith.mulf %slice3A_1401, %mul3A_1402 : vector<32x256xf32>
    %add3A_1404 = arith.addf %add3A_1397, %mul3A_1403 : vector<32x256xf32>
    %concatenate3A_1405 = tpu.concatenate %mul3A_1236, %add3A_1249, %add3A_1273, %mul3A_1279, %add3A_1317, %add3A_1344, %add3A_1404 in 0 : vector<32x256xf32>, vector<32x256xf32>, vector<32x256xf32>, vector<32x256xf32>, vector<32x256xf32>, vector<32x256xf32>, vector<32x256xf32> -> vector<224x256xf32>
    %mul3A_1406 = vector.broadcast %max3A_15 : vector<1x256xf32> to vector<224x256xf32>
    %mul3A_1407 = arith.mulf %concatenate3A_1405, %mul3A_1406 : vector<224x256xf32>
    %concatenate3A_1408 = tpu.concatenate %mul3A_1407, %concatenate3A_1405 in 0 : vector<224x256xf32>, vector<224x256xf32> -> vector<448x256xf32>
    %get3A_1409 = arith.constant 0 : index
    %get3A_1410 = arith.constant 0 : index
    %get3A_1411 = vector.load %arg5[%get3A_1409, %get3A_1410] : memref<32x448xf32, #tpu.memory_space<vmem>>, vector<32x448xf32>
    %dot_general3A_1412 = arith.constant dense<0.000000e+00> : vector<32x256xf32>
    %dot_general3A_1413 = tpu.matmul %get3A_1411, %concatenate3A_1408, %dot_general3A_1412 {dimension_numbers = #tpu.dot_dimension_numbers<[1], [0], [0], [1], [0, 0, 1, 1], [], []>, transpose_lhs_hint = false} : vector<32x448xf32>, vector<448x256xf32>, vector<32x256xf32> -> vector<32x256xf32>
    %swap3A_1414 = arith.constant 224 : index
    %swap3A_1415 = arith.constant 0 : index
    %swap3A_1416 = vector.load %arg7[%swap3A_1414, %swap3A_1415] : memref<512x256xf32, #tpu.memory_space<vmem>>, vector<32x256xf32>
    tpu.vector_store %arg7[%swap3A_1414, %swap3A_1415], %dot_general3A_1413 {strides = array<i32>} : memref<512x256xf32, #tpu.memory_space<vmem>>, vector<32x256xf32>,
    %mul3A_1417 = arith.constant 0.44721359 : f32
    %mul3A_1418 = vector.broadcast %mul3A_1417 : f32 to vector<1x256xf32>
    %mul3A_1419 = arith.mulf %mul3A_1418, %mul3A_57 : vector<1x256xf32>
    %slice3A_1420 = vector.extract_strided_slice %transpose3A {offsets = [0, 0], sizes = [32, 256], strides = [1, 1]} : vector<512x256xf32> to vector<32x256xf32>
    %mul3A_1421 = vector.broadcast %mul3A_1419 : vector<1x256xf32> to vector<32x256xf32>
    %mul3A_1422 = arith.mulf %slice3A_1420, %mul3A_1421 : vector<32x256xf32>
    %mul3A_1423 = arith.constant -0.316227764 : f32
    %mul3A_1424 = vector.broadcast %mul3A_1423 : f32 to vector<1x256xf32>
    %mul3A_1425 = arith.mulf %mul3A_1424, %mul3A_24 : vector<1x256xf32>
    %slice3A_1426 = vector.extract_strided_slice %transpose3A {offsets = [32, 0], sizes = [32, 256], strides = [1, 1]} : vector<512x256xf32> to vector<32x256xf32>
    %mul3A_1427 = vector.broadcast %mul3A_1425 : vector<1x256xf32> to vector<32x256xf32>
    %mul3A_1428 = arith.mulf %slice3A_1426, %mul3A_1427 : vector<32x256xf32>
    %mul3A_1429 = arith.constant 0.316227764 : f32
    %mul3A_1430 = vector.broadcast %mul3A_1429 : f32 to vector<1x256xf32>
    %mul3A_1431 = arith.mulf %mul3A_1430, %mul3A_30 : vector<1x256xf32>
    %slice3A_1432 = vector.extract_strided_slice %transpose3A {offsets = [96, 0], sizes = [32, 256], strides = [1, 1]} : vector<512x256xf32> to vector<32x256xf32>
    %mul3A_1433 = vector.broadcast %mul3A_1431 : vector<1x256xf32> to vector<32x256xf32>
    %mul3A_1434 = arith.mulf %slice3A_1432, %mul3A_1433 : vector<32x256xf32>
    %add3A_1435 = arith.addf %mul3A_1428, %mul3A_1434 : vector<32x256xf32>
    %mul3A_1436 = arith.constant -0.267261237 : f32
    %mul3A_1437 = vector.broadcast %mul3A_1436 : f32 to vector<1x256xf32>
    %mul3A_1438 = arith.mulf %mul3A_1437, %mul3A_67 : vector<1x256xf32>
    %mul3A_1439 = arith.constant -0.0690065548 : f32
    %mul3A_1440 = vector.broadcast %mul3A_1439 : f32 to vector<1x256xf32>
    %mul3A_1441 = arith.mulf %mul3A_1440, %mul3A_83 : vector<1x256xf32>
    %add3A_1442 = arith.addf %mul3A_1438, %mul3A_1441 : vector<1x256xf32>
    %slice3A_1443 = vector.extract_strided_slice %transpose3A {offsets = [32, 0], sizes = [32, 256], strides = [1, 1]} : vector<512x256xf32> to vector<32x256xf32>
    %mul3A_1444 = vector.broadcast %add3A_1442 : vector<1x256xf32> to vector<32x256xf32>
    %mul3A_1445 = arith.mulf %slice3A_1443, %mul3A_1444 : vector<32x256xf32>
    %mul3A_1446 = arith.constant -0.218217894 : f32
    %mul3A_1447 = vector.broadcast %mul3A_1446 : f32 to vector<1x256xf32>
    %mul3A_1448 = arith.mulf %mul3A_1447, %mul3A_113 : vector<1x256xf32>
    %slice3A_1449 = vector.extract_strided_slice %transpose3A {offsets = [64, 0], sizes = [32, 256], strides = [1, 1]} : vector<512x256xf32> to vector<32x256xf32>
    %mul3A_1450 = vector.broadcast %mul3A_1448 : vector<1x256xf32> to vector<32x256xf32>
    %mul3A_1451 = arith.mulf %slice3A_1449, %mul3A_1450 : vector<32x256xf32>
    %add3A_1452 = arith.addf %mul3A_1445, %mul3A_1451 : vector<32x256xf32>
    %mul3A_1453 = arith.constant 0.0690065548 : f32
    %mul3A_1454 = vector.broadcast %mul3A_1453 : f32 to vector<1x256xf32>
    %mul3A_1455 = arith.mulf %mul3A_1454, %mul3A_106 : vector<1x256xf32>
    %mul3A_1456 = arith.constant -0.267261237 : f32
    %mul3A_1457 = vector.broadcast %mul3A_1456 : f32 to vector<1x256xf32>
    %mul3A_1458 = arith.mulf %mul3A_1457, %mul3A_123 : vector<1x256xf32>
    %add3A_1459 = arith.addf %mul3A_1455, %mul3A_1458 : vector<1x256xf32>
    %slice3A_1460 = vector.extract_strided_slice %transpose3A {offsets = [96, 0], sizes = [32, 256], strides = [1, 1]} : vector<512x256xf32> to vector<32x256xf32>
    %mul3A_1461 = vector.broadcast %add3A_1459 : vector<1x256xf32> to vector<32x256xf32>
    %mul3A_1462 = arith.mulf %slice3A_1460, %mul3A_1461 : vector<32x256xf32>
    %add3A_1463 = arith.addf %add3A_1452, %mul3A_1462 : vector<32x256xf32>
    %mul3A_1464 = arith.constant 0.44721359 : f32
    %mul3A_1465 = vector.broadcast %mul3A_1464 : f32 to vector<1x256xf32>
    %mul3A_1466 = arith.mulf %mul3A_1465, %broadcast_in_dim3A_21 : vector<1x256xf32>
    %slice3A_1467 = vector.extract_strided_slice %transpose3A {offsets = [256, 0], sizes = [32, 256], strides = [1, 1]} : vector<512x256xf32> to vector<32x256xf32>
    %mul3A_1468 = vector.broadcast %mul3A_1466 : vector<1x256xf32> to vector<32x256xf32>
    %mul3A_1469 = arith.mulf %slice3A_1467, %mul3A_1468 : vector<32x256xf32>
    %mul3A_1470 = arith.constant 0.207019672 : f32
    %mul3A_1471 = vector.broadcast %mul3A_1470 : f32 to vector<1x256xf32>
    %mul3A_1472 = arith.mulf %mul3A_1471, %mul3A_38 : vector<1x256xf32>
    %slice3A_1473 = vector.extract_strided_slice %transpose3A {offsets = [160, 0], sizes = [32, 256], strides = [1, 1]} : vector<512x256xf32> to vector<32x256xf32>
    %mul3A_1474 = vector.broadcast %mul3A_1472 : vector<1x256xf32> to vector<32x256xf32>
    %mul3A_1475 = arith.mulf %slice3A_1473, %mul3A_1474 : vector<32x256xf32>
    %mul3A_1476 = arith.constant 0.239045724 : f32
    %mul3A_1477 = vector.broadcast %mul3A_1476 : f32 to vector<1x256xf32>
    %mul3A_1478 = arith.mulf %mul3A_1477, %mul3A_57 : vector<1x256xf32>
    %slice3A_1479 = vector.extract_strided_slice %transpose3A {offsets = [192, 0], sizes = [32, 256], strides = [1, 1]} : vector<512x256xf32> to vector<32x256xf32>
    %mul3A_1480 = vector.broadcast %mul3A_1478 : vector<1x256xf32> to vector<32x256xf32>
    %mul3A_1481 = arith.mulf %slice3A_1479, %mul3A_1480 : vector<32x256xf32>
    %add3A_1482 = arith.addf %mul3A_1475, %mul3A_1481 : vector<32x256xf32>
    %mul3A_1483 = arith.constant -0.207019672 : f32
    %mul3A_1484 = vector.broadcast %mul3A_1483 : f32 to vector<1x256xf32>
    %mul3A_1485 = arith.mulf %mul3A_1484, %mul3A_51 : vector<1x256xf32>
    %slice3A_1486 = vector.extract_strided_slice %transpose3A {offsets = [224, 0], sizes = [32, 256], strides = [1, 1]} : vector<512x256xf32> to vector<32x256xf32>
    %mul3A_1487 = vector.broadcast %mul3A_1485 : vector<1x256xf32> to vector<32x256xf32>
    %mul3A_1488 = arith.mulf %slice3A_1486, %mul3A_1487 : vector<32x256xf32>
    %add3A_1489 = arith.addf %add3A_1482, %mul3A_1488 : vector<32x256xf32>
    %mul3A_1490 = arith.constant 0.239045724 : f32
    %mul3A_1491 = vector.broadcast %mul3A_1490 : f32 to vector<1x256xf32>
    %mul3A_1492 = arith.mulf %mul3A_1491, %mul3A_47 : vector<1x256xf32>
    %slice3A_1493 = vector.extract_strided_slice %transpose3A {offsets = [256, 0], sizes = [32, 256], strides = [1, 1]} : vector<512x256xf32> to vector<32x256xf32>
    %mul3A_1494 = vector.broadcast %mul3A_1492 : vector<1x256xf32> to vector<32x256xf32>
    %mul3A_1495 = arith.mulf %slice3A_1493, %mul3A_1494 : vector<32x256xf32>
    %add3A_1496 = arith.addf %add3A_1489, %mul3A_1495 : vector<32x256xf32>
    %mul3A_1497 = arith.constant -0.267261237 : f32
    %mul3A_1498 = vector.broadcast %mul3A_1497 : f32 to vector<1x256xf32>
    %mul3A_1499 = arith.mulf %mul3A_1498, %mul3A_24 : vector<1x256xf32>
    %slice3A_1500 = vector.extract_strided_slice %transpose3A {offsets = [288, 0], sizes = [32, 256], strides = [1, 1]} : vector<512x256xf32> to vector<32x256xf32>
    %mul3A_1501 = vector.broadcast %mul3A_1499 : vector<1x256xf32> to vector<32x256xf32>
    %mul3A_1502 = arith.mulf %slice3A_1500, %mul3A_1501 : vector<32x256xf32>
    %mul3A_1503 = arith.constant -0.0690065548 : f32
    %mul3A_1504 = vector.broadcast %mul3A_1503 : f32 to vector<1x256xf32>
    %mul3A_1505 = arith.mulf %mul3A_1504, %mul3A_24 : vector<1x256xf32>
    %slice3A_1506 = vector.extract_strided_slice %transpose3A {offsets = [352, 0], sizes = [32, 256], strides = [1, 1]} : vector<512x256xf32> to vector<32x256xf32>
    %mul3A_1507 = vector.broadcast %mul3A_1505 : vector<1x256xf32> to vector<32x256xf32>
    %mul3A_1508 = arith.mulf %slice3A_1506, %mul3A_1507 : vector<32x256xf32>
    %add3A_1509 = arith.addf %mul3A_1502, %mul3A_1508 : vector<32x256xf32>
    %mul3A_1510 = arith.constant 0.0690065548 : f32
    %mul3A_1511 = vector.broadcast %mul3A_1510 : f32 to vector<1x256xf32>
    %mul3A_1512 = arith.mulf %mul3A_1511, %mul3A_30 : vector<1x256xf32>
    %slice3A_1513 = vector.extract_strided_slice %transpose3A {offsets = [416, 0], sizes = [32, 256], strides = [1, 1]} : vector<512x256xf32> to vector<32x256xf32>
    %mul3A_1514 = vector.broadcast %mul3A_1512 : vector<1x256xf32> to vector<32x256xf32>
    %mul3A_1515 = arith.mulf %slice3A_1513, %mul3A_1514 : vector<32x256xf32>
    %add3A_1516 = arith.addf %add3A_1509, %mul3A_1515 : vector<32x256xf32>
    %mul3A_1517 = arith.constant -0.218217894 : f32
    %mul3A_1518 = vector.broadcast %mul3A_1517 : f32 to vector<1x256xf32>
    %mul3A_1519 = arith.mulf %mul3A_1518, %mul3A_27 : vector<1x256xf32>
    %slice3A_1520 = vector.extract_strided_slice %transpose3A {offsets = [448, 0], sizes = [32, 256], strides = [1, 1]} : vector<512x256xf32> to vector<32x256xf32>
    %mul3A_1521 = vector.broadcast %mul3A_1519 : vector<1x256xf32> to vector<32x256xf32>
    %mul3A_1522 = arith.mulf %slice3A_1520, %mul3A_1521 : vector<32x256xf32>
    %add3A_1523 = arith.addf %add3A_1516, %mul3A_1522 : vector<32x256xf32>
    %mul3A_1524 = arith.constant -0.267261237 : f32
    %mul3A_1525 = vector.broadcast %mul3A_1524 : f32 to vector<1x256xf32>
    %mul3A_1526 = arith.mulf %mul3A_1525, %mul3A_30 : vector<1x256xf32>
    %slice3A_1527 = vector.extract_strided_slice %transpose3A {offsets = [480, 0], sizes = [32, 256], strides = [1, 1]} : vector<512x256xf32> to vector<32x256xf32>
    %mul3A_1528 = vector.broadcast %mul3A_1526 : vector<1x256xf32> to vector<32x256xf32>
    %mul3A_1529 = arith.mulf %slice3A_1527, %mul3A_1528 : vector<32x256xf32>
    %add3A_1530 = arith.addf %add3A_1523, %mul3A_1529 : vector<32x256xf32>
    %mul3A_1531 = arith.constant -0.109108947 : f32
    %mul3A_1532 = vector.broadcast %mul3A_1531 : f32 to vector<1x256xf32>
    %mul3A_1533 = arith.mulf %mul3A_1532, %mul3A_83 : vector<1x256xf32>
    %slice3A_1534 = vector.extract_strided_slice %transpose3A {offsets = [288, 0], sizes = [32, 256], strides = [1, 1]} : vector<512x256xf32> to vector<32x256xf32>
    %mul3A_1535 = vector.broadcast %mul3A_1533 : vector<1x256xf32> to vector<32x256xf32>
    %mul3A_1536 = arith.mulf %slice3A_1534, %mul3A_1535 : vector<32x256xf32>
    %mul3A_1537 = arith.constant -0.109108947 : f32
    %mul3A_1538 = vector.broadcast %mul3A_1537 : f32 to vector<1x256xf32>
    %mul3A_1539 = arith.mulf %mul3A_1538, %mul3A_67 : vector<1x256xf32>
    %mul3A_1540 = arith.constant -0.169030845 : f32
    %mul3A_1541 = vector.broadcast %mul3A_1540 : f32 to vector<1x256xf32>
    %mul3A_1542 = arith.mulf %mul3A_1541, %mul3A_83 : vector<1x256xf32>
    %add3A_1543 = arith.addf %mul3A_1539, %mul3A_1542 : vector<1x256xf32>
    %slice3A_1544 = vector.extract_strided_slice %transpose3A {offsets = [352, 0], sizes = [32, 256], strides = [1, 1]} : vector<512x256xf32> to vector<32x256xf32>
    %mul3A_1545 = vector.broadcast %add3A_1543 : vector<1x256xf32> to vector<32x256xf32>
    %mul3A_1546 = arith.mulf %slice3A_1544, %mul3A_1545 : vector<32x256xf32>
    %add3A_1547 = arith.addf %mul3A_1536, %mul3A_1546 : vector<32x256xf32>
    %mul3A_1548 = arith.constant -0.218217894 : f32
    %mul3A_1549 = vector.broadcast %mul3A_1548 : f32 to vector<1x256xf32>
    %mul3A_1550 = arith.mulf %mul3A_1549, %mul3A_113 : vector<1x256xf32>
    %slice3A_1551 = vector.extract_strided_slice %transpose3A {offsets = [384, 0], sizes = [32, 256], strides = [1, 1]} : vector<512x256xf32> to vector<32x256xf32>
    %mul3A_1552 = vector.broadcast %mul3A_1550 : vector<1x256xf32> to vector<32x256xf32>
    %mul3A_1553 = arith.mulf %slice3A_1551, %mul3A_1552 : vector<32x256xf32>
    %add3A_1554 = arith.addf %add3A_1547, %mul3A_1553 : vector<32x256xf32>
    %mul3A_1555 = arith.constant 0.169030845 : f32
    %mul3A_1556 = vector.broadcast %mul3A_1555 : f32 to vector<1x256xf32>
    %mul3A_1557 = arith.mulf %mul3A_1556, %mul3A_106 : vector<1x256xf32>
    %mul3A_1558 = arith.constant -0.109108947 : f32
    %mul3A_1559 = vector.broadcast %mul3A_1558 : f32 to vector<1x256xf32>
    %mul3A_1560 = arith.mulf %mul3A_1559, %mul3A_123 : vector<1x256xf32>
    %add3A_1561 = arith.addf %mul3A_1557, %mul3A_1560 : vector<1x256xf32>
    %slice3A_1562 = vector.extract_strided_slice %transpose3A {offsets = [416, 0], sizes = [32, 256], strides = [1, 1]} : vector<512x256xf32> to vector<32x256xf32>
    %mul3A_1563 = vector.broadcast %add3A_1561 : vector<1x256xf32> to vector<32x256xf32>
    %mul3A_1564 = arith.mulf %slice3A_1562, %mul3A_1563 : vector<32x256xf32>
    %add3A_1565 = arith.addf %add3A_1554, %mul3A_1564 : vector<32x256xf32>
    %mul3A_1566 = arith.constant -0.218217894 : f32
    %mul3A_1567 = vector.broadcast %mul3A_1566 : f32 to vector<1x256xf32>
    %mul3A_1568 = arith.mulf %mul3A_1567, %mul3A_95 : vector<1x256xf32>
    %slice3A_1569 = vector.extract_strided_slice %transpose3A {offsets = [448, 0], sizes = [32, 256], strides = [1, 1]} : vector<512x256xf32> to vector<32x256xf32>
    %mul3A_1570 = vector.broadcast %mul3A_1568 : vector<1x256xf32> to vector<32x256xf32>
    %mul3A_1571 = arith.mulf %slice3A_1569, %mul3A_1570 : vector<32x256xf32>
    %add3A_1572 = arith.addf %add3A_1565, %mul3A_1571 : vector<32x256xf32>
    %mul3A_1573 = arith.constant -0.109108947 : f32
    %mul3A_1574 = vector.broadcast %mul3A_1573 : f32 to vector<1x256xf32>
    %mul3A_1575 = arith.mulf %mul3A_1574, %mul3A_106 : vector<1x256xf32>
    %slice3A_1576 = vector.extract_strided_slice %transpose3A {offsets = [480, 0], sizes = [32, 256], strides = [1, 1]} : vector<512x256xf32> to vector<32x256xf32>
    %mul3A_1577 = vector.broadcast %mul3A_1575 : vector<1x256xf32> to vector<32x256xf32>
    %mul3A_1578 = arith.mulf %slice3A_1576, %mul3A_1577 : vector<32x256xf32>
    %add3A_1579 = arith.addf %add3A_1572, %mul3A_1578 : vector<32x256xf32>
    %concatenate3A_1580 = tpu.concatenate %mul3A_1422, %add3A_1435, %add3A_1463, %mul3A_1469, %add3A_1496, %add3A_1530, %add3A_1579 in 0 : vector<32x256xf32>, vector<32x256xf32>, vector<32x256xf32>, vector<32x256xf32>, vector<32x256xf32>, vector<32x256xf32>, vector<32x256xf32> -> vector<224x256xf32>
    %mul3A_1581 = vector.broadcast %max3A_15 : vector<1x256xf32> to vector<224x256xf32>
    %mul3A_1582 = arith.mulf %concatenate3A_1580, %mul3A_1581 : vector<224x256xf32>
    %concatenate3A_1583 = tpu.concatenate %mul3A_1582, %concatenate3A_1580 in 0 : vector<224x256xf32>, vector<224x256xf32> -> vector<448x256xf32>
    %get3A_1584 = arith.constant 0 : index
    %get3A_1585 = arith.constant 0 : index
    %get3A_1586 = vector.load %arg5[%get3A_1584, %get3A_1585] : memref<32x448xf32, #tpu.memory_space<vmem>>, vector<32x448xf32>
    %dot_general3A_1587 = arith.constant dense<0.000000e+00> : vector<32x256xf32>
    %dot_general3A_1588 = tpu.matmul %get3A_1586, %concatenate3A_1583, %dot_general3A_1587 {dimension_numbers = #tpu.dot_dimension_numbers<[1], [0], [0], [1], [0, 0, 1, 1], [], []>, transpose_lhs_hint = false} : vector<32x448xf32>, vector<448x256xf32>, vector<32x256xf32> -> vector<32x256xf32>
    %swap3A_1589 = arith.constant 256 : index
    %swap3A_1590 = arith.constant 0 : index
    %swap3A_1591 = vector.load %arg7[%swap3A_1589, %swap3A_1590] : memref<512x256xf32, #tpu.memory_space<vmem>>, vector<32x256xf32>
    tpu.vector_store %arg7[%swap3A_1589, %swap3A_1590], %dot_general3A_1588 {strides = array<i32>} : memref<512x256xf32, #tpu.memory_space<vmem>>, vector<32x256xf32>,
    %mul3A_1592 = arith.constant 0.377964467 : f32
    %mul3A_1593 = vector.broadcast %mul3A_1592 : f32 to vector<1x256xf32>
    %mul3A_1594 = arith.mulf %mul3A_1593, %mul3A_67 : vector<1x256xf32>
    %slice3A_1595 = vector.extract_strided_slice %transpose3A {offsets = [0, 0], sizes = [32, 256], strides = [1, 1]} : vector<512x256xf32> to vector<32x256xf32>
    %mul3A_1596 = vector.broadcast %mul3A_1594 : vector<1x256xf32> to vector<32x256xf32>
    %mul3A_1597 = arith.mulf %slice3A_1595, %mul3A_1596 : vector<32x256xf32>
    %mul3A_1598 = arith.constant 0.267261237 : f32
    %mul3A_1599 = vector.broadcast %mul3A_1598 : f32 to vector<1x256xf32>
    %mul3A_1600 = arith.mulf %mul3A_1599, %mul3A_57 : vector<1x256xf32>
    %slice3A_1601 = vector.extract_strided_slice %transpose3A {offsets = [32, 0], sizes = [32, 256], strides = [1, 1]} : vector<512x256xf32> to vector<32x256xf32>
    %mul3A_1602 = vector.broadcast %mul3A_1600 : vector<1x256xf32> to vector<32x256xf32>
    %mul3A_1603 = arith.mulf %slice3A_1601, %mul3A_1602 : vector<32x256xf32>
    %mul3A_1604 = arith.constant 0.267261237 : f32
    %mul3A_1605 = vector.broadcast %mul3A_1604 : f32 to vector<1x256xf32>
    %mul3A_1606 = arith.mulf %mul3A_1605, %mul3A_34 : vector<1x256xf32>
    %slice3A_1607 = vector.extract_strided_slice %transpose3A {offsets = [96, 0], sizes = [32, 256], strides = [1, 1]} : vector<512x256xf32> to vector<32x256xf32>
    %mul3A_1608 = vector.broadcast %mul3A_1606 : vector<1x256xf32> to vector<32x256xf32>
    %mul3A_1609 = arith.mulf %slice3A_1607, %mul3A_1608 : vector<32x256xf32>
    %add3A_1610 = arith.addf %mul3A_1603, %mul3A_1609 : vector<32x256xf32>
    %mul3A_1611 = arith.constant 0.267261237 : f32
    %mul3A_1612 = vector.broadcast %mul3A_1611 : f32 to vector<1x256xf32>
    %mul3A_1613 = arith.mulf %mul3A_1612, %mul3A_30 : vector<1x256xf32>
    %slice3A_1614 = vector.extract_strided_slice %transpose3A {offsets = [128, 0], sizes = [32, 256], strides = [1, 1]} : vector<512x256xf32> to vector<32x256xf32>
    %mul3A_1615 = vector.broadcast %mul3A_1613 : vector<1x256xf32> to vector<32x256xf32>
    %mul3A_1616 = arith.mulf %slice3A_1614, %mul3A_1615 : vector<32x256xf32>
    %mul3A_1617 = arith.constant 0.267261237 : f32
    %mul3A_1618 = vector.broadcast %mul3A_1617 : f32 to vector<1x256xf32>
    %mul3A_1619 = arith.mulf %mul3A_1618, %mul3A_24 : vector<1x256xf32>
    %slice3A_1620 = vector.extract_strided_slice %transpose3A {offsets = [256, 0], sizes = [32, 256], strides = [1, 1]} : vector<512x256xf32> to vector<32x256xf32>
    %mul3A_1621 = vector.broadcast %mul3A_1619 : vector<1x256xf32> to vector<32x256xf32>
    %mul3A_1622 = arith.mulf %slice3A_1620, %mul3A_1621 : vector<32x256xf32>
    %add3A_1623 = arith.addf %mul3A_1616, %mul3A_1622 : vector<32x256xf32>
    %mul3A_1624 = arith.constant 0.109108947 : f32
    %mul3A_1625 = vector.broadcast %mul3A_1624 : f32 to vector<1x256xf32>
    %mul3A_1626 = arith.mulf %mul3A_1625, %mul3A_106 : vector<1x256xf32>
    %slice3A_1627 = vector.extract_strided_slice %transpose3A {offsets = [128, 0], sizes = [32, 256], strides = [1, 1]} : vector<512x256xf32> to vector<32x256xf32>
    %mul3A_1628 = vector.broadcast %mul3A_1626 : vector<1x256xf32> to vector<32x256xf32>
    %mul3A_1629 = arith.mulf %slice3A_1627, %mul3A_1628 : vector<32x256xf32>
    %mul3A_1630 = arith.constant -0.172516391 : f32
    %mul3A_1631 = vector.broadcast %mul3A_1630 : f32 to vector<1x256xf32>
    %mul3A_1632 = arith.mulf %mul3A_1631, %mul3A_113 : vector<1x256xf32>
    %slice3A_1633 = vector.extract_strided_slice %transpose3A {offsets = [160, 0], sizes = [32, 256], strides = [1, 1]} : vector<512x256xf32> to vector<32x256xf32>
    %mul3A_1634 = vector.broadcast %mul3A_1632 : vector<1x256xf32> to vector<32x256xf32>
    %mul3A_1635 = arith.mulf %slice3A_1633, %mul3A_1634 : vector<32x256xf32>
    %add3A_1636 = arith.addf %mul3A_1629, %mul3A_1635 : vector<32x256xf32>
    %mul3A_1637 = arith.constant 0.243975013 : f32
    %mul3A_1638 = vector.broadcast %mul3A_1637 : f32 to vector<1x256xf32>
    %mul3A_1639 = arith.mulf %mul3A_1638, %mul3A_67 : vector<1x256xf32>
    %slice3A_1640 = vector.extract_strided_slice %transpose3A {offsets = [192, 0], sizes = [32, 256], strides = [1, 1]} : vector<512x256xf32> to vector<32x256xf32>
    %mul3A_1641 = vector.broadcast %mul3A_1639 : vector<1x256xf32> to vector<32x256xf32>
    %mul3A_1642 = arith.mulf %slice3A_1640, %mul3A_1641 : vector<32x256xf32>
    %add3A_1643 = arith.addf %add3A_1636, %mul3A_1642 : vector<32x256xf32>
    %mul3A_1644 = arith.constant -0.172516391 : f32
    %mul3A_1645 = vector.broadcast %mul3A_1644 : f32 to vector<1x256xf32>
    %mul3A_1646 = arith.mulf %mul3A_1645, %mul3A_72 : vector<1x256xf32>
    %slice3A_1647 = vector.extract_strided_slice %transpose3A {offsets = [224, 0], sizes = [32, 256], strides = [1, 1]} : vector<512x256xf32> to vector<32x256xf32>
    %mul3A_1648 = vector.broadcast %mul3A_1646 : vector<1x256xf32> to vector<32x256xf32>
    %mul3A_1649 = arith.mulf %slice3A_1647, %mul3A_1648 : vector<32x256xf32>
    %add3A_1650 = arith.addf %add3A_1643, %mul3A_1649 : vector<32x256xf32>
    %mul3A_1651 = arith.constant 0.109108947 : f32
    %mul3A_1652 = vector.broadcast %mul3A_1651 : f32 to vector<1x256xf32>
    %mul3A_1653 = arith.mulf %mul3A_1652, %mul3A_83 : vector<1x256xf32>
    %slice3A_1654 = vector.extract_strided_slice %transpose3A {offsets = [256, 0], sizes = [32, 256], strides = [1, 1]} : vector<512x256xf32> to vector<32x256xf32>
    %mul3A_1655 = vector.broadcast %mul3A_1653 : vector<1x256xf32> to vector<32x256xf32>
    %mul3A_1656 = arith.mulf %slice3A_1654, %mul3A_1655 : vector<32x256xf32>
    %add3A_1657 = arith.addf %add3A_1650, %mul3A_1656 : vector<32x256xf32>
    %mul3A_1658 = arith.constant 0.377964467 : f32
    %mul3A_1659 = vector.broadcast %mul3A_1658 : f32 to vector<1x256xf32>
    %mul3A_1660 = arith.mulf %mul3A_1659, %broadcast_in_dim3A_21 : vector<1x256xf32>
    %slice3A_1661 = vector.extract_strided_slice %transpose3A {offsets = [288, 0], sizes = [32, 256], strides = [1, 1]} : vector<512x256xf32> to vector<32x256xf32>
    %mul3A_1662 = vector.broadcast %mul3A_1660 : vector<1x256xf32> to vector<32x256xf32>
    %mul3A_1663 = arith.mulf %slice3A_1661, %mul3A_1662 : vector<32x256xf32>
    %mul3A_1664 = arith.constant 0.243975013 : f32
    %mul3A_1665 = vector.broadcast %mul3A_1664 : f32 to vector<1x256xf32>
    %mul3A_1666 = arith.mulf %mul3A_1665, %mul3A_47 : vector<1x256xf32>
    %slice3A_1667 = vector.extract_strided_slice %transpose3A {offsets = [288, 0], sizes = [32, 256], strides = [1, 1]} : vector<512x256xf32> to vector<32x256xf32>
    %mul3A_1668 = vector.broadcast %mul3A_1666 : vector<1x256xf32> to vector<32x256xf32>
    %mul3A_1669 = arith.mulf %slice3A_1667, %mul3A_1668 : vector<32x256xf32>
    %mul3A_1670 = arith.constant -0.172516391 : f32
    %mul3A_1671 = vector.broadcast %mul3A_1670 : f32 to vector<1x256xf32>
    %mul3A_1672 = arith.mulf %mul3A_1671, %mul3A_51 : vector<1x256xf32>
    %slice3A_1673 = vector.extract_strided_slice %transpose3A {offsets = [320, 0], sizes = [32, 256], strides = [1, 1]} : vector<512x256xf32> to vector<32x256xf32>
    %mul3A_1674 = vector.broadcast %mul3A_1672 : vector<1x256xf32> to vector<32x256xf32>
    %mul3A_1675 = arith.mulf %slice3A_1673, %mul3A_1674 : vector<32x256xf32>
    %add3A_1676 = arith.addf %mul3A_1669, %mul3A_1675 : vector<32x256xf32>
    %mul3A_1677 = arith.constant 0.109108947 : f32
    %mul3A_1678 = vector.broadcast %mul3A_1677 : f32 to vector<1x256xf32>
    %mul3A_1679 = arith.mulf %mul3A_1678, %mul3A_57 : vector<1x256xf32>
    %slice3A_1680 = vector.extract_strided_slice %transpose3A {offsets = [352, 0], sizes = [32, 256], strides = [1, 1]} : vector<512x256xf32> to vector<32x256xf32>
    %mul3A_1681 = vector.broadcast %mul3A_1679 : vector<1x256xf32> to vector<32x256xf32>
    %mul3A_1682 = arith.mulf %slice3A_1680, %mul3A_1681 : vector<32x256xf32>
    %add3A_1683 = arith.addf %add3A_1676, %mul3A_1682 : vector<32x256xf32>
    %mul3A_1684 = arith.constant 0.109108947 : f32
    %mul3A_1685 = vector.broadcast %mul3A_1684 : f32 to vector<1x256xf32>
    %mul3A_1686 = arith.mulf %mul3A_1685, %mul3A_34 : vector<1x256xf32>
    %slice3A_1687 = vector.extract_strided_slice %transpose3A {offsets = [416, 0], sizes = [32, 256], strides = [1, 1]} : vector<512x256xf32> to vector<32x256xf32>
    %mul3A_1688 = vector.broadcast %mul3A_1686 : vector<1x256xf32> to vector<32x256xf32>
    %mul3A_1689 = arith.mulf %slice3A_1687, %mul3A_1688 : vector<32x256xf32>
    %add3A_1690 = arith.addf %add3A_1683, %mul3A_1689 : vector<32x256xf32>
    %mul3A_1691 = arith.constant -0.172516391 : f32
    %mul3A_1692 = vector.broadcast %mul3A_1691 : f32 to vector<1x256xf32>
    %mul3A_1693 = arith.mulf %mul3A_1692, %mul3A_38 : vector<1x256xf32>
    %slice3A_1694 = vector.extract_strided_slice %transpose3A {offsets = [448, 0], sizes = [32, 256], strides = [1, 1]} : vector<512x256xf32> to vector<32x256xf32>
    %mul3A_1695 = vector.broadcast %mul3A_1693 : vector<1x256xf32> to vector<32x256xf32>
    %mul3A_1696 = arith.mulf %slice3A_1694, %mul3A_1695 : vector<32x256xf32>
    %add3A_1697 = arith.addf %add3A_1690, %mul3A_1696 : vector<32x256xf32>
    %concatenate3A_1698 = tpu.concatenate %mul3A_1597, %add3A_1610, %add3A_1623, %add3A_1657, %mul3A_1663, %add3A_1697 in 0 : vector<32x256xf32>, vector<32x256xf32>, vector<32x256xf32>, vector<32x256xf32>, vector<32x256xf32>, vector<32x256xf32> -> vector<192x256xf32>
    %mul3A_1699 = vector.broadcast %max3A_15 : vector<1x256xf32> to vector<192x256xf32>
    %mul3A_1700 = arith.mulf %concatenate3A_1698, %mul3A_1699 : vector<192x256xf32>
    %concatenate3A_1701 = tpu.concatenate %mul3A_1700, %concatenate3A_1698 in 0 : vector<192x256xf32>, vector<192x256xf32> -> vector<384x256xf32>
    %get3A_1702 = arith.constant 0 : index
    %get3A_1703 = arith.constant 0 : index
    %get3A_1704 = vector.load %arg6[%get3A_1702, %get3A_1703] : memref<32x384xf32, #tpu.memory_space<vmem>>, vector<32x384xf32>
    %dot_general3A_1705 = arith.constant dense<0.000000e+00> : vector<32x256xf32>
    %dot_general3A_1706 = tpu.matmul %get3A_1704, %concatenate3A_1701, %dot_general3A_1705 {dimension_numbers = #tpu.dot_dimension_numbers<[1], [0], [0], [1], [0, 0, 1, 1], [], []>, transpose_lhs_hint = false} : vector<32x384xf32>, vector<384x256xf32>, vector<32x256xf32> -> vector<32x256xf32>
    %swap3A_1707 = arith.constant 288 : index
    %swap3A_1708 = arith.constant 0 : index
    %swap3A_1709 = vector.load %arg7[%swap3A_1707, %swap3A_1708] : memref<512x256xf32, #tpu.memory_space<vmem>>, vector<32x256xf32>
    tpu.vector_store %arg7[%swap3A_1707, %swap3A_1708], %dot_general3A_1706 {strides = array<i32>} : memref<512x256xf32, #tpu.memory_space<vmem>>, vector<32x256xf32>,
    %mul3A_1710 = arith.constant 0.377964467 : f32
    %mul3A_1711 = vector.broadcast %mul3A_1710 : f32 to vector<1x256xf32>
    %mul3A_1712 = arith.mulf %mul3A_1711, %mul3A_72 : vector<1x256xf32>
    %slice3A_1713 = vector.extract_strided_slice %transpose3A {offsets = [0, 0], sizes = [32, 256], strides = [1, 1]} : vector<512x256xf32> to vector<32x256xf32>
    %mul3A_1714 = vector.broadcast %mul3A_1712 : vector<1x256xf32> to vector<32x256xf32>
    %mul3A_1715 = arith.mulf %slice3A_1713, %mul3A_1714 : vector<32x256xf32>
    %mul3A_1716 = arith.constant 0.218217894 : f32
    %mul3A_1717 = vector.broadcast %mul3A_1716 : f32 to vector<1x256xf32>
    %mul3A_1718 = arith.mulf %mul3A_1717, %mul3A_51 : vector<1x256xf32>
    %slice3A_1719 = vector.extract_strided_slice %transpose3A {offsets = [32, 0], sizes = [32, 256], strides = [1, 1]} : vector<512x256xf32> to vector<32x256xf32>
    %mul3A_1720 = vector.broadcast %mul3A_1718 : vector<1x256xf32> to vector<32x256xf32>
    %mul3A_1721 = arith.mulf %slice3A_1719, %mul3A_1720 : vector<32x256xf32>
    %mul3A_1722 = arith.constant 0.218217894 : f32
    %mul3A_1723 = vector.broadcast %mul3A_1722 : f32 to vector<1x256xf32>
    %mul3A_1724 = arith.mulf %mul3A_1723, %mul3A_34 : vector<1x256xf32>
    %slice3A_1725 = vector.extract_strided_slice %transpose3A {offsets = [64, 0], sizes = [32, 256], strides = [1, 1]} : vector<512x256xf32> to vector<32x256xf32>
    %mul3A_1726 = vector.broadcast %mul3A_1724 : vector<1x256xf32> to vector<32x256xf32>
    %mul3A_1727 = arith.mulf %slice3A_1725, %mul3A_1726 : vector<32x256xf32>
    %add3A_1728 = arith.addf %mul3A_1721, %mul3A_1727 : vector<32x256xf32>
    %mul3A_1729 = arith.constant 0.218217894 : f32
    %mul3A_1730 = vector.broadcast %mul3A_1729 : f32 to vector<1x256xf32>
    %mul3A_1731 = arith.mulf %mul3A_1730, %mul3A_38 : vector<1x256xf32>
    %slice3A_1732 = vector.extract_strided_slice %transpose3A {offsets = [96, 0], sizes = [32, 256], strides = [1, 1]} : vector<512x256xf32> to vector<32x256xf32>
    %mul3A_1733 = vector.broadcast %mul3A_1731 : vector<1x256xf32> to vector<32x256xf32>
    %mul3A_1734 = arith.mulf %slice3A_1732, %mul3A_1733 : vector<32x256xf32>
    %add3A_1735 = arith.addf %add3A_1728, %mul3A_1734 : vector<32x256xf32>
    %mul3A_1736 = arith.constant 0.218217894 : f32
    %mul3A_1737 = vector.broadcast %mul3A_1736 : f32 to vector<1x256xf32>
    %mul3A_1738 = arith.mulf %mul3A_1737, %mul3A_27 : vector<1x256xf32>
    %slice3A_1739 = vector.extract_strided_slice %transpose3A {offsets = [128, 0], sizes = [32, 256], strides = [1, 1]} : vector<512x256xf32> to vector<32x256xf32>
    %mul3A_1740 = vector.broadcast %mul3A_1738 : vector<1x256xf32> to vector<32x256xf32>
    %mul3A_1741 = arith.mulf %slice3A_1739, %mul3A_1740 : vector<32x256xf32>
    %mul3A_1742 = arith.constant 0.218217894 : f32
    %mul3A_1743 = vector.broadcast %mul3A_1742 : f32 to vector<1x256xf32>
    %mul3A_1744 = arith.mulf %mul3A_1743, %mul3A_30 : vector<1x256xf32>
    %slice3A_1745 = vector.extract_strided_slice %transpose3A {offsets = [160, 0], sizes = [32, 256], strides = [1, 1]} : vector<512x256xf32> to vector<32x256xf32>
    %mul3A_1746 = vector.broadcast %mul3A_1744 : vector<1x256xf32> to vector<32x256xf32>
    %mul3A_1747 = arith.mulf %slice3A_1745, %mul3A_1746 : vector<32x256xf32>
    %add3A_1748 = arith.addf %mul3A_1741, %mul3A_1747 : vector<32x256xf32>
    %mul3A_1749 = arith.constant 0.218217894 : f32
    %mul3A_1750 = vector.broadcast %mul3A_1749 : f32 to vector<1x256xf32>
    %mul3A_1751 = arith.mulf %mul3A_1750, %mul3A_24 : vector<1x256xf32>
    %slice3A_1752 = vector.extract_strided_slice %transpose3A {offsets = [224, 0], sizes = [32, 256], strides = [1, 1]} : vector<512x256xf32> to vector<32x256xf32>
    %mul3A_1753 = vector.broadcast %mul3A_1751 : vector<1x256xf32> to vector<32x256xf32>
    %mul3A_1754 = arith.mulf %slice3A_1752, %mul3A_1753 : vector<32x256xf32>
    %add3A_1755 = arith.addf %add3A_1748, %mul3A_1754 : vector<32x256xf32>
    %mul3A_1756 = arith.constant 0.218217894 : f32
    %mul3A_1757 = vector.broadcast %mul3A_1756 : f32 to vector<1x256xf32>
    %mul3A_1758 = arith.mulf %mul3A_1757, %mul3A_95 : vector<1x256xf32>
    %slice3A_1759 = vector.extract_strided_slice %transpose3A {offsets = [128, 0], sizes = [32, 256], strides = [1, 1]} : vector<512x256xf32> to vector<32x256xf32>
    %mul3A_1760 = vector.broadcast %mul3A_1758 : vector<1x256xf32> to vector<32x256xf32>
    %mul3A_1761 = arith.mulf %slice3A_1759, %mul3A_1760 : vector<32x256xf32>
    %mul3A_1762 = arith.constant -0.133630618 : f32
    %mul3A_1763 = vector.broadcast %mul3A_1762 : f32 to vector<1x256xf32>
    %mul3A_1764 = arith.mulf %mul3A_1763, %mul3A_106 : vector<1x256xf32>
    %mul3A_1765 = arith.constant 0.172516391 : f32
    %mul3A_1766 = vector.broadcast %mul3A_1765 : f32 to vector<1x256xf32>
    %mul3A_1767 = arith.mulf %mul3A_1766, %mul3A_123 : vector<1x256xf32>
    %add3A_1768 = arith.addf %mul3A_1764, %mul3A_1767 : vector<1x256xf32>
    %slice3A_1769 = vector.extract_strided_slice %transpose3A {offsets = [160, 0], sizes = [32, 256], strides = [1, 1]} : vector<512x256xf32> to vector<32x256xf32>
    %mul3A_1770 = vector.broadcast %add3A_1768 : vector<1x256xf32> to vector<32x256xf32>
    %mul3A_1771 = arith.mulf %slice3A_1769, %mul3A_1770 : vector<32x256xf32>
    %add3A_1772 = arith.addf %mul3A_1761, %mul3A_1771 : vector<32x256xf32>
    %mul3A_1773 = arith.constant -0.172516391 : f32
    %mul3A_1774 = vector.broadcast %mul3A_1773 : f32 to vector<1x256xf32>
    %mul3A_1775 = arith.mulf %mul3A_1774, %mul3A_67 : vector<1x256xf32>
    %mul3A_1776 = arith.constant -0.133630618 : f32
    %mul3A_1777 = vector.broadcast %mul3A_1776 : f32 to vector<1x256xf32>
    %mul3A_1778 = arith.mulf %mul3A_1777, %mul3A_83 : vector<1x256xf32>
    %add3A_1779 = arith.addf %mul3A_1775, %mul3A_1778 : vector<1x256xf32>
    %slice3A_1780 = vector.extract_strided_slice %transpose3A {offsets = [224, 0], sizes = [32, 256], strides = [1, 1]} : vector<512x256xf32> to vector<32x256xf32>
    %mul3A_1781 = vector.broadcast %add3A_1779 : vector<1x256xf32> to vector<32x256xf32>
    %mul3A_1782 = arith.mulf %slice3A_1780, %mul3A_1781 : vector<32x256xf32>
    %add3A_1783 = arith.addf %add3A_1772, %mul3A_1782 : vector<32x256xf32>
    %mul3A_1784 = arith.constant 0.377964467 : f32
    %mul3A_1785 = vector.broadcast %mul3A_1784 : f32 to vector<1x256xf32>
    %mul3A_1786 = arith.mulf %mul3A_1785, %broadcast_in_dim3A_21 : vector<1x256xf32>
    %slice3A_1787 = vector.extract_strided_slice %transpose3A {offsets = [320, 0], sizes = [32, 256], strides = [1, 1]} : vector<512x256xf32> to vector<32x256xf32>
    %mul3A_1788 = vector.broadcast %mul3A_1786 : vector<1x256xf32> to vector<32x256xf32>
    %mul3A_1789 = arith.mulf %slice3A_1787, %mul3A_1788 : vector<32x256xf32>
    %mul3A_1790 = arith.constant -0.172516391 : f32
    %mul3A_1791 = vector.broadcast %mul3A_1790 : f32 to vector<1x256xf32>
    %mul3A_1792 = arith.mulf %mul3A_1791, %mul3A_51 : vector<1x256xf32>
    %slice3A_1793 = vector.extract_strided_slice %transpose3A {offsets = [288, 0], sizes = [32, 256], strides = [1, 1]} : vector<512x256xf32> to vector<32x256xf32>
    %mul3A_1794 = vector.broadcast %mul3A_1792 : vector<1x256xf32> to vector<32x256xf32>
    %mul3A_1795 = arith.mulf %slice3A_1793, %mul3A_1794 : vector<32x256xf32>
    %mul3A_1796 = arith.constant -0.133630618 : f32
    %mul3A_1797 = vector.broadcast %mul3A_1796 : f32 to vector<1x256xf32>
    %mul3A_1798 = arith.mulf %mul3A_1797, %mul3A_51 : vector<1x256xf32>
    %slice3A_1799 = vector.extract_strided_slice %transpose3A {offsets = [352, 0], sizes = [32, 256], strides = [1, 1]} : vector<512x256xf32> to vector<32x256xf32>
    %mul3A_1800 = vector.broadcast %mul3A_1798 : vector<1x256xf32> to vector<32x256xf32>
    %mul3A_1801 = arith.mulf %slice3A_1799, %mul3A_1800 : vector<32x256xf32>
    %add3A_1802 = arith.addf %mul3A_1795, %mul3A_1801 : vector<32x256xf32>
    %mul3A_1803 = arith.constant 0.218217894 : f32
    %mul3A_1804 = vector.broadcast %mul3A_1803 : f32 to vector<1x256xf32>
    %mul3A_1805 = arith.mulf %mul3A_1804, %mul3A_34 : vector<1x256xf32>
    %slice3A_1806 = vector.extract_strided_slice %transpose3A {offsets = [384, 0], sizes = [32, 256], strides = [1, 1]} : vector<512x256xf32> to vector<32x256xf32>
    %mul3A_1807 = vector.broadcast %mul3A_1805 : vector<1x256xf32> to vector<32x256xf32>
    %mul3A_1808 = arith.mulf %slice3A_1806, %mul3A_1807 : vector<32x256xf32>
    %add3A_1809 = arith.addf %add3A_1802, %mul3A_1808 : vector<32x256xf32>
    %mul3A_1810 = arith.constant -0.133630618 : f32
    %mul3A_1811 = vector.broadcast %mul3A_1810 : f32 to vector<1x256xf32>
    %mul3A_1812 = arith.mulf %mul3A_1811, %mul3A_38 : vector<1x256xf32>
    %slice3A_1813 = vector.extract_strided_slice %transpose3A {offsets = [416, 0], sizes = [32, 256], strides = [1, 1]} : vector<512x256xf32> to vector<32x256xf32>
    %mul3A_1814 = vector.broadcast %mul3A_1812 : vector<1x256xf32> to vector<32x256xf32>
    %mul3A_1815 = arith.mulf %slice3A_1813, %mul3A_1814 : vector<32x256xf32>
    %add3A_1816 = arith.addf %add3A_1809, %mul3A_1815 : vector<32x256xf32>
    %mul3A_1817 = arith.constant 0.172516391 : f32
    %mul3A_1818 = vector.broadcast %mul3A_1817 : f32 to vector<1x256xf32>
    %mul3A_1819 = arith.mulf %mul3A_1818, %mul3A_38 : vector<1x256xf32>
    %slice3A_1820 = vector.extract_strided_slice %transpose3A {offsets = [480, 0], sizes = [32, 256], strides = [1, 1]} : vector<512x256xf32> to vector<32x256xf32>
    %mul3A_1821 = vector.broadcast %mul3A_1819 : vector<1x256xf32> to vector<32x256xf32>
    %mul3A_1822 = arith.mulf %slice3A_1820, %mul3A_1821 : vector<32x256xf32>
    %add3A_1823 = arith.addf %add3A_1816, %mul3A_1822 : vector<32x256xf32>
    %concatenate3A_1824 = tpu.concatenate %mul3A_1715, %add3A_1735, %add3A_1755, %add3A_1783, %mul3A_1789, %add3A_1823 in 0 : vector<32x256xf32>, vector<32x256xf32>, vector<32x256xf32>, vector<32x256xf32>, vector<32x256xf32>, vector<32x256xf32> -> vector<192x256xf32>
    %mul3A_1825 = vector.broadcast %max3A_15 : vector<1x256xf32> to vector<192x256xf32>
    %mul3A_1826 = arith.mulf %concatenate3A_1824, %mul3A_1825 : vector<192x256xf32>
    %concatenate3A_1827 = tpu.concatenate %mul3A_1826, %concatenate3A_1824 in 0 : vector<192x256xf32>, vector<192x256xf32> -> vector<384x256xf32>
    %get3A_1828 = arith.constant 0 : index
    %get3A_1829 = arith.constant 0 : index
    %get3A_1830 = vector.load %arg6[%get3A_1828, %get3A_1829] : memref<32x384xf32, #tpu.memory_space<vmem>>, vector<32x384xf32>
    %dot_general3A_1831 = arith.constant dense<0.000000e+00> : vector<32x256xf32>
    %dot_general3A_1832 = tpu.matmul %get3A_1830, %concatenate3A_1827, %dot_general3A_1831 {dimension_numbers = #tpu.dot_dimension_numbers<[1], [0], [0], [1], [0, 0, 1, 1], [], []>, transpose_lhs_hint = false} : vector<32x384xf32>, vector<384x256xf32>, vector<32x256xf32> -> vector<32x256xf32>
    %swap3A_1833 = arith.constant 320 : index
    %swap3A_1834 = arith.constant 0 : index
    %swap3A_1835 = vector.load %arg7[%swap3A_1833, %swap3A_1834] : memref<512x256xf32, #tpu.memory_space<vmem>>, vector<32x256xf32>
    tpu.vector_store %arg7[%swap3A_1833, %swap3A_1834], %dot_general3A_1832 {strides = array<i32>} : memref<512x256xf32, #tpu.memory_space<vmem>>, vector<32x256xf32>,
    %mul3A_1836 = arith.constant 0.377964467 : f32
    %mul3A_1837 = vector.broadcast %mul3A_1836 : f32 to vector<1x256xf32>
    %mul3A_1838 = arith.mulf %mul3A_1837, %mul3A_83 : vector<1x256xf32>
    %slice3A_1839 = vector.extract_strided_slice %transpose3A {offsets = [0, 0], sizes = [32, 256], strides = [1, 1]} : vector<512x256xf32> to vector<32x256xf32>
    %mul3A_1840 = vector.broadcast %mul3A_1838 : vector<1x256xf32> to vector<32x256xf32>
    %mul3A_1841 = arith.mulf %slice3A_1839, %mul3A_1840 : vector<32x256xf32>
    %mul3A_1842 = arith.constant 0.239045724 : f32
    %mul3A_1843 = vector.broadcast %mul3A_1842 : f32 to vector<1x256xf32>
    %mul3A_1844 = arith.mulf %mul3A_1843, %mul3A_47 : vector<1x256xf32>
    %mul3A_1845 = arith.constant 0.0690065548 : f32
    %mul3A_1846 = vector.broadcast %mul3A_1845 : f32 to vector<1x256xf32>
    %mul3A_1847 = arith.mulf %mul3A_1846, %mul3A_57 : vector<1x256xf32>
    %add3A_1848 = arith.addf %mul3A_1844, %mul3A_1847 : vector<1x256xf32>
    %slice3A_1849 = vector.extract_strided_slice %transpose3A {offsets = [32, 0], sizes = [32, 256], strides = [1, 1]} : vector<512x256xf32> to vector<32x256xf32>
    %mul3A_1850 = vector.broadcast %add3A_1848 : vector<1x256xf32> to vector<32x256xf32>
    %mul3A_1851 = arith.mulf %slice3A_1849, %mul3A_1850 : vector<32x256xf32>
    %mul3A_1852 = arith.constant 0.276026219 : f32
    %mul3A_1853 = vector.broadcast %mul3A_1852 : f32 to vector<1x256xf32>
    %mul3A_1854 = arith.mulf %mul3A_1853, %mul3A_38 : vector<1x256xf32>
    %slice3A_1855 = vector.extract_strided_slice %transpose3A {offsets = [64, 0], sizes = [32, 256], strides = [1, 1]} : vector<512x256xf32> to vector<32x256xf32>
    %mul3A_1856 = vector.broadcast %mul3A_1854 : vector<1x256xf32> to vector<32x256xf32>
    %mul3A_1857 = arith.mulf %slice3A_1855, %mul3A_1856 : vector<32x256xf32>
    %add3A_1858 = arith.addf %mul3A_1851, %mul3A_1857 : vector<32x256xf32>
    %mul3A_1859 = arith.constant -0.0690065548 : f32
    %mul3A_1860 = vector.broadcast %mul3A_1859 : f32 to vector<1x256xf32>
    %mul3A_1861 = arith.mulf %mul3A_1860, %mul3A_34 : vector<1x256xf32>
    %slice3A_1862 = vector.extract_strided_slice %transpose3A {offsets = [96, 0], sizes = [32, 256], strides = [1, 1]} : vector<512x256xf32> to vector<32x256xf32>
    %mul3A_1863 = vector.broadcast %mul3A_1861 : vector<1x256xf32> to vector<32x256xf32>
    %mul3A_1864 = arith.mulf %slice3A_1862, %mul3A_1863 : vector<32x256xf32>
    %add3A_1865 = arith.addf %add3A_1858, %mul3A_1864 : vector<32x256xf32>
    %mul3A_1866 = arith.constant -0.0690065548 : f32
    %mul3A_1867 = vector.broadcast %mul3A_1866 : f32 to vector<1x256xf32>
    %mul3A_1868 = arith.mulf %mul3A_1867, %mul3A_30 : vector<1x256xf32>
    %slice3A_1869 = vector.extract_strided_slice %transpose3A {offsets = [128, 0], sizes = [32, 256], strides = [1, 1]} : vector<512x256xf32> to vector<32x256xf32>
    %mul3A_1870 = vector.broadcast %mul3A_1868 : vector<1x256xf32> to vector<32x256xf32>
    %mul3A_1871 = arith.mulf %slice3A_1869, %mul3A_1870 : vector<32x256xf32>
    %mul3A_1872 = arith.constant 0.276026219 : f32
    %mul3A_1873 = vector.broadcast %mul3A_1872 : f32 to vector<1x256xf32>
    %mul3A_1874 = arith.mulf %mul3A_1873, %mul3A_27 : vector<1x256xf32>
    %slice3A_1875 = vector.extract_strided_slice %transpose3A {offsets = [160, 0], sizes = [32, 256], strides = [1, 1]} : vector<512x256xf32> to vector<32x256xf32>
    %mul3A_1876 = vector.broadcast %mul3A_1874 : vector<1x256xf32> to vector<32x256xf32>
    %mul3A_1877 = arith.mulf %slice3A_1875, %mul3A_1876 : vector<32x256xf32>
    %add3A_1878 = arith.addf %mul3A_1871, %mul3A_1877 : vector<32x256xf32>
    %mul3A_1879 = arith.constant 0.239045724 : f32
    %mul3A_1880 = vector.broadcast %mul3A_1879 : f32 to vector<1x256xf32>
    %mul3A_1881 = arith.mulf %mul3A_1880, %mul3A_24 : vector<1x256xf32>
    %slice3A_1882 = vector.extract_strided_slice %transpose3A {offsets = [192, 0], sizes = [32, 256], strides = [1, 1]} : vector<512x256xf32> to vector<32x256xf32>
    %mul3A_1883 = vector.broadcast %mul3A_1881 : vector<1x256xf32> to vector<32x256xf32>
    %mul3A_1884 = arith.mulf %slice3A_1882, %mul3A_1883 : vector<32x256xf32>
    %add3A_1885 = arith.addf %add3A_1878, %mul3A_1884 : vector<32x256xf32>
    %mul3A_1886 = arith.constant 0.0690065548 : f32
    %mul3A_1887 = vector.broadcast %mul3A_1886 : f32 to vector<1x256xf32>
    %mul3A_1888 = arith.mulf %mul3A_1887, %mul3A_24 : vector<1x256xf32>
    %slice3A_1889 = vector.extract_strided_slice %transpose3A {offsets = [256, 0], sizes = [32, 256], strides = [1, 1]} : vector<512x256xf32> to vector<32x256xf32>
    %mul3A_1890 = vector.broadcast %mul3A_1888 : vector<1x256xf32> to vector<32x256xf32>
    %mul3A_1891 = arith.mulf %slice3A_1889, %mul3A_1890 : vector<32x256xf32>
    %add3A_1892 = arith.addf %add3A_1885, %mul3A_1891 : vector<32x256xf32>
    %mul3A_1893 = arith.constant -0.169030845 : f32
    %mul3A_1894 = vector.broadcast %mul3A_1893 : f32 to vector<1x256xf32>
    %mul3A_1895 = arith.mulf %mul3A_1894, %mul3A_106 : vector<1x256xf32>
    %mul3A_1896 = arith.constant -0.109108947 : f32
    %mul3A_1897 = vector.broadcast %mul3A_1896 : f32 to vector<1x256xf32>
    %mul3A_1898 = arith.mulf %mul3A_1897, %mul3A_123 : vector<1x256xf32>
    %add3A_1899 = arith.addf %mul3A_1895, %mul3A_1898 : vector<1x256xf32>
    %slice3A_1900 = vector.extract_strided_slice %transpose3A {offsets = [128, 0], sizes = [32, 256], strides = [1, 1]} : vector<512x256xf32> to vector<32x256xf32>
    %mul3A_1901 = vector.broadcast %add3A_1899 : vector<1x256xf32> to vector<32x256xf32>
    %mul3A_1902 = arith.mulf %slice3A_1900, %mul3A_1901 : vector<32x256xf32>
    %mul3A_1903 = arith.constant -0.0690065548 : f32
    %mul3A_1904 = vector.broadcast %mul3A_1903 : f32 to vector<1x256xf32>
    %mul3A_1905 = arith.mulf %mul3A_1904, %mul3A_95 : vector<1x256xf32>
    %mul3A_1906 = arith.constant 0.133630618 : f32
    %mul3A_1907 = vector.broadcast %mul3A_1906 : f32 to vector<1x256xf32>
    %mul3A_1908 = arith.mulf %mul3A_1907, %mul3A_113 : vector<1x256xf32>
    %add3A_1909 = arith.addf %mul3A_1905, %mul3A_1908 : vector<1x256xf32>
    %slice3A_1910 = vector.extract_strided_slice %transpose3A {offsets = [160, 0], sizes = [32, 256], strides = [1, 1]} : vector<512x256xf32> to vector<32x256xf32>
    %mul3A_1911 = vector.broadcast %add3A_1909 : vector<1x256xf32> to vector<32x256xf32>
    %mul3A_1912 = arith.mulf %slice3A_1910, %mul3A_1911 : vector<32x256xf32>
    %add3A_1913 = arith.addf %mul3A_1902, %mul3A_1912 : vector<32x256xf32>
    %mul3A_1914 = arith.constant -0.146385014 : f32
    %mul3A_1915 = vector.broadcast %mul3A_1914 : f32 to vector<1x256xf32>
    %mul3A_1916 = arith.mulf %mul3A_1915, %mul3A_83 : vector<1x256xf32>
    %slice3A_1917 = vector.extract_strided_slice %transpose3A {offsets = [192, 0], sizes = [32, 256], strides = [1, 1]} : vector<512x256xf32> to vector<32x256xf32>
    %mul3A_1918 = vector.broadcast %mul3A_1916 : vector<1x256xf32> to vector<32x256xf32>
    %mul3A_1919 = arith.mulf %slice3A_1917, %mul3A_1918 : vector<32x256xf32>
    %add3A_1920 = arith.addf %add3A_1913, %mul3A_1919 : vector<32x256xf32>
    %mul3A_1921 = arith.constant -0.133630618 : f32
    %mul3A_1922 = vector.broadcast %mul3A_1921 : f32 to vector<1x256xf32>
    %mul3A_1923 = arith.mulf %mul3A_1922, %mul3A_72 : vector<1x256xf32>
    %slice3A_1924 = vector.extract_strided_slice %transpose3A {offsets = [224, 0], sizes = [32, 256], strides = [1, 1]} : vector<512x256xf32> to vector<32x256xf32>
    %mul3A_1925 = vector.broadcast %mul3A_1923 : vector<1x256xf32> to vector<32x256xf32>
    %mul3A_1926 = arith.mulf %slice3A_1924, %mul3A_1925 : vector<32x256xf32>
    %add3A_1927 = arith.addf %add3A_1920, %mul3A_1926 : vector<32x256xf32>
    %mul3A_1928 = arith.constant 0.109108947 : f32
    %mul3A_1929 = vector.broadcast %mul3A_1928 : f32 to vector<1x256xf32>
    %mul3A_1930 = arith.mulf %mul3A_1929, %mul3A_67 : vector<1x256xf32>
    %mul3A_1931 = arith.constant 0.169030845 : f32
    %mul3A_1932 = vector.broadcast %mul3A_1931 : f32 to vector<1x256xf32>
    %mul3A_1933 = arith.mulf %mul3A_1932, %mul3A_83 : vector<1x256xf32>
    %add3A_1934 = arith.addf %mul3A_1930, %mul3A_1933 : vector<1x256xf32>
    %slice3A_1935 = vector.extract_strided_slice %transpose3A {offsets = [256, 0], sizes = [32, 256], strides = [1, 1]} : vector<512x256xf32> to vector<32x256xf32>
    %mul3A_1936 = vector.broadcast %add3A_1934 : vector<1x256xf32> to vector<32x256xf32>
    %mul3A_1937 = arith.mulf %slice3A_1935, %mul3A_1936 : vector<32x256xf32>
    %add3A_1938 = arith.addf %add3A_1927, %mul3A_1937 : vector<32x256xf32>
    %mul3A_1939 = arith.constant 0.377964467 : f32
    %mul3A_1940 = vector.broadcast %mul3A_1939 : f32 to vector<1x256xf32>
    %mul3A_1941 = arith.mulf %mul3A_1940, %broadcast_in_dim3A_21 : vector<1x256xf32>
    %slice3A_1942 = vector.extract_strided_slice %transpose3A {offsets = [352, 0], sizes = [32, 256], strides = [1, 1]} : vector<512x256xf32> to vector<32x256xf32>
    %mul3A_1943 = vector.broadcast %mul3A_1941 : vector<1x256xf32> to vector<32x256xf32>
    %mul3A_1944 = arith.mulf %slice3A_1942, %mul3A_1943 : vector<32x256xf32>
    %mul3A_1945 = arith.constant 0.109108947 : f32
    %mul3A_1946 = vector.broadcast %mul3A_1945 : f32 to vector<1x256xf32>
    %mul3A_1947 = arith.mulf %mul3A_1946, %mul3A_57 : vector<1x256xf32>
    %slice3A_1948 = vector.extract_strided_slice %transpose3A {offsets = [288, 0], sizes = [32, 256], strides = [1, 1]} : vector<512x256xf32> to vector<32x256xf32>
    %mul3A_1949 = vector.broadcast %mul3A_1947 : vector<1x256xf32> to vector<32x256xf32>
    %mul3A_1950 = arith.mulf %slice3A_1948, %mul3A_1949 : vector<32x256xf32>
    %mul3A_1951 = arith.constant -0.133630618 : f32
    %mul3A_1952 = vector.broadcast %mul3A_1951 : f32 to vector<1x256xf32>
    %mul3A_1953 = arith.mulf %mul3A_1952, %mul3A_51 : vector<1x256xf32>
    %slice3A_1954 = vector.extract_strided_slice %transpose3A {offsets = [320, 0], sizes = [32, 256], strides = [1, 1]} : vector<512x256xf32> to vector<32x256xf32>
    %mul3A_1955 = vector.broadcast %mul3A_1953 : vector<1x256xf32> to vector<32x256xf32>
    %mul3A_1956 = arith.mulf %slice3A_1954, %mul3A_1955 : vector<32x256xf32>
    %add3A_1957 = arith.addf %mul3A_1950, %mul3A_1956 : vector<32x256xf32>
    %mul3A_1958 = arith.constant -0.146385014 : f32
    %mul3A_1959 = vector.broadcast %mul3A_1958 : f32 to vector<1x256xf32>
    %mul3A_1960 = arith.mulf %mul3A_1959, %mul3A_47 : vector<1x256xf32>
    %mul3A_1961 = arith.constant 0.169030845 : f32
    %mul3A_1962 = vector.broadcast %mul3A_1961 : f32 to vector<1x256xf32>
    %mul3A_1963 = arith.mulf %mul3A_1962, %mul3A_57 : vector<1x256xf32>
    %add3A_1964 = arith.addf %mul3A_1960, %mul3A_1963 : vector<1x256xf32>
    %slice3A_1965 = vector.extract_strided_slice %transpose3A {offsets = [352, 0], sizes = [32, 256], strides = [1, 1]} : vector<512x256xf32> to vector<32x256xf32>
    %mul3A_1966 = vector.broadcast %add3A_1964 : vector<1x256xf32> to vector<32x256xf32>
    %mul3A_1967 = arith.mulf %slice3A_1965, %mul3A_1966 : vector<32x256xf32>
    %add3A_1968 = arith.addf %add3A_1957, %mul3A_1967 : vector<32x256xf32>
    %mul3A_1969 = arith.constant -0.0690065548 : f32
    %mul3A_1970 = vector.broadcast %mul3A_1969 : f32 to vector<1x256xf32>
    %mul3A_1971 = arith.mulf %mul3A_1970, %mul3A_38 : vector<1x256xf32>
    %slice3A_1972 = vector.extract_strided_slice %transpose3A {offsets = [384, 0], sizes = [32, 256], strides = [1, 1]} : vector<512x256xf32> to vector<32x256xf32>
    %mul3A_1973 = vector.broadcast %mul3A_1971 : vector<1x256xf32> to vector<32x256xf32>
    %mul3A_1974 = arith.mulf %slice3A_1972, %mul3A_1973 : vector<32x256xf32>
    %add3A_1975 = arith.addf %add3A_1968, %mul3A_1974 : vector<32x256xf32>
    %mul3A_1976 = arith.constant -0.169030845 : f32
    %mul3A_1977 = vector.broadcast %mul3A_1976 : f32 to vector<1x256xf32>
    %mul3A_1978 = arith.mulf %mul3A_1977, %mul3A_34 : vector<1x256xf32>
    %slice3A_1979 = vector.extract_strided_slice %transpose3A {offsets = [416, 0], sizes = [32, 256], strides = [1, 1]} : vector<512x256xf32> to vector<32x256xf32>
    %mul3A_1980 = vector.broadcast %mul3A_1978 : vector<1x256xf32> to vector<32x256xf32>
    %mul3A_1981 = arith.mulf %slice3A_1979, %mul3A_1980 : vector<32x256xf32>
    %add3A_1982 = arith.addf %add3A_1975, %mul3A_1981 : vector<32x256xf32>
    %mul3A_1983 = arith.constant 0.133630618 : f32
    %mul3A_1984 = vector.broadcast %mul3A_1983 : f32 to vector<1x256xf32>
    %mul3A_1985 = arith.mulf %mul3A_1984, %mul3A_38 : vector<1x256xf32>
    %slice3A_1986 = vector.extract_strided_slice %transpose3A {offsets = [448, 0], sizes = [32, 256], strides = [1, 1]} : vector<512x256xf32> to vector<32x256xf32>
    %mul3A_1987 = vector.broadcast %mul3A_1985 : vector<1x256xf32> to vector<32x256xf32>
    %mul3A_1988 = arith.mulf %slice3A_1986, %mul3A_1987 : vector<32x256xf32>
    %add3A_1989 = arith.addf %add3A_1982, %mul3A_1988 : vector<32x256xf32>
    %mul3A_1990 = arith.constant -0.109108947 : f32
    %mul3A_1991 = vector.broadcast %mul3A_1990 : f32 to vector<1x256xf32>
    %mul3A_1992 = arith.mulf %mul3A_1991, %mul3A_34 : vector<1x256xf32>
    %slice3A_1993 = vector.extract_strided_slice %transpose3A {offsets = [480, 0], sizes = [32, 256], strides = [1, 1]} : vector<512x256xf32> to vector<32x256xf32>
    %mul3A_1994 = vector.broadcast %mul3A_1992 : vector<1x256xf32> to vector<32x256xf32>
    %mul3A_1995 = arith.mulf %slice3A_1993, %mul3A_1994 : vector<32x256xf32>
    %add3A_1996 = arith.addf %add3A_1989, %mul3A_1995 : vector<32x256xf32>
    %concatenate3A_1997 = tpu.concatenate %mul3A_1841, %add3A_1865, %add3A_1892, %add3A_1938, %mul3A_1944, %add3A_1996 in 0 : vector<32x256xf32>, vector<32x256xf32>, vector<32x256xf32>, vector<32x256xf32>, vector<32x256xf32>, vector<32x256xf32> -> vector<192x256xf32>
    %mul3A_1998 = vector.broadcast %max3A_15 : vector<1x256xf32> to vector<192x256xf32>
    %mul3A_1999 = arith.mulf %concatenate3A_1997, %mul3A_1998 : vector<192x256xf32>
    %concatenate3A_2000 = tpu.concatenate %mul3A_1999, %concatenate3A_1997 in 0 : vector<192x256xf32>, vector<192x256xf32> -> vector<384x256xf32>
    %get3A_2001 = arith.constant 0 : index
    %get3A_2002 = arith.constant 0 : index
    %get3A_2003 = vector.load %arg6[%get3A_2001, %get3A_2002] : memref<32x384xf32, #tpu.memory_space<vmem>>, vector<32x384xf32>
    %dot_general3A_2004 = arith.constant dense<0.000000e+00> : vector<32x256xf32>
    %dot_general3A_2005 = tpu.matmul %get3A_2003, %concatenate3A_2000, %dot_general3A_2004 {dimension_numbers = #tpu.dot_dimension_numbers<[1], [0], [0], [1], [0, 0, 1, 1], [], []>, transpose_lhs_hint = false} : vector<32x384xf32>, vector<384x256xf32>, vector<32x256xf32> -> vector<32x256xf32>
    %swap3A_2006 = arith.constant 352 : index
    %swap3A_2007 = arith.constant 0 : index
    %swap3A_2008 = vector.load %arg7[%swap3A_2006, %swap3A_2007] : memref<512x256xf32, #tpu.memory_space<vmem>>, vector<32x256xf32>
    tpu.vector_store %arg7[%swap3A_2006, %swap3A_2007], %dot_general3A_2005 {strides = array<i32>} : memref<512x256xf32, #tpu.memory_space<vmem>>, vector<32x256xf32>,
    %mul3A_2009 = arith.constant 0.377964467 : f32
    %mul3A_2010 = vector.broadcast %mul3A_2009 : f32 to vector<1x256xf32>
    %mul3A_2011 = arith.mulf %mul3A_2010, %mul3A_95 : vector<1x256xf32>
    %slice3A_2012 = vector.extract_strided_slice %transpose3A {offsets = [0, 0], sizes = [32, 256], strides = [1, 1]} : vector<512x256xf32> to vector<32x256xf32>
    %mul3A_2013 = vector.broadcast %mul3A_2011 : vector<1x256xf32> to vector<32x256xf32>
    %mul3A_2014 = arith.mulf %slice3A_2012, %mul3A_2013 : vector<32x256xf32>
    %mul3A_2015 = arith.constant -0.169030845 : f32
    %mul3A_2016 = vector.broadcast %mul3A_2015 : f32 to vector<1x256xf32>
    %mul3A_2017 = arith.mulf %mul3A_2016, %mul3A_38 : vector<1x256xf32>
    %slice3A_2018 = vector.extract_strided_slice %transpose3A {offsets = [32, 0], sizes = [32, 256], strides = [1, 1]} : vector<512x256xf32> to vector<32x256xf32>
    %mul3A_2019 = vector.broadcast %mul3A_2017 : vector<1x256xf32> to vector<32x256xf32>
    %mul3A_2020 = arith.mulf %slice3A_2018, %mul3A_2019 : vector<32x256xf32>
    %mul3A_2021 = arith.constant 0.292770028 : f32
    %mul3A_2022 = vector.broadcast %mul3A_2021 : f32 to vector<1x256xf32>
    %mul3A_2023 = arith.mulf %mul3A_2022, %mul3A_47 : vector<1x256xf32>
    %slice3A_2024 = vector.extract_strided_slice %transpose3A {offsets = [64, 0], sizes = [32, 256], strides = [1, 1]} : vector<512x256xf32> to vector<32x256xf32>
    %mul3A_2025 = vector.broadcast %mul3A_2023 : vector<1x256xf32> to vector<32x256xf32>
    %mul3A_2026 = arith.mulf %slice3A_2024, %mul3A_2025 : vector<32x256xf32>
    %add3A_2027 = arith.addf %mul3A_2020, %mul3A_2026 : vector<32x256xf32>
    %mul3A_2028 = arith.constant -0.169030845 : f32
    %mul3A_2029 = vector.broadcast %mul3A_2028 : f32 to vector<1x256xf32>
    %mul3A_2030 = arith.mulf %mul3A_2029, %mul3A_51 : vector<1x256xf32>
    %slice3A_2031 = vector.extract_strided_slice %transpose3A {offsets = [96, 0], sizes = [32, 256], strides = [1, 1]} : vector<512x256xf32> to vector<32x256xf32>
    %mul3A_2032 = vector.broadcast %mul3A_2030 : vector<1x256xf32> to vector<32x256xf32>
    %mul3A_2033 = arith.mulf %slice3A_2031, %mul3A_2032 : vector<32x256xf32>
    %add3A_2034 = arith.addf %add3A_2027, %mul3A_2033 : vector<32x256xf32>
    %mul3A_2035 = arith.constant -0.169030845 : f32
    %mul3A_2036 = vector.broadcast %mul3A_2035 : f32 to vector<1x256xf32>
    %mul3A_2037 = arith.mulf %mul3A_2036, %mul3A_24 : vector<1x256xf32>
    %slice3A_2038 = vector.extract_strided_slice %transpose3A {offsets = [160, 0], sizes = [32, 256], strides = [1, 1]} : vector<512x256xf32> to vector<32x256xf32>
    %mul3A_2039 = vector.broadcast %mul3A_2037 : vector<1x256xf32> to vector<32x256xf32>
    %mul3A_2040 = arith.mulf %slice3A_2038, %mul3A_2039 : vector<32x256xf32>
    %mul3A_2041 = arith.constant 0.292770028 : f32
    %mul3A_2042 = vector.broadcast %mul3A_2041 : f32 to vector<1x256xf32>
    %mul3A_2043 = arith.mulf %mul3A_2042, %mul3A_27 : vector<1x256xf32>
    %slice3A_2044 = vector.extract_strided_slice %transpose3A {offsets = [192, 0], sizes = [32, 256], strides = [1, 1]} : vector<512x256xf32> to vector<32x256xf32>
    %mul3A_2045 = vector.broadcast %mul3A_2043 : vector<1x256xf32> to vector<32x256xf32>
    %mul3A_2046 = arith.mulf %slice3A_2044, %mul3A_2045 : vector<32x256xf32>
    %add3A_2047 = arith.addf %mul3A_2040, %mul3A_2046 : vector<32x256xf32>
    %mul3A_2048 = arith.constant -0.169030845 : f32
    %mul3A_2049 = vector.broadcast %mul3A_2048 : f32 to vector<1x256xf32>
    %mul3A_2050 = arith.mulf %mul3A_2049, %mul3A_30 : vector<1x256xf32>
    %slice3A_2051 = vector.extract_strided_slice %transpose3A {offsets = [224, 0], sizes = [32, 256], strides = [1, 1]} : vector<512x256xf32> to vector<32x256xf32>
    %mul3A_2052 = vector.broadcast %mul3A_2050 : vector<1x256xf32> to vector<32x256xf32>
    %mul3A_2053 = arith.mulf %slice3A_2051, %mul3A_2052 : vector<32x256xf32>
    %add3A_2054 = arith.addf %add3A_2047, %mul3A_2053 : vector<32x256xf32>
    %mul3A_2055 = arith.constant 0.218217894 : f32
    %mul3A_2056 = vector.broadcast %mul3A_2055 : f32 to vector<1x256xf32>
    %mul3A_2057 = arith.mulf %mul3A_2056, %mul3A_72 : vector<1x256xf32>
    %slice3A_2058 = vector.extract_strided_slice %transpose3A {offsets = [128, 0], sizes = [32, 256], strides = [1, 1]} : vector<512x256xf32> to vector<32x256xf32>
    %mul3A_2059 = vector.broadcast %mul3A_2057 : vector<1x256xf32> to vector<32x256xf32>
    %mul3A_2060 = arith.mulf %slice3A_2058, %mul3A_2059 : vector<32x256xf32>
    %mul3A_2061 = arith.constant -0.0690065548 : f32
    %mul3A_2062 = vector.broadcast %mul3A_2061 : f32 to vector<1x256xf32>
    %mul3A_2063 = arith.mulf %mul3A_2062, %mul3A_83 : vector<1x256xf32>
    %slice3A_2064 = vector.extract_strided_slice %transpose3A {offsets = [160, 0], sizes = [32, 256], strides = [1, 1]} : vector<512x256xf32> to vector<32x256xf32>
    %mul3A_2065 = vector.broadcast %mul3A_2063 : vector<1x256xf32> to vector<32x256xf32>
    %mul3A_2066 = arith.mulf %slice3A_2064, %mul3A_2065 : vector<32x256xf32>
    %add3A_2067 = arith.addf %mul3A_2060, %mul3A_2066 : vector<32x256xf32>
    %mul3A_2068 = arith.constant -0.195180014 : f32
    %mul3A_2069 = vector.broadcast %mul3A_2068 : f32 to vector<1x256xf32>
    %mul3A_2070 = arith.mulf %mul3A_2069, %mul3A_95 : vector<1x256xf32>
    %slice3A_2071 = vector.extract_strided_slice %transpose3A {offsets = [192, 0], sizes = [32, 256], strides = [1, 1]} : vector<512x256xf32> to vector<32x256xf32>
    %mul3A_2072 = vector.broadcast %mul3A_2070 : vector<1x256xf32> to vector<32x256xf32>
    %mul3A_2073 = arith.mulf %slice3A_2071, %mul3A_2072 : vector<32x256xf32>
    %add3A_2074 = arith.addf %add3A_2067, %mul3A_2073 : vector<32x256xf32>
    %mul3A_2075 = arith.constant -0.0690065548 : f32
    %mul3A_2076 = vector.broadcast %mul3A_2075 : f32 to vector<1x256xf32>
    %mul3A_2077 = arith.mulf %mul3A_2076, %mul3A_106 : vector<1x256xf32>
    %slice3A_2078 = vector.extract_strided_slice %transpose3A {offsets = [224, 0], sizes = [32, 256], strides = [1, 1]} : vector<512x256xf32> to vector<32x256xf32>
    %mul3A_2079 = vector.broadcast %mul3A_2077 : vector<1x256xf32> to vector<32x256xf32>
    %mul3A_2080 = arith.mulf %slice3A_2078, %mul3A_2079 : vector<32x256xf32>
    %add3A_2081 = arith.addf %add3A_2074, %mul3A_2080 : vector<32x256xf32>
    %mul3A_2082 = arith.constant 0.218217894 : f32
    %mul3A_2083 = vector.broadcast %mul3A_2082 : f32 to vector<1x256xf32>
    %mul3A_2084 = arith.mulf %mul3A_2083, %mul3A_113 : vector<1x256xf32>
    %slice3A_2085 = vector.extract_strided_slice %transpose3A {offsets = [256, 0], sizes = [32, 256], strides = [1, 1]} : vector<512x256xf32> to vector<32x256xf32>
    %mul3A_2086 = vector.broadcast %mul3A_2084 : vector<1x256xf32> to vector<32x256xf32>
    %mul3A_2087 = arith.mulf %slice3A_2085, %mul3A_2086 : vector<32x256xf32>
    %add3A_2088 = arith.addf %add3A_2081, %mul3A_2087 : vector<32x256xf32>
    %mul3A_2089 = arith.constant 0.377964467 : f32
    %mul3A_2090 = vector.broadcast %mul3A_2089 : f32 to vector<1x256xf32>
    %mul3A_2091 = arith.mulf %mul3A_2090, %broadcast_in_dim3A_21 : vector<1x256xf32>
    %slice3A_2092 = vector.extract_strided_slice %transpose3A {offsets = [384, 0], sizes = [32, 256], strides = [1, 1]} : vector<512x256xf32> to vector<32x256xf32>
    %mul3A_2093 = vector.broadcast %mul3A_2091 : vector<1x256xf32> to vector<32x256xf32>
    %mul3A_2094 = arith.mulf %slice3A_2092, %mul3A_2093 : vector<32x256xf32>
    %mul3A_2095 = arith.constant 0.218217894 : f32
    %mul3A_2096 = vector.broadcast %mul3A_2095 : f32 to vector<1x256xf32>
    %mul3A_2097 = arith.mulf %mul3A_2096, %mul3A_34 : vector<1x256xf32>
    %slice3A_2098 = vector.extract_strided_slice %transpose3A {offsets = [320, 0], sizes = [32, 256], strides = [1, 1]} : vector<512x256xf32> to vector<32x256xf32>
    %mul3A_2099 = vector.broadcast %mul3A_2097 : vector<1x256xf32> to vector<32x256xf32>
    %mul3A_2100 = arith.mulf %slice3A_2098, %mul3A_2099 : vector<32x256xf32>
    %mul3A_2101 = arith.constant -0.0690065548 : f32
    %mul3A_2102 = vector.broadcast %mul3A_2101 : f32 to vector<1x256xf32>
    %mul3A_2103 = arith.mulf %mul3A_2102, %mul3A_38 : vector<1x256xf32>
    %slice3A_2104 = vector.extract_strided_slice %transpose3A {offsets = [352, 0], sizes = [32, 256], strides = [1, 1]} : vector<512x256xf32> to vector<32x256xf32>
    %mul3A_2105 = vector.broadcast %mul3A_2103 : vector<1x256xf32> to vector<32x256xf32>
    %mul3A_2106 = arith.mulf %slice3A_2104, %mul3A_2105 : vector<32x256xf32>
    %add3A_2107 = arith.addf %mul3A_2100, %mul3A_2106 : vector<32x256xf32>
    %mul3A_2108 = arith.constant -0.195180014 : f32
    %mul3A_2109 = vector.broadcast %mul3A_2108 : f32 to vector<1x256xf32>
    %mul3A_2110 = arith.mulf %mul3A_2109, %mul3A_47 : vector<1x256xf32>
    %slice3A_2111 = vector.extract_strided_slice %transpose3A {offsets = [384, 0], sizes = [32, 256], strides = [1, 1]} : vector<512x256xf32> to vector<32x256xf32>
    %mul3A_2112 = vector.broadcast %mul3A_2110 : vector<1x256xf32> to vector<32x256xf32>
    %mul3A_2113 = arith.mulf %slice3A_2111, %mul3A_2112 : vector<32x256xf32>
    %add3A_2114 = arith.addf %add3A_2107, %mul3A_2113 : vector<32x256xf32>
    %mul3A_2115 = arith.constant -0.0690065548 : f32
    %mul3A_2116 = vector.broadcast %mul3A_2115 : f32 to vector<1x256xf32>
    %mul3A_2117 = arith.mulf %mul3A_2116, %mul3A_51 : vector<1x256xf32>
    %slice3A_2118 = vector.extract_strided_slice %transpose3A {offsets = [416, 0], sizes = [32, 256], strides = [1, 1]} : vector<512x256xf32> to vector<32x256xf32>
    %mul3A_2119 = vector.broadcast %mul3A_2117 : vector<1x256xf32> to vector<32x256xf32>
    %mul3A_2120 = arith.mulf %slice3A_2118, %mul3A_2119 : vector<32x256xf32>
    %add3A_2121 = arith.addf %add3A_2114, %mul3A_2120 : vector<32x256xf32>
    %mul3A_2122 = arith.constant 0.218217894 : f32
    %mul3A_2123 = vector.broadcast %mul3A_2122 : f32 to vector<1x256xf32>
    %mul3A_2124 = arith.mulf %mul3A_2123, %mul3A_57 : vector<1x256xf32>
    %slice3A_2125 = vector.extract_strided_slice %transpose3A {offsets = [448, 0], sizes = [32, 256], strides = [1, 1]} : vector<512x256xf32> to vector<32x256xf32>
    %mul3A_2126 = vector.broadcast %mul3A_2124 : vector<1x256xf32> to vector<32x256xf32>
    %mul3A_2127 = arith.mulf %slice3A_2125, %mul3A_2126 : vector<32x256xf32>
    %add3A_2128 = arith.addf %add3A_2121, %mul3A_2127 : vector<32x256xf32>
    %concatenate3A_2129 = tpu.concatenate %mul3A_2014, %add3A_2034, %add3A_2054, %add3A_2088, %mul3A_2094, %add3A_2128 in 0 : vector<32x256xf32>, vector<32x256xf32>, vector<32x256xf32>, vector<32x256xf32>, vector<32x256xf32>, vector<32x256xf32> -> vector<192x256xf32>
    %mul3A_2130 = vector.broadcast %max3A_15 : vector<1x256xf32> to vector<192x256xf32>
    %mul3A_2131 = arith.mulf %concatenate3A_2129, %mul3A_2130 : vector<192x256xf32>
    %concatenate3A_2132 = tpu.concatenate %mul3A_2131, %concatenate3A_2129 in 0 : vector<192x256xf32>, vector<192x256xf32> -> vector<384x256xf32>
    %get3A_2133 = arith.constant 0 : index
    %get3A_2134 = arith.constant 0 : index
    %get3A_2135 = vector.load %arg6[%get3A_2133, %get3A_2134] : memref<32x384xf32, #tpu.memory_space<vmem>>, vector<32x384xf32>
    %dot_general3A_2136 = arith.constant dense<0.000000e+00> : vector<32x256xf32>
    %dot_general3A_2137 = tpu.matmul %get3A_2135, %concatenate3A_2132, %dot_general3A_2136 {dimension_numbers = #tpu.dot_dimension_numbers<[1], [0], [0], [1], [0, 0, 1, 1], [], []>, transpose_lhs_hint = false} : vector<32x384xf32>, vector<384x256xf32>, vector<32x256xf32> -> vector<32x256xf32>
    %swap3A_2138 = arith.constant 384 : index
    %swap3A_2139 = arith.constant 0 : index
    %swap3A_2140 = vector.load %arg7[%swap3A_2138, %swap3A_2139] : memref<512x256xf32, #tpu.memory_space<vmem>>, vector<32x256xf32>
    tpu.vector_store %arg7[%swap3A_2138, %swap3A_2139], %dot_general3A_2137 {strides = array<i32>} : memref<512x256xf32, #tpu.memory_space<vmem>>, vector<32x256xf32>,
    %mul3A_2141 = arith.constant 0.377964467 : f32
    %mul3A_2142 = vector.broadcast %mul3A_2141 : f32 to vector<1x256xf32>
    %mul3A_2143 = arith.mulf %mul3A_2142, %mul3A_106 : vector<1x256xf32>
    %slice3A_2144 = vector.extract_strided_slice %transpose3A {offsets = [0, 0], sizes = [32, 256], strides = [1, 1]} : vector<512x256xf32> to vector<32x256xf32>
    %mul3A_2145 = vector.broadcast %mul3A_2143 : vector<1x256xf32> to vector<32x256xf32>
    %mul3A_2146 = arith.mulf %slice3A_2144, %mul3A_2145 : vector<32x256xf32>
    %mul3A_2147 = arith.constant -0.0690065548 : f32
    %mul3A_2148 = vector.broadcast %mul3A_2147 : f32 to vector<1x256xf32>
    %mul3A_2149 = arith.mulf %mul3A_2148, %mul3A_34 : vector<1x256xf32>
    %slice3A_2150 = vector.extract_strided_slice %transpose3A {offsets = [32, 0], sizes = [32, 256], strides = [1, 1]} : vector<512x256xf32> to vector<32x256xf32>
    %mul3A_2151 = vector.broadcast %mul3A_2149 : vector<1x256xf32> to vector<32x256xf32>
    %mul3A_2152 = arith.mulf %slice3A_2150, %mul3A_2151 : vector<32x256xf32>
    %mul3A_2153 = arith.constant 0.276026219 : f32
    %mul3A_2154 = vector.broadcast %mul3A_2153 : f32 to vector<1x256xf32>
    %mul3A_2155 = arith.mulf %mul3A_2154, %mul3A_51 : vector<1x256xf32>
    %slice3A_2156 = vector.extract_strided_slice %transpose3A {offsets = [64, 0], sizes = [32, 256], strides = [1, 1]} : vector<512x256xf32> to vector<32x256xf32>
    %mul3A_2157 = vector.broadcast %mul3A_2155 : vector<1x256xf32> to vector<32x256xf32>
    %mul3A_2158 = arith.mulf %slice3A_2156, %mul3A_2157 : vector<32x256xf32>
    %add3A_2159 = arith.addf %mul3A_2152, %mul3A_2158 : vector<32x256xf32>
    %mul3A_2160 = arith.constant 0.239045724 : f32
    %mul3A_2161 = vector.broadcast %mul3A_2160 : f32 to vector<1x256xf32>
    %mul3A_2162 = arith.mulf %mul3A_2161, %mul3A_47 : vector<1x256xf32>
    %mul3A_2163 = arith.constant -0.0690065548 : f32
    %mul3A_2164 = vector.broadcast %mul3A_2163 : f32 to vector<1x256xf32>
    %mul3A_2165 = arith.mulf %mul3A_2164, %mul3A_57 : vector<1x256xf32>
    %add3A_2166 = arith.addf %mul3A_2162, %mul3A_2165 : vector<1x256xf32>
    %slice3A_2167 = vector.extract_strided_slice %transpose3A {offsets = [96, 0], sizes = [32, 256], strides = [1, 1]} : vector<512x256xf32> to vector<32x256xf32>
    %mul3A_2168 = vector.broadcast %add3A_2166 : vector<1x256xf32> to vector<32x256xf32>
    %mul3A_2169 = arith.mulf %slice3A_2167, %mul3A_2168 : vector<32x256xf32>
    %add3A_2170 = arith.addf %add3A_2159, %mul3A_2169 : vector<32x256xf32>
    %mul3A_2171 = arith.constant -0.0690065548 : f32
    %mul3A_2172 = vector.broadcast %mul3A_2171 : f32 to vector<1x256xf32>
    %mul3A_2173 = arith.mulf %mul3A_2172, %mul3A_24 : vector<1x256xf32>
    %slice3A_2174 = vector.extract_strided_slice %transpose3A {offsets = [128, 0], sizes = [32, 256], strides = [1, 1]} : vector<512x256xf32> to vector<32x256xf32>
    %mul3A_2175 = vector.broadcast %mul3A_2173 : vector<1x256xf32> to vector<32x256xf32>
    %mul3A_2176 = arith.mulf %slice3A_2174, %mul3A_2175 : vector<32x256xf32>
    %mul3A_2177 = arith.constant 0.239045724 : f32
    %mul3A_2178 = vector.broadcast %mul3A_2177 : f32 to vector<1x256xf32>
    %mul3A_2179 = arith.mulf %mul3A_2178, %mul3A_30 : vector<1x256xf32>
    %slice3A_2180 = vector.extract_strided_slice %transpose3A {offsets = [192, 0], sizes = [32, 256], strides = [1, 1]} : vector<512x256xf32> to vector<32x256xf32>
    %mul3A_2181 = vector.broadcast %mul3A_2179 : vector<1x256xf32> to vector<32x256xf32>
    %mul3A_2182 = arith.mulf %slice3A_2180, %mul3A_2181 : vector<32x256xf32>
    %add3A_2183 = arith.addf %mul3A_2176, %mul3A_2182 : vector<32x256xf32>
    %mul3A_2184 = arith.constant 0.276026219 : f32
    %mul3A_2185 = vector.broadcast %mul3A_2184 : f32 to vector<1x256xf32>
    %mul3A_2186 = arith.mulf %mul3A_2185, %mul3A_27 : vector<1x256xf32>
    %slice3A_2187 = vector.extract_strided_slice %transpose3A {offsets = [224, 0], sizes = [32, 256], strides = [1, 1]} : vector<512x256xf32> to vector<32x256xf32>
    %mul3A_2188 = vector.broadcast %mul3A_2186 : vector<1x256xf32> to vector<32x256xf32>
    %mul3A_2189 = arith.mulf %slice3A_2187, %mul3A_2188 : vector<32x256xf32>
    %add3A_2190 = arith.addf %add3A_2183, %mul3A_2189 : vector<32x256xf32>
    %mul3A_2191 = arith.constant -0.0690065548 : f32
    %mul3A_2192 = vector.broadcast %mul3A_2191 : f32 to vector<1x256xf32>
    %mul3A_2193 = arith.mulf %mul3A_2192, %mul3A_30 : vector<1x256xf32>
    %slice3A_2194 = vector.extract_strided_slice %transpose3A {offsets = [256, 0], sizes = [32, 256], strides = [1, 1]} : vector<512x256xf32> to vector<32x256xf32>
    %mul3A_2195 = vector.broadcast %mul3A_2193 : vector<1x256xf32> to vector<32x256xf32>
    %mul3A_2196 = arith.mulf %slice3A_2194, %mul3A_2195 : vector<32x256xf32>
    %add3A_2197 = arith.addf %add3A_2190, %mul3A_2196 : vector<32x256xf32>
    %mul3A_2198 = arith.constant 0.109108947 : f32
    %mul3A_2199 = vector.broadcast %mul3A_2198 : f32 to vector<1x256xf32>
    %mul3A_2200 = arith.mulf %mul3A_2199, %mul3A_67 : vector<1x256xf32>
    %mul3A_2201 = arith.constant -0.169030845 : f32
    %mul3A_2202 = vector.broadcast %mul3A_2201 : f32 to vector<1x256xf32>
    %mul3A_2203 = arith.mulf %mul3A_2202, %mul3A_83 : vector<1x256xf32>
    %add3A_2204 = arith.addf %mul3A_2200, %mul3A_2203 : vector<1x256xf32>
    %slice3A_2205 = vector.extract_strided_slice %transpose3A {offsets = [128, 0], sizes = [32, 256], strides = [1, 1]} : vector<512x256xf32> to vector<32x256xf32>
    %mul3A_2206 = vector.broadcast %add3A_2204 : vector<1x256xf32> to vector<32x256xf32>
    %mul3A_2207 = arith.mulf %slice3A_2205, %mul3A_2206 : vector<32x256xf32>
    %mul3A_2208 = arith.constant -0.133630618 : f32
    %mul3A_2209 = vector.broadcast %mul3A_2208 : f32 to vector<1x256xf32>
    %mul3A_2210 = arith.mulf %mul3A_2209, %mul3A_72 : vector<1x256xf32>
    %slice3A_2211 = vector.extract_strided_slice %transpose3A {offsets = [160, 0], sizes = [32, 256], strides = [1, 1]} : vector<512x256xf32> to vector<32x256xf32>
    %mul3A_2212 = vector.broadcast %mul3A_2210 : vector<1x256xf32> to vector<32x256xf32>
    %mul3A_2213 = arith.mulf %slice3A_2211, %mul3A_2212 : vector<32x256xf32>
    %add3A_2214 = arith.addf %mul3A_2207, %mul3A_2213 : vector<32x256xf32>
    %mul3A_2215 = arith.constant -0.146385014 : f32
    %mul3A_2216 = vector.broadcast %mul3A_2215 : f32 to vector<1x256xf32>
    %mul3A_2217 = arith.mulf %mul3A_2216, %mul3A_106 : vector<1x256xf32>
    %slice3A_2218 = vector.extract_strided_slice %transpose3A {offsets = [192, 0], sizes = [32, 256], strides = [1, 1]} : vector<512x256xf32> to vector<32x256xf32>
    %mul3A_2219 = vector.broadcast %mul3A_2217 : vector<1x256xf32> to vector<32x256xf32>
    %mul3A_2220 = arith.mulf %slice3A_2218, %mul3A_2219 : vector<32x256xf32>
    %add3A_2221 = arith.addf %add3A_2214, %mul3A_2220 : vector<32x256xf32>
    %mul3A_2222 = arith.constant -0.0690065548 : f32
    %mul3A_2223 = vector.broadcast %mul3A_2222 : f32 to vector<1x256xf32>
    %mul3A_2224 = arith.mulf %mul3A_2223, %mul3A_95 : vector<1x256xf32>
    %mul3A_2225 = arith.constant -0.133630618 : f32
    %mul3A_2226 = vector.broadcast %mul3A_2225 : f32 to vector<1x256xf32>
    %mul3A_2227 = arith.mulf %mul3A_2226, %mul3A_113 : vector<1x256xf32>
    %add3A_2228 = arith.addf %mul3A_2224, %mul3A_2227 : vector<1x256xf32>
    %slice3A_2229 = vector.extract_strided_slice %transpose3A {offsets = [224, 0], sizes = [32, 256], strides = [1, 1]} : vector<512x256xf32> to vector<32x256xf32>
    %mul3A_2230 = vector.broadcast %add3A_2228 : vector<1x256xf32> to vector<32x256xf32>
    %mul3A_2231 = arith.mulf %slice3A_2229, %mul3A_2230 : vector<32x256xf32>
    %add3A_2232 = arith.addf %add3A_2221, %mul3A_2231 : vector<32x256xf32>
    %mul3A_2233 = arith.constant -0.169030845 : f32
    %mul3A_2234 = vector.broadcast %mul3A_2233 : f32 to vector<1x256xf32>
    %mul3A_2235 = arith.mulf %mul3A_2234, %mul3A_106 : vector<1x256xf32>
    %mul3A_2236 = arith.constant 0.109108947 : f32
    %mul3A_2237 = vector.broadcast %mul3A_2236 : f32 to vector<1x256xf32>
    %mul3A_2238 = arith.mulf %mul3A_2237, %mul3A_123 : vector<1x256xf32>
    %add3A_2239 = arith.addf %mul3A_2235, %mul3A_2238 : vector<1x256xf32>
    %slice3A_2240 = vector.extract_strided_slice %transpose3A {offsets = [256, 0], sizes = [32, 256], strides = [1, 1]} : vector<512x256xf32> to vector<32x256xf32>
    %mul3A_2241 = vector.broadcast %add3A_2239 : vector<1x256xf32> to vector<32x256xf32>
    %mul3A_2242 = arith.mulf %slice3A_2240, %mul3A_2241 : vector<32x256xf32>
    %add3A_2243 = arith.addf %add3A_2232, %mul3A_2242 : vector<32x256xf32>
    %mul3A_2244 = arith.constant 0.377964467 : f32
    %mul3A_2245 = vector.broadcast %mul3A_2244 : f32 to vector<1x256xf32>
    %mul3A_2246 = arith.mulf %mul3A_2245, %broadcast_in_dim3A_21 : vector<1x256xf32>
    %slice3A_2247 = vector.extract_strided_slice %transpose3A {offsets = [416, 0], sizes = [32, 256], strides = [1, 1]} : vector<512x256xf32> to vector<32x256xf32>
    %mul3A_2248 = vector.broadcast %mul3A_2246 : vector<1x256xf32> to vector<32x256xf32>
    %mul3A_2249 = arith.mulf %slice3A_2247, %mul3A_2248 : vector<32x256xf32>
    %mul3A_2250 = arith.constant 0.109108947 : f32
    %mul3A_2251 = vector.broadcast %mul3A_2250 : f32 to vector<1x256xf32>
    %mul3A_2252 = arith.mulf %mul3A_2251, %mul3A_34 : vector<1x256xf32>
    %slice3A_2253 = vector.extract_strided_slice %transpose3A {offsets = [288, 0], sizes = [32, 256], strides = [1, 1]} : vector<512x256xf32> to vector<32x256xf32>
    %mul3A_2254 = vector.broadcast %mul3A_2252 : vector<1x256xf32> to vector<32x256xf32>
    %mul3A_2255 = arith.mulf %slice3A_2253, %mul3A_2254 : vector<32x256xf32>
    %mul3A_2256 = arith.constant -0.133630618 : f32
    %mul3A_2257 = vector.broadcast %mul3A_2256 : f32 to vector<1x256xf32>
    %mul3A_2258 = arith.mulf %mul3A_2257, %mul3A_38 : vector<1x256xf32>
    %slice3A_2259 = vector.extract_strided_slice %transpose3A {offsets = [320, 0], sizes = [32, 256], strides = [1, 1]} : vector<512x256xf32> to vector<32x256xf32>
    %mul3A_2260 = vector.broadcast %mul3A_2258 : vector<1x256xf32> to vector<32x256xf32>
    %mul3A_2261 = arith.mulf %slice3A_2259, %mul3A_2260 : vector<32x256xf32>
    %add3A_2262 = arith.addf %mul3A_2255, %mul3A_2261 : vector<32x256xf32>
    %mul3A_2263 = arith.constant -0.169030845 : f32
    %mul3A_2264 = vector.broadcast %mul3A_2263 : f32 to vector<1x256xf32>
    %mul3A_2265 = arith.mulf %mul3A_2264, %mul3A_34 : vector<1x256xf32>
    %slice3A_2266 = vector.extract_strided_slice %transpose3A {offsets = [352, 0], sizes = [32, 256], strides = [1, 1]} : vector<512x256xf32> to vector<32x256xf32>
    %mul3A_2267 = vector.broadcast %mul3A_2265 : vector<1x256xf32> to vector<32x256xf32>
    %mul3A_2268 = arith.mulf %slice3A_2266, %mul3A_2267 : vector<32x256xf32>
    %add3A_2269 = arith.addf %add3A_2262, %mul3A_2268 : vector<32x256xf32>
    %mul3A_2270 = arith.constant -0.0690065548 : f32
    %mul3A_2271 = vector.broadcast %mul3A_2270 : f32 to vector<1x256xf32>
    %mul3A_2272 = arith.mulf %mul3A_2271, %mul3A_51 : vector<1x256xf32>
    %slice3A_2273 = vector.extract_strided_slice %transpose3A {offsets = [384, 0], sizes = [32, 256], strides = [1, 1]} : vector<512x256xf32> to vector<32x256xf32>
    %mul3A_2274 = vector.broadcast %mul3A_2272 : vector<1x256xf32> to vector<32x256xf32>
    %mul3A_2275 = arith.mulf %slice3A_2273, %mul3A_2274 : vector<32x256xf32>
    %add3A_2276 = arith.addf %add3A_2269, %mul3A_2275 : vector<32x256xf32>
    %mul3A_2277 = arith.constant -0.146385014 : f32
    %mul3A_2278 = vector.broadcast %mul3A_2277 : f32 to vector<1x256xf32>
    %mul3A_2279 = arith.mulf %mul3A_2278, %mul3A_47 : vector<1x256xf32>
    %mul3A_2280 = arith.constant -0.169030845 : f32
    %mul3A_2281 = vector.broadcast %mul3A_2280 : f32 to vector<1x256xf32>
    %mul3A_2282 = arith.mulf %mul3A_2281, %mul3A_57 : vector<1x256xf32>
    %add3A_2283 = arith.addf %mul3A_2279, %mul3A_2282 : vector<1x256xf32>
    %slice3A_2284 = vector.extract_strided_slice %transpose3A {offsets = [416, 0], sizes = [32, 256], strides = [1, 1]} : vector<512x256xf32> to vector<32x256xf32>
    %mul3A_2285 = vector.broadcast %add3A_2283 : vector<1x256xf32> to vector<32x256xf32>
    %mul3A_2286 = arith.mulf %slice3A_2284, %mul3A_2285 : vector<32x256xf32>
    %add3A_2287 = arith.addf %add3A_2276, %mul3A_2286 : vector<32x256xf32>
    %mul3A_2288 = arith.constant -0.133630618 : f32
    %mul3A_2289 = vector.broadcast %mul3A_2288 : f32 to vector<1x256xf32>
    %mul3A_2290 = arith.mulf %mul3A_2289, %mul3A_51 : vector<1x256xf32>
    %slice3A_2291 = vector.extract_strided_slice %transpose3A {offsets = [448, 0], sizes = [32, 256], strides = [1, 1]} : vector<512x256xf32> to vector<32x256xf32>
    %mul3A_2292 = vector.broadcast %mul3A_2290 : vector<1x256xf32> to vector<32x256xf32>
    %mul3A_2293 = arith.mulf %slice3A_2291, %mul3A_2292 : vector<32x256xf32>
    %add3A_2294 = arith.addf %add3A_2287, %mul3A_2293 : vector<32x256xf32>
    %mul3A_2295 = arith.constant 0.109108947 : f32
    %mul3A_2296 = vector.broadcast %mul3A_2295 : f32 to vector<1x256xf32>
    %mul3A_2297 = arith.mulf %mul3A_2296, %mul3A_57 : vector<1x256xf32>
    %slice3A_2298 = vector.extract_strided_slice %transpose3A {offsets = [480, 0], sizes = [32, 256], strides = [1, 1]} : vector<512x256xf32> to vector<32x256xf32>
    %mul3A_2299 = vector.broadcast %mul3A_2297 : vector<1x256xf32> to vector<32x256xf32>
    %mul3A_2300 = arith.mulf %slice3A_2298, %mul3A_2299 : vector<32x256xf32>
    %add3A_2301 = arith.addf %add3A_2294, %mul3A_2300 : vector<32x256xf32>
    %concatenate3A_2302 = tpu.concatenate %mul3A_2146, %add3A_2170, %add3A_2197, %add3A_2243, %mul3A_2249, %add3A_2301 in 0 : vector<32x256xf32>, vector<32x256xf32>, vector<32x256xf32>, vector<32x256xf32>, vector<32x256xf32>, vector<32x256xf32> -> vector<192x256xf32>
    %mul3A_2303 = vector.broadcast %max3A_15 : vector<1x256xf32> to vector<192x256xf32>
    %mul3A_2304 = arith.mulf %concatenate3A_2302, %mul3A_2303 : vector<192x256xf32>
    %concatenate3A_2305 = tpu.concatenate %mul3A_2304, %concatenate3A_2302 in 0 : vector<192x256xf32>, vector<192x256xf32> -> vector<384x256xf32>
    %get3A_2306 = arith.constant 0 : index
    %get3A_2307 = arith.constant 0 : index
    %get3A_2308 = vector.load %arg6[%get3A_2306, %get3A_2307] : memref<32x384xf32, #tpu.memory_space<vmem>>, vector<32x384xf32>
    %dot_general3A_2309 = arith.constant dense<0.000000e+00> : vector<32x256xf32>
    %dot_general3A_2310 = tpu.matmul %get3A_2308, %concatenate3A_2305, %dot_general3A_2309 {dimension_numbers = #tpu.dot_dimension_numbers<[1], [0], [0], [1], [0, 0, 1, 1], [], []>, transpose_lhs_hint = false} : vector<32x384xf32>, vector<384x256xf32>, vector<32x256xf32> -> vector<32x256xf32>
    %swap3A_2311 = arith.constant 416 : index
    %swap3A_2312 = arith.constant 0 : index
    %swap3A_2313 = vector.load %arg7[%swap3A_2311, %swap3A_2312] : memref<512x256xf32, #tpu.memory_space<vmem>>, vector<32x256xf32>
    tpu.vector_store %arg7[%swap3A_2311, %swap3A_2312], %dot_general3A_2310 {strides = array<i32>} : memref<512x256xf32, #tpu.memory_space<vmem>>, vector<32x256xf32>,
    %mul3A_2314 = arith.constant 0.377964467 : f32
    %mul3A_2315 = vector.broadcast %mul3A_2314 : f32 to vector<1x256xf32>
    %mul3A_2316 = arith.mulf %mul3A_2315, %mul3A_113 : vector<1x256xf32>
    %slice3A_2317 = vector.extract_strided_slice %transpose3A {offsets = [0, 0], sizes = [32, 256], strides = [1, 1]} : vector<512x256xf32> to vector<32x256xf32>
    %mul3A_2318 = vector.broadcast %mul3A_2316 : vector<1x256xf32> to vector<32x256xf32>
    %mul3A_2319 = arith.mulf %slice3A_2317, %mul3A_2318 : vector<32x256xf32>
    %mul3A_2320 = arith.constant -0.218217894 : f32
    %mul3A_2321 = vector.broadcast %mul3A_2320 : f32 to vector<1x256xf32>
    %mul3A_2322 = arith.mulf %mul3A_2321, %mul3A_38 : vector<1x256xf32>
    %slice3A_2323 = vector.extract_strided_slice %transpose3A {offsets = [32, 0], sizes = [32, 256], strides = [1, 1]} : vector<512x256xf32> to vector<32x256xf32>
    %mul3A_2324 = vector.broadcast %mul3A_2322 : vector<1x256xf32> to vector<32x256xf32>
    %mul3A_2325 = arith.mulf %slice3A_2323, %mul3A_2324 : vector<32x256xf32>
    %mul3A_2326 = arith.constant 0.218217894 : f32
    %mul3A_2327 = vector.broadcast %mul3A_2326 : f32 to vector<1x256xf32>
    %mul3A_2328 = arith.mulf %mul3A_2327, %mul3A_57 : vector<1x256xf32>
    %slice3A_2329 = vector.extract_strided_slice %transpose3A {offsets = [64, 0], sizes = [32, 256], strides = [1, 1]} : vector<512x256xf32> to vector<32x256xf32>
    %mul3A_2330 = vector.broadcast %mul3A_2328 : vector<1x256xf32> to vector<32x256xf32>
    %mul3A_2331 = arith.mulf %slice3A_2329, %mul3A_2330 : vector<32x256xf32>
    %add3A_2332 = arith.addf %mul3A_2325, %mul3A_2331 : vector<32x256xf32>
    %mul3A_2333 = arith.constant 0.218217894 : f32
    %mul3A_2334 = vector.broadcast %mul3A_2333 : f32 to vector<1x256xf32>
    %mul3A_2335 = arith.mulf %mul3A_2334, %mul3A_51 : vector<1x256xf32>
    %slice3A_2336 = vector.extract_strided_slice %transpose3A {offsets = [96, 0], sizes = [32, 256], strides = [1, 1]} : vector<512x256xf32> to vector<32x256xf32>
    %mul3A_2337 = vector.broadcast %mul3A_2335 : vector<1x256xf32> to vector<32x256xf32>
    %mul3A_2338 = arith.mulf %slice3A_2336, %mul3A_2337 : vector<32x256xf32>
    %add3A_2339 = arith.addf %add3A_2332, %mul3A_2338 : vector<32x256xf32>
    %mul3A_2340 = arith.constant -0.218217894 : f32
    %mul3A_2341 = vector.broadcast %mul3A_2340 : f32 to vector<1x256xf32>
    %mul3A_2342 = arith.mulf %mul3A_2341, %mul3A_24 : vector<1x256xf32>
    %slice3A_2343 = vector.extract_strided_slice %transpose3A {offsets = [160, 0], sizes = [32, 256], strides = [1, 1]} : vector<512x256xf32> to vector<32x256xf32>
    %mul3A_2344 = vector.broadcast %mul3A_2342 : vector<1x256xf32> to vector<32x256xf32>
    %mul3A_2345 = arith.mulf %slice3A_2343, %mul3A_2344 : vector<32x256xf32>
    %mul3A_2346 = arith.constant 0.218217894 : f32
    %mul3A_2347 = vector.broadcast %mul3A_2346 : f32 to vector<1x256xf32>
    %mul3A_2348 = arith.mulf %mul3A_2347, %mul3A_30 : vector<1x256xf32>
    %slice3A_2349 = vector.extract_strided_slice %transpose3A {offsets = [224, 0], sizes = [32, 256], strides = [1, 1]} : vector<512x256xf32> to vector<32x256xf32>
    %mul3A_2350 = vector.broadcast %mul3A_2348 : vector<1x256xf32> to vector<32x256xf32>
    %mul3A_2351 = arith.mulf %slice3A_2349, %mul3A_2350 : vector<32x256xf32>
    %add3A_2352 = arith.addf %mul3A_2345, %mul3A_2351 : vector<32x256xf32>
    %mul3A_2353 = arith.constant 0.218217894 : f32
    %mul3A_2354 = vector.broadcast %mul3A_2353 : f32 to vector<1x256xf32>
    %mul3A_2355 = arith.mulf %mul3A_2354, %mul3A_27 : vector<1x256xf32>
    %slice3A_2356 = vector.extract_strided_slice %transpose3A {offsets = [256, 0], sizes = [32, 256], strides = [1, 1]} : vector<512x256xf32> to vector<32x256xf32>
    %mul3A_2357 = vector.broadcast %mul3A_2355 : vector<1x256xf32> to vector<32x256xf32>
    %mul3A_2358 = arith.mulf %slice3A_2356, %mul3A_2357 : vector<32x256xf32>
    %add3A_2359 = arith.addf %add3A_2352, %mul3A_2358 : vector<32x256xf32>
    %mul3A_2360 = arith.constant -0.172516391 : f32
    %mul3A_2361 = vector.broadcast %mul3A_2360 : f32 to vector<1x256xf32>
    %mul3A_2362 = arith.mulf %mul3A_2361, %mul3A_67 : vector<1x256xf32>
    %mul3A_2363 = arith.constant 0.133630618 : f32
    %mul3A_2364 = vector.broadcast %mul3A_2363 : f32 to vector<1x256xf32>
    %mul3A_2365 = arith.mulf %mul3A_2364, %mul3A_83 : vector<1x256xf32>
    %add3A_2366 = arith.addf %mul3A_2362, %mul3A_2365 : vector<1x256xf32>
    %slice3A_2367 = vector.extract_strided_slice %transpose3A {offsets = [160, 0], sizes = [32, 256], strides = [1, 1]} : vector<512x256xf32> to vector<32x256xf32>
    %mul3A_2368 = vector.broadcast %add3A_2366 : vector<1x256xf32> to vector<32x256xf32>
    %mul3A_2369 = arith.mulf %slice3A_2367, %mul3A_2368 : vector<32x256xf32>
    %mul3A_2370 = arith.constant -0.133630618 : f32
    %mul3A_2371 = vector.broadcast %mul3A_2370 : f32 to vector<1x256xf32>
    %mul3A_2372 = arith.mulf %mul3A_2371, %mul3A_106 : vector<1x256xf32>
    %mul3A_2373 = arith.constant -0.172516391 : f32
    %mul3A_2374 = vector.broadcast %mul3A_2373 : f32 to vector<1x256xf32>
    %mul3A_2375 = arith.mulf %mul3A_2374, %mul3A_123 : vector<1x256xf32>
    %add3A_2376 = arith.addf %mul3A_2372, %mul3A_2375 : vector<1x256xf32>
    %slice3A_2377 = vector.extract_strided_slice %transpose3A {offsets = [224, 0], sizes = [32, 256], strides = [1, 1]} : vector<512x256xf32> to vector<32x256xf32>
    %mul3A_2378 = vector.broadcast %add3A_2376 : vector<1x256xf32> to vector<32x256xf32>
    %mul3A_2379 = arith.mulf %slice3A_2377, %mul3A_2378 : vector<32x256xf32>
    %add3A_2380 = arith.addf %mul3A_2369, %mul3A_2379 : vector<32x256xf32>
    %mul3A_2381 = arith.constant 0.218217894 : f32
    %mul3A_2382 = vector.broadcast %mul3A_2381 : f32 to vector<1x256xf32>
    %mul3A_2383 = arith.mulf %mul3A_2382, %mul3A_95 : vector<1x256xf32>
    %slice3A_2384 = vector.extract_strided_slice %transpose3A {offsets = [256, 0], sizes = [32, 256], strides = [1, 1]} : vector<512x256xf32> to vector<32x256xf32>
    %mul3A_2385 = vector.broadcast %mul3A_2383 : vector<1x256xf32> to vector<32x256xf32>
    %mul3A_2386 = arith.mulf %slice3A_2384, %mul3A_2385 : vector<32x256xf32>
    %add3A_2387 = arith.addf %add3A_2380, %mul3A_2386 : vector<32x256xf32>
    %mul3A_2388 = arith.constant 0.377964467 : f32
    %mul3A_2389 = vector.broadcast %mul3A_2388 : f32 to vector<1x256xf32>
    %mul3A_2390 = arith.mulf %mul3A_2389, %broadcast_in_dim3A_21 : vector<1x256xf32>
    %slice3A_2391 = vector.extract_strided_slice %transpose3A {offsets = [448, 0], sizes = [32, 256], strides = [1, 1]} : vector<512x256xf32> to vector<32x256xf32>
    %mul3A_2392 = vector.broadcast %mul3A_2390 : vector<1x256xf32> to vector<32x256xf32>
    %mul3A_2393 = arith.mulf %slice3A_2391, %mul3A_2392 : vector<32x256xf32>
    %mul3A_2394 = arith.constant -0.172516391 : f32
    %mul3A_2395 = vector.broadcast %mul3A_2394 : f32 to vector<1x256xf32>
    %mul3A_2396 = arith.mulf %mul3A_2395, %mul3A_38 : vector<1x256xf32>
    %slice3A_2397 = vector.extract_strided_slice %transpose3A {offsets = [288, 0], sizes = [32, 256], strides = [1, 1]} : vector<512x256xf32> to vector<32x256xf32>
    %mul3A_2398 = vector.broadcast %mul3A_2396 : vector<1x256xf32> to vector<32x256xf32>
    %mul3A_2399 = arith.mulf %slice3A_2397, %mul3A_2398 : vector<32x256xf32>
    %mul3A_2400 = arith.constant 0.133630618 : f32
    %mul3A_2401 = vector.broadcast %mul3A_2400 : f32 to vector<1x256xf32>
    %mul3A_2402 = arith.mulf %mul3A_2401, %mul3A_38 : vector<1x256xf32>
    %slice3A_2403 = vector.extract_strided_slice %transpose3A {offsets = [352, 0], sizes = [32, 256], strides = [1, 1]} : vector<512x256xf32> to vector<32x256xf32>
    %mul3A_2404 = vector.broadcast %mul3A_2402 : vector<1x256xf32> to vector<32x256xf32>
    %mul3A_2405 = arith.mulf %slice3A_2403, %mul3A_2404 : vector<32x256xf32>
    %add3A_2406 = arith.addf %mul3A_2399, %mul3A_2405 : vector<32x256xf32>
    %mul3A_2407 = arith.constant 0.218217894 : f32
    %mul3A_2408 = vector.broadcast %mul3A_2407 : f32 to vector<1x256xf32>
    %mul3A_2409 = arith.mulf %mul3A_2408, %mul3A_57 : vector<1x256xf32>
    %slice3A_2410 = vector.extract_strided_slice %transpose3A {offsets = [384, 0], sizes = [32, 256], strides = [1, 1]} : vector<512x256xf32> to vector<32x256xf32>
    %mul3A_2411 = vector.broadcast %mul3A_2409 : vector<1x256xf32> to vector<32x256xf32>
    %mul3A_2412 = arith.mulf %slice3A_2410, %mul3A_2411 : vector<32x256xf32>
    %add3A_2413 = arith.addf %add3A_2406, %mul3A_2412 : vector<32x256xf32>
    %mul3A_2414 = arith.constant -0.133630618 : f32
    %mul3A_2415 = vector.broadcast %mul3A_2414 : f32 to vector<1x256xf32>
    %mul3A_2416 = arith.mulf %mul3A_2415, %mul3A_51 : vector<1x256xf32>
    %slice3A_2417 = vector.extract_strided_slice %transpose3A {offsets = [416, 0], sizes = [32, 256], strides = [1, 1]} : vector<512x256xf32> to vector<32x256xf32>
    %mul3A_2418 = vector.broadcast %mul3A_2416 : vector<1x256xf32> to vector<32x256xf32>
    %mul3A_2419 = arith.mulf %slice3A_2417, %mul3A_2418 : vector<32x256xf32>
    %add3A_2420 = arith.addf %add3A_2413, %mul3A_2419 : vector<32x256xf32>
    %mul3A_2421 = arith.constant -0.172516391 : f32
    %mul3A_2422 = vector.broadcast %mul3A_2421 : f32 to vector<1x256xf32>
    %mul3A_2423 = arith.mulf %mul3A_2422, %mul3A_51 : vector<1x256xf32>
    %slice3A_2424 = vector.extract_strided_slice %transpose3A {offsets = [480, 0], sizes = [32, 256], strides = [1, 1]} : vector<512x256xf32> to vector<32x256xf32>
    %mul3A_2425 = vector.broadcast %mul3A_2423 : vector<1x256xf32> to vector<32x256xf32>
    %mul3A_2426 = arith.mulf %slice3A_2424, %mul3A_2425 : vector<32x256xf32>
    %add3A_2427 = arith.addf %add3A_2420, %mul3A_2426 : vector<32x256xf32>
    %concatenate3A_2428 = tpu.concatenate %mul3A_2319, %add3A_2339, %add3A_2359, %add3A_2387, %mul3A_2393, %add3A_2427 in 0 : vector<32x256xf32>, vector<32x256xf32>, vector<32x256xf32>, vector<32x256xf32>, vector<32x256xf32>, vector<32x256xf32> -> vector<192x256xf32>
    %mul3A_2429 = vector.broadcast %max3A_15 : vector<1x256xf32> to vector<192x256xf32>
    %mul3A_2430 = arith.mulf %concatenate3A_2428, %mul3A_2429 : vector<192x256xf32>
    %concatenate3A_2431 = tpu.concatenate %mul3A_2430, %concatenate3A_2428 in 0 : vector<192x256xf32>, vector<192x256xf32> -> vector<384x256xf32>
    %get3A_2432 = arith.constant 0 : index
    %get3A_2433 = arith.constant 0 : index
    %get3A_2434 = vector.load %arg6[%get3A_2432, %get3A_2433] : memref<32x384xf32, #tpu.memory_space<vmem>>, vector<32x384xf32>
    %dot_general3A_2435 = arith.constant dense<0.000000e+00> : vector<32x256xf32>
    %dot_general3A_2436 = tpu.matmul %get3A_2434, %concatenate3A_2431, %dot_general3A_2435 {dimension_numbers = #tpu.dot_dimension_numbers<[1], [0], [0], [1], [0, 0, 1, 1], [], []>, transpose_lhs_hint = false} : vector<32x384xf32>, vector<384x256xf32>, vector<32x256xf32> -> vector<32x256xf32>
    %swap3A_2437 = arith.constant 448 : index
    %swap3A_2438 = arith.constant 0 : index
    %swap3A_2439 = vector.load %arg7[%swap3A_2437, %swap3A_2438] : memref<512x256xf32, #tpu.memory_space<vmem>>, vector<32x256xf32>
    tpu.vector_store %arg7[%swap3A_2437, %swap3A_2438], %dot_general3A_2436 {strides = array<i32>} : memref<512x256xf32, #tpu.memory_space<vmem>>, vector<32x256xf32>,
    %mul3A_2440 = arith.constant 0.377964467 : f32
    %mul3A_2441 = vector.broadcast %mul3A_2440 : f32 to vector<1x256xf32>
    %mul3A_2442 = arith.mulf %mul3A_2441, %mul3A_123 : vector<1x256xf32>
    %slice3A_2443 = vector.extract_strided_slice %transpose3A {offsets = [0, 0], sizes = [32, 256], strides = [1, 1]} : vector<512x256xf32> to vector<32x256xf32>
    %mul3A_2444 = vector.broadcast %mul3A_2442 : vector<1x256xf32> to vector<32x256xf32>
    %mul3A_2445 = arith.mulf %slice3A_2443, %mul3A_2444 : vector<32x256xf32>
    %mul3A_2446 = arith.constant -0.267261237 : f32
    %mul3A_2447 = vector.broadcast %mul3A_2446 : f32 to vector<1x256xf32>
    %mul3A_2448 = arith.mulf %mul3A_2447, %mul3A_34 : vector<1x256xf32>
    %slice3A_2449 = vector.extract_strided_slice %transpose3A {offsets = [32, 0], sizes = [32, 256], strides = [1, 1]} : vector<512x256xf32> to vector<32x256xf32>
    %mul3A_2450 = vector.broadcast %mul3A_2448 : vector<1x256xf32> to vector<32x256xf32>
    %mul3A_2451 = arith.mulf %slice3A_2449, %mul3A_2450 : vector<32x256xf32>
    %mul3A_2452 = arith.constant 0.267261237 : f32
    %mul3A_2453 = vector.broadcast %mul3A_2452 : f32 to vector<1x256xf32>
    %mul3A_2454 = arith.mulf %mul3A_2453, %mul3A_57 : vector<1x256xf32>
    %slice3A_2455 = vector.extract_strided_slice %transpose3A {offsets = [96, 0], sizes = [32, 256], strides = [1, 1]} : vector<512x256xf32> to vector<32x256xf32>
    %mul3A_2456 = vector.broadcast %mul3A_2454 : vector<1x256xf32> to vector<32x256xf32>
    %mul3A_2457 = arith.mulf %slice3A_2455, %mul3A_2456 : vector<32x256xf32>
    %add3A_2458 = arith.addf %mul3A_2451, %mul3A_2457 : vector<32x256xf32>
    %mul3A_2459 = arith.constant -0.267261237 : f32
    %mul3A_2460 = vector.broadcast %mul3A_2459 : f32 to vector<1x256xf32>
    %mul3A_2461 = arith.mulf %mul3A_2460, %mul3A_24 : vector<1x256xf32>
    %slice3A_2462 = vector.extract_strided_slice %transpose3A {offsets = [128, 0], sizes = [32, 256], strides = [1, 1]} : vector<512x256xf32> to vector<32x256xf32>
    %mul3A_2463 = vector.broadcast %mul3A_2461 : vector<1x256xf32> to vector<32x256xf32>
    %mul3A_2464 = arith.mulf %slice3A_2462, %mul3A_2463 : vector<32x256xf32>
    %mul3A_2465 = arith.constant 0.267261237 : f32
    %mul3A_2466 = vector.broadcast %mul3A_2465 : f32 to vector<1x256xf32>
    %mul3A_2467 = arith.mulf %mul3A_2466, %mul3A_30 : vector<1x256xf32>
    %slice3A_2468 = vector.extract_strided_slice %transpose3A {offsets = [256, 0], sizes = [32, 256], strides = [1, 1]} : vector<512x256xf32> to vector<32x256xf32>
    %mul3A_2469 = vector.broadcast %mul3A_2467 : vector<1x256xf32> to vector<32x256xf32>
    %mul3A_2470 = arith.mulf %slice3A_2468, %mul3A_2469 : vector<32x256xf32>
    %add3A_2471 = arith.addf %mul3A_2464, %mul3A_2470 : vector<32x256xf32>
    %mul3A_2472 = arith.constant -0.109108947 : f32
    %mul3A_2473 = vector.broadcast %mul3A_2472 : f32 to vector<1x256xf32>
    %mul3A_2474 = arith.mulf %mul3A_2473, %mul3A_83 : vector<1x256xf32>
    %slice3A_2475 = vector.extract_strided_slice %transpose3A {offsets = [128, 0], sizes = [32, 256], strides = [1, 1]} : vector<512x256xf32> to vector<32x256xf32>
    %mul3A_2476 = vector.broadcast %mul3A_2474 : vector<1x256xf32> to vector<32x256xf32>
    %mul3A_2477 = arith.mulf %slice3A_2475, %mul3A_2476 : vector<32x256xf32>
    %mul3A_2478 = arith.constant 0.172516391 : f32
    %mul3A_2479 = vector.broadcast %mul3A_2478 : f32 to vector<1x256xf32>
    %mul3A_2480 = arith.mulf %mul3A_2479, %mul3A_72 : vector<1x256xf32>
    %slice3A_2481 = vector.extract_strided_slice %transpose3A {offsets = [160, 0], sizes = [32, 256], strides = [1, 1]} : vector<512x256xf32> to vector<32x256xf32>
    %mul3A_2482 = vector.broadcast %mul3A_2480 : vector<1x256xf32> to vector<32x256xf32>
    %mul3A_2483 = arith.mulf %slice3A_2481, %mul3A_2482 : vector<32x256xf32>
    %add3A_2484 = arith.addf %mul3A_2477, %mul3A_2483 : vector<32x256xf32>
    %mul3A_2485 = arith.constant 0.243975013 : f32
    %mul3A_2486 = vector.broadcast %mul3A_2485 : f32 to vector<1x256xf32>
    %mul3A_2487 = arith.mulf %mul3A_2486, %mul3A_123 : vector<1x256xf32>
    %slice3A_2488 = vector.extract_strided_slice %transpose3A {offsets = [192, 0], sizes = [32, 256], strides = [1, 1]} : vector<512x256xf32> to vector<32x256xf32>
    %mul3A_2489 = vector.broadcast %mul3A_2487 : vector<1x256xf32> to vector<32x256xf32>
    %mul3A_2490 = arith.mulf %slice3A_2488, %mul3A_2489 : vector<32x256xf32>
    %add3A_2491 = arith.addf %add3A_2484, %mul3A_2490 : vector<32x256xf32>
    %mul3A_2492 = arith.constant -0.172516391 : f32
    %mul3A_2493 = vector.broadcast %mul3A_2492 : f32 to vector<1x256xf32>
    %mul3A_2494 = arith.mulf %mul3A_2493, %mul3A_113 : vector<1x256xf32>
    %slice3A_2495 = vector.extract_strided_slice %transpose3A {offsets = [224, 0], sizes = [32, 256], strides = [1, 1]} : vector<512x256xf32> to vector<32x256xf32>
    %mul3A_2496 = vector.broadcast %mul3A_2494 : vector<1x256xf32> to vector<32x256xf32>
    %mul3A_2497 = arith.mulf %slice3A_2495, %mul3A_2496 : vector<32x256xf32>
    %add3A_2498 = arith.addf %add3A_2491, %mul3A_2497 : vector<32x256xf32>
    %mul3A_2499 = arith.constant 0.109108947 : f32
    %mul3A_2500 = vector.broadcast %mul3A_2499 : f32 to vector<1x256xf32>
    %mul3A_2501 = arith.mulf %mul3A_2500, %mul3A_106 : vector<1x256xf32>
    %slice3A_2502 = vector.extract_strided_slice %transpose3A {offsets = [256, 0], sizes = [32, 256], strides = [1, 1]} : vector<512x256xf32> to vector<32x256xf32>
    %mul3A_2503 = vector.broadcast %mul3A_2501 : vector<1x256xf32> to vector<32x256xf32>
    %mul3A_2504 = arith.mulf %slice3A_2502, %mul3A_2503 : vector<32x256xf32>
    %add3A_2505 = arith.addf %add3A_2498, %mul3A_2504 : vector<32x256xf32>
    %mul3A_2506 = arith.constant 0.377964467 : f32
    %mul3A_2507 = vector.broadcast %mul3A_2506 : f32 to vector<1x256xf32>
    %mul3A_2508 = arith.mulf %mul3A_2507, %broadcast_in_dim3A_21 : vector<1x256xf32>
    %slice3A_2509 = vector.extract_strided_slice %transpose3A {offsets = [480, 0], sizes = [32, 256], strides = [1, 1]} : vector<512x256xf32> to vector<32x256xf32>
    %mul3A_2510 = vector.broadcast %mul3A_2508 : vector<1x256xf32> to vector<32x256xf32>
    %mul3A_2511 = arith.mulf %slice3A_2509, %mul3A_2510 : vector<32x256xf32>
    %mul3A_2512 = arith.constant 0.172516391 : f32
    %mul3A_2513 = vector.broadcast %mul3A_2512 : f32 to vector<1x256xf32>
    %mul3A_2514 = arith.mulf %mul3A_2513, %mul3A_38 : vector<1x256xf32>
    %slice3A_2515 = vector.extract_strided_slice %transpose3A {offsets = [320, 0], sizes = [32, 256], strides = [1, 1]} : vector<512x256xf32> to vector<32x256xf32>
    %mul3A_2516 = vector.broadcast %mul3A_2514 : vector<1x256xf32> to vector<32x256xf32>
    %mul3A_2517 = arith.mulf %slice3A_2515, %mul3A_2516 : vector<32x256xf32>
    %mul3A_2518 = arith.constant -0.109108947 : f32
    %mul3A_2519 = vector.broadcast %mul3A_2518 : f32 to vector<1x256xf32>
    %mul3A_2520 = arith.mulf %mul3A_2519, %mul3A_34 : vector<1x256xf32>
    %slice3A_2521 = vector.extract_strided_slice %transpose3A {offsets = [352, 0], sizes = [32, 256], strides = [1, 1]} : vector<512x256xf32> to vector<32x256xf32>
    %mul3A_2522 = vector.broadcast %mul3A_2520 : vector<1x256xf32> to vector<32x256xf32>
    %mul3A_2523 = arith.mulf %slice3A_2521, %mul3A_2522 : vector<32x256xf32>
    %add3A_2524 = arith.addf %mul3A_2517, %mul3A_2523 : vector<32x256xf32>
    %mul3A_2525 = arith.constant 0.109108947 : f32
    %mul3A_2526 = vector.broadcast %mul3A_2525 : f32 to vector<1x256xf32>
    %mul3A_2527 = arith.mulf %mul3A_2526, %mul3A_57 : vector<1x256xf32>
    %slice3A_2528 = vector.extract_strided_slice %transpose3A {offsets = [416, 0], sizes = [32, 256], strides = [1, 1]} : vector<512x256xf32> to vector<32x256xf32>
    %mul3A_2529 = vector.broadcast %mul3A_2527 : vector<1x256xf32> to vector<32x256xf32>
    %mul3A_2530 = arith.mulf %slice3A_2528, %mul3A_2529 : vector<32x256xf32>
    %add3A_2531 = arith.addf %add3A_2524, %mul3A_2530 : vector<32x256xf32>
    %mul3A_2532 = arith.constant -0.172516391 : f32
    %mul3A_2533 = vector.broadcast %mul3A_2532 : f32 to vector<1x256xf32>
    %mul3A_2534 = arith.mulf %mul3A_2533, %mul3A_51 : vector<1x256xf32>
    %slice3A_2535 = vector.extract_strided_slice %transpose3A {offsets = [448, 0], sizes = [32, 256], strides = [1, 1]} : vector<512x256xf32> to vector<32x256xf32>
    %mul3A_2536 = vector.broadcast %mul3A_2534 : vector<1x256xf32> to vector<32x256xf32>
    %mul3A_2537 = arith.mulf %slice3A_2535, %mul3A_2536 : vector<32x256xf32>
    %add3A_2538 = arith.addf %add3A_2531, %mul3A_2537 : vector<32x256xf32>
    %mul3A_2539 = arith.constant 0.243975013 : f32
    %mul3A_2540 = vector.broadcast %mul3A_2539 : f32 to vector<1x256xf32>
    %mul3A_2541 = arith.mulf %mul3A_2540, %mul3A_47 : vector<1x256xf32>
    %slice3A_2542 = vector.extract_strided_slice %transpose3A {offsets = [480, 0], sizes = [32, 256], strides = [1, 1]} : vector<512x256xf32> to vector<32x256xf32>
    %mul3A_2543 = vector.broadcast %mul3A_2541 : vector<1x256xf32> to vector<32x256xf32>
    %mul3A_2544 = arith.mulf %slice3A_2542, %mul3A_2543 : vector<32x256xf32>
    %add3A_2545 = arith.addf %add3A_2538, %mul3A_2544 : vector<32x256xf32>
    %concatenate3A_2546 = tpu.concatenate %mul3A_2445, %add3A_2458, %add3A_2471, %add3A_2505, %mul3A_2511, %add3A_2545 in 0 : vector<32x256xf32>, vector<32x256xf32>, vector<32x256xf32>, vector<32x256xf32>, vector<32x256xf32>, vector<32x256xf32> -> vector<192x256xf32>
    %mul3A_2547 = vector.broadcast %max3A_15 : vector<1x256xf32> to vector<192x256xf32>
    %mul3A_2548 = arith.mulf %concatenate3A_2546, %mul3A_2547 : vector<192x256xf32>
    %concatenate3A_2549 = tpu.concatenate %mul3A_2548, %concatenate3A_2546 in 0 : vector<192x256xf32>, vector<192x256xf32> -> vector<384x256xf32>
    %get3A_2550 = arith.constant 0 : index
    %get3A_2551 = arith.constant 0 : index
    %get3A_2552 = vector.load %arg6[%get3A_2550, %get3A_2551] : memref<32x384xf32, #tpu.memory_space<vmem>>, vector<32x384xf32>
    %dot_general3A_2553 = arith.constant dense<0.000000e+00> : vector<32x256xf32>
    %dot_general3A_2554 = tpu.matmul %get3A_2552, %concatenate3A_2549, %dot_general3A_2553 {dimension_numbers = #tpu.dot_dimension_numbers<[1], [0], [0], [1], [0, 0, 1, 1], [], []>, transpose_lhs_hint = false} : vector<32x384xf32>, vector<384x256xf32>, vector<32x256xf32> -> vector<32x256xf32>
    %swap3A_2555 = arith.constant 480 : index
    %swap3A_2556 = arith.constant 0 : index
    %swap3A_2557 = vector.load %arg7[%swap3A_2555, %swap3A_2556] : memref<512x256xf32, #tpu.memory_space<vmem>>, vector<32x256xf32>
    tpu.vector_store %arg7[%swap3A_2555, %swap3A_2556], %dot_general3A_2554 {strides = array<i32>} : memref<512x256xf32, #tpu.memory_space<vmem>>, vector<32x256xf32>,
    return
  }
  func.func @transform_0(%arg0: i32) -> (i32, i32) {
    %c0_i32 = arith.constant 0 : i32
    %c0_i32_0 = arith.constant 0 : i32
    return %c0_i32, %arg0 : i32, i32
  }
  func.func @transform_1(%arg0: i32) -> (i32, i32) {
    %c0_i32 = arith.constant 0 : i32
    %c0_i32_0 = arith.constant 0 : i32
    return %arg0, %c0_i32 : i32, i32
  }
  func.func @transform_2(%arg0: i32) -> (i32, i32) {
    %c0_i32 = arith.constant 0 : i32
    %c0_i32_0 = arith.constant 0 : i32
    %c0_i32_1 = arith.constant 0 : i32
    return %c0_i32, %c0_i32_0 : i32, i32
  }
  func.func @transform_3(%arg0: i32) -> (i32, i32) {
    %c0_i32 = arith.constant 0 : i32
    %c0_i32_0 = arith.constant 0 : i32
    %c0_i32_1 = arith.constant 0 : i32
    return %c0_i32, %c0_i32_0 : i32, i32
  }
  func.func @transform_4(%arg0: i32) -> (i32, i32) {
    %c0_i32 = arith.constant 0 : i32
    %c0_i32_0 = arith.constant 0 : i32
    %c0_i32_1 = arith.constant 0 : i32
    return %c0_i32, %c0_i32_0 : i32, i32
  }
  func.func @transform_5(%arg0: i32) -> (i32, i32) {
    %c0_i32 = arith.constant 0 : i32
    %c0_i32_0 = arith.constant 0 : i32
    %c0_i32_1 = arith.constant 0 : i32
    return %c0_i32, %c0_i32_0 : i32, i32
  }
  func.func @transform_6(%arg0: i32) -> (i32, i32) {
    %c0_i32 = arith.constant 0 : i32
    %c0_i32_0 = arith.constant 0 : i32
    return %c0_i32, %arg0 : i32, i32
  }
}

</mosaic_0001>

<sc_bundles>
// kernel: kernel.4.cloned.1.call-start
scs
__scs_entry_jumppad:
0x0: {  	(pc) =	sbr.rel $0x88, $3  }
0x1: {  	(tag) =	ssettag $0x0;
	lr =	simm.s32 $0x1  }
0x2: {  	[smem:$0x3F9C] =	sst lr;
	_ =	strace $0xD0000000  }
0x3: {  	_ = 	snop  }
0x4: {  	_ = 	snop  }
0x5: {  	_ = 	snop  }
0x6: {  	_ = 	snop  }
0x7: {  	_ = 	snop  }
__scs_overlays_trampoline_lowered:
0x8: {  	[smem:$0x3FAB] =	sst s0  }
0x9: {  	[smem:$0x3FAC] =	sst s1  }
0xa: {  	[smem:$0x3FAD] =	sst s2  }
0xb: {  	[smem:$0x3FAE] =	sst s3  }
0xc: {  	[smem:$0x3FAF] =	sst s4  }
0xd: {  	[smem:$0x3FB0] =	sst s5  }
0xe: {  	[smem:$0x3FB1] =	sst s6  }
0xf: {  	[smem:$0x3FB2] =	sst s7  }
0x10: {  	[smem:$0x3FB3] =	sst s8  }
0x11: {  	[smem:$0x3FB4] =	sst s9;
	s0 =	simm.s32 @!p0 $0x0  }
0x12: {  	s1 =	sld [smem:$0x3F9A];
	s0 =	simm.s32 @p0 $0x1  }
0x13: {  	[smem:$0x3FB5] =	sst s0;
	s0 =	simm.s32 @!p1 $0x0  }
0x14: {  	s2 =	sld [smem:$0x3F99];
	s0 =	simm.s32 @p1 $0x1  }
0x15: {  	[smem:$0x3FB6] =	sst s0;
	s0 =	simm.s32 @!p2 $0x0  }
0x16: {  	s3 =	sld [smem:$0x3FDB];
	s0 =	simm.s32 @p2 $0x1  }
0x17: {  	s4 =	simm.s32 $0x1BF5;
	[smem:$0x3FB8] =	sst s0  }
0x18: {  	s0 =	sld [smem:$0x3F9B];
	_ =	swait.ge [sflag:s4], $0x0  }
0x19: {  	s7 =	sld [smem:$0x3F9C]  }
0x1a: {  	s8 =	sadd.s32 $0xFFFFE003, lr  }
0x1b: {  	s9 =	sadd.s32 $0xFFFFFEF7, lr;
	s5 =	simm.s32 $0xFFFFFFFF;
	p2 =	slt.u32 s8, $0xFFFFF086  }
0x1c: {  	p1 =	slt.u32 s9, $0xF7A;
	s5 =	simm.s32 @!p2 $0x0  }
0x1d: {  	s5 =	simm.s32 @p1 $0x1;
	p0 =	seq.s32 s7, s2  }
0x1e: {  	s7 =	smul.u32 @!p0 $0xF7A, s2;
	p2 =	seq.s32 @!p0 s5, $0x0  }
0x1f: {  	s9 =	smul.u32 $0xF7A, s1;
	s8 =	simm.s32 @!p0 $0x1BF5;
	p2 =	por !p2, p0  }
0x20: {  	[sflag:s8] =	ssyncset.s32 @!p0 $0xFFFFF086;
	s6 =	sadd.s32 @!p0 s3, s7;
	s7 =	simm.s32 @!p0 $0x108  }
0x21: {  	s3 =	sadd.s32 s3, s9;
	s6 =	sadd.s32 @!p0 $0x88, s6;
	s7 =	simm.s32 @p2 $0x1082  }
0x22: {  	[simem:s7], [sflag:s8] =	dma.local @!p0 [hbm:s6], $0xF7A  }
0x23: {  	s9 =	sor.u32 $0xD0000000, s2;
	s6 =	simm.s32 $0x108;
	_ =	swait.ge @!p0 [sflag:s8], $0x0  }
0x24: {  	s3 =	sadd.s32 $0x88, s3;
	s6 =	simm.s32 @!p1 $0x1082;
	[sflag:s4] =	ssyncset.s32 $0xFFFFF086  }
0x25: {  	[simem:s6], [sflag:s4] =	dma.local [hbm:s3], $0xF7A  }
0x26: {  	[smem:$0x3F9C] =	sst s1;
	(tag) =	ssettag s2;
	_ =	strace s9  }
0x27: {  	s1 =	sld [smem:$0x3FAC]  }
0x28: {  	s2 =	sld [smem:$0x3FAD]  }
0x29: {  	s4 =	sld [smem:$0x3FAF]  }
0x2a: {  	p0 =	seq.s32 s5, $0x0;
	s5 =	sld [smem:$0x3FB0]  }
0x2b: {  	s6 =	sld [smem:$0x3FB1]  }
0x2c: {  	s7 =	sld [smem:$0x3FB2]  }
0x2d: {  	s3 =	simm.s32 $0x108;
	s8 =	sld [smem:$0x3FB3]  }
0x2e: {  	s3 =	simm.s32 @!p0 $0x1082;
	s9 =	sld [smem:$0x3FB4]  }
0x2f: {  	lr =	sadd.s32 s0, s3;
	s0 =	sld [smem:$0x3FAB]  }
0x30: {  	s3 =	sld [smem:$0x3FAE]  }
0x31: {  	[smem:$0x3FB7] =	sst s10  }
0x32: {  	s10 =	sld [smem:$0x3FB5];
	_ =	sdelay $0x3  }
0x33: {  	p0 =	seq.s32 s10, $0x1;
	s10 =	sld [smem:$0x3FB7];
	_ =	sdelay $0x3  }
0x34: {  	[smem:$0x3FB7] =	sst s10  }
0x35: {  	s10 =	sld [smem:$0x3FB6];
	_ =	sdelay $0x3  }
0x36: {  	p1 =	seq.s32 s10, $0x1;
	s10 =	sld [smem:$0x3FB7];
	_ =	sdelay $0x3  }
0x37: {  	[smem:$0x3FB7] =	sst s10  }
0x38: {  	s10 =	sld [smem:$0x3FB8]  }
0x39: {  	_ = 	snop;
	(pc) =	sbr.ind lr, $3  }
0x3a: {  	_ = 	snop  }
0x3b: {  	_ = 	snop  }
0x3c: {  	p2 =	seq.s32 s10, $0x1;
	s10 =	sld [smem:$0x3FB7]  }
0x3d: {  	_ =	shalt  }
0x3e: {  	_ =	shalt  }
0x3f: {  	_ =	shalt  }
0x40: {  	_ =	shalt  }
0x41: {  	_ =	shalt  }
0x42: {  	_ =	shalt  }
0x43: {  	_ =	shalt  }
0x44: {  	_ =	shalt  }
0x45: {  	_ =	shalt  }
0x46: {  	_ =	shalt  }
0x47: {  	_ =	shalt  }
0x48: {  	_ =	shalt  }
0x49: {  	_ =	shalt  }
0x4a: {  	_ =	shalt  }
0x4b: {  	_ =	shalt  }
0x4c: {  	_ =	shalt  }
0x4d: {  	_ =	shalt  }
0x4e: {  	_ =	shalt  }
0x4f: {  	_ =	shalt  }
0x50: {  	_ =	shalt  }
0x51: {  	_ =	shalt  }
0x52: {  	_ =	shalt  }
0x53: {  	_ =	shalt  }
0x54: {  	_ =	shalt  }
0x55: {  	_ =	shalt  }
0x56: {  	_ =	shalt  }
0x57: {  	_ =	shalt  }
0x58: {  	_ =	shalt  }
0x59: {  	_ =	shalt  }
0x5a: {  	_ =	shalt  }
0x5b: {  	_ =	shalt  }
0x5c: {  	_ =	shalt  }
0x5d: {  	_ =	shalt  }
0x5e: {  	_ =	shalt  }
0x5f: {  	_ =	shalt  }
0x60: {  	_ =	shalt  }
0x61: {  	_ =	shalt  }
0x62: {  	_ =	shalt  }
0x63: {  	_ =	shalt  }
0x64: {  	_ =	shalt  }
0x65: {  	_ =	shalt  }
0x66: {  	_ =	shalt  }
0x67: {  	_ =	shalt  }
0x68: {  	_ =	shalt  }
0x69: {  	_ =	shalt  }
0x6a: {  	_ =	shalt  }
0x6b: {  	_ =	shalt  }
0x6c: {  	_ =	shalt  }
0x6d: {  	_ =	shalt  }
0x6e: {  	_ =	shalt  }
0x6f: {  	_ =	shalt  }
0x70: {  	_ =	shalt  }
0x71: {  	_ =	shalt  }
0x72: {  	_ =	shalt  }
0x73: {  	_ =	shalt  }
0x74: {  	_ =	shalt  }
0x75: {  	_ =	shalt  }
0x76: {  	_ =	shalt  }
0x77: {  	_ =	shalt  }
0x78: {  	_ =	shalt  }
0x79: {  	_ =	shalt  }
0x7a: {  	_ =	shalt  }
0x7b: {  	_ =	shalt  }
0x7c: {  	_ =	shalt  }
0x7d: {  	_ =	shalt  }
0x7e: {  	_ =	shalt  }
0x7f: {  	_ =	shalt  }
0x80: {  	_ =	shalt  }
0x81: {  	_ =	shalt  }
0x82: {  	_ =	shalt  }
0x83: {  	_ =	shalt  }
0x84: {  	_ =	shalt  }
0x85: {  	_ =	shalt  }
0x86: {  	_ =	shalt  }
0x87: {  	_ =	shalt  }
.Lfunc_end0:
.L_simem_size_0:
called_computation.1_lowered:
.L_overlay_start_0:
0x88: {  	s2 =	sld [smem:$0x3FD9]  }
0x89: {  	s3 =	sld [smem:$0x3FFE];
	_ =	sdelay $0x1  }
0x8a: {  	s1 =	srdreg.scid  }
0x8b: {  	s0 =	sand.u32 $0x1, s1  }
0x8c: {  	s17 =	sshll.u32 s0, $0xA;
	s2 =	sadd.s32 s3, s2  }
0x8d: {  	s2 =	sadd.s32 s2, s17  }
0x8e: {  	[smem:$0x3FC3] =	sst s2  }
0x8f: {  	_ = 	snop  }
0x90: {  	s2 =	sld [smem:$0x3FD0];
	(tm) =	ssettm $0x1  }
0x91: {  	s18 =	sld [smem:$0x3FFB];
	_ =	sdelay $0x3  }
0x92: {  	_ =	strace s18  }
0x93: {  	s3 =	sld [smem:$0x3FFC];
	_ =	sdelay $0x3  }
0x94: {  	_ =	strace s3  }
0x95: {  	s3 =	sld [smem:$0x3FFD];
	_ =	sdelay $0x3  }
0x96: {  	_ =	strace s3  }
0x97: {  	_ =	strace $0x8FFFFFFF  }
0x98: {  	s19 =	sld [smem:$0x3FDB];
	_ =	sdelay $0x1  }
0x99: {  	s4 =	simm.s32 $_scs_section_size  }
0x9a: {  	s5 =	simm.s32 $_size__tile_overlayer_lowered;
	s6 =	simm.s32 $_tile_overlayer_lowered  }
0x9b: {  	s22 =	simm.s32 $0x1BFF;
	s21 =	sshll.u32 s6, $0x1;
	s3 =	sadd.s32 s4, s19  }
0x9c: {  	s7 =	simm.s32 $0x0;
	s20 =	sshll.u32 s5, $0x1;
	s5 =	sadd.s32 s21, s3  }
0x9d: {  	[timem:s7], [sflag:s22] =	dma.local [hbm:s5], s20  }
0x9e: {  	_ =	swait.ge [sflag:s22], s20  }
0x9f: {  	s4 =	ssub.s32 $0x0, s20;
	[sflag:s22] =	ssyncset.done $0x0  }
0xa0: {  	[sflag:s22] =	ssyncadd.s32 s4;
	_ =	sdelay $0x1  }
0xa1: {  	s23 =	simm.s32 $0x1B8B  }
0xa2: {  	_ =	swait.ge [sflag:s23], $0x1  }
0xa3: {  	[sflag:s23] =	ssyncset.done $0x0  }
0xa4: {  	s25 =	simm.s32 $0x1B8E;
	s24 =	sld [smem:$0x3FFE];
	[sflag:s23] =	ssyncadd.s32 $0xFFFFFFFF  }
0xa5: {  	s26 =	simm.s32 $execute0_lowered;
	[smem:$0x3FD2] =	sst s25  }
0xa6: {  	s5 =	sshll.u32 s26, $0x1;
	_ =	strace $0x80000046;
	[dreg:$0x1] =	wrdreg $0xFFFFFFFF  }
0xa7: {  	s28 =	simm.s32 $_size_execute0_lowered;
	s3 =	sadd.s32 s3, s5;
	[dreg:$0x0] =	wrdreg $0x0  }
0xa8: {  	s5 =	sshll.u32 s28, $0x1;
	[dreg:$0x2] =	wrdreg s3  }
0xa9: {  	[dreg:$0x3] =	wrdreg s5  }
0xaa: {  	[dreg:$0x4] =	wrdreg $0xC0  }
0xab: {  	_ =	task [dreg:s7], $0x5FFFF  }
0xac: {  	[dreg:$0x1] =	wrdreg $0xFFFFFFFF  }
0xad: {  	[dreg:$0x0] =	wrdreg $0x60  }
0xae: {  	[dreg:$0x2] =	wrdreg s2  }
0xaf: {  	[dreg:$0x3] =	wrdreg s24  }
0xb0: {  	[dreg:$0x4] =	wrdreg $0x9  }
0xb1: {  	_ =	task.clear_ibuf [dreg:s7], $0x5FFFF;
	_ =	strace $0x90000046  }
0xb2: {  	s29 =	simm.s32 $0x9;
	_ =	strace $0x80000048  }
0xb3: {  	_ =	swait.ge [sflag:s29], $0x1  }
0xb4: {  	[sflag:s29] =	ssyncadd.s32 $0xFFFFFFFF  }
0xb5: {  	_ =	strace $0x90000048  }
0xb6: {  	_ =	sfence  }
0xb7: {  	s30 =	sld [smem:$0x0];
	_ =	sdelay $0x2  }
0xb8: {  	s31 =	sshll.u32 s1, $0xD;
	s1 =	sshrl.u32 s1, $0x2  }
0xb9: {  	s3 =	sand.u32 $0x4000, s31;
	s1 =	sadd.s32 s1, s30  }
0xba: {  	s0 =	sor.u32 s3, s0;
	s1 =	sshll.u32 s1, $0x11  }
0xbb: {  	s0 =	sor.u32 s1, s0  }
0xbc: {  	s0 =	sadd.s32 $0x8F2B, s0  }
0xbd: {  	[sflag:s0] =	ssyncadd.remote.s32 $0x1  }
0xbe: {  	_ =	sfence.sel $0xFFFF  }
0xbf: {  	[dreg:$0x0] =	wrdreg $0xFFFFFFFF;
	(pc) =	sbr.abs _section_cstart, $3  }
0xc0: {  	[dreg:$0x1] =	wrdreg $0xFFFFFFFF  }
0xc1: {  	_ =	task.clear_ibuf [dreg:s7], $0x2FFFF;
	_ =	strace $0x9FFFFFFF  }
0xc2: {  	(tm) =	ssettm $0x7FFFFFFF  }
0xc3: {  	_ =	shalt  }
tec
execute0_lowered:
.L_overlay_start_1:
0x0: {  	(tag) =	ssettag $0x1  }
0x1: {  	s2 =	rddreg [dreg:$0x0];
	s1 =	srdreg.scid  }
0x2: {  	s0 =	stileid.u32;
	s7 =	rddreg [dreg:$0x1];
	s3 =	simm.s32 $0x0  }
0x3: {  	s11 =	simm.s32 $0x80;
	s12 =	simm.s32 $0x880;
	s13 =	simm.s32 $0x1080  }
0x4: {  	s14 =	simm.s32 $0x1880;
	s15 =	simm.s32 $0x2080;
	s16 =	simm.s32 $0x2880  }
0x5: {  	s28 =	simm.s32 $0x8080;
	s29 =	simm.s32 $0x8880;
	s30 =	simm.s32 $0x9080  }
0x6: {  	s31 =	simm.s32 $0x9880;
	s1 =	sand.u32 $0x1, s1;
	s4 =	sshll.u32 s0, $0x1  }
0x7: {  	[smem:$0x7FF] =	sst s3;
	s8 =	sadd.s32 $0x600, s7;
	s4 =	sor.u32 s1, s4  }
0x8: {  	_ =	strace $0x80000047;
	s1 =	ssub.s32 $0x2, s1;
	s5 =	smul.u32 $0x140, s4  }
0x9: {  	s9 =	sshrl.u32 s1, $0x1;
	s10 =	smul.u32 $0x5000, s4;
	s4 =	sadd.s32 $0x100, s2  }
0xa: {  	s1 =	ssub.s32 s1, s9;
	s6 =	sshrl.u32 s5, $0x3;
	s17 =	sadd.s32 $0x50, s5  }
0xb: {  	s18 =	sadd.s32 s8, s10;
	s21 =	sadd.s32 $0xA0, s5;
	s23 =	sadd.s32 $0xF0, s5  }
0xc: {  	s9 =	smax.u32 s1, $0x1;
	s10 =	simm.s32 $0x2;
	s1 =	simm.s32 $0x1  }
0xd: {  	s6 =	sadd.s32 s7, s6;
	s19 =	sshrl.u32 s17, $0x3;
	[dreg:$0x4] =	wrdreg s18  }
0xe: {  	s22 =	sshrl.u32 s21, $0x3;
	s24 =	sshll.u32 s21, $0x6;
	s25 =	sshrl.u32 s23, $0x3  }
0xf: {  	s26 =	sshll.u32 s23, $0x6;
	s18 =	simm.s32 $0x3880;
	s21 =	simm.s32 $0x5080  }
0x10: {  	s23 =	simm.s32 $0x6080;
	[dreg:$0x3] =	wrdreg s6;
	s20 =	sadd.s32 s7, s19  }
0x11: {  	s6 =	sshll.u32 s17, $0x6;
	s5 =	sadd.s32 s7, s22;
	s7 =	sadd.s32 s7, s25  }
0x12: {  	s17 =	simm.s32 $0x3080;
	s19 =	simm.s32 $0x4080;
	s22 =	simm.s32 $0x5880  }
0x13: {  	v2 =	vlaneseq.u32;
	s25 =	simm.s32 $0x7080;
	[dreg:$0x5] =	wrdreg s20;
	s6 =	sadd.s32 s8, s6  }
0x14: {  	vm0 =	vmmov $0xffff;
	v1 =	vshrl.u32 v2, $0x3;
	s20 =	simm.s32 $0x4880;
	[dreg:$0x6] =	wrdreg s6;
	s6 =	sadd.s32 s8, s24  }
0x15: {  	v0 =	vand.u32 $0x7, v2;
	v2 =	vor.u32 $0x8, v2;
	v1 =	vmul.u32 $0x8, v1;
	s8 =	sadd.s32 s8, s26;
	s24 =	simm.s32 $0x6880;
	s26 =	simm.s32 $0x7880  }
.LBB2_1:
0x16: {  	s0 =	rddreg [dreg:$0x3]  }
0x17: {  	[tilespmem:s3], [sflag:$0x2] =	stream.linear.gather [hbm4b:s0+s3], $0x50, $0x38;
	[tilespmem:$0xA080] =	vst v63  }
0x18: {  	_ =	swait.ge [sflag:s10], $0x50  }
0x19: {  	[sflag:s10] =	ssyncset.done $0x0  }
0x1a: {  	[sflag:s10] =	ssyncadd.s32 $0xFFFFFFB0  }
0x1b: {  	v3 =	vld [tilespmem:$0x0];
	_ =	sdelay $0x4  }
0x1c: {  	v4 =	vshll.u32 v3, $0x2  }
0x1d: {  	v3 =	vand.u32 $0x7, v3;
	v4 =	vand.u32 $0xFFFFFFE0, v4  }
0x1e: {  	v3 =	vor.u32 v3, v4  }
0x1f: {  	v4 =	vperm.xlane v3, v0;
	_ =	sdelay $0x1  }
0x20: {  	v4 =	vadd.s32 v1, v4;
	_ =	sdelay $0x1  }
0x21: {  	v3 =	vperm.xlane v3, v2;
	_ =	sdelay $0x1  }
0x22: {  	v3 =	vadd.s32 v1, v3  }
0x23: {  	[tilespmem:s11], [sflag:$0x1] =	stream.indirect_vreg.gather [hbm4b:s2+s3], $0x80, v4, vm0, $0xb8;
	[tilespmem:$0xA080] =	vst v63  }
0x24: {  	_ = 	snop  }
0x25: {  	[tilespmem:s12], [sflag:$0x1] =	stream.indirect_vreg.gather [hbm4b:s4+s3], $0x80, v4, vm0, $0xb8;
	[tilespmem:$0xA080] =	vst v63  }
0x26: {  	_ = 	snop  }
0x27: {  	[tilespmem:s13], [sflag:$0x1] =	stream.indirect_vreg.gather [hbm4b:s2+s3], $0x80, v3, vm0, $0xb8;
	[tilespmem:$0xA080] =	vst v63  }
0x28: {  	_ = 	snop  }
0x29: {  	[tilespmem:s14], [sflag:$0x1] =	stream.indirect_vreg.gather [hbm4b:s4+s3], $0x80, v3, vm0, $0xb8;
	[tilespmem:$0xA080] =	vst v63  }
0x2a: {  	v3 =	vld [tilespmem:$0x10];
	_ =	sdelay $0x4  }
0x2b: {  	v45 =	vshll.u32 v3, $0x2  }
0x2c: {  	v3 =	vand.u32 $0x7, v3;
	v4 =	vand.u32 $0xFFFFFFE0, v45  }
0x2d: {  	v3 =	vor.u32 v3, v4  }
0x2e: {  	v4 =	vperm.xlane v3, v0;
	_ =	sdelay $0x1  }
0x2f: {  	v4 =	vadd.s32 v1, v4;
	_ =	sdelay $0x1  }
0x30: {  	v3 =	vperm.xlane v3, v2;
	_ =	sdelay $0x1  }
0x31: {  	v3 =	vadd.s32 v1, v3  }
0x32: {  	[tilespmem:s15], [sflag:$0x1] =	stream.indirect_vreg.gather [hbm4b:s2+s3], $0x80, v4, vm0, $0xb8;
	[tilespmem:$0xA080] =	vst v63  }
0x33: {  	_ = 	snop  }
0x34: {  	[tilespmem:s16], [sflag:$0x1] =	stream.indirect_vreg.gather [hbm4b:s4+s3], $0x80, v4, vm0, $0xb8;
	[tilespmem:$0xA080] =	vst v63  }
0x35: {  	_ = 	snop  }
0x36: {  	[tilespmem:s17], [sflag:$0x1] =	stream.indirect_vreg.gather [hbm4b:s2+s3], $0x80, v3, vm0, $0xb8;
	[tilespmem:$0xA080] =	vst v63  }
0x37: {  	_ = 	snop  }
0x38: {  	[tilespmem:s18], [sflag:$0x1] =	stream.indirect_vreg.gather [hbm4b:s4+s3], $0x80, v3, vm0, $0xb8;
	[tilespmem:$0xA080] =	vst v63  }
0x39: {  	v3 =	vld [tilespmem:$0x20];
	_ =	sdelay $0x4  }
0x3a: {  	v46 =	vshll.u32 v3, $0x2  }
0x3b: {  	v3 =	vand.u32 $0x7, v3;
	v4 =	vand.u32 $0xFFFFFFE0, v46  }
0x3c: {  	v3 =	vor.u32 v3, v4  }
0x3d: {  	v4 =	vperm.xlane v3, v0;
	_ =	sdelay $0x1  }
0x3e: {  	v4 =	vadd.s32 v1, v4;
	_ =	sdelay $0x1  }
0x3f: {  	v3 =	vperm.xlane v3, v2;
	_ =	sdelay $0x1  }
0x40: {  	v3 =	vadd.s32 v1, v3  }
0x41: {  	[tilespmem:s19], [sflag:$0x1] =	stream.indirect_vreg.gather [hbm4b:s2+s3], $0x80, v4, vm0, $0xb8;
	[tilespmem:$0xA080] =	vst v63  }
0x42: {  	_ = 	snop  }
0x43: {  	[tilespmem:s20], [sflag:$0x1] =	stream.indirect_vreg.gather [hbm4b:s4+s3], $0x80, v4, vm0, $0xb8;
	[tilespmem:$0xA080] =	vst v63  }
0x44: {  	_ = 	snop  }
0x45: {  	[tilespmem:s21], [sflag:$0x1] =	stream.indirect_vreg.gather [hbm4b:s2+s3], $0x80, v3, vm0, $0xb8;
	[tilespmem:$0xA080] =	vst v63  }
0x46: {  	_ = 	snop  }
0x47: {  	[tilespmem:s22], [sflag:$0x1] =	stream.indirect_vreg.gather [hbm4b:s4+s3], $0x80, v3, vm0, $0xb8;
	[tilespmem:$0xA080] =	vst v63  }
0x48: {  	v3 =	vld [tilespmem:$0x30];
	_ =	sdelay $0x4  }
0x49: {  	v47 =	vshll.u32 v3, $0x2  }
0x4a: {  	v3 =	vand.u32 $0x7, v3;
	v4 =	vand.u32 $0xFFFFFFE0, v47  }
0x4b: {  	v3 =	vor.u32 v3, v4  }
0x4c: {  	v4 =	vperm.xlane v3, v0;
	_ =	sdelay $0x1  }
0x4d: {  	v4 =	vadd.s32 v1, v4;
	_ =	sdelay $0x1  }
0x4e: {  	v3 =	vperm.xlane v3, v2;
	_ =	sdelay $0x1  }
0x4f: {  	v3 =	vadd.s32 v1, v3  }
0x50: {  	[tilespmem:s23], [sflag:$0x1] =	stream.indirect_vreg.gather [hbm4b:s2+s3], $0x80, v4, vm0, $0xb8;
	[tilespmem:$0xA080] =	vst v63  }
0x51: {  	_ = 	snop  }
0x52: {  	[tilespmem:s24], [sflag:$0x1] =	stream.indirect_vreg.gather [hbm4b:s4+s3], $0x80, v4, vm0, $0xb8;
	[tilespmem:$0xA080] =	vst v63  }
0x53: {  	_ = 	snop  }
0x54: {  	[tilespmem:s25], [sflag:$0x1] =	stream.indirect_vreg.gather [hbm4b:s2+s3], $0x80, v3, vm0, $0xb8;
	[tilespmem:$0xA080] =	vst v63  }
0x55: {  	_ = 	snop  }
0x56: {  	[tilespmem:s26], [sflag:$0x1] =	stream.indirect_vreg.gather [hbm4b:s4+s3], $0x80, v3, vm0, $0xb8;
	[tilespmem:$0xA080] =	vst v63  }
0x57: {  	v3 =	vld [tilespmem:$0x40];
	_ =	sdelay $0x4  }
0x58: {  	v48 =	vshll.u32 v3, $0x2  }
0x59: {  	v3 =	vand.u32 $0x7, v3;
	v4 =	vand.u32 $0xFFFFFFE0, v48  }
0x5a: {  	v3 =	vor.u32 v3, v4  }
0x5b: {  	v4 =	vperm.xlane v3, v0;
	_ =	sdelay $0x1  }
0x5c: {  	v4 =	vadd.s32 v1, v4;
	_ =	sdelay $0x1  }
0x5d: {  	v3 =	vperm.xlane v3, v2;
	_ =	sdelay $0x1  }
0x5e: {  	v3 =	vadd.s32 v1, v3  }
0x5f: {  	[tilespmem:s28], [sflag:$0x1] =	stream.indirect_vreg.gather [hbm4b:s2+s3], $0x80, v4, vm0, $0xb8;
	[tilespmem:$0xA080] =	vst v63  }
0x60: {  	_ = 	snop  }
0x61: {  	[tilespmem:s29], [sflag:$0x1] =	stream.indirect_vreg.gather [hbm4b:s4+s3], $0x80, v4, vm0, $0xb8;
	[tilespmem:$0xA080] =	vst v63  }
0x62: {  	_ = 	snop  }
0x63: {  	[tilespmem:s30], [sflag:$0x1] =	stream.indirect_vreg.gather [hbm4b:s2+s3], $0x80, v3, vm0, $0xb8;
	[tilespmem:$0xA080] =	vst v63  }
0x64: {  	_ = 	snop  }
0x65: {  	[tilespmem:s31], [sflag:$0x1] =	stream.indirect_vreg.gather [hbm4b:s4+s3], $0x80, v3, vm0, $0xb8;
	[tilespmem:$0xA080] =	vst v63  }
0x66: {  	_ =	swait.ge [sflag:s1], $0xA000  }
0x67: {  	[sflag:s1] =	ssyncset.done $0x0  }
0x68: {  	s0 =	rddreg [dreg:$0x4];
	[sflag:s1] =	ssyncadd.s32 $0xFFFF6000  }
0x69: {  	[hbm4b:s0+s3] =	stream.linear.scatter [tilespmem:s11], [sflag:$0x2], $0xA000, $0x38;
	[tilespmem:$0xA080] =	vst v63  }
0x6a: {  	_ =	swait.ge [sflag:s10], $0xA000  }
0x6b: {  	[sflag:s10] =	ssyncset.done $0x0  }
0x6c: {  	s0 =	rddreg [dreg:$0x5];
	[sflag:s10] =	ssyncadd.s32 $0xFFFF6000  }
0x6d: {  	[tilespmem:s3], [sflag:$0x2] =	stream.linear.gather [hbm4b:s0+s3], $0x50, $0x38;
	[tilespmem:$0xA080] =	vst v63  }
0x6e: {  	_ =	swait.ge [sflag:s10], $0x50  }
0x6f: {  	[sflag:s10] =	ssyncset.done $0x0  }
0x70: {  	[sflag:s10] =	ssyncadd.s32 $0xFFFFFFB0  }
0x71: {  	v3 =	vld [tilespmem:$0x0];
	_ =	sdelay $0x4  }
0x72: {  	v49 =	vshll.u32 v3, $0x2  }
0x73: {  	v3 =	vand.u32 $0x7, v3;
	v4 =	vand.u32 $0xFFFFFFE0, v49  }
0x74: {  	v3 =	vor.u32 v3, v4  }
0x75: {  	v4 =	vperm.xlane v3, v0;
	_ =	sdelay $0x1  }
0x76: {  	v4 =	vadd.s32 v1, v4;
	_ =	sdelay $0x1  }
0x77: {  	v3 =	vperm.xlane v3, v2;
	_ =	sdelay $0x1  }
0x78: {  	v3 =	vadd.s32 v1, v3  }
0x79: {  	[tilespmem:s11], [sflag:$0x1] =	stream.indirect_vreg.gather [hbm4b:s2+s3], $0x80, v4, vm0, $0xb8;
	[tilespmem:$0xA080] =	vst v63  }
0x7a: {  	_ = 	snop  }
0x7b: {  	[tilespmem:s12], [sflag:$0x1] =	stream.indirect_vreg.gather [hbm4b:s4+s3], $0x80, v4, vm0, $0xb8;
	[tilespmem:$0xA080] =	vst v63  }
0x7c: {  	_ = 	snop  }
0x7d: {  	[tilespmem:s13], [sflag:$0x1] =	stream.indirect_vreg.gather [hbm4b:s2+s3], $0x80, v3, vm0, $0xb8;
	[tilespmem:$0xA080] =	vst v63  }
0x7e: {  	_ = 	snop  }
0x7f: {  	[tilespmem:s14], [sflag:$0x1] =	stream.indirect_vreg.gather [hbm4b:s4+s3], $0x80, v3, vm0, $0xb8;
	[tilespmem:$0xA080] =	vst v63  }
0x80: {  	v3 =	vld [tilespmem:$0x10];
	_ =	sdelay $0x4  }
0x81: {  	v50 =	vshll.u32 v3, $0x2  }
0x82: {  	v3 =	vand.u32 $0x7, v3;
	v4 =	vand.u32 $0xFFFFFFE0, v50  }
0x83: {  	v3 =	vor.u32 v3, v4  }
0x84: {  	v4 =	vperm.xlane v3, v0;
	_ =	sdelay $0x1  }
0x85: {  	v4 =	vadd.s32 v1, v4;
	_ =	sdelay $0x1  }
0x86: {  	v3 =	vperm.xlane v3, v2;
	_ =	sdelay $0x1  }
0x87: {  	v3 =	vadd.s32 v1, v3  }
0x88: {  	[tilespmem:s15], [sflag:$0x1] =	stream.indirect_vreg.gather [hbm4b:s2+s3], $0x80, v4, vm0, $0xb8;
	[tilespmem:$0xA080] =	vst v63  }
0x89: {  	_ = 	snop  }
0x8a: {  	[tilespmem:s16], [sflag:$0x1] =	stream.indirect_vreg.gather [hbm4b:s4+s3], $0x80, v4, vm0, $0xb8;
	[tilespmem:$0xA080] =	vst v63  }
0x8b: {  	_ = 	snop  }
0x8c: {  	[tilespmem:s17], [sflag:$0x1] =	stream.indirect_vreg.gather [hbm4b:s2+s3], $0x80, v3, vm0, $0xb8;
	[tilespmem:$0xA080] =	vst v63  }
0x8d: {  	_ = 	snop  }
0x8e: {  	[tilespmem:s18], [sflag:$0x1] =	stream.indirect_vreg.gather [hbm4b:s4+s3], $0x80, v3, vm0, $0xb8;
	[tilespmem:$0xA080] =	vst v63  }
0x8f: {  	v3 =	vld [tilespmem:$0x20];
	_ =	sdelay $0x4  }
0x90: {  	v51 =	vshll.u32 v3, $0x2  }
0x91: {  	v3 =	vand.u32 $0x7, v3;
	v4 =	vand.u32 $0xFFFFFFE0, v51  }
0x92: {  	v3 =	vor.u32 v3, v4  }
0x93: {  	v4 =	vperm.xlane v3, v0;
	_ =	sdelay $0x1  }
0x94: {  	v4 =	vadd.s32 v1, v4;
	_ =	sdelay $0x1  }
0x95: {  	v3 =	vperm.xlane v3, v2;
	_ =	sdelay $0x1  }
0x96: {  	v3 =	vadd.s32 v1, v3  }
0x97: {  	[tilespmem:s19], [sflag:$0x1] =	stream.indirect_vreg.gather [hbm4b:s2+s3], $0x80, v4, vm0, $0xb8;
	[tilespmem:$0xA080] =	vst v63  }
0x98: {  	_ = 	snop  }
0x99: {  	[tilespmem:s20], [sflag:$0x1] =	stream.indirect_vreg.gather [hbm4b:s4+s3], $0x80, v4, vm0, $0xb8;
	[tilespmem:$0xA080] =	vst v63  }
0x9a: {  	_ = 	snop  }
0x9b: {  	[tilespmem:s21], [sflag:$0x1] =	stream.indirect_vreg.gather [hbm4b:s2+s3], $0x80, v3, vm0, $0xb8;
	[tilespmem:$0xA080] =	vst v63  }
0x9c: {  	_ = 	snop  }
0x9d: {  	[tilespmem:s22], [sflag:$0x1] =	stream.indirect_vreg.gather [hbm4b:s4+s3], $0x80, v3, vm0, $0xb8;
	[tilespmem:$0xA080] =	vst v63  }
0x9e: {  	v3 =	vld [tilespmem:$0x30];
	_ =	sdelay $0x4  }
0x9f: {  	v52 =	vshll.u32 v3, $0x2  }
0xa0: {  	v3 =	vand.u32 $0x7, v3;
	v4 =	vand.u32 $0xFFFFFFE0, v52  }
0xa1: {  	v3 =	vor.u32 v3, v4  }
0xa2: {  	v4 =	vperm.xlane v3, v0;
	_ =	sdelay $0x1  }
0xa3: {  	v4 =	vadd.s32 v1, v4;
	_ =	sdelay $0x1  }
0xa4: {  	v3 =	vperm.xlane v3, v2;
	_ =	sdelay $0x1  }
0xa5: {  	v3 =	vadd.s32 v1, v3  }
0xa6: {  	[tilespmem:s23], [sflag:$0x1] =	stream.indirect_vreg.gather [hbm4b:s2+s3], $0x80, v4, vm0, $0xb8;
	[tilespmem:$0xA080] =	vst v63  }
0xa7: {  	_ = 	snop  }
0xa8: {  	[tilespmem:s24], [sflag:$0x1] =	stream.indirect_vreg.gather [hbm4b:s4+s3], $0x80, v4, vm0, $0xb8;
	[tilespmem:$0xA080] =	vst v63  }
0xa9: {  	_ = 	snop  }
0xaa: {  	[tilespmem:s25], [sflag:$0x1] =	stream.indirect_vreg.gather [hbm4b:s2+s3], $0x80, v3, vm0, $0xb8;
	[tilespmem:$0xA080] =	vst v63  }
0xab: {  	_ = 	snop  }
0xac: {  	[tilespmem:s26], [sflag:$0x1] =	stream.indirect_vreg.gather [hbm4b:s4+s3], $0x80, v3, vm0, $0xb8;
	[tilespmem:$0xA080] =	vst v63  }
0xad: {  	v3 =	vld [tilespmem:$0x40];
	_ =	sdelay $0x4  }
0xae: {  	v53 =	vshll.u32 v3, $0x2  }
0xaf: {  	v3 =	vand.u32 $0x7, v3;
	v4 =	vand.u32 $0xFFFFFFE0, v53  }
0xb0: {  	v3 =	vor.u32 v3, v4  }
0xb1: {  	v4 =	vperm.xlane v3, v0;
	_ =	sdelay $0x1  }
0xb2: {  	v4 =	vadd.s32 v1, v4;
	_ =	sdelay $0x1  }
0xb3: {  	v3 =	vperm.xlane v3, v2;
	_ =	sdelay $0x1  }
0xb4: {  	v3 =	vadd.s32 v1, v3  }
0xb5: {  	[tilespmem:s28], [sflag:$0x1] =	stream.indirect_vreg.gather [hbm4b:s2+s3], $0x80, v4, vm0, $0xb8;
	[tilespmem:$0xA080] =	vst v63  }
0xb6: {  	_ = 	snop  }
0xb7: {  	[tilespmem:s29], [sflag:$0x1] =	stream.indirect_vreg.gather [hbm4b:s4+s3], $0x80, v4, vm0, $0xb8;
	[tilespmem:$0xA080] =	vst v63  }
0xb8: {  	_ = 	snop  }
0xb9: {  	[tilespmem:s30], [sflag:$0x1] =	stream.indirect_vreg.gather [hbm4b:s2+s3], $0x80, v3, vm0, $0xb8;
	[tilespmem:$0xA080] =	vst v63  }
0xba: {  	_ = 	snop  }
0xbb: {  	[tilespmem:s31], [sflag:$0x1] =	stream.indirect_vreg.gather [hbm4b:s4+s3], $0x80, v3, vm0, $0xb8;
	[tilespmem:$0xA080] =	vst v63  }
0xbc: {  	_ =	swait.ge [sflag:s1], $0xA000  }
0xbd: {  	[sflag:s1] =	ssyncset.done $0x0  }
0xbe: {  	s0 =	rddreg [dreg:$0x6];
	[sflag:s1] =	ssyncadd.s32 $0xFFFF6000  }
0xbf: {  	[hbm4b:s0+s3] =	stream.linear.scatter [tilespmem:s11], [sflag:$0x2], $0xA000, $0x38;
	[tilespmem:$0xA080] =	vst v63  }
0xc0: {  	_ =	swait.ge [sflag:s10], $0xA000  }
0xc1: {  	[sflag:s10] =	ssyncset.done $0x0  }
0xc2: {  	[sflag:s10] =	ssyncadd.s32 $0xFFFF6000  }
0xc3: {  	[tilespmem:s3], [sflag:$0x2] =	stream.linear.gather [hbm4b:s5+s3], $0x50, $0x38;
	[tilespmem:$0xA080] =	vst v63  }
0xc4: {  	_ =	swait.ge [sflag:s10], $0x50  }
0xc5: {  	[sflag:s10] =	ssyncset.done $0x0  }
0xc6: {  	[sflag:s10] =	ssyncadd.s32 $0xFFFFFFB0  }
0xc7: {  	v3 =	vld [tilespmem:$0x0];
	_ =	sdelay $0x4  }
0xc8: {  	v54 =	vshll.u32 v3, $0x2  }
0xc9: {  	v3 =	vand.u32 $0x7, v3;
	v4 =	vand.u32 $0xFFFFFFE0, v54  }
0xca: {  	v3 =	vor.u32 v3, v4  }
0xcb: {  	v4 =	vperm.xlane v3, v0;
	_ =	sdelay $0x1  }
0xcc: {  	v4 =	vadd.s32 v1, v4;
	_ =	sdelay $0x1  }
0xcd: {  	v3 =	vperm.xlane v3, v2;
	_ =	sdelay $0x1  }
0xce: {  	v3 =	vadd.s32 v1, v3  }
0xcf: {  	[tilespmem:s11], [sflag:$0x1] =	stream.indirect_vreg.gather [hbm4b:s2+s3], $0x80, v4, vm0, $0xb8;
	[tilespmem:$0xA080] =	vst v63  }
0xd0: {  	_ = 	snop  }
0xd1: {  	[tilespmem:s12], [sflag:$0x1] =	stream.indirect_vreg.gather [hbm4b:s4+s3], $0x80, v4, vm0, $0xb8;
	[tilespmem:$0xA080] =	vst v63  }
0xd2: {  	_ = 	snop  }
0xd3: {  	[tilespmem:s13], [sflag:$0x1] =	stream.indirect_vreg.gather [hbm4b:s2+s3], $0x80, v3, vm0, $0xb8;
	[tilespmem:$0xA080] =	vst v63  }
0xd4: {  	_ = 	snop  }
0xd5: {  	[tilespmem:s14], [sflag:$0x1] =	stream.indirect_vreg.gather [hbm4b:s4+s3], $0x80, v3, vm0, $0xb8;
	[tilespmem:$0xA080] =	vst v63  }
0xd6: {  	v3 =	vld [tilespmem:$0x10];
	_ =	sdelay $0x4  }
0xd7: {  	v55 =	vshll.u32 v3, $0x2  }
0xd8: {  	v3 =	vand.u32 $0x7, v3;
	v4 =	vand.u32 $0xFFFFFFE0, v55  }
0xd9: {  	v3 =	vor.u32 v3, v4  }
0xda: {  	v4 =	vperm.xlane v3, v0;
	_ =	sdelay $0x1  }
0xdb: {  	v4 =	vadd.s32 v1, v4;
	_ =	sdelay $0x1  }
0xdc: {  	v3 =	vperm.xlane v3, v2;
	_ =	sdelay $0x1  }
0xdd: {  	v3 =	vadd.s32 v1, v3  }
0xde: {  	[tilespmem:s15], [sflag:$0x1] =	stream.indirect_vreg.gather [hbm4b:s2+s3], $0x80, v4, vm0, $0xb8;
	[tilespmem:$0xA080] =	vst v63  }
0xdf: {  	_ = 	snop  }
0xe0: {  	[tilespmem:s16], [sflag:$0x1] =	stream.indirect_vreg.gather [hbm4b:s4+s3], $0x80, v4, vm0, $0xb8;
	[tilespmem:$0xA080] =	vst v63  }
0xe1: {  	_ = 	snop  }
0xe2: {  	[tilespmem:s17], [sflag:$0x1] =	stream.indirect_vreg.gather [hbm4b:s2+s3], $0x80, v3, vm0, $0xb8;
	[tilespmem:$0xA080] =	vst v63  }
0xe3: {  	_ = 	snop  }
0xe4: {  	[tilespmem:s18], [sflag:$0x1] =	stream.indirect_vreg.gather [hbm4b:s4+s3], $0x80, v3, vm0, $0xb8;
	[tilespmem:$0xA080] =	vst v63  }
0xe5: {  	v3 =	vld [tilespmem:$0x20];
	_ =	sdelay $0x4  }
0xe6: {  	v56 =	vshll.u32 v3, $0x2  }
0xe7: {  	v3 =	vand.u32 $0x7, v3;
	v4 =	vand.u32 $0xFFFFFFE0, v56  }
0xe8: {  	v3 =	vor.u32 v3, v4  }
0xe9: {  	v4 =	vperm.xlane v3, v0;
	_ =	sdelay $0x1  }
0xea: {  	v4 =	vadd.s32 v1, v4;
	_ =	sdelay $0x1  }
0xeb: {  	v3 =	vperm.xlane v3, v2;
	_ =	sdelay $0x1  }
0xec: {  	v3 =	vadd.s32 v1, v3  }
0xed: {  	[tilespmem:s19], [sflag:$0x1] =	stream.indirect_vreg.gather [hbm4b:s2+s3], $0x80, v4, vm0, $0xb8;
	[tilespmem:$0xA080] =	vst v63  }
0xee: {  	_ = 	snop  }
0xef: {  	[tilespmem:s20], [sflag:$0x1] =	stream.indirect_vreg.gather [hbm4b:s4+s3], $0x80, v4, vm0, $0xb8;
	[tilespmem:$0xA080] =	vst v63  }
0xf0: {  	_ = 	snop  }
0xf1: {  	[tilespmem:s21], [sflag:$0x1] =	stream.indirect_vreg.gather [hbm4b:s2+s3], $0x80, v3, vm0, $0xb8;
	[tilespmem:$0xA080] =	vst v63  }
0xf2: {  	_ = 	snop  }
0xf3: {  	[tilespmem:s22], [sflag:$0x1] =	stream.indirect_vreg.gather [hbm4b:s4+s3], $0x80, v3, vm0, $0xb8;
	[tilespmem:$0xA080] =	vst v63  }
0xf4: {  	v3 =	vld [tilespmem:$0x30];
	_ =	sdelay $0x4  }
0xf5: {  	v57 =	vshll.u32 v3, $0x2  }
0xf6: {  	v3 =	vand.u32 $0x7, v3;
	v4 =	vand.u32 $0xFFFFFFE0, v57  }
0xf7: {  	v3 =	vor.u32 v3, v4  }
0xf8: {  	v4 =	vperm.xlane v3, v0;
	_ =	sdelay $0x1  }
0xf9: {  	v4 =	vadd.s32 v1, v4;
	_ =	sdelay $0x1  }
0xfa: {  	v3 =	vperm.xlane v3, v2;
	_ =	sdelay $0x1  }
0xfb: {  	v3 =	vadd.s32 v1, v3  }
0xfc: {  	[tilespmem:s23], [sflag:$0x1] =	stream.indirect_vreg.gather [hbm4b:s2+s3], $0x80, v4, vm0, $0xb8;
	[tilespmem:$0xA080] =	vst v63  }
0xfd: {  	_ = 	snop  }
0xfe: {  	[tilespmem:s24], [sflag:$0x1] =	stream.indirect_vreg.gather [hbm4b:s4+s3], $0x80, v4, vm0, $0xb8;
	[tilespmem:$0xA080] =	vst v63  }
0xff: {  	_ = 	snop  }
0x100: {  	[tilespmem:s25], [sflag:$0x1] =	stream.indirect_vreg.gather [hbm4b:s2+s3], $0x80, v3, vm0, $0xb8;
	[tilespmem:$0xA080] =	vst v63  }
0x101: {  	_ = 	snop  }
0x102: {  	[tilespmem:s26], [sflag:$0x1] =	stream.indirect_vreg.gather [hbm4b:s4+s3], $0x80, v3, vm0, $0xb8;
	[tilespmem:$0xA080] =	vst v63  }
0x103: {  	v3 =	vld [tilespmem:$0x40];
	_ =	sdelay $0x4  }
0x104: {  	v58 =	vshll.u32 v3, $0x2  }
0x105: {  	v3 =	vand.u32 $0x7, v3;
	v4 =	vand.u32 $0xFFFFFFE0, v58  }
0x106: {  	v3 =	vor.u32 v3, v4  }
0x107: {  	v4 =	vperm.xlane v3, v0;
	_ =	sdelay $0x1  }
0x108: {  	v4 =	vadd.s32 v1, v4;
	_ =	sdelay $0x1  }
0x109: {  	v3 =	vperm.xlane v3, v2;
	_ =	sdelay $0x1  }
0x10a: {  	v3 =	vadd.s32 v1, v3  }
0x10b: {  	[tilespmem:s28], [sflag:$0x1] =	stream.indirect_vreg.gather [hbm4b:s2+s3], $0x80, v4, vm0, $0xb8;
	[tilespmem:$0xA080] =	vst v63  }
0x10c: {  	_ = 	snop  }
0x10d: {  	[tilespmem:s29], [sflag:$0x1] =	stream.indirect_vreg.gather [hbm4b:s4+s3], $0x80, v4, vm0, $0xb8;
	[tilespmem:$0xA080] =	vst v63  }
0x10e: {  	_ = 	snop  }
0x10f: {  	[tilespmem:s30], [sflag:$0x1] =	stream.indirect_vreg.gather [hbm4b:s2+s3], $0x80, v3, vm0, $0xb8;
	[tilespmem:$0xA080] =	vst v63  }
0x110: {  	_ = 	snop  }
0x111: {  	[tilespmem:s31], [sflag:$0x1] =	stream.indirect_vreg.gather [hbm4b:s4+s3], $0x80, v3, vm0, $0xb8;
	[tilespmem:$0xA080] =	vst v63  }
0x112: {  	_ =	swait.ge [sflag:s1], $0xA000  }
0x113: {  	[sflag:s1] =	ssyncset.done $0x0  }
0x114: {  	[sflag:s1] =	ssyncadd.s32 $0xFFFF6000  }
0x115: {  	[hbm4b:s6+s3] =	stream.linear.scatter [tilespmem:s11], [sflag:$0x2], $0xA000, $0x38;
	[tilespmem:$0xA080] =	vst v63  }
0x116: {  	_ =	swait.ge [sflag:s10], $0xA000  }
0x117: {  	[sflag:s10] =	ssyncset.done $0x0  }
0x118: {  	[sflag:s10] =	ssyncadd.s32 $0xFFFF6000  }
0x119: {  	[tilespmem:s3], [sflag:$0x2] =	stream.linear.gather [hbm4b:s7+s3], $0x50, $0x38;
	[tilespmem:$0xA080] =	vst v63  }
0x11a: {  	_ =	swait.ge [sflag:s10], $0x50  }
0x11b: {  	[sflag:s10] =	ssyncset.done $0x0  }
0x11c: {  	[sflag:s10] =	ssyncadd.s32 $0xFFFFFFB0  }
0x11d: {  	v3 =	vld [tilespmem:$0x0];
	_ =	sdelay $0x4  }
0x11e: {  	v59 =	vshll.u32 v3, $0x2  }
0x11f: {  	v3 =	vand.u32 $0x7, v3;
	v4 =	vand.u32 $0xFFFFFFE0, v59  }
0x120: {  	v3 =	vor.u32 v3, v4  }
0x121: {  	v4 =	vperm.xlane v3, v0;
	_ =	sdelay $0x1  }
0x122: {  	v4 =	vadd.s32 v1, v4;
	_ =	sdelay $0x1  }
0x123: {  	v3 =	vperm.xlane v3, v2;
	_ =	sdelay $0x1  }
0x124: {  	v3 =	vadd.s32 v1, v3  }
0x125: {  	[tilespmem:s11], [sflag:$0x1] =	stream.indirect_vreg.gather [hbm4b:s2+s3], $0x80, v4, vm0, $0xb8;
	[tilespmem:$0xA080] =	vst v63  }
0x126: {  	_ = 	snop  }
0x127: {  	[tilespmem:s12], [sflag:$0x1] =	stream.indirect_vreg.gather [hbm4b:s4+s3], $0x80, v4, vm0, $0xb8;
	[tilespmem:$0xA080] =	vst v63  }
0x128: {  	_ = 	snop  }
0x129: {  	[tilespmem:s13], [sflag:$0x1] =	stream.indirect_vreg.gather [hbm4b:s2+s3], $0x80, v3, vm0, $0xb8;
	[tilespmem:$0xA080] =	vst v63  }
0x12a: {  	_ = 	snop  }
0x12b: {  	[tilespmem:s14], [sflag:$0x1] =	stream.indirect_vreg.gather [hbm4b:s4+s3], $0x80, v3, vm0, $0xb8;
	[tilespmem:$0xA080] =	vst v63  }
0x12c: {  	v3 =	vld [tilespmem:$0x10];
	_ =	sdelay $0x4  }
0x12d: {  	v60 =	vshll.u32 v3, $0x2  }
0x12e: {  	v3 =	vand.u32 $0x7, v3;
	v4 =	vand.u32 $0xFFFFFFE0, v60  }
0x12f: {  	v3 =	vor.u32 v3, v4  }
0x130: {  	v4 =	vperm.xlane v3, v0;
	_ =	sdelay $0x1  }
0x131: {  	v4 =	vadd.s32 v1, v4;
	_ =	sdelay $0x1  }
0x132: {  	v3 =	vperm.xlane v3, v2;
	_ =	sdelay $0x1  }
0x133: {  	v3 =	vadd.s32 v1, v3  }
0x134: {  	[tilespmem:s15], [sflag:$0x1] =	stream.indirect_vreg.gather [hbm4b:s2+s3], $0x80, v4, vm0, $0xb8;
	[tilespmem:$0xA080] =	vst v63  }
0x135: {  	_ = 	snop  }
0x136: {  	[tilespmem:s16], [sflag:$0x1] =	stream.indirect_vreg.gather [hbm4b:s4+s3], $0x80, v4, vm0, $0xb8;
	[tilespmem:$0xA080] =	vst v63  }
0x137: {  	_ = 	snop  }
0x138: {  	[tilespmem:s17], [sflag:$0x1] =	stream.indirect_vreg.gather [hbm4b:s2+s3], $0x80, v3, vm0, $0xb8;
	[tilespmem:$0xA080] =	vst v63  }
0x139: {  	_ = 	snop  }
0x13a: {  	[tilespmem:s18], [sflag:$0x1] =	stream.indirect_vreg.gather [hbm4b:s4+s3], $0x80, v3, vm0, $0xb8;
	[tilespmem:$0xA080] =	vst v63  }
0x13b: {  	v3 =	vld [tilespmem:$0x20];
	_ =	sdelay $0x4  }
0x13c: {  	v61 =	vshll.u32 v3, $0x2  }
0x13d: {  	v3 =	vand.u32 $0x7, v3;
	v4 =	vand.u32 $0xFFFFFFE0, v61  }
0x13e: {  	v3 =	vor.u32 v3, v4  }
0x13f: {  	v4 =	vperm.xlane v3, v0;
	_ =	sdelay $0x1  }
0x140: {  	v4 =	vadd.s32 v1, v4;
	_ =	sdelay $0x1  }
0x141: {  	v3 =	vperm.xlane v3, v2;
	_ =	sdelay $0x1  }
0x142: {  	v3 =	vadd.s32 v1, v3  }
0x143: {  	[tilespmem:s19], [sflag:$0x1] =	stream.indirect_vreg.gather [hbm4b:s2+s3], $0x80, v4, vm0, $0xb8;
	[tilespmem:$0xA080] =	vst v63  }
0x144: {  	_ = 	snop  }
0x145: {  	[tilespmem:s20], [sflag:$0x1] =	stream.indirect_vreg.gather [hbm4b:s4+s3], $0x80, v4, vm0, $0xb8;
	[tilespmem:$0xA080] =	vst v63  }
0x146: {  	_ = 	snop  }
0x147: {  	[tilespmem:s21], [sflag:$0x1] =	stream.indirect_vreg.gather [hbm4b:s2+s3], $0x80, v3, vm0, $0xb8;
	[tilespmem:$0xA080] =	vst v63  }
0x148: {  	_ = 	snop  }
0x149: {  	[tilespmem:s22], [sflag:$0x1] =	stream.indirect_vreg.gather [hbm4b:s4+s3], $0x80, v3, vm0, $0xb8;
	[tilespmem:$0xA080] =	vst v63  }
0x14a: {  	v3 =	vld [tilespmem:$0x30];
	_ =	sdelay $0x4  }
0x14b: {  	v62 =	vshll.u32 v3, $0x2  }
0x14c: {  	v3 =	vand.u32 $0x7, v3;
	v4 =	vand.u32 $0xFFFFFFE0, v62  }
0x14d: {  	v3 =	vor.u32 v3, v4  }
0x14e: {  	v4 =	vperm.xlane v3, v0;
	_ =	sdelay $0x1  }
0x14f: {  	v4 =	vadd.s32 v1, v4;
	_ =	sdelay $0x1  }
0x150: {  	v3 =	vperm.xlane v3, v2;
	_ =	sdelay $0x1  }
0x151: {  	v3 =	vadd.s32 v1, v3  }
0x152: {  	[tilespmem:s23], [sflag:$0x1] =	stream.indirect_vreg.gather [hbm4b:s2+s3], $0x80, v4, vm0, $0xb8;
	[tilespmem:$0xA080] =	vst v63  }
0x153: {  	_ = 	snop  }
0x154: {  	[tilespmem:s24], [sflag:$0x1] =	stream.indirect_vreg.gather [hbm4b:s4+s3], $0x80, v4, vm0, $0xb8;
	[tilespmem:$0xA080] =	vst v63  }
0x155: {  	_ = 	snop  }
0x156: {  	[tilespmem:s25], [sflag:$0x1] =	stream.indirect_vreg.gather [hbm4b:s2+s3], $0x80, v3, vm0, $0xb8;
	[tilespmem:$0xA080] =	vst v63  }
0x157: {  	_ = 	snop  }
0x158: {  	[tilespmem:s26], [sflag:$0x1] =	stream.indirect_vreg.gather [hbm4b:s4+s3], $0x80, v3, vm0, $0xb8;
	[tilespmem:$0xA080] =	vst v63  }
0x159: {  	v3 =	vld [tilespmem:$0x40];
	_ =	sdelay $0x4  }
0x15a: {  	v63 =	vshll.u32 v3, $0x2  }
0x15b: {  	v3 =	vand.u32 $0x7, v3;
	v4 =	vand.u32 $0xFFFFFFE0, v63  }
0x15c: {  	v3 =	vor.u32 v3, v4  }
0x15d: {  	v4 =	vperm.xlane v3, v0;
	_ =	sdelay $0x1  }
0x15e: {  	v4 =	vadd.s32 v1, v4;
	_ =	sdelay $0x1  }
0x15f: {  	v3 =	vperm.xlane v3, v2;
	_ =	sdelay $0x1  }
0x160: {  	v3 =	vadd.s32 v1, v3  }
0x161: {  	[tilespmem:s28], [sflag:$0x1] =	stream.indirect_vreg.gather [hbm4b:s2+s3], $0x80, v4, vm0, $0xb8;
	[tilespmem:$0xA080] =	vst v63  }
0x162: {  	_ = 	snop  }
0x163: {  	[tilespmem:s29], [sflag:$0x1] =	stream.indirect_vreg.gather [hbm4b:s4+s3], $0x80, v4, vm0, $0xb8;
	[tilespmem:$0xA080] =	vst v63  }
0x164: {  	_ = 	snop  }
0x165: {  	[tilespmem:s30], [sflag:$0x1] =	stream.indirect_vreg.gather [hbm4b:s2+s3], $0x80, v3, vm0, $0xb8;
	[tilespmem:$0xA080] =	vst v63  }
0x166: {  	_ = 	snop  }
0x167: {  	[tilespmem:s31], [sflag:$0x1] =	stream.indirect_vreg.gather [hbm4b:s4+s3], $0x80, v3, vm0, $0xb8;
	[tilespmem:$0xA080] =	vst v63  }
0x168: {  	_ =	swait.ge [sflag:s1], $0xA000  }
0x169: {  	p0 =	sne.s32 s9, $0x1;
	[sflag:s1] =	ssyncset.done $0x0  }
.Ltmp0:
0x16a: {  	[sflag:s1] =	ssyncadd.s32 $0xFFFF6000;
	(pc) =	sbr.rel @p0 .LBB2_1-.Ltmp0, $4  }
0x16b: {  	[hbm4b:s8+s3] =	stream.linear.scatter [tilespmem:s11], [sflag:$0x2], $0xA000, $0x38;
	[tilespmem:$0xA080] =	vst v63  }
0x16c: {  	_ =	swait.ge [sflag:s10], $0xA000  }
0x16d: {  	[sflag:s10] =	ssyncset.done $0x0  }
0x16e: {  	s9 =	sadd.s32 $0xFFFFFFFF, s9;
	[sflag:s10] =	ssyncadd.s32 $0xFFFF6000  }
0x16f: {  	_ =	sfence.sel $0x180000  }
0x170: {  	[bflag:$0x0] =	sbarrier.arrive $0xFFFF  }
0x171: {  	_ =	strace $0x90000047  }
0x172: {  	s0 =	stileid.u32;
	[bflag:$0x2] =	sbarrier.arrive $0xFFFF  }
0x173: {  	p0 =	sne.s32 s0, $0x0;
	s0 =	rddreg [dreg:$0x2]  }
0x174: {  	s0 =	sadd.s32 @!p0 $0x100000, s0  }
0x175: {  	[sflag:s0] =	ssyncadd.tile.s32 @!p0 $0x1;
	_ =	shalt  }
.Lfunc_end2:
_tile_overlayer_lowered:
.L_overlay_start_2:
0x176: {  	(tag) =	ssettag $0x2  }
0x177: {  	s0 =	rddreg [dreg:$0x0];
	s2 =	stileid.u32  }
0x178: {  	s1 =	rddreg [dreg:$0x1];
	p0 =	sne.s32 s2, $0x0  }
0x179: {  	s3 =	rddreg [dreg:$0x2];
	[bflag:$0x3] =	sbarrier.arrive $0xFFFF;
	s2 =	simm.s32 @!p0 $0x1C02  }
0x17a: {  	[timem:s3], [sflag:s2] =	dma.local @!p0 [hbm:s0], s1  }
0x17b: {  	s0 =	simm.s32 @!p0 $0x2  }
0x17c: {  	_ =	swait.ge @!p0 [sflag:s0], s1  }
0x17d: {  	s1 =	ssub.s32 @!p0 $0x0, s1;
	[sflag:s0] =	ssyncset.done @!p0 $0x0  }
0x17e: {  	[sflag:s0] =	ssyncadd.s32 @!p0 s1  }
0x17f: {  	[bflag:$0x3] =	sbarrier.arrive $0xFFFF  }
0x180: {  	_ =	shalt  }

// kernel: scatter_offload_async_start
scs
__scs_entry_jumppad:
0x0: {  	(pc) =	sbr.rel $0x88, $3  }
0x1: {  	(tag) =	ssettag $0x0;
	lr =	simm.s32 $0x1  }
0x2: {  	[smem:$0x3F9C] =	sst lr;
	_ =	strace $0xD0000000  }
0x3: {  	_ = 	snop  }
0x4: {  	_ = 	snop  }
0x5: {  	_ = 	snop  }
0x6: {  	_ = 	snop  }
0x7: {  	_ = 	snop  }
__scs_overlays_trampoline_lowered:
0x8: {  	[smem:$0x3FAB] =	sst s0  }
0x9: {  	[smem:$0x3FAC] =	sst s1  }
0xa: {  	[smem:$0x3FAD] =	sst s2  }
0xb: {  	[smem:$0x3FAE] =	sst s3  }
0xc: {  	[smem:$0x3FAF] =	sst s4  }
0xd: {  	[smem:$0x3FB0] =	sst s5  }
0xe: {  	[smem:$0x3FB1] =	sst s6  }
0xf: {  	[smem:$0x3FB2] =	sst s7  }
0x10: {  	[smem:$0x3FB3] =	sst s8  }
0x11: {  	[smem:$0x3FB4] =	sst s9;
	s0 =	simm.s32 @!p0 $0x0  }
0x12: {  	s1 =	sld [smem:$0x3F9A];
	s0 =	simm.s32 @p0 $0x1  }
0x13: {  	[smem:$0x3FB5] =	sst s0;
	s0 =	simm.s32 @!p1 $0x0  }
0x14: {  	s2 =	sld [smem:$0x3F99];
	s0 =	simm.s32 @p1 $0x1  }
0x15: {  	[smem:$0x3FB6] =	sst s0;
	s0 =	simm.s32 @!p2 $0x0  }
0x16: {  	s3 =	sld [smem:$0x3FDB];
	s0 =	simm.s32 @p2 $0x1  }
0x17: {  	s4 =	simm.s32 $0x1BF5;
	[smem:$0x3FB8] =	sst s0  }
0x18: {  	s0 =	sld [smem:$0x3F9B];
	_ =	swait.ge [sflag:s4], $0x0  }
0x19: {  	s7 =	sld [smem:$0x3F9C]  }
0x1a: {  	s8 =	sadd.s32 $0xFFFFE003, lr  }
0x1b: {  	s9 =	sadd.s32 $0xFFFFFEF7, lr;
	s5 =	simm.s32 $0xFFFFFFFF;
	p2 =	slt.u32 s8, $0xFFFFF086  }
0x1c: {  	p1 =	slt.u32 s9, $0xF7A;
	s5 =	simm.s32 @!p2 $0x0  }
0x1d: {  	s5 =	simm.s32 @p1 $0x1;
	p0 =	seq.s32 s7, s2  }
0x1e: {  	s7 =	smul.u32 @!p0 $0xF7A, s2;
	p2 =	seq.s32 @!p0 s5, $0x0  }
0x1f: {  	s9 =	smul.u32 $0xF7A, s1;
	s8 =	simm.s32 @!p0 $0x1BF5;
	p2 =	por !p2, p0  }
0x20: {  	[sflag:s8] =	ssyncset.s32 @!p0 $0xFFFFF086;
	s6 =	sadd.s32 @!p0 s3, s7;
	s7 =	simm.s32 @!p0 $0x108  }
0x21: {  	s3 =	sadd.s32 s3, s9;
	s6 =	sadd.s32 @!p0 $0x88, s6;
	s7 =	simm.s32 @p2 $0x1082  }
0x22: {  	[simem:s7], [sflag:s8] =	dma.local @!p0 [hbm:s6], $0xF7A  }
0x23: {  	s9 =	sor.u32 $0xD0000000, s2;
	s6 =	simm.s32 $0x108;
	_ =	swait.ge @!p0 [sflag:s8], $0x0  }
0x24: {  	s3 =	sadd.s32 $0x88, s3;
	s6 =	simm.s32 @!p1 $0x1082;
	[sflag:s4] =	ssyncset.s32 $0xFFFFF086  }
0x25: {  	[simem:s6], [sflag:s4] =	dma.local [hbm:s3], $0xF7A  }
0x26: {  	[smem:$0x3F9C] =	sst s1;
	(tag) =	ssettag s2;
	_ =	strace s9  }
0x27: {  	s1 =	sld [smem:$0x3FAC]  }
0x28: {  	s2 =	sld [smem:$0x3FAD]  }
0x29: {  	s4 =	sld [smem:$0x3FAF]  }
0x2a: {  	p0 =	seq.s32 s5, $0x0;
	s5 =	sld [smem:$0x3FB0]  }
0x2b: {  	s6 =	sld [smem:$0x3FB1]  }
0x2c: {  	s7 =	sld [smem:$0x3FB2]  }
0x2d: {  	s3 =	simm.s32 $0x108;
	s8 =	sld [smem:$0x3FB3]  }
0x2e: {  	s3 =	simm.s32 @!p0 $0x1082;
	s9 =	sld [smem:$0x3FB4]  }
0x2f: {  	lr =	sadd.s32 s0, s3;
	s0 =	sld [smem:$0x3FAB]  }
0x30: {  	s3 =	sld [smem:$0x3FAE]  }
0x31: {  	[smem:$0x3FB7] =	sst s10  }
0x32: {  	s10 =	sld [smem:$0x3FB5];
	_ =	sdelay $0x3  }
0x33: {  	p0 =	seq.s32 s10, $0x1;
	s10 =	sld [smem:$0x3FB7];
	_ =	sdelay $0x3  }
0x34: {  	[smem:$0x3FB7] =	sst s10  }
0x35: {  	s10 =	sld [smem:$0x3FB6];
	_ =	sdelay $0x3  }
0x36: {  	p1 =	seq.s32 s10, $0x1;
	s10 =	sld [smem:$0x3FB7];
	_ =	sdelay $0x3  }
0x37: {  	[smem:$0x3FB7] =	sst s10  }
0x38: {  	s10 =	sld [smem:$0x3FB8]  }
0x39: {  	_ = 	snop;
	(pc) =	sbr.ind lr, $3  }
0x3a: {  	_ = 	snop  }
0x3b: {  	_ = 	snop  }
0x3c: {  	p2 =	seq.s32 s10, $0x1;
	s10 =	sld [smem:$0x3FB7]  }
0x3d: {  	_ =	shalt  }
0x3e: {  	_ =	shalt  }
0x3f: {  	_ =	shalt  }
0x40: {  	_ =	shalt  }
0x41: {  	_ =	shalt  }
0x42: {  	_ =	shalt  }
0x43: {  	_ =	shalt  }
0x44: {  	_ =	shalt  }
0x45: {  	_ =	shalt  }
0x46: {  	_ =	shalt  }
0x47: {  	_ =	shalt  }
0x48: {  	_ =	shalt  }
0x49: {  	_ =	shalt  }
0x4a: {  	_ =	shalt  }
0x4b: {  	_ =	shalt  }
0x4c: {  	_ =	shalt  }
0x4d: {  	_ =	shalt  }
0x4e: {  	_ =	shalt  }
0x4f: {  	_ =	shalt  }
0x50: {  	_ =	shalt  }
0x51: {  	_ =	shalt  }
0x52: {  	_ =	shalt  }
0x53: {  	_ =	shalt  }
0x54: {  	_ =	shalt  }
0x55: {  	_ =	shalt  }
0x56: {  	_ =	shalt  }
0x57: {  	_ =	shalt  }
0x58: {  	_ =	shalt  }
0x59: {  	_ =	shalt  }
0x5a: {  	_ =	shalt  }
0x5b: {  	_ =	shalt  }
0x5c: {  	_ =	shalt  }
0x5d: {  	_ =	shalt  }
0x5e: {  	_ =	shalt  }
0x5f: {  	_ =	shalt  }
0x60: {  	_ =	shalt  }
0x61: {  	_ =	shalt  }
0x62: {  	_ =	shalt  }
0x63: {  	_ =	shalt  }
0x64: {  	_ =	shalt  }
0x65: {  	_ =	shalt  }
0x66: {  	_ =	shalt  }
0x67: {  	_ =	shalt  }
0x68: {  	_ =	shalt  }
0x69: {  	_ =	shalt  }
0x6a: {  	_ =	shalt  }
0x6b: {  	_ =	shalt  }
0x6c: {  	_ =	shalt  }
0x6d: {  	_ =	shalt  }
0x6e: {  	_ =	shalt  }
0x6f: {  	_ =	shalt  }
0x70: {  	_ =	shalt  }
0x71: {  	_ =	shalt  }
0x72: {  	_ =	shalt  }
0x73: {  	_ =	shalt  }
0x74: {  	_ =	shalt  }
0x75: {  	_ =	shalt  }
0x76: {  	_ =	shalt  }
0x77: {  	_ =	shalt  }
0x78: {  	_ =	shalt  }
0x79: {  	_ =	shalt  }
0x7a: {  	_ =	shalt  }
0x7b: {  	_ =	shalt  }
0x7c: {  	_ =	shalt  }
0x7d: {  	_ =	shalt  }
0x7e: {  	_ =	shalt  }
0x7f: {  	_ =	shalt  }
0x80: {  	_ =	shalt  }
0x81: {  	_ =	shalt  }
0x82: {  	_ =	shalt  }
0x83: {  	_ =	shalt  }
0x84: {  	_ =	shalt  }
0x85: {  	_ =	shalt  }
0x86: {  	_ =	shalt  }
0x87: {  	_ =	shalt  }
.Lfunc_end0:
.L_simem_size_0:
called_computation_lowered:
.L_overlay_start_0:
0x88: {  	s0 =	sld [smem:$0x3FD9]  }
0x89: {  	s1 =	sld [smem:$0x3FFE];
	_ =	sdelay $0x3  }
0x8a: {  	s0 =	sadd.s32 s1, s0  }
0x8b: {  	[smem:$0x3FC3] =	sst s0  }
0x8c: {  	_ = 	snop  }
0x8d: {  	s0 =	sld [smem:$0x3FD0];
	(tm) =	ssettm $0x1  }
0x8e: {  	s16 =	sld [smem:$0x3FFB];
	_ =	sdelay $0x3  }
0x8f: {  	_ =	strace s16  }
0x90: {  	s1 =	sld [smem:$0x3FFC];
	_ =	sdelay $0x3  }
0x91: {  	_ =	strace s1  }
0x92: {  	s1 =	sld [smem:$0x3FFD];
	_ =	sdelay $0x3  }
0x93: {  	_ =	strace s1  }
0x94: {  	_ =	strace $0x8FFFFFFF  }
0x95: {  	s17 =	sld [smem:$0x3FDB];
	_ =	sdelay $0x1  }
0x96: {  	s2 =	simm.s32 $_scs_section_size  }
0x97: {  	s3 =	simm.s32 $_size__tile_overlayer_lowered;
	s4 =	simm.s32 $_tile_overlayer_lowered  }
0x98: {  	s20 =	simm.s32 $0x1BFF;
	s19 =	sshll.u32 s4, $0x1;
	s1 =	sadd.s32 s2, s17  }
0x99: {  	s5 =	simm.s32 $0x0;
	s18 =	sshll.u32 s3, $0x1;
	s3 =	sadd.s32 s19, s1  }
0x9a: {  	[timem:s5], [sflag:s20] =	dma.local [hbm:s3], s18  }
0x9b: {  	_ =	swait.ge [sflag:s20], s18  }
0x9c: {  	s2 =	ssub.s32 $0x0, s18;
	[sflag:s20] =	ssyncset.done $0x0  }
0x9d: {  	[sflag:s20] =	ssyncadd.s32 s2;
	_ =	sdelay $0x1  }
0x9e: {  	s21 =	simm.s32 $0x1B8B  }
0x9f: {  	_ =	swait.ge [sflag:s21], $0x1  }
0xa0: {  	[sflag:s21] =	ssyncset.done $0x0  }
0xa1: {  	s23 =	simm.s32 $0x1B8E;
	s22 =	sld [smem:$0x3FFE];
	[sflag:s21] =	ssyncadd.s32 $0xFFFFFFFF  }
0xa2: {  	s24 =	simm.s32 $execute0_lowered;
	[smem:$0x3FD2] =	sst s23  }
0xa3: {  	s3 =	sshll.u32 s24, $0x1;
	_ =	strace $0x80000049;
	[dreg:$0x1] =	wrdreg $0xFFFFFFFF  }
0xa4: {  	s25 =	simm.s32 $_size_execute0_lowered;
	s1 =	sadd.s32 s1, s3;
	[dreg:$0x0] =	wrdreg $0x0  }
0xa5: {  	s3 =	sshll.u32 s25, $0x1;
	[dreg:$0x2] =	wrdreg s1  }
0xa6: {  	[dreg:$0x3] =	wrdreg s3  }
0xa7: {  	[dreg:$0x4] =	wrdreg $0xC0  }
0xa8: {  	_ =	task [dreg:s5], $0x5FFFF  }
0xa9: {  	[dreg:$0x1] =	wrdreg $0xFFFFFFFF  }
0xaa: {  	[dreg:$0x0] =	wrdreg $0x60  }
0xab: {  	[dreg:$0x2] =	wrdreg s0  }
0xac: {  	[dreg:$0x3] =	wrdreg s22  }
0xad: {  	[dreg:$0x4] =	wrdreg $0x9  }
0xae: {  	_ =	task.clear_ibuf [dreg:s5], $0x5FFFF;
	_ =	strace $0x90000049  }
0xaf: {  	s26 =	simm.s32 $0x9;
	_ =	strace $0x8000004B  }
0xb0: {  	_ =	swait.ge [sflag:s26], $0x1  }
0xb1: {  	[sflag:s26] =	ssyncadd.s32 $0xFFFFFFFF  }
0xb2: {  	_ =	strace $0x9000004B  }
0xb3: {  	_ =	sfence  }
0xb4: {  	s28 =	sld [smem:$0x0];
	_ =	sdelay $0x1  }
0xb5: {  	s29 =	srdreg.scid  }
0xb6: {  	s30 =	sshll.u32 s29, $0xD;
	s31 =	sshrl.u32 s29, $0x2  }
0xb7: {  	s2 =	sand.u32 $0x4000, s30;
	s1 =	sand.u32 $0x1, s29;
	s0 =	sadd.s32 s31, s28  }
0xb8: {  	s1 =	sor.u32 s2, s1;
	s0 =	sshll.u32 s0, $0x11  }
0xb9: {  	s0 =	sor.u32 s0, s1  }
0xba: {  	s0 =	sadd.s32 $0x8F2B, s0  }
0xbb: {  	[sflag:s0] =	ssyncadd.remote.s32 $0x1  }
0xbc: {  	_ =	sfence.sel $0xFFFF  }
0xbd: {  	[dreg:$0x0] =	wrdreg $0xFFFFFFFF;
	(pc) =	sbr.abs _section_cstart, $3  }
0xbe: {  	[dreg:$0x1] =	wrdreg $0xFFFFFFFF  }
0xbf: {  	_ =	task.clear_ibuf [dreg:s5], $0x2FFFF;
	_ =	strace $0x9FFFFFFF  }
0xc0: {  	(tm) =	ssettm $0x7FFFFFFF  }
0xc1: {  	_ =	shalt  }
tec
execute0_lowered:
.L_overlay_start_1:
0x0: {  	(tag) =	ssettag $0x1  }
0x1: {  	s1 =	rddreg [dreg:$0x0]  }
0x2: {  	s4 =	rddreg [dreg:$0x1];
	_ =	strace $0x8000004A;
	s0 =	simm.s32 $0x1  }
0x3: {  	v0 =	vimm.s32 $0x0;
	[sflag:s0] =	ssyncpa.u1 $0x0;
	s0 =	simm.s32 $0x408  }
0x4: {  	[tilespmem:s0+$0x70] =	vst v0  }
0x5: {  	[tilespmem:s0+$0x60] =	vst v0  }
0x6: {  	[tilespmem:s0+$0x50] =	vst v0  }
0x7: {  	[tilespmem:s0+$0x40] =	vst v0  }
0x8: {  	[tilespmem:s0+$0x30] =	vst v0  }
0x9: {  	s11 =	sadd.s32 $0xA0600, s4;
	[tilespmem:s0+$0x20] =	vst v0  }
0xa: {  	s3 =	sadd.s32 $0xA1200, s4;
	s7 =	sadd.s32 $0xA0C00, s4;
	s4 =	simm.s32 $0x40;
	[tilespmem:s0+$0x10] =	vst v0  }
.LBB2_1:
0xb: {  	s4 =	sadd.s32 $0x40, s4;
	[tilespmem:s0+$0x0] =	vst v0;
	s0 =	sadd.s32 $0x80, s0  }
0xc: {  	p0 =	slt.u32 s4, $0x3100;
	[tilespmem:s0+$0x70] =	vst v0  }
0xd: {  	[tilespmem:s0+$0x60] =	vst v0  }
.Ltmp0:
0xe: {  	[tilespmem:s0+$0x50] =	vst v0;
	(pc) =	sbr.rel @p0 .LBB2_1-.Ltmp0, $4  }
0xf: {  	[tilespmem:s0+$0x40] =	vst v0  }
0x10: {  	[tilespmem:s0+$0x30] =	vst v0  }
0x11: {  	[tilespmem:s0+$0x20] =	vst v0  }
0x12: {  	[tilespmem:s0+$0x10] =	vst v0  }
0x13: {  	s2 =	stileid.u32  }
0x14: {  	s4 =	simm.s32 $0x1;
	p0 =	sne.s32 s2, $0x0;
	s6 =	smul.u32 $0xD, s2  }
0x15: {  	s4 =	simm.s32 @!p0 $0x0  }
0x16: {  	s4 =	sadd.s32 s4, s6  }
0x17: {  	p1 =	seq.s32 s2, $0x0;
	s6 =	smul.u32 $0x30, s4;
	s4 =	simm.s32 $0x2A0  }
0x18: {  	s4 =	simm.s32 @!p1 $0x270  }
0x19: {  	s4 =	sadd.s32 s4, s6  }
0x1a: {  	s12 =	smin.u32 s4, $0x2710  }
0x1b: {  	s4 =	ssub.s32 s12, s6  }
0x1c: {  	p1 =	sgt.s32 s4, $0x0  }
0x1d: {  	s29 =	simm.s32 $0x2;
	s5 =	simm.s32 $0x7;
	s4 =	simm.s32 @!p1 $0x0  }
0x1e: {  	s10 =	simm.s32 $0x1;
	s9 =	simm.s32 $0x8;
	s8 =	smul.u32 $0xAAAB, s4  }
0x1f: {  	s31 =	simm.s32 $0x9;
	s21 =	simm.s32 $0x0;
	p2 =	por $0x0, $0x0  }
0x20: {  	s15 =	simm.s32 $0x80;
	s16 =	simm.s32 $0x400;
	s30 =	sshrl.u32 s8, $0x15  }
0x21: {  	[tilespmem:s0+$0x0] =	vst v0;
	v0 =	vimm.s32 $0xFFFFFFFF;
	s18 =	simm.s32 $0x0;
	[sflag:s29] =	ssyncpa.u1 $0x0;
	s8 =	smul.u32 $0x30, s30  }
0x22: {  	s20 =	simm.s32 $0x0;
	s13 =	sshll.u32 s2, $0xA;
	[tilespmem:$0xC808] =	vst v0;
	[sflag:s5] =	ssyncpa.u1 $0x0  }
.Ltmp1:
0x23: {  	p1 =	sne.s32 s4, s8;
	s4 =	simm.s32 $0x1;
	(pc) =	sbr.rel .LBB2_3-.Ltmp1, $4  }
0x24: {  	s5 =	simm.s32 $0xA;
	[dreg:$0x3] =	wrdreg s6;
	s4 =	simm.s32 @!p1 $0x0  }
0x25: {  	[sflag:s9] =	ssyncpa.u1 $0x0;
	[dreg:$0x4] =	wrdreg s12;
	s14 =	sadd.s32 s30, s4  }
0x26: {  	[sflag:s31] =	ssyncpa.u1 $0x0;
	s17 =	sadd.s32 $0x1, s14;
	[dreg:$0x5] =	wrdreg s14  }
0x27: {  	v0 =	vlaneseq.u32;
	s19 =	smov.u32 s6;
	p1 =	por $0x1, $0x1;
	[dreg:$0x6] =	wrdreg s17  }
.LBB2_30:
0x28: {  	s0 =	sshrl.u32 s29, $0x2;
	s5 =	simm.s32 $0xA  }
.LBB2_32:
0x29: {  	_ =	swait.ge [sflag:s5], s0  }
0x2a: {  	s31 =	ssub.s32 $0x0, s0;
	v1 =	vmov s23;
	vm0 =	veq.s32 v0, $0x0;
	[sflag:s5] =	ssyncset.done $0x0  }
0x2b: {  	vm15 =	veq.s32 v0, $0x2;
	v1 =	vsel vm0, s28, v1;
	[sflag:s5] =	ssyncadd.s32 s31  }
0x2c: {  	v1 =	vsel vm15, s21, v1;
	[sflag:s5] =	ssyncpa.u1 $0x1  }
0x2d: {  	[tilespmem:$0xC808] =	vst v1  }
.LBB2_33:
0x2e: {  	s0 =	sadd.s32 $0x30, s19  }
0x2f: {  	s2 =	smov.u32 s6;
	p3 =	slt.s32 s0, s12  }
0x30: {  	s2 =	smov.u32 @p3 s0;
	p3 =	sne.s32 s20, s17  }
.Ltmp2:
0x31: {  	_ = 	snop;
	(pc) =	sbr.rel @!p3 .LBB2_34-.Ltmp2, $4  }
0x32: {  	_ = 	snop  }
0x33: {  	s21 =	smov.u32 s18  }
0x34: {  	s31 =	sadd.s32 $0x1, s20;
	s18 =	smov.u32 s19;
	p1 =	por !p1, !p1  }
0x35: {  	p2 =	por !p2, !p2;
	s20 =	smov.u32 s31;
	s19 =	smov.u32 s2  }
.LBB2_3:
0x36: {  	p3 =	sge.u32 s20, s14  }
0x37: {  	s0 =	smulhi.u32 @!p3 $0xAAAAAAAB, s20  }
0x38: {  	s4 =	smov.u32 s19;
	p4 =	sgt.s32 @!p3 s19, $0x26E0  }
0x39: {  	s8 =	sshra.s32 @!p3 s19, $0x1F;
	p4 =	por !p4, p3;
	s0 =	sshrl.u32 @!p3 s0, $0x1  }
0x3a: {  	s8 =	sand.u32 @!p3 s8, s19;
	s4 =	simm.s32 @p4 $0x26E0;
	s0 =	smul.u32 @!p3 $0x3, s0  }
0x3b: {  	s4 =	ssub.s32 @!p3 s4, s8  }
0x3c: {  	s4 =	sadd.s32 @!p3 $0xFFFFD920, s4;
	s0 =	ssub.s32 @!p3 s20, s0  }
0x3d: {  	s8 =	sshll.u32 @!p3 s4, $0x2;
	p4 =	sgt.s32 @!p3 s4, $0x2F;
	s0 =	smul.u32 @!p3 $0xC0, s0  }
0x3e: {  	s9 =	sand.u32 @!p3 $0x7, s19;
	s4 =	ssub.s32 @!p3 $0xC0, s8;
	p4 =	por !p4, p3  }
0x3f: {  	s8 =	sshrl.u32 @!p3 s19, $0x3;
	s4 =	sshrl.u32 @!p3 s4, $0x2;
	s0 =	sshrl.u32 @!p3 s0, $0x2  }
0x40: {  	s8 =	sadd.s32 @!p3 s7, s8;
	s4 =	simm.s32 @!p4 $0x0;
	s0 =	sadd.s32 @!p3 $0x10838, s0  }
0x41: {  	[tilespmem:s0], [sflag:$0x8] =	stream.linear.gather @!p3 [hbm4b:s8+s9], s4, $0x38;
	[tilespmem:$0x1C928] =	vst v63  }
0x42: {  	s4 =	sadd.s32 $0xFFFFFFFF, s20  }
0x43: {  	p3 =	sge.u32 s4, s14  }
0x44: {  	p4 =	sgt.s32 @!p3 s18, $0x26E0  }
0x45: {  	s0 =	smov.u32 s18;
	s8 =	sshra.s32 @!p3 s18, $0x1F;
	p4 =	por !p4, p3  }
0x46: {  	s8 =	sand.u32 @!p3 s8, s18;
	s0 =	simm.s32 @p4 $0x26E0  }
0x47: {  	s0 =	ssub.s32 @!p3 s0, s8  }
0x48: {  	s0 =	sadd.s32 @!p3 $0xFFFFD920, s0  }
0x49: {  	s8 =	sshll.u32 @!p3 s0, $0x2  }
0x4a: {  	p4 =	sgt.s32 @!p3 s0, $0x2F;
	s0 =	ssub.s32 @!p3 $0xC0, s8  }
0x4b: {  	p4 =	por !p4, p3;
	s0 =	sshrl.u32 @!p3 s0, $0x2  }
0x4c: {  	s9 =	simm.s32 @!p3 $0x8;
	s8 =	sand.u32 @!p3 $0x1, s4;
	s0 =	simm.s32 @!p4 $0x0  }
0x4d: {  	s8 =	smul.u32 @!p3 $0xC0, s8;
	_ =	swait.ge @!p3 [sflag:s9], s0  }
0x4e: {  	s22 =	ssub.s32 @!p3 $0x0, s0;
	[sflag:s9] =	ssyncset.done @!p3 $0x0  }
0x4f: {  	s8 =	sshrl.u32 @!p3 s8, $0x2;
	[sflag:s9] =	ssyncadd.s32 @!p3 s22;
	s9 =	sshrl.u32 @!p3 s18, $0x3  }
0x50: {  	s8 =	sor.u32 @!p3 $0x108C8, s8;
	s22 =	sand.u32 @!p3 $0x7, s18;
	s9 =	sadd.s32 @!p3 s11, s9  }
0x51: {  	[tilespmem:s8], [sflag:$0x9] =	stream.linear.gather @!p3 [hbm4b:s9+s22], s0, $0x38;
	[tilespmem:$0x1C928] =	vst v63  }
0x52: {  	s0 =	ssub.s32 @!p3 $0x2710, s18  }
0x53: {  	p4 =	slt.s32 @!p3 s0, $0x1  }
0x54: {  	p4 =	por p3, p4  }
.Ltmp3:
0x55: {  	_ = 	snop;
	(pc) =	sbr.rel @p4 .LBB2_9-.Ltmp3, $1  }
0x56: {  	_ =	sdelay $0x3  }
0x57: {  	s8 =	smulhi.u32 $0xAAAAAAAB, s4;
	_ =	sdelay $0x1  }
0x58: {  	s8 =	sshrl.u32 s8, $0x1  }
0x59: {  	s8 =	smul.u32 $0x3, s8;
	_ =	sdelay $0x1  }
0x5a: {  	s29 =	ssub.s32 s4, s8  }
0x5b: {  	s9 =	simm.s32 $0x1;
	s4 =	smul.u32 $0xC0, s29  }
.Ltmp4:
0x5c: {  	s9 =	simm.s32 @!p1 $0x0;
	(pc) =	sbr.rel .LBB2_6-.Ltmp4, $4  }
0x5d: {  	s30 =	smul.u32 $0x18000, s9  }
0x5e: {  	p4 =	slt.s32 @!p3 s0, $0x30;
	s4 =	sshrl.u32 s4, $0x2  }
0x5f: {  	p3 =	por !p4, p3;
	s8 =	sshrl.u32 s30, $0x2;
	s31 =	sadd.s32 $0x10838, s4  }
0x60: {  	s0 =	simm.s32 @p3 $0x30;
	s22 =	sor.u32 $0x10928, s8;
	s4 =	simm.s32 $0x0;
	v1 =	vmov s31  }
.LBB2_5:
0x61: {  	p3 =	sge.s32 s4, s0  }
.Ltmp5:
0x62: {  	_ = 	snop;
	(pc) =	sbr.rel @p3 .LBB2_9-.Ltmp5, $2  }
0x63: {  	_ =	sdelay $0x2  }
0x64: {  	s22 =	sadd.s32 $0x2000, s22  }
.LBB2_6:
0x65: {  	p3 =	sle.s32 s0, s4  }
.Ltmp6:
0x66: {  	_ = 	snop;
	(pc) =	sbr.rel @p3 .LBB2_5-.Ltmp6, $2  }
0x67: {  	_ =	sdelay $0x2  }
0x68: {  	s8 =	smov.u32 s4;
	s4 =	sadd.s32 $0x10, s4  }
0x69: {  	s9 =	ssub.s32 s0, s8  }
0x6a: {  	p3 =	slt.s32 s9, $0x10  }
0x6b: {  	s9 =	simm.s32 @!p3 $0x10  }
0x6c: {  	v2 =	vmov s9  }
0x6d: {  	vm0 =	vgt.s32 v2, v0;
	_ =	sdelay $0x5  }
0x6e: {  	v2 =	vld.idx.msk [tilespmem:v1+s8+$0x0 ss:$0x1], vm0;
	_ =	sdelay $0x2  }
0x6f: {  	s23 =	smov.u32 s0;
	p3 =	slt.s32 s4, s0  }
0x70: {  	s24 =	smov.u32 s22;
	s25 =	simm.s32 $0x0;
	s23 =	smov.u32 @p3 s4  }
.LBB2_8:
0x71: {  	(v2sf) =	vpush v2, s25;
	_ =	sdelay $0xe  }
0x72: {  	s25 =	sadd.s32 $0x1, s25;
	s9 =	spop (v2sf)  }
0x73: {  	s31 =	sadd.s32 s25, s8;
	s26 =	sshll.u32 s9, $0x9;
	s9 =	sshll.u32 s9, $0x7  }
0x74: {  	p3 =	slt.s32 s31, s23;
	s26 =	sand.u32 $0xFFFFF000, s26;
	s9 =	sand.u32 $0x380, s9  }
.Ltmp7:
0x75: {  	s9 =	sor.u32 s9, s26;
	(pc) =	sbr.rel @p3 .LBB2_8-.Ltmp7, $4  }
0x76: {  	s9 =	sshrl.u32 s9, $0x3  }
0x77: {  	s9 =	sadd.s32 s3, s9  }
0x78: {  	[tilespmem:s24], [sflag:$0x7] =	stream.strided.gather [hbm4b:s9+s15], $0x200, s16, s15, $0x38;
	[tilespmem:$0x1C928] =	vst v63  }
0x79: {  	s24 =	sadd.s32 $0x200, s24  }
.Ltmp8:
0x7a: {  	_ = 	snop;
	(pc) =	sbr.rel .LBB2_5-.Ltmp8, $1  }
0x7b: {  	_ =	sdelay $0x3  }
.LBB2_9:
0x7c: {  	p3 =	slt.u32 s20, $0x2  }
.Ltmp9:
0x7d: {  	_ = 	snop;
	(pc) =	sbr.rel @p3 .LBB2_33-.Ltmp9, $1  }
0x7e: {  	_ =	sdelay $0x3  }
0x7f: {  	p3 =	sgt.s32 s21, $0x26E0;
	s0 =	smov.u32 s21  }
0x80: {  	s4 =	sshra.s32 s21, $0x1F;
	s8 =	ssub.s32 $0x2710, s21;
	s0 =	simm.s32 @!p3 $0x26E0  }
0x81: {  	s4 =	sand.u32 s4, s21;
	p3 =	slt.s32 s8, $0x30;
	s9 =	smov.u32 s8  }
0x82: {  	s0 =	ssub.s32 s0, s4;
	s9 =	simm.s32 @!p3 $0x30  }
0x83: {  	s0 =	sadd.s32 $0xFFFFD920, s0;
	s25 =	sshll.u32 s9, $0x9  }
0x84: {  	s2 =	simm.s32 $0x7;
	s26 =	sshll.u32 s0, $0x2;
	s4 =	sand.u32 $0x3FFFFE00, s25  }
0x85: {  	p3 =	sgt.s32 s0, $0x2F;
	s28 =	ssub.s32 $0xC0, s26;
	_ =	swait.ge [sflag:s2], s4  }
0x86: {  	s4 =	ssub.s32 $0x0, s4;
	[sflag:s2] =	ssyncset.done $0x0;
	s0 =	sshrl.u32 s28, $0x2  }
0x87: {  	s30 =	simm.s32 $0x9;
	[sflag:s2] =	ssyncadd.s32 s4;
	s0 =	simm.s32 @p3 $0x0  }
0x88: {  	_ =	swait.ge [sflag:s30], s0  }
0x89: {  	s0 =	ssub.s32 $0x0, s0;
	[sflag:s30] =	ssyncset.done $0x0  }
0x8a: {  	[sflag:s30] =	ssyncadd.s32 s0  }
0x8b: {  	v1 =	vld [tilespmem:$0xC808];
	_ =	sdelay $0x4  }
0x8c: {  	(v2sf) =	vpush v1, $0x0  }
0x8d: {  	(v2sf) =	vpush v1, $0x1  }
0x8e: {  	(v2sf) =	vpush v1, $0x2;
	_ =	sdelay $0x3  }
0x8f: {  	s0 =	sadd.s32 $0x30, s21  }
0x90: {  	p3 =	slt.s32 s12, s0  }
0x91: {  	s0 =	smov.u32 @p3 s12;
	p3 =	sgt.s32 s8, $0x0  }
0x92: {  	s22 =	ssub.s32 s0, s21;
	s8 =	simm.s32 @!p3 $0x0  }
0x93: {  	p3 =	slt.s32 s8, s22  }
0x94: {  	s22 =	smov.u32 @p3 s8  }
0x95: {  	s24 =	simm.s32 $0x1;
	p3 =	slt.s32 s22, $0x1  }
.Ltmp10:
0x96: {  	s24 =	simm.s32 @!p2 $0x0;
	(pc) =	sbr.rel @p3 .LBB2_14-.Ltmp10, $4  }
0x97: {  	s31 =	smul.u32 $0xC0, s24  }
0x98: {  	s0 =	spop (v2sf)  }
0x99: {  	s4 =	sshrl.u32 s31, $0x2;
	s25 =	spop (v2sf)  }
0x9a: {  	s29 =	sor.u32 $0x108C8, s4;
	s21 =	spop (v2sf)  }
0x9b: {  	s4 =	smin.u32 s22, $0x10  }
0x9c: {  	v1 =	vmov s4  }
0x9d: {  	vm1 =	vgt.u32 v1, v0  }
0x9e: {  	p4 =	sgt.s32 s22, $0x10  }
.Ltmp11:
0x9f: {  	_ = 	snop;
	(pc) =	sbr.rel @!p4 .LBB2_13-.Ltmp11, $2  }
0xa0: {  	_ =	sdelay $0x2  }
0xa1: {  	s8 =	simm.s32 $0x10;
	s23 =	sadd.s32 $0xFFFFFFF0, s22;
	s4 =	smov.u32 s29;
	vm0 =	vmmov vm1;
	v1 =	vld.msk [tilespmem:s29+$0x0 ss:$0x1], vm1  }
.LBB2_12:
0xa2: {  	s9 =	smin.u32 s23, $0x10;
	s8 =	sadd.s32 $0x10, s8  }
0xa3: {  	v2 =	vmov s9;
	p4 =	slt.s32 s8, s22  }
0xa4: {  	vm1 =	vgt.u32 v2, v0;
	_ =	sdelay $0x1  }
0xa5: {  	v2 =	vshll.u32 v1, $0x6;
	v1 =	vshll.u32 v1, $0x4  }
.Ltmp12:
0xa6: {  	v2 =	vand.u32 $0xFFFFFE00, v2;
	v1 =	vand.u32 $0x70, v1;
	(pc) =	sbr.rel @p4 .LBB2_12-.Ltmp12, $4  }
0xa7: {  	v1 =	vor.u32 v1, v2  }
0xa8: {  	[tilespmem:s4+$0x0] =	vst.msk vm0, v1;
	s4 =	sadd.s32 $0x10, s4;
	vm0 =	vmmov vm1  }
0xa9: {  	v1 =	vld.msk [tilespmem:s4+$0x0 ss:$0x1], vm1  }
0xaa: {  	s23 =	sadd.s32 $0xFFFFFFF0, s23  }
.LBB2_13:
0xab: {  	_ =	sdelay $0x3  }
0xac: {  	v2 =	vshll.u32 v1, $0x6;
	v1 =	vshll.u32 v1, $0x4  }
0xad: {  	v2 =	vand.u32 $0xFFFFFE00, v2;
	v1 =	vand.u32 $0x70, v1  }
0xae: {  	v1 =	vor.u32 v1, v2  }
0xaf: {  	[tilespmem:s4+$0x0] =	vst.msk vm0, v1  }
.LBB2_14:
0xb0: {  	s4 =	sand.u32 $0x1, s20  }
0xb1: {  	s4 =	smul.u32 $0x30, s4  }
0xb2: {  	p4 =	sne.s32 s25, $0xFFFFFFFF  }
0xb3: {  	v1 =	vld.msk @!p4 [tilespmem:s4+$0x108C8], $0x1;
	_ =	sdelay $0x4  }
0xb4: {  	(v2sf) =	vpush @!p4 v1, $0x0;
	_ =	sdelay $0xc  }
.Ltmp13:
0xb5: {  	_ = 	snop;
	(pc) =	sbr.rel @p3 .LBB2_31-.Ltmp13, $4  }
0xb6: {  	_ = 	snop  }
0xb7: {  	s26 =	spop @!p4 (v2sf)  }
0xb8: {  	s21 =	simm.s32 @!p4 $0x0;
	s23 =	smov.u32 s26  }
0xb9: {  	[sflag:s5] =	ssyncpa.u1 $0x0;
	s26 =	smov.u32 @p4 s0;
	s23 =	smov.u32 @p4 s25  }
0xba: {  	v1 =	vld.msk [tilespmem:s29+$0x0], $0x1;
	_ =	sdelay $0x4  }
0xbb: {  	(v2sf) =	vpush v1, $0x0;
	_ =	sdelay $0xe  }
0xbc: {  	s31 =	spop (v2sf)  }
0xbd: {  	s12 =	smov.u32 s7;
	s7 =	smov.u32 s11;
	p3 =	seq.s32 s26, s31  }
0xbe: {  	s0 =	smul.u32 $0x18000, s24;
	s28 =	sadd.s32 $0x108C8, s4;
	p4 =	sgt.s32 @!p3 s26, $0x0  }
0xbf: {  	s17 =	ssub.s32 $0x0, s22;
	s4 =	smov.u32 s26;
	p4 =	por !p4, p3  }
0xc0: {  	s25 =	simm.s32 $0x0;
	s29 =	sadd.s32 $0x1, s29;
	s4 =	simm.s32 @p4 $0x0  }
0xc1: {  	s30 =	sadd.s32 $0x1, s17;
	s8 =	simm.s32 @!p3 $0x6608;
	s9 =	smin.u32 @!p3 s4, $0x1F270  }
0xc2: {  	p4 =	seq.s32 s30, $0x0;
	s4 =	sand.u32 @!p3 $0x1FFF8, s9;
	s11 =	sadd.s32 @!p3 $0x80, s9  }
0xc3: {  	s5 =	sadd.s32 @!p3 s1, s4;
	s4 =	sand.u32 @!p3 $0x7, s9;
	s11 =	sand.u32 @!p3 $0x3FFF8, s11  }
0xc4: {  	[tilespmem:s8], [sflag:$0x2] =	stream.linear.gather @!p3 [hbm4b:s5+s4], $0x80, $0x38;
	[tilespmem:$0x1C928] =	vst v63  }
0xc5: {  	s2 =	sadd.s32 @!p3 $0x100, s9;
	s5 =	simm.s32 @!p3 $0x6688;
	s8 =	sadd.s32 @!p3 s1, s11  }
0xc6: {  	[tilespmem:s5], [sflag:$0x2] =	stream.linear.gather @!p3 [hbm4b:s8+s4], $0x80, $0x38;
	[tilespmem:$0x1C928] =	vst v63  }
.Ltmp14:
0xc7: {  	s0 =	sshrl.u32 s0, $0x2;
	s2 =	sand.u32 @!p3 $0x3FFF8, s2;
	(pc) =	sbr.rel @p4 .LBB2_17-.Ltmp14, $4  }
0xc8: {  	s2 =	sadd.s32 @!p3 s1, s2;
	s5 =	simm.s32 @!p3 $0x6708;
	s8 =	sadd.s32 @!p3 $0x180, s9  }
0xc9: {  	[tilespmem:s5], [sflag:$0x2] =	stream.linear.gather @!p3 [hbm4b:s2+s4], $0x80, $0x38;
	[tilespmem:$0x1C928] =	vst v63  }
0xca: {  	s24 =	sor.u32 $0x10928, s0;
	s0 =	simm.s32 @!p3 $0x1;
	s2 =	sand.u32 @!p3 $0x3FFF8, s8  }
0xcb: {  	s0 =	smov.u32 @p3 s25;
	s8 =	simm.s32 @!p3 $0x6788;
	s9 =	sadd.s32 @!p3 s1, s2  }
.LBB2_16:
0xcc: {  	s2 =	smov.u32 s0  }
0xcd: {  	[tilespmem:s8], [sflag:$0x2] =	stream.linear.gather @!p3 [hbm4b:s9+s4], $0x80, $0x38;
	[tilespmem:$0x1C928] =	vst v63  }
0xce: {  	s30 =	sadd.s32 $0x1, s30;
	s4 =	smov.u32 s31  }
0xcf: {  	p4 =	seq.s32 s30, $0x0;
	v1 =	vld.msk [tilespmem:s29+$0x0], $0x1;
	_ =	sdelay $0x4  }
0xd0: {  	(v2sf) =	vpush v1, $0x0;
	_ =	sdelay $0xe  }
0xd1: {  	s31 =	spop (v2sf)  }
0xd2: {  	p3 =	seq.s32 s4, s31  }
0xd3: {  	p5 =	sgt.s32 @!p3 s4, $0x0;
	s5 =	sshll.u32 @!p3 s0, $0xB;
	s0 =	sadd.s32 @!p3 $0x1, s0  }
0xd4: {  	p5 =	por !p5, p3;
	s5 =	sshra.s32 @!p3 s5, $0x2;
	s0 =	smov.u32 @p3 s2  }
0xd5: {  	s4 =	simm.s32 @p5 $0x0;
	s2 =	sadd.s32 @!p3 $0x6608, s5;
	s9 =	sadd.s32 @!p3 $0x6688, s5  }
0xd6: {  	s14 =	sadd.s32 @!p3 $0x6708, s5;
	s8 =	sadd.s32 @!p3 $0x6788, s5;
	s11 =	smin.u32 @!p3 s4, $0x1F270  }
0xd7: {  	s4 =	sand.u32 @!p3 $0x1FFF8, s11;
	s5 =	sadd.s32 @!p3 $0x80, s11;
	s6 =	sadd.s32 @!p3 $0x100, s11  }
0xd8: {  	s17 =	sadd.s32 @!p3 s1, s4;
	s4 =	sand.u32 @!p3 $0x7, s11;
	s5 =	sand.u32 @!p3 $0x3FFF8, s5  }
0xd9: {  	[tilespmem:s2], [sflag:$0x2] =	stream.linear.gather @!p3 [hbm4b:s17+s4], $0x80, $0x38;
	[tilespmem:$0x1C928] =	vst v63  }
0xda: {  	s2 =	sadd.s32 @!p3 s1, s5  }
.Ltmp15:
0xdb: {  	s5 =	sand.u32 @!p3 $0x3FFF8, s6;
	s6 =	sadd.s32 @!p3 $0x180, s11;
	(pc) =	sbr.rel @!p4 .LBB2_16-.Ltmp15, $4  }
0xdc: {  	[tilespmem:s9], [sflag:$0x2] =	stream.linear.gather @!p3 [hbm4b:s2+s4], $0x80, $0x38;
	[tilespmem:$0x1C928] =	vst v63  }
0xdd: {  	s2 =	sadd.s32 @!p3 s1, s5;
	s5 =	sand.u32 @!p3 $0x3FFF8, s6  }
0xde: {  	[tilespmem:s14], [sflag:$0x2] =	stream.linear.gather @!p3 [hbm4b:s2+s4], $0x80, $0x38;
	[tilespmem:$0x1C928] =	vst v63  }
0xdf: {  	s29 =	sadd.s32 $0x1, s29;
	s9 =	sadd.s32 @!p3 s1, s5  }
.LBB2_17:
0xe0: {  	[tilespmem:s8], [sflag:$0x2] =	stream.linear.gather @!p3 [hbm4b:s9+s4], $0x80, $0x38;
	[tilespmem:$0x1C928] =	vst v63  }
0xe1: {  	s0 =	sshll.u32 s0, $0x9  }
0xe2: {  	s2 =	simm.s32 $0x2;
	s0 =	sand.u32 $0x3FFFFE00, s0  }
.Ltmp16:
0xe3: {  	_ =	swait.ge [sflag:s2], s0;
	(pc) =	sbr.rel .LBB2_18-.Ltmp16, $4  }
0xe4: {  	s29 =	simm.s32 $0x0;
	s6 =	rddreg [dreg:$0x3]  }
0xe5: {  	s11 =	smov.u32 s7;
	s7 =	smov.u32 s12;
	s12 =	rddreg [dreg:$0x4]  }
0xe6: {  	s0 =	ssub.s32 $0x0, s0;
	[sflag:s2] =	ssyncset.done $0x0;
	s14 =	rddreg [dreg:$0x5]  }
0xe7: {  	v1 =	vmov s28;
	s30 =	simm.s32 $0x0;
	s17 =	rddreg [dreg:$0x6];
	[sflag:s2] =	ssyncadd.s32 s0  }
.LBB2_28:
0xe8: {  	[tilespmem:s0+$0x0] =	vst v2;
	s25 =	sadd.s32 $0x1, s25  }
.LBB2_29:
0xe9: {  	s30 =	sadd.s32 $0x1, s30  }
0xea: {  	p3 =	sne.s32 s30, s22  }
.Ltmp17:
0xeb: {  	_ = 	snop;
	(pc) =	sbr.rel @!p3 .LBB2_30-.Ltmp17, $2  }
0xec: {  	_ =	sdelay $0x2  }
0xed: {  	s24 =	sadd.s32 $0x200, s24;
	s26 =	smov.u32 s28  }
.LBB2_18:
0xee: {  	_ =	sdelay $0x3  }
0xef: {  	v2 =	vld.idx.msk [tilespmem:v1+s30+$0x0 ss:$0x1], $0x1;
	_ =	sdelay $0x4  }
0xf0: {  	(v2sf) =	vpush v2, $0x0;
	_ =	sdelay $0xe  }
0xf1: {  	s28 =	spop (v2sf)  }
0xf2: {  	p3 =	sne.s32 s26, s28  }
.Ltmp18:
0xf3: {  	_ = 	snop;
	(pc) =	sbr.rel @p3 .LBB2_22-.Ltmp18, $3  }
0xf4: {  	_ =	sdelay $0x1  }
0xf5: {  	s0 =	sshll.u32 s21, $0xB  }
0xf6: {  	s0 =	sshra.s32 s0, $0x2  }
0xf7: {  	s0 =	sadd.s32 $0x408, s0;
	s4 =	simm.s32 $0x0;
	v2 =	vld [tilespmem:s24+$0x0];
	s8 =	smov.u32 s24  }
.LBB2_20:
0xf8: {  	s4 =	sadd.s32 $0x10, s4  }
0xf9: {  	p3 =	slt.u32 s4, $0x1F0  }
.Ltmp19:
0xfa: {  	_ = 	snop;
	(pc) =	sbr.rel @p3 .LBB2_20-.Ltmp19, $3  }
0xfb: {  	_ =	sdelay $0x1  }
0xfc: {  	s8 =	sadd.s32 $0x10, s8;
	[tilespmem:s0+$0x0] =	vst.add.f32.msk $0xffff, v2;
	s0 =	sadd.s32 $0x10, s0  }
0xfd: {  	v2 =	vld [tilespmem:s8+$0x0]  }
.Ltmp20:
0xfe: {  	_ = 	snop;
	(pc) =	sbr.rel .LBB2_29-.Ltmp20, $2  }
0xff: {  	_ =	sdelay $0x2  }
0x100: {  	[tilespmem:s0+$0x0] =	vst.add.f32.msk $0xffff, v2  }
.LBB2_22:
0x101: {  	p3 =	seq.s32 s26, s23  }
.Ltmp21:
0x102: {  	_ = 	snop;
	(pc) =	sbr.rel @!p3 .LBB2_23-.Ltmp21, $1  }
0x103: {  	_ =	sdelay $0x3  }
.Ltmp22:
0x104: {  	s0 =	sadd.s32 $0x408, s0;
	(pc) =	sbr.rel .LBB2_26-.Ltmp22, $4  }
0x105: {  	[spmem:s13] =	stream.linear.scatter [tilespmem:s0], [sflag:$0x1], $0x200, $0x38;
	[tilespmem:$0x1C928] =	vst v63  }
0x106: {  	_ =	swait.ge [sflag:s10], $0x200  }
0x107: {  	[sflag:s10] =	ssyncset.done $0x0  }
0x108: {  	[sflag:s10] =	ssyncadd.s32 $0xFFFFFE00  }
.LBB2_23:
0x109: {  	s2 =	sshll.u32 s25, $0xB  }
0x10a: {  	s2 =	sshra.s32 s2, $0x2  }
0x10b: {  	s4 =	sadd.s32 $0x408, s0;
	s8 =	sadd.s32 $0x6608, s2  }
0x10c: {  	s9 =	simm.s32 $0x0;
	s31 =	smov.u32 s4;
	v2 =	vld [tilespmem:s8+$0x0]  }
.LBB2_24:
0x10d: {  	s9 =	sadd.s32 $0x10, s9  }
0x10e: {  	p3 =	slt.u32 s9, $0x1F0  }
.Ltmp23:
0x10f: {  	_ = 	snop;
	(pc) =	sbr.rel @p3 .LBB2_24-.Ltmp23, $3  }
0x110: {  	_ =	sdelay $0x1  }
0x111: {  	s8 =	sadd.s32 $0x10, s8;
	[tilespmem:s31+$0x0] =	vst.add.f32.msk $0xffff, v2;
	s31 =	sadd.s32 $0x10, s31  }
0x112: {  	v2 =	vld [tilespmem:s8+$0x0]  }
0x113: {  	_ =	sdelay $0x1  }
0x114: {  	p3 =	sgt.u32 s26, $0x1F270  }
0x115: {  	s2 =	sand.u32 @!p3 $0x1FFF8, s26  }
0x116: {  	s5 =	sand.u32 @!p3 $0x7, s26;
	s2 =	sadd.s32 @!p3 s1, s2;
	[tilespmem:s31+$0x0] =	vst.add.f32.msk $0xffff, v2  }
0x117: {  	[hbm4b:s2+s5] =	stream.linear.scatter @!p3 [tilespmem:s4], [sflag:$0xA], $0x80, $0x38;
	[tilespmem:$0x1C928] =	vst v63  }
0x118: {  	s2 =	sadd.s32 @!p3 $0x80, s26  }
0x119: {  	s2 =	sand.u32 @!p3 $0x3FFF8, s2  }
0x11a: {  	s4 =	sadd.s32 @!p3 $0x488, s0;
	s2 =	sadd.s32 @!p3 s1, s2  }
0x11b: {  	[hbm4b:s2+s5] =	stream.linear.scatter @!p3 [tilespmem:s4], [sflag:$0xA], $0x80, $0x38;
	[tilespmem:$0x1C928] =	vst v63  }
0x11c: {  	s2 =	sadd.s32 @!p3 $0x100, s26  }
0x11d: {  	s2 =	sand.u32 @!p3 $0x3FFF8, s2  }
0x11e: {  	s4 =	sadd.s32 @!p3 $0x508, s0;
	s2 =	sadd.s32 @!p3 s1, s2  }
0x11f: {  	[hbm4b:s2+s5] =	stream.linear.scatter @!p3 [tilespmem:s4], [sflag:$0xA], $0x80, $0x38;
	[tilespmem:$0x1C928] =	vst v63  }
0x120: {  	s2 =	sadd.s32 @!p3 $0x180, s26;
	s4 =	simm.s32 $0x0  }
0x121: {  	s2 =	sand.u32 @!p3 $0x3FFF8, s2;
	s4 =	simm.s32 @!p3 $0x800  }
0x122: {  	s0 =	sadd.s32 @!p3 $0x588, s0;
	s2 =	sadd.s32 @!p3 s1, s2;
	s29 =	sadd.s32 s4, s29  }
0x123: {  	[hbm4b:s2+s5] =	stream.linear.scatter @!p3 [tilespmem:s0], [sflag:$0xA], $0x80, $0x38;
	[tilespmem:$0x1C928] =	vst v63  }
.LBB2_26:
0x124: {  	s0 =	sadd.s32 $0x1, s21  }
0x125: {  	s2 =	smulhi.u32 $0xAAAAAAAB, s0;
	_ =	sdelay $0x1  }
0x126: {  	s2 =	sshrl.u32 s2, $0x5  }
0x127: {  	s2 =	smul.u32 $0x30, s2;
	_ =	sdelay $0x1  }
0x128: {  	s21 =	ssub.s32 s0, s2  }
0x129: {  	s0 =	sshll.u32 s21, $0x9  }
0x12a: {  	s4 =	simm.s32 $0x0;
	v2 =	vld [tilespmem:s24+$0x0];
	s8 =	smov.u32 s24;
	s0 =	sadd.s32 $0x408, s0  }
.LBB2_27:
0x12b: {  	s4 =	sadd.s32 $0x10, s4  }
0x12c: {  	p3 =	slt.u32 s4, $0x1F0  }
.Ltmp24:
0x12d: {  	_ = 	snop;
	(pc) =	sbr.rel @p3 .LBB2_27-.Ltmp24, $3  }
0x12e: {  	_ =	sdelay $0x1  }
0x12f: {  	[tilespmem:s0+$0x0] =	vst v2;
	s0 =	sadd.s32 $0x10, s0;
	s8 =	sadd.s32 $0x10, s8  }
0x130: {  	v2 =	vld [tilespmem:s8+$0x0]  }
.Ltmp25:
0x131: {  	_ = 	snop;
	(pc) =	sbr.rel .LBB2_28-.Ltmp25, $1  }
0x132: {  	_ =	sdelay $0x3  }
.LBB2_31:
.Ltmp26:
0x133: {  	(pc) =	sbr.rel .LBB2_32-.Ltmp26, $4  }
0x134: {  	_ = 	snop  }
0x135: {  	s0 =	simm.s32 $0x2  }
0x136: {  	_ =	swait.ge [sflag:s0], $0x0  }
0x137: {  	s28 =	smov.u32 s26;
	[sflag:s0] =	ssyncset.done $0x0;
	s0 =	simm.s32 $0x0  }
.LBB2_34:
0x138: {  	_ =	sfence.sel $0x180000  }
0x139: {  	s0 =	simm.s32 $0x7;
	[bflag:$0x0] =	sbarrier.arrive $0xFFFF  }
0x13a: {  	s24 =	simm.s32 $0x8;
	[sflag:s0] =	ssyncpa.u1 $0x1  }
0x13b: {  	s25 =	simm.s32 $0x9;
	[sflag:s24] =	ssyncpa.u1 $0x1  }
0x13c: {  	s26 =	simm.s32 $0x2;
	[sflag:s25] =	ssyncpa.u1 $0x1  }
0x13d: {  	[sflag:s26] =	ssyncpa.u1 $0x1  }
0x13e: {  	v0 =	vld [tilespmem:$0xC808];
	_ =	sdelay $0x4  }
0x13f: {  	(v2sf) =	vpush v0, $0x0  }
0x140: {  	(v2sf) =	vpush v0, $0x1;
	_ =	sdelay $0x1  }
0x141: {  	(v2sf) =	vpush v0, $0x2;
	_ =	sdelay $0xb  }
0x142: {  	s0 =	spop (v2sf)  }
0x143: {  	s2 =	spop (v2sf)  }
0x144: {  	s3 =	smov.u32 s0;
	p1 =	sne.s32 s0, s2  }
0x145: {  	s4 =	spop (v2sf);
	s3 =	simm.s32 @!p1 $0xFFFFFFFF  }
0x146: {  	v2 =	vimm.s32 $0x1;
	v3 =	vlaneseq.u32;
	p1 =	seq.s32 s4, $0xFFFFFFFF;
	v1 =	vmov s3  }
0x147: {  	s28 =	stileid.u32;
	v0 =	vperm.xlane v0, v2;
	p2 =	sne.s32 @!p1 s0, s2;
	v1 =	vperm.xlane v1, v3  }
0x148: {  	vm0 =	vcmask $0x3F04;
	s6 =	simm.s32 $0xC808;
	s0 =	simm.s32 @!p1 $0x1;
	p2 =	por !p2, p1  }
0x149: {  	s3 =	sshll.u32 s28, $0x1;
	s2 =	sshll.u32 @!p1 s4, $0xB;
	s0 =	simm.s32 @p2 $0x0;
	v0 =	vsel vm0, v1, v0  }
0x14a: {  	s5 =	sor.u32 $0x4000, s3;
	s2 =	sshra.s32 @!p1 s2, $0x2;
	s0 =	sor.u32 @!p1 s0, s3;
	[tilespmem:$0xC808] =	vst v0  }
0x14b: {  	[spmem:s5] =	stream.linear.scatter [tilespmem:s6], [sflag:$0x1], $0x2, $0x38;
	[tilespmem:$0x1C928] =	vst v63  }
0x14c: {  	s2 =	sadd.s32 @!p1 $0x408, s2;
	s0 =	sshll.u32 @!p1 s0, $0x9  }
0x14d: {  	[spmem:s0] =	stream.linear.scatter @!p1 [tilespmem:s2], [sflag:$0x1], $0x200, $0x38;
	[tilespmem:$0x1C928] =	vst v63  }
0x14e: {  	s2 =	simm.s32 @!p1 $0x202  }
0x14f: {  	s0 =	simm.s32 $0x1;
	s2 =	simm.s32 @p1 $0x2  }
0x150: {  	_ =	swait.ge [sflag:s0], s2  }
0x151: {  	s2 =	ssub.s32 $0x0, s2;
	[sflag:s0] =	ssyncset.done $0x0  }
0x152: {  	[sflag:s0] =	ssyncadd.s32 s2  }
0x153: {  	_ =	sfence.stream.spmem  }
0x154: {  	s29 =	simm.s32 $0x3;
	[bflag:$0x0] =	sbarrier.arrive $0xFFFF  }
0x155: {  	s30 =	simm.s32 $0x4;
	[sflag:s29] =	ssyncpa.u1 $0x1  }
0x156: {  	s31 =	simm.s32 $0x3C;
	[sflag:s30] =	ssyncpa.u1 $0x1  }
0x157: {  	[sflag:s31] =	ssyncpa.u1 $0x1  }
0x158: {  	_ =	sfence @p0  }
0x159: {  	[sflag:s0] =	ssyncpa.u1 @p0 $0x1  }
0x15a: {  	_ =	strace @p0 $0x9000004A  }
0x15b: {  	[bflag:$0x2] =	sbarrier.arrive @p0 $0xFFFF  }
0x15c: {  	_ =	shalt @p0  }
.LBB2_35:
0x15d: {  	_ =	sfence.stream.spmem;
	s0 =	simm.s32 $0x5  }
0x15e: {  	s2 =	simm.s32 $0x4000;
	s3 =	simm.s32 $0xC818;
	[sflag:s0] =	ssyncpa.u1 $0x0  }
0x15f: {  	[tilespmem:s3], [sflag:$0x5] =	stream.linear.gather [spmem:s2], $0x20, $0x38;
	[tilespmem:$0x1C928] =	vst v63  }
0x160: {  	s2 =	simm.s32 $0x0;
	s3 =	simm.s32 $0xC838  }
0x161: {  	[tilespmem:s3], [sflag:$0x5] =	stream.linear.gather [spmem:s2], $0x4000, $0x38;
	[tilespmem:$0x1C928] =	vst v63  }
.Ltmp27:
0x162: {  	_ = 	snop;
	(pc) =	sbr.rel .LBB2_36-.Ltmp27, $4  }
0x163: {  	_ =	swait.ge [sflag:s0], $0x4020  }
0x164: {  	s4 =	simm.s32 $0x6;
	[sflag:s0] =	ssyncset.done $0x0  }
0x165: {  	s5 =	simm.s32 $0xC688;
	s6 =	simm.s32 $0xC708;
	[sflag:s0] =	ssyncadd.s32 $0xFFFFBFE0  }
0x166: {  	s7 =	simm.s32 $0xC788;
	s8 =	simm.s32 $0x0;
	[sflag:s4] =	ssyncpa.u1 $0x0  }
.LBB2_51:
0x167: {  	s8 =	sadd.s32 $0x1, s8  }
0x168: {  	p0 =	sne.s32 s8, $0x20  }
.Ltmp28:
0x169: {  	_ = 	snop;
	(pc) =	sbr.rel @!p0 .LBB2_52-.Ltmp28, $2  }
0x16a: {  	_ =	sdelay $0x2  }
0x16b: {  	s3 =	sadd.s32 $0x200, s3  }
.LBB2_36:
0x16c: {  	v0 =	vld.msk [tilespmem:s8+$0xC818], $0x1;
	_ =	sdelay $0x4  }
0x16d: {  	(v2sf) =	vpush v0, $0x0;
	_ =	sdelay $0xe  }
0x16e: {  	s9 =	spop (v2sf)  }
0x16f: {  	p0 =	seq.s32 s9, $0xFFFFFFFF  }
.Ltmp29:
0x170: {  	_ = 	snop;
	(pc) =	sbr.rel @p0 .LBB2_51-.Ltmp29, $1  }
0x171: {  	_ =	sdelay $0x3  }
0x172: {  	p0 =	slt.s32 s2, $0x1  }
.Ltmp30:
0x173: {  	_ = 	snop;
	(pc) =	sbr.rel @p0 .LBB2_44-.Ltmp30, $1  }
0x174: {  	_ =	sdelay $0x3  }
0x175: {  	s0 =	simm.s32 $0xC818;
	p0 =	por $0x0, $0x0  }
0x176: {  	v1 =	vld.msk @!p0 [tilespmem:s0+$0x0], $0x1;
	_ =	sdelay $0x4  }
0x177: {  	(v2sf) =	vpush @!p0 v1, $0x0;
	_ =	sdelay $0xd  }
0x178: {  	p2 =	sne.s32 s2, $0x1  }
.Ltmp31:
0x179: {  	s10 =	spop @!p0 (v2sf);
	(pc) =	sbr.rel @!p2 .LBB2_40-.Ltmp31, $4  }
0x17a: {  	p1 =	seq.s32 @!p0 s9, s10  }
0x17b: {  	s10 =	simm.s32 $0x0;
	p1 =	por !p1, p0  }
0x17c: {  	s12 =	simm.s32 $0xFFFFFFFF;
	s10 =	simm.s32 @p1 $0xFFFFFFFF  }
0x17d: {  	s11 =	simm.s32 $0x1;
	s10 =	smov.u32 @p0 s12  }
.LBB2_39:
0x17e: {  	s12 =	smov.u32 s10;
	p0 =	sne.s32 s10, $0xFFFFFFFF  }
0x17f: {  	s0 =	sadd.s32 $0x1, s0;
	s10 =	smov.u32 s11;
	s11 =	sadd.s32 $0x1, s11  }
0x180: {  	p1 =	sne.s32 s2, s11;
	v1 =	vld.msk @!p0 [tilespmem:s0+$0x0], $0x1;
	_ =	sdelay $0x4  }
0x181: {  	(v2sf) =	vpush @!p0 v1, $0x0;
	_ =	sdelay $0xe  }
.Ltmp32:
0x182: {  	s13 =	spop @!p0 (v2sf);
	(pc) =	sbr.rel @p1 .LBB2_39-.Ltmp32, $4  }
0x183: {  	p2 =	seq.s32 @!p0 s9, s13  }
0x184: {  	p2 =	por !p2, p0  }
0x185: {  	s10 =	simm.s32 @p2 $0xFFFFFFFF  }
0x186: {  	s10 =	smov.u32 @p0 s12  }
.LBB2_40:
0x187: {  	p0 =	seq.s32 s10, $0xFFFFFFFF  }
.Ltmp33:
0x188: {  	_ = 	snop;
	(pc) =	sbr.rel @p0 .LBB2_44-.Ltmp33, $1  }
0x189: {  	_ =	sdelay $0x3  }
0x18a: {  	s0 =	sshll.u32 s10, $0xB  }
0x18b: {  	s0 =	sshra.s32 s0, $0x2  }
0x18c: {  	s9 =	simm.s32 $0x0;
	v0 =	vld [tilespmem:s3+$0x0];
	s10 =	smov.u32 s3;
	s0 =	sadd.s32 $0xC838, s0  }
.LBB2_42:
0x18d: {  	s9 =	sadd.s32 $0x10, s9  }
0x18e: {  	p0 =	slt.u32 s9, $0x1F0  }
.Ltmp34:
0x18f: {  	_ = 	snop;
	(pc) =	sbr.rel @p0 .LBB2_42-.Ltmp34, $3  }
0x190: {  	_ =	sdelay $0x1  }
0x191: {  	s10 =	sadd.s32 $0x10, s10;
	[tilespmem:s0+$0x0] =	vst.add.f32.msk $0xffff, v0;
	s0 =	sadd.s32 $0x10, s0  }
0x192: {  	v0 =	vld [tilespmem:s10+$0x0]  }
.Ltmp35:
0x193: {  	_ = 	snop;
	(pc) =	sbr.rel .LBB2_51-.Ltmp35, $2  }
0x194: {  	_ =	sdelay $0x2  }
0x195: {  	[tilespmem:s0+$0x0] =	vst.add.f32.msk $0xffff, v0  }
.LBB2_44:
0x196: {  	p0 =	sgt.u32 s9, $0x1F270  }
.Ltmp36:
0x197: {  	_ = 	snop;
	(pc) =	sbr.rel @p0 .LBB2_48-.Ltmp36, $1  }
0x198: {  	_ =	sdelay $0x3  }
0x199: {  	s0 =	sand.u32 $0x1FFF8, s9;
	s11 =	sand.u32 $0x7, s9  }
0x19a: {  	s29 =	sadd.s32 $0x80, s9;
	s10 =	sadd.s32 s1, s0;
	s0 =	simm.s32 $0xC608  }
0x19b: {  	[tilespmem:s0], [sflag:$0x6] =	stream.linear.gather [hbm4b:s10+s11], $0x80, $0x38;
	[tilespmem:$0x1C928] =	vst v63  }
0x19c: {  	s10 =	sand.u32 $0x3FFF8, s29  }
0x19d: {  	s30 =	sadd.s32 $0x100, s9;
	s10 =	sadd.s32 s1, s10  }
0x19e: {  	[tilespmem:s5], [sflag:$0x6] =	stream.linear.gather [hbm4b:s10+s11], $0x80, $0x38;
	[tilespmem:$0x1C928] =	vst v63  }
0x19f: {  	s31 =	sadd.s32 $0x180, s9;
	s10 =	sand.u32 $0x3FFF8, s30  }
0x1a0: {  	s9 =	sand.u32 $0x3FFF8, s31;
	s10 =	sadd.s32 s1, s10  }
0x1a1: {  	[tilespmem:s6], [sflag:$0x6] =	stream.linear.gather [hbm4b:s10+s11], $0x80, $0x38;
	[tilespmem:$0x1C928] =	vst v63  }
0x1a2: {  	s9 =	sadd.s32 s1, s9  }
0x1a3: {  	[tilespmem:s7], [sflag:$0x6] =	stream.linear.gather [hbm4b:s9+s11], $0x80, $0x38;
	[tilespmem:$0x1C928] =	vst v63  }
0x1a4: {  	_ =	swait.ge [sflag:s4], $0x200  }
0x1a5: {  	[sflag:s4] =	ssyncset.done $0x0  }
0x1a6: {  	[sflag:s4] =	ssyncadd.s32 $0xFFFFFE00  }
0x1a7: {  	s10 =	smov.u32 s3;
	s9 =	simm.s32 $0x0;
	v1 =	vld [tilespmem:s0+$0x0]  }
.LBB2_46:
0x1a8: {  	s9 =	sadd.s32 $0x10, s9  }
0x1a9: {  	p0 =	slt.u32 s9, $0x1F0  }
.Ltmp37:
0x1aa: {  	_ = 	snop;
	(pc) =	sbr.rel @p0 .LBB2_46-.Ltmp37, $3  }
0x1ab: {  	_ =	sdelay $0x1  }
0x1ac: {  	s0 =	sadd.s32 $0x10, s0;
	[tilespmem:s10+$0x0] =	vst.add.f32.msk $0xffff, v1;
	s10 =	sadd.s32 $0x10, s10  }
0x1ad: {  	v1 =	vld [tilespmem:s0+$0x0]  }
0x1ae: {  	_ =	sdelay $0x3  }
0x1af: {  	[tilespmem:s10+$0x0] =	vst.add.f32.msk $0xffff, v1  }
.LBB2_48:
0x1b0: {  	s0 =	sshll.u32 s2, $0xB  }
0x1b1: {  	[tilespmem:s2+$0xC818] =	vst.msk $0x1, v0;
	s0 =	sshra.s32 s0, $0x2  }
0x1b2: {  	s9 =	simm.s32 $0x0;
	s10 =	smov.u32 s3;
	v0 =	vld [tilespmem:s3+$0x0];
	s0 =	sadd.s32 $0xC838, s0  }
.LBB2_49:
0x1b3: {  	s9 =	sadd.s32 $0x10, s9  }
0x1b4: {  	p0 =	slt.u32 s9, $0x1F0  }
.Ltmp38:
0x1b5: {  	_ = 	snop;
	(pc) =	sbr.rel @p0 .LBB2_49-.Ltmp38, $3  }
0x1b6: {  	_ =	sdelay $0x1  }
0x1b7: {  	s10 =	sadd.s32 $0x10, s10;
	[tilespmem:s0+$0x0] =	vst v0;
	s0 =	sadd.s32 $0x10, s0  }
0x1b8: {  	v0 =	vld [tilespmem:s10+$0x0]  }
.Ltmp39:
0x1b9: {  	_ = 	snop;
	(pc) =	sbr.rel .LBB2_51-.Ltmp39, $2  }
0x1ba: {  	_ =	sdelay $0x2  }
0x1bb: {  	s2 =	sadd.s32 $0x1, s2;
	[tilespmem:s0+$0x0] =	vst v0  }
.LBB2_52:
0x1bc: {  	p0 =	slt.s32 s2, $0x1  }
.Ltmp40:
0x1bd: {  	_ = 	snop;
	(pc) =	sbr.rel @p0 .LBB2_56-.Ltmp40, $3  }
0x1be: {  	_ =	sdelay $0x1  }
0x1bf: {  	s0 =	simm.s32 $0x6  }
0x1c0: {  	s3 =	simm.s32 $0x0;
	[sflag:s0] =	ssyncpa.u1 $0x1  }
0x1c1: {  	s0 =	simm.s32 $0xC818  }
0x1c2: {  	v0 =	vld.msk [tilespmem:s0+$0x0], $0x1;
	_ =	sdelay $0x4  }
0x1c3: {  	(v2sf) =	vpush v0, $0x0;
	_ =	sdelay $0xe  }
0x1c4: {  	s7 =	spop (v2sf)  }
0x1c5: {  	s4 =	simm.s32 $0xC838;
	p0 =	sgt.u32 s7, $0x1F270  }
0x1c6: {  	s2 =	sadd.s32 $0xFFFFFFFF, s2;
	s0 =	sand.u32 @!p0 $0x1FFF8, s7;
	s5 =	sadd.s32 @!p0 $0x80, s7  }
0x1c7: {  	s9 =	sadd.s32 @!p0 s1, s0;
	s0 =	sand.u32 @!p0 $0x7, s7;
	s5 =	sand.u32 @!p0 $0x3FFF8, s5  }
0x1c8: {  	[hbm4b:s9+s0] =	stream.linear.scatter @!p0 [tilespmem:s4], [sflag:$0x5], $0x80, $0x38;
	[tilespmem:$0x1C928] =	vst v63  }
0x1c9: {  	p1 =	sne.s32 s2, $0x0;
	s4 =	simm.s32 @!p0 $0xC8B8;
	s5 =	sadd.s32 @!p0 s1, s5  }
0x1ca: {  	[hbm4b:s5+s0] =	stream.linear.scatter @!p0 [tilespmem:s4], [sflag:$0x5], $0x80, $0x38;
	[tilespmem:$0x1C928] =	vst v63  }
.Ltmp41:
0x1cb: {  	s6 =	simm.s32 $0x0;
	s8 =	sadd.s32 @!p0 $0x100, s7;
	(pc) =	sbr.rel @!p1 .LBB2_55-.Ltmp41, $4  }
0x1cc: {  	s6 =	simm.s32 @!p0 $0x800;
	s8 =	sand.u32 @!p0 $0x3FFF8, s8;
	s4 =	simm.s32 @!p0 $0xC938  }
0x1cd: {  	s5 =	sadd.s32 @!p0 s1, s8;
	s8 =	sadd.s32 @!p0 $0x180, s7;
	s7 =	simm.s32 @!p0 $0xC9B8  }
0x1ce: {  	[hbm4b:s5+s0] =	stream.linear.scatter @!p0 [tilespmem:s4], [sflag:$0x5], $0x80, $0x38;
	[tilespmem:$0x1C928] =	vst v63  }
0x1cf: {  	s8 =	sand.u32 @!p0 $0x3FFF8, s8;
	s4 =	simm.s32 $0xC819;
	s5 =	simm.s32 $0xCA38  }
.LBB2_54:
0x1d0: {  	s2 =	sadd.s32 $0xFFFFFFFF, s2;
	s8 =	sadd.s32 @!p0 s1, s8;
	s3 =	sadd.s32 s3, s6  }
0x1d1: {  	[hbm4b:s8+s0] =	stream.linear.scatter @!p0 [tilespmem:s7], [sflag:$0x5], $0x80, $0x38;
	[tilespmem:$0x1C928] =	vst v63  }
0x1d2: {  	p1 =	sne.s32 s2, $0x0;
	s7 =	smov.u32 s5;
	v0 =	vld.msk [tilespmem:s4+$0x0], $0x1;
	_ =	sdelay $0x4  }
0x1d3: {  	(v2sf) =	vpush v0, $0x0;
	_ =	sdelay $0xe  }
0x1d4: {  	s6 =	spop (v2sf)  }
0x1d5: {  	s5 =	sadd.s32 $0x200, s5;
	s4 =	sadd.s32 $0x1, s4;
	p0 =	sgt.u32 s6, $0x1F270  }
0x1d6: {  	s0 =	sand.u32 @!p0 $0x1FFF8, s6;
	s8 =	sadd.s32 @!p0 $0x80, s6;
	s9 =	sadd.s32 @!p0 $0x100, s6  }
0x1d7: {  	s10 =	sadd.s32 @!p0 s1, s0;
	s0 =	sand.u32 @!p0 $0x7, s6;
	s8 =	sand.u32 @!p0 $0x3FFF8, s8  }
0x1d8: {  	[hbm4b:s10+s0] =	stream.linear.scatter @!p0 [tilespmem:s7], [sflag:$0x5], $0x80, $0x38;
	[tilespmem:$0x1C928] =	vst v63  }
0x1d9: {  	s9 =	sand.u32 @!p0 $0x3FFF8, s9;
	s10 =	sadd.s32 @!p0 $0x80, s7  }
.Ltmp42:
0x1da: {  	s8 =	sadd.s32 @!p0 s1, s8;
	s9 =	sadd.s32 @!p0 s1, s9;
	(pc) =	sbr.rel @p1 .LBB2_54-.Ltmp42, $4  }
0x1db: {  	[hbm4b:s8+s0] =	stream.linear.scatter @!p0 [tilespmem:s10], [sflag:$0x5], $0x80, $0x38;
	[tilespmem:$0x1C928] =	vst v63  }
0x1dc: {  	s8 =	sadd.s32 @!p0 $0x100, s7;
	s10 =	sadd.s32 @!p0 $0x180, s6;
	s6 =	simm.s32 $0x0  }
0x1dd: {  	[hbm4b:s9+s0] =	stream.linear.scatter @!p0 [tilespmem:s8], [sflag:$0x5], $0x80, $0x38;
	[tilespmem:$0x1C928] =	vst v63  }
0x1de: {  	s7 =	sadd.s32 @!p0 $0x180, s7;
	s6 =	simm.s32 @!p0 $0x800;
	s8 =	sand.u32 @!p0 $0x3FFF8, s10  }
.LBB2_55:
0x1df: {  	s1 =	sadd.s32 @!p0 s1, s8;
	s31 =	sadd.s32 s3, s6  }
0x1e0: {  	[hbm4b:s1+s0] =	stream.linear.scatter @!p0 [tilespmem:s7], [sflag:$0x5], $0x80, $0x38;
	[tilespmem:$0x1C928] =	vst v63  }
0x1e1: {  	s3 =	sshrl.u32 s31, $0x2  }
.LBB2_56:
0x1e2: {  	s0 =	simm.s32 $0x5  }
0x1e3: {  	_ =	swait.ge [sflag:s0], s3  }
0x1e4: {  	s1 =	ssub.s32 $0x0, s3;
	[sflag:s0] =	ssyncset.done $0x0  }
0x1e5: {  	[sflag:s0] =	ssyncadd.s32 s1  }
0x1e6: {  	[sflag:s0] =	ssyncpa.u1 $0x1  }
0x1e7: {  	s30 =	simm.s32 $0x1;
	_ =	sfence  }
0x1e8: {  	[sflag:s30] =	ssyncpa.u1 $0x1  }
0x1e9: {  	_ =	strace $0x9000004A  }
0x1ea: {  	[bflag:$0x2] =	sbarrier.arrive $0xFFFF  }
0x1eb: {  	s31 =	rddreg [dreg:$0x2]  }
0x1ec: {  	s0 =	sadd.s32 $0x100000, s31  }
0x1ed: {  	[sflag:s0] =	ssyncadd.tile.s32 $0x1;
	_ =	shalt  }
.Lfunc_end2:
_tile_overlayer_lowered:
.L_overlay_start_2:
0x1ee: {  	(tag) =	ssettag $0x2  }
0x1ef: {  	s0 =	rddreg [dreg:$0x0];
	s2 =	stileid.u32  }
0x1f0: {  	s1 =	rddreg [dreg:$0x1];
	p0 =	sne.s32 s2, $0x0  }
0x1f1: {  	s3 =	rddreg [dreg:$0x2];
	[bflag:$0x3] =	sbarrier.arrive $0xFFFF;
	s2 =	simm.s32 @!p0 $0x1C01  }
0x1f2: {  	[timem:s3], [sflag:s2] =	dma.local @!p0 [hbm:s0], s1  }
0x1f3: {  	s0 =	simm.s32 @!p0 $0x1  }
0x1f4: {  	_ =	swait.ge @!p0 [sflag:s0], s1  }
0x1f5: {  	s1 =	ssub.s32 @!p0 $0x0, s1;
	[sflag:s0] =	ssyncset.done @!p0 $0x0  }
0x1f6: {  	[sflag:s0] =	ssyncadd.s32 @!p0 s1  }
0x1f7: {  	[bflag:$0x3] =	sbarrier.arrive $0xFFFF  }
0x1f8: {  	_ =	shalt  }

</sc_bundles>
